<compile_context>
chip_gen: v7x
topology: tpu7x:2x2x1
jax: 0.10.2.dev20260603
libtpu: 0.0.44.dev20260713+nightly
codegen_flags: <defaults>
</compile_context>

<pallas_src>
import functools

import jax
import jax.numpy as jnp
from jax import lax
from jax.experimental import pallas as pl
from jax.experimental.pallas import tpu as pltpu
from jax.experimental.pallas import tpu_sc as plsc

_D = 32
_G = 128
_NG = 4
_R = _G * _NG


@functools.partial(jax.jit, static_argnums=(2, 3))
def _sc_gather(xf, embeds, n_rows, n_workers):
    rows_per_worker = n_rows // n_workers
    chunks = rows_per_worker // _R
    obs = n_rows // _G
    obs_per_worker = rows_per_worker // _G

    mesh = plsc.VectorSubcoreMesh(core_axis_name="c", subcore_axis_name="s")

    @functools.partial(
        pl.kernel,
        out_type=jax.ShapeDtypeStruct((_D // 8, obs, 8, _G), jnp.float32),
        mesh=mesh,
        scratch_types=[
            pltpu.VMEM((2, _R), jnp.int32),
            pltpu.VMEM((2, _R, _D), jnp.float32),
            pltpu.VMEM((2, _NG, _D, _G), jnp.float32),
            pltpu.SemaphoreType.DMA,
            pltpu.SemaphoreType.DMA,
            pltpu.SemaphoreType.DMA,
            pltpu.SemaphoreType.DMA,
            pltpu.SemaphoreType.DMA,
            pltpu.SemaphoreType.DMA,
        ],
        compiler_params=pltpu.CompilerParams(
            use_tc_tiling_on_sc=False, needs_layout_passes=False
        ),
    )
    def body(x_hbm, tab_hbm, out_hbm, idx_v, rows_v, trows_v,
             i0, i1, g0, g1, o0, o1):
        wid = lax.axis_index("s") * mesh.num_cores + lax.axis_index("c")
        row_base = wid * rows_per_worker
        ob_base = wid * obs_per_worker
        isems = (i0, i1)
        gsems = (g0, g1)
        osems = (o0, o1)

        def icopy(c, b):
            row0 = row_base + c * _R
            return pltpu.make_async_copy(
                x_hbm.at[pl.ds(row0, _R)], idx_v.at[b], isems[b]
            )

        def gcopy(b):
            return pltpu.make_async_copy(
                tab_hbm.at[idx_v.at[b]], rows_v.at[b], gsems[b]
            )

        def ocopy(c, b, db):
            ob0 = ob_base + c * _NG
            return pltpu.make_async_copy(
                trows_v.at[b, :, pl.ds(8 * db, 8)],
                out_hbm.at[db, pl.ds(ob0, _NG)],
                osems[b],
            )

        iota16 = lax.iota(jnp.int32, 16)
        dsels = [d0 + (iota16 + j) % 16 for d0 in (0, 16) for j in range(16)]

        def transpose_and_emit(c, b, wait_out):
            if wait_out:
                for db in range(_D // 8):
                    ocopy(c, b, db).wait()
            for g in range(_NG):
                def tblk(tb, carry):
                    rows16 = g * _G + tb * 16 + iota16
                    cols16 = tb * 16 + iota16
                    for dsel in dsels:
                        v = plsc.load_gather(rows_v.at[b], [rows16, dsel])
                        plsc.store_scatter(
                            trows_v.at[b, g], [dsel, cols16], v
                        )
                    return carry
                lax.fori_loop(0, _G // 16, tblk, 0)
            for db in range(_D // 8):
                ocopy(c, b, db).start()

        icopy(0, 0).start()
        icopy(1, 1).start()
        icopy(0, 0).wait()
        gcopy(0).start()

        def step(c, b, wait_out):
            gcopy(b).wait()

            @pl.when(c + 1 < chunks)
            def _():
                icopy(c + 1, 1 - b).wait()
                gcopy(1 - b).start()

            transpose_and_emit(c, b, wait_out)
            nxt = jnp.minimum(c + 2, chunks - 1)
            icopy(nxt, b).start()

        step(0, 0, False)
        step(1, 1, False)

        def loop(i, carry):
            step(2 * i, 0, True)
            step(2 * i + 1, 1, True)
            return carry

        lax.fori_loop(1, chunks // 2, loop, 0)

        icopy(chunks - 1, 0).wait()
        icopy(chunks - 1, 1).wait()
        for b in (0, 1):
            for db in range(_D // 8):
                ocopy(chunks - 2 + b, b, db).wait()

    return body(xf, embeds)


_TS = 512


@jax.jit
def _sc_table_rowmajor(embt, tail):
    v = embt.shape[1]
    slabs = v // _TS
    vmain = slabs * _TS
    ntail = v - vmain
    n_workers = 32
    mesh = plsc.VectorSubcoreMesh(core_axis_name="c", subcore_axis_name="s")

    @functools.partial(
        pl.kernel,
        out_type=jax.ShapeDtypeStruct((v * _D // 128, 128), jnp.float32),
        mesh=mesh,
        scratch_types=[
            pltpu.VMEM((2, _D, _TS), jnp.float32),
            pltpu.VMEM((2, _TS * _D // 128, 128), jnp.float32),
            pltpu.VMEM((ntail * _D // 128, 128), jnp.float32),
            pltpu.SemaphoreType.DMA,
            pltpu.SemaphoreType.DMA,
            pltpu.SemaphoreType.DMA,
        ],
        compiler_params=pltpu.CompilerParams(
            use_tc_tiling_on_sc=True, needs_layout_passes=False
        ),
    )
    def body(embt_hbm, tail_hbm, out_hbm, slab_v, trows_v, ttail_v,
             isem, osem, tsem):
        wid = lax.axis_index("s") * mesh.num_cores + lax.axis_index("c")
        my_slabs = (slabs - 1 - wid) // n_workers + 1

        iota16 = lax.iota(jnp.int32, 16)
        dsels = [d0 + (iota16 + j) % 16 for d0 in (0, 16) for j in range(16)]

        def icopy(s, b):
            return pltpu.make_async_copy(
                embt_hbm.at[:, pl.ds(s * _TS, _TS)], slab_v.at[b], isem
            )

        def ocopy(s, b):
            l0 = s * (_TS * _D // 128)
            return pltpu.make_async_copy(
                trows_v.at[b], out_hbm.at[pl.ds(l0, _TS * _D // 128)], osem
            )

        rowcs = [(32 * iota16 + dsel) // 128 for dsel in dsels]
        colcs = [lax.rem(32 * iota16 + dsel, 128) for dsel in dsels]

        def transpose_slab(b):
            def tblk(tb, carry):
                t16 = tb * 16 + iota16
                for dsel, rowc, colc in zip(dsels, rowcs, colcs):
                    v16 = plsc.load_gather(slab_v.at[b], [dsel, t16])
                    plsc.store_scatter(
                        trows_v.at[b], [4 * tb + rowc, colc], v16
                    )
                return carry
            lax.fori_loop(0, _TS // 16, tblk, 0)

        def slab_of(i):
            return i * n_workers + wid

        @pl.when(my_slabs > 0)
        def _():
            icopy(slab_of(0), 0).start()

            def step(i, carry):
                b = lax.rem(i, 2)
                pltpu.make_async_copy(
                    embt_hbm.at[:, pl.ds(0, _TS)], slab_v.at[b], isem
                ).wait()

                @pl.when(i + 1 < my_slabs)
                def _():
                    icopy(slab_of(i + 1), 1 - b).start()

                @pl.when(i >= 2)
                def _():
                    ocopy(slab_of(i - 2), b).wait()

                transpose_slab(b)
                ocopy(slab_of(i), b).start()
                return carry

            lax.fori_loop(0, my_slabs, step, 0)
            @pl.when(my_slabs > 1)
            def _():
                ocopy(0, 0).wait()
            ocopy(0, 0).wait()

        @pl.when(wid == n_workers - 1)
        def _():
            pltpu.sync_copy(tail_hbm, ttail_v)
            pltpu.sync_copy(
                ttail_v, out_hbm.at[pl.ds(vmain * _D // 128, ntail * _D // 128)]
            )

    return body(embt, tail)


def kernel(x, embeds):
    n = x.size
    v = embeds.shape[0]
    xf = x.reshape(-1).astype(jnp.int32)
    vmain = (v // _TS) * _TS
    tail = lax.slice(embeds, (vmain, 0), (v, _D)).reshape(-1, 128)
    tab128 = _sc_table_rowmajor(embeds.T, tail)
    tab_lin = tab128.reshape(v, _D)
    op = _sc_gather(xf, tab_lin, n, 32)
    return op.transpose(1, 3, 0, 2).reshape(n, _D)

# --- scband reference (transcript-rebuilt; emitter-appended) ---
"""Pipeline reference for scband-embed-82609400971582 (READ-ONLY COPY).

The authoritative reference and input builder live on the scoring server;
editing this copy changes nothing except your own understanding.
"""

import jax, jax.numpy as jnp
import numpy as np

VOCAB = 1000000
EMBED_DIM = 32
BATCH = 16384
HIST = 200

def setup_inputs(seed: int = 0) -> dict:
    key = jax.random.key(seed)
    k_idx, k_tab = jax.random.split(key)
    x = jax.random.randint(k_idx, (BATCH, HIST), 0, VOCAB, dtype=jnp.int64)
    embeds = jax.random.normal(k_tab, (VOCAB, EMBED_DIM), dtype=jnp.float32)
    return {"x": x, "embeds": embeds}

def reference(x, embeds):
    # Original module: for each token, look up its embedding row, then stack
    # and view(-1, embedding_dim). Equivalent vectorized form:
    vectors = jnp.take(embeds, x, axis=0)           # [B, L, D] gather
    return vectors.reshape(-1, EMBED_DIM)            # [B*L, D]

if __name__ == "__main__":
    import jax
    _d = setup_inputs()
    print(jax.jit(kernel)(*tuple(_d.values())))

</pallas_src>

<mosaic_0001>
#map = affine_map<(d0, d1) -> (0, 0)>
module attributes {stable_mosaic.version = 14 : i64} {
  func.func @body(%arg0: i32, %arg1: i32, %arg2: memref<32x1000000xf32, #tpu.memory_space<hbm>>, %arg3: memref<16x128xf32, #tpu.memory_space<hbm>>, %arg4: memref<250000x128xf32, #tpu.memory_space<hbm>>, %arg5: memref<2x32x512xf32, #tpu.memory_space<vmem>>, %arg6: memref<2x128x128xf32, #tpu.memory_space<vmem>>, %arg7: memref<16x128xf32, #tpu.memory_space<vmem>>, %arg8: memref<!tpu.dma_semaphore, #tpu.memory_space<semaphore_mem>>, %arg9: memref<!tpu.dma_semaphore, #tpu.memory_space<semaphore_mem>>, %arg10: memref<!tpu.dma_semaphore, #tpu.memory_space<semaphore_mem>>) attributes {dimension_semantics = [#tpu.dimension_semantics<core_parallel>, #tpu.dimension_semantics<subcore_parallel>], iteration_bounds = array<i64: 2, 16>, scalar_prefetch = 0 : i64, scratch_operands = 6 : i64, tpu.core_type = #tpu.core_type<sc_vector_subcore>, window_params = [{transform_indices = #map}, {transform_indices = #map}, {transform_indices = #map}]} {
    %mul3A = arith.constant 2 : i32
    %mul3A_0 = arith.muli %arg1, %mul3A : i32
    %add3A = arith.addi %mul3A_0, %arg0 : i32
    %sub3A = arith.constant 1952 : i32
    %sub3A_1 = arith.subi %sub3A, %add3A : i32
    %jit3A = arith.constant 32 : i32
    %div3A = arith.divsi %sub3A_1, %jit3A : i32
    %sign3A = arith.constant 0 : i32
    %sign3A_2 = arith.cmpi sgt, %sub3A_1, %sign3A : i32
    %sign3A_3 = arith.extui %sign3A_2 : i1 to i32
    %sign3A_4 = arith.constant 0 : i32
    %sign3A_5 = arith.cmpi slt, %sub3A_1, %sign3A_4 : i32
    %sign3A_6 = arith.extui %sign3A_5 : i1 to i32
    %sign3A_7 = arith.subi %sign3A_3, %sign3A_6 : i32
    %sign3A_8 = arith.constant 0 : i32
    %sign3A_9 = arith.cmpi sgt, %jit3A, %sign3A_8 : i32
    %sign3A_10 = arith.extui %sign3A_9 : i1 to i32
    %sign3A_11 = arith.constant 0 : i32
    %sign3A_12 = arith.cmpi slt, %jit3A, %sign3A_11 : i32
    %sign3A_13 = arith.extui %sign3A_12 : i1 to i32
    %sign3A_14 = arith.subi %sign3A_10, %sign3A_13 : i32
    %ne3A = arith.cmpi ne, %sign3A_7, %sign3A_14 : i32
    %rem3A = arith.remsi %sub3A_1, %jit3A : i32
    %ne3A_15 = arith.constant 0 : i32
    %ne3A_16 = arith.cmpi ne, %rem3A, %ne3A_15 : i32
    %and3A = arith.andi %ne3A, %ne3A_16 : i1
    %sub3A_17 = arith.constant 1 : i32
    %sub3A_18 = arith.subi %div3A, %sub3A_17 : i32
    %select_n3A = arith.select %and3A, %sub3A_18, %div3A : i32
    %add3A_19 = arith.constant 1 : i32
    %add3A_20 = arith.addi %select_n3A, %add3A_19 : i32
    %iota3A = tpu.iota {dimensions = array<i32: 0>} : vector<16xi32>
    %add3A_21 = arith.constant 0 : i32
    %add3A_22 = vector.broadcast %add3A_21 : i32 to vector<16xi32>
    %add3A_23 = arith.addi %iota3A, %add3A_22 : vector<16xi32>
    %jit3A_24 = arith.constant 16 : i32
    %eq3A = arith.constant 0 : i32
    %eq3A_25 = arith.cmpi eq, %jit3A_24, %eq3A : i32
    %jit3A_26 = arith.constant 1 : i32
    %select_n3A_27 = arith.select %eq3A_25, %jit3A_26, %jit3A_24 : i32
    %rem3A_28 = vector.broadcast %select_n3A_27 : i32 to vector<16xi32>
    %rem3A_29 = arith.remsi %add3A_23, %rem3A_28 : vector<16xi32>
    %ne3A_30 = arith.constant 0 : i32
    %ne3A_31 = vector.broadcast %ne3A_30 : i32 to vector<16xi32>
    %ne3A_32 = arith.cmpi ne, %rem3A_29, %ne3A_31 : vector<16xi32>
    %lt3A = arith.constant 0 : i32
    %lt3A_33 = vector.broadcast %lt3A : i32 to vector<16xi32>
    %lt3A_34 = arith.cmpi slt, %rem3A_29, %lt3A_33 : vector<16xi32>
    %lt3A_35 = arith.constant 0 : i32
    %lt3A_36 = arith.cmpi slt, %select_n3A_27, %lt3A_35 : i32
    %ne3A_37 = vector.broadcast %lt3A_36 : i1 to vector<16xi1>
    %ne3A_38 = vector.broadcast %ne3A_37 : vector<16xi1> to vector<16xi1>
    %ne3A_39 = arith.xori %lt3A_34, %ne3A_38 : vector<16xi1>
    %and3A_40 = arith.andi %ne3A_39, %ne3A_32 : vector<16xi1>
    %add3A_41 = vector.broadcast %select_n3A_27 : i32 to vector<16xi32>
    %add3A_42 = arith.addi %rem3A_29, %add3A_41 : vector<16xi32>
    %select_n3A_43 = arith.select %and3A_40, %add3A_42, %rem3A_29 : vector<16xi1>, vector<16xi32>
    %add3A_44 = arith.constant 0 : i32
    %add3A_45 = vector.broadcast %add3A_44 : i32 to vector<16xi32>
    %add3A_46 = arith.addi %add3A_45, %select_n3A_43 : vector<16xi32>
    %add3A_47 = arith.constant 1 : i32
    %add3A_48 = vector.broadcast %add3A_47 : i32 to vector<16xi32>
    %add3A_49 = arith.addi %iota3A, %add3A_48 : vector<16xi32>
    %jit3A_50 = arith.constant 16 : i32
    %eq3A_51 = arith.constant 0 : i32
    %eq3A_52 = arith.cmpi eq, %jit3A_50, %eq3A_51 : i32
    %jit3A_53 = arith.constant 1 : i32
    %select_n3A_54 = arith.select %eq3A_52, %jit3A_53, %jit3A_50 : i32
    %rem3A_55 = vector.broadcast %select_n3A_54 : i32 to vector<16xi32>
    %rem3A_56 = arith.remsi %add3A_49, %rem3A_55 : vector<16xi32>
    %ne3A_57 = arith.constant 0 : i32
    %ne3A_58 = vector.broadcast %ne3A_57 : i32 to vector<16xi32>
    %ne3A_59 = arith.cmpi ne, %rem3A_56, %ne3A_58 : vector<16xi32>
    %lt3A_60 = arith.constant 0 : i32
    %lt3A_61 = vector.broadcast %lt3A_60 : i32 to vector<16xi32>
    %lt3A_62 = arith.cmpi slt, %rem3A_56, %lt3A_61 : vector<16xi32>
    %lt3A_63 = arith.constant 0 : i32
    %lt3A_64 = arith.cmpi slt, %select_n3A_54, %lt3A_63 : i32
    %ne3A_65 = vector.broadcast %lt3A_64 : i1 to vector<16xi1>
    %ne3A_66 = vector.broadcast %ne3A_65 : vector<16xi1> to vector<16xi1>
    %ne3A_67 = arith.xori %lt3A_62, %ne3A_66 : vector<16xi1>
    %and3A_68 = arith.andi %ne3A_67, %ne3A_59 : vector<16xi1>
    %add3A_69 = vector.broadcast %select_n3A_54 : i32 to vector<16xi32>
    %add3A_70 = arith.addi %rem3A_56, %add3A_69 : vector<16xi32>
    %select_n3A_71 = arith.select %and3A_68, %add3A_70, %rem3A_56 : vector<16xi1>, vector<16xi32>
    %add3A_72 = arith.constant 0 : i32
    %add3A_73 = vector.broadcast %add3A_72 : i32 to vector<16xi32>
    %add3A_74 = arith.addi %add3A_73, %select_n3A_71 : vector<16xi32>
    %add3A_75 = arith.constant 2 : i32
    %add3A_76 = vector.broadcast %add3A_75 : i32 to vector<16xi32>
    %add3A_77 = arith.addi %iota3A, %add3A_76 : vector<16xi32>
    %jit3A_78 = arith.constant 16 : i32
    %eq3A_79 = arith.constant 0 : i32
    %eq3A_80 = arith.cmpi eq, %jit3A_78, %eq3A_79 : i32
    %jit3A_81 = arith.constant 1 : i32
    %select_n3A_82 = arith.select %eq3A_80, %jit3A_81, %jit3A_78 : i32
    %rem3A_83 = vector.broadcast %select_n3A_82 : i32 to vector<16xi32>
    %rem3A_84 = arith.remsi %add3A_77, %rem3A_83 : vector<16xi32>
    %ne3A_85 = arith.constant 0 : i32
    %ne3A_86 = vector.broadcast %ne3A_85 : i32 to vector<16xi32>
    %ne3A_87 = arith.cmpi ne, %rem3A_84, %ne3A_86 : vector<16xi32>
    %lt3A_88 = arith.constant 0 : i32
    %lt3A_89 = vector.broadcast %lt3A_88 : i32 to vector<16xi32>
    %lt3A_90 = arith.cmpi slt, %rem3A_84, %lt3A_89 : vector<16xi32>
    %lt3A_91 = arith.constant 0 : i32
    %lt3A_92 = arith.cmpi slt, %select_n3A_82, %lt3A_91 : i32
    %ne3A_93 = vector.broadcast %lt3A_92 : i1 to vector<16xi1>
    %ne3A_94 = vector.broadcast %ne3A_93 : vector<16xi1> to vector<16xi1>
    %ne3A_95 = arith.xori %lt3A_90, %ne3A_94 : vector<16xi1>
    %and3A_96 = arith.andi %ne3A_95, %ne3A_87 : vector<16xi1>
    %add3A_97 = vector.broadcast %select_n3A_82 : i32 to vector<16xi32>
    %add3A_98 = arith.addi %rem3A_84, %add3A_97 : vector<16xi32>
    %select_n3A_99 = arith.select %and3A_96, %add3A_98, %rem3A_84 : vector<16xi1>, vector<16xi32>
    %add3A_100 = arith.constant 0 : i32
    %add3A_101 = vector.broadcast %add3A_100 : i32 to vector<16xi32>
    %add3A_102 = arith.addi %add3A_101, %select_n3A_99 : vector<16xi32>
    %add3A_103 = arith.constant 3 : i32
    %add3A_104 = vector.broadcast %add3A_103 : i32 to vector<16xi32>
    %add3A_105 = arith.addi %iota3A, %add3A_104 : vector<16xi32>
    %jit3A_106 = arith.constant 16 : i32
    %eq3A_107 = arith.constant 0 : i32
    %eq3A_108 = arith.cmpi eq, %jit3A_106, %eq3A_107 : i32
    %jit3A_109 = arith.constant 1 : i32
    %select_n3A_110 = arith.select %eq3A_108, %jit3A_109, %jit3A_106 : i32
    %rem3A_111 = vector.broadcast %select_n3A_110 : i32 to vector<16xi32>
    %rem3A_112 = arith.remsi %add3A_105, %rem3A_111 : vector<16xi32>
    %ne3A_113 = arith.constant 0 : i32
    %ne3A_114 = vector.broadcast %ne3A_113 : i32 to vector<16xi32>
    %ne3A_115 = arith.cmpi ne, %rem3A_112, %ne3A_114 : vector<16xi32>
    %lt3A_116 = arith.constant 0 : i32
    %lt3A_117 = vector.broadcast %lt3A_116 : i32 to vector<16xi32>
    %lt3A_118 = arith.cmpi slt, %rem3A_112, %lt3A_117 : vector<16xi32>
    %lt3A_119 = arith.constant 0 : i32
    %lt3A_120 = arith.cmpi slt, %select_n3A_110, %lt3A_119 : i32
    %ne3A_121 = vector.broadcast %lt3A_120 : i1 to vector<16xi1>
    %ne3A_122 = vector.broadcast %ne3A_121 : vector<16xi1> to vector<16xi1>
    %ne3A_123 = arith.xori %lt3A_118, %ne3A_122 : vector<16xi1>
    %and3A_124 = arith.andi %ne3A_123, %ne3A_115 : vector<16xi1>
    %add3A_125 = vector.broadcast %select_n3A_110 : i32 to vector<16xi32>
    %add3A_126 = arith.addi %rem3A_112, %add3A_125 : vector<16xi32>
    %select_n3A_127 = arith.select %and3A_124, %add3A_126, %rem3A_112 : vector<16xi1>, vector<16xi32>
    %add3A_128 = arith.constant 0 : i32
    %add3A_129 = vector.broadcast %add3A_128 : i32 to vector<16xi32>
    %add3A_130 = arith.addi %add3A_129, %select_n3A_127 : vector<16xi32>
    %add3A_131 = arith.constant 4 : i32
    %add3A_132 = vector.broadcast %add3A_131 : i32 to vector<16xi32>
    %add3A_133 = arith.addi %iota3A, %add3A_132 : vector<16xi32>
    %jit3A_134 = arith.constant 16 : i32
    %eq3A_135 = arith.constant 0 : i32
    %eq3A_136 = arith.cmpi eq, %jit3A_134, %eq3A_135 : i32
    %jit3A_137 = arith.constant 1 : i32
    %select_n3A_138 = arith.select %eq3A_136, %jit3A_137, %jit3A_134 : i32
    %rem3A_139 = vector.broadcast %select_n3A_138 : i32 to vector<16xi32>
    %rem3A_140 = arith.remsi %add3A_133, %rem3A_139 : vector<16xi32>
    %ne3A_141 = arith.constant 0 : i32
    %ne3A_142 = vector.broadcast %ne3A_141 : i32 to vector<16xi32>
    %ne3A_143 = arith.cmpi ne, %rem3A_140, %ne3A_142 : vector<16xi32>
    %lt3A_144 = arith.constant 0 : i32
    %lt3A_145 = vector.broadcast %lt3A_144 : i32 to vector<16xi32>
    %lt3A_146 = arith.cmpi slt, %rem3A_140, %lt3A_145 : vector<16xi32>
    %lt3A_147 = arith.constant 0 : i32
    %lt3A_148 = arith.cmpi slt, %select_n3A_138, %lt3A_147 : i32
    %ne3A_149 = vector.broadcast %lt3A_148 : i1 to vector<16xi1>
    %ne3A_150 = vector.broadcast %ne3A_149 : vector<16xi1> to vector<16xi1>
    %ne3A_151 = arith.xori %lt3A_146, %ne3A_150 : vector<16xi1>
    %and3A_152 = arith.andi %ne3A_151, %ne3A_143 : vector<16xi1>
    %add3A_153 = vector.broadcast %select_n3A_138 : i32 to vector<16xi32>
    %add3A_154 = arith.addi %rem3A_140, %add3A_153 : vector<16xi32>
    %select_n3A_155 = arith.select %and3A_152, %add3A_154, %rem3A_140 : vector<16xi1>, vector<16xi32>
    %add3A_156 = arith.constant 0 : i32
    %add3A_157 = vector.broadcast %add3A_156 : i32 to vector<16xi32>
    %add3A_158 = arith.addi %add3A_157, %select_n3A_155 : vector<16xi32>
    %add3A_159 = arith.constant 5 : i32
    %add3A_160 = vector.broadcast %add3A_159 : i32 to vector<16xi32>
    %add3A_161 = arith.addi %iota3A, %add3A_160 : vector<16xi32>
    %jit3A_162 = arith.constant 16 : i32
    %eq3A_163 = arith.constant 0 : i32
    %eq3A_164 = arith.cmpi eq, %jit3A_162, %eq3A_163 : i32
    %jit3A_165 = arith.constant 1 : i32
    %select_n3A_166 = arith.select %eq3A_164, %jit3A_165, %jit3A_162 : i32
    %rem3A_167 = vector.broadcast %select_n3A_166 : i32 to vector<16xi32>
    %rem3A_168 = arith.remsi %add3A_161, %rem3A_167 : vector<16xi32>
    %ne3A_169 = arith.constant 0 : i32
    %ne3A_170 = vector.broadcast %ne3A_169 : i32 to vector<16xi32>
    %ne3A_171 = arith.cmpi ne, %rem3A_168, %ne3A_170 : vector<16xi32>
    %lt3A_172 = arith.constant 0 : i32
    %lt3A_173 = vector.broadcast %lt3A_172 : i32 to vector<16xi32>
    %lt3A_174 = arith.cmpi slt, %rem3A_168, %lt3A_173 : vector<16xi32>
    %lt3A_175 = arith.constant 0 : i32
    %lt3A_176 = arith.cmpi slt, %select_n3A_166, %lt3A_175 : i32
    %ne3A_177 = vector.broadcast %lt3A_176 : i1 to vector<16xi1>
    %ne3A_178 = vector.broadcast %ne3A_177 : vector<16xi1> to vector<16xi1>
    %ne3A_179 = arith.xori %lt3A_174, %ne3A_178 : vector<16xi1>
    %and3A_180 = arith.andi %ne3A_179, %ne3A_171 : vector<16xi1>
    %add3A_181 = vector.broadcast %select_n3A_166 : i32 to vector<16xi32>
    %add3A_182 = arith.addi %rem3A_168, %add3A_181 : vector<16xi32>
    %select_n3A_183 = arith.select %and3A_180, %add3A_182, %rem3A_168 : vector<16xi1>, vector<16xi32>
    %add3A_184 = arith.constant 0 : i32
    %add3A_185 = vector.broadcast %add3A_184 : i32 to vector<16xi32>
    %add3A_186 = arith.addi %add3A_185, %select_n3A_183 : vector<16xi32>
    %add3A_187 = arith.constant 6 : i32
    %add3A_188 = vector.broadcast %add3A_187 : i32 to vector<16xi32>
    %add3A_189 = arith.addi %iota3A, %add3A_188 : vector<16xi32>
    %jit3A_190 = arith.constant 16 : i32
    %eq3A_191 = arith.constant 0 : i32
    %eq3A_192 = arith.cmpi eq, %jit3A_190, %eq3A_191 : i32
    %jit3A_193 = arith.constant 1 : i32
    %select_n3A_194 = arith.select %eq3A_192, %jit3A_193, %jit3A_190 : i32
    %rem3A_195 = vector.broadcast %select_n3A_194 : i32 to vector<16xi32>
    %rem3A_196 = arith.remsi %add3A_189, %rem3A_195 : vector<16xi32>
    %ne3A_197 = arith.constant 0 : i32
    %ne3A_198 = vector.broadcast %ne3A_197 : i32 to vector<16xi32>
    %ne3A_199 = arith.cmpi ne, %rem3A_196, %ne3A_198 : vector<16xi32>
    %lt3A_200 = arith.constant 0 : i32
    %lt3A_201 = vector.broadcast %lt3A_200 : i32 to vector<16xi32>
    %lt3A_202 = arith.cmpi slt, %rem3A_196, %lt3A_201 : vector<16xi32>
    %lt3A_203 = arith.constant 0 : i32
    %lt3A_204 = arith.cmpi slt, %select_n3A_194, %lt3A_203 : i32
    %ne3A_205 = vector.broadcast %lt3A_204 : i1 to vector<16xi1>
    %ne3A_206 = vector.broadcast %ne3A_205 : vector<16xi1> to vector<16xi1>
    %ne3A_207 = arith.xori %lt3A_202, %ne3A_206 : vector<16xi1>
    %and3A_208 = arith.andi %ne3A_207, %ne3A_199 : vector<16xi1>
    %add3A_209 = vector.broadcast %select_n3A_194 : i32 to vector<16xi32>
    %add3A_210 = arith.addi %rem3A_196, %add3A_209 : vector<16xi32>
    %select_n3A_211 = arith.select %and3A_208, %add3A_210, %rem3A_196 : vector<16xi1>, vector<16xi32>
    %add3A_212 = arith.constant 0 : i32
    %add3A_213 = vector.broadcast %add3A_212 : i32 to vector<16xi32>
    %add3A_214 = arith.addi %add3A_213, %select_n3A_211 : vector<16xi32>
    %add3A_215 = arith.constant 7 : i32
    %add3A_216 = vector.broadcast %add3A_215 : i32 to vector<16xi32>
    %add3A_217 = arith.addi %iota3A, %add3A_216 : vector<16xi32>
    %jit3A_218 = arith.constant 16 : i32
    %eq3A_219 = arith.constant 0 : i32
    %eq3A_220 = arith.cmpi eq, %jit3A_218, %eq3A_219 : i32
    %jit3A_221 = arith.constant 1 : i32
    %select_n3A_222 = arith.select %eq3A_220, %jit3A_221, %jit3A_218 : i32
    %rem3A_223 = vector.broadcast %select_n3A_222 : i32 to vector<16xi32>
    %rem3A_224 = arith.remsi %add3A_217, %rem3A_223 : vector<16xi32>
    %ne3A_225 = arith.constant 0 : i32
    %ne3A_226 = vector.broadcast %ne3A_225 : i32 to vector<16xi32>
    %ne3A_227 = arith.cmpi ne, %rem3A_224, %ne3A_226 : vector<16xi32>
    %lt3A_228 = arith.constant 0 : i32
    %lt3A_229 = vector.broadcast %lt3A_228 : i32 to vector<16xi32>
    %lt3A_230 = arith.cmpi slt, %rem3A_224, %lt3A_229 : vector<16xi32>
    %lt3A_231 = arith.constant 0 : i32
    %lt3A_232 = arith.cmpi slt, %select_n3A_222, %lt3A_231 : i32
    %ne3A_233 = vector.broadcast %lt3A_232 : i1 to vector<16xi1>
    %ne3A_234 = vector.broadcast %ne3A_233 : vector<16xi1> to vector<16xi1>
    %ne3A_235 = arith.xori %lt3A_230, %ne3A_234 : vector<16xi1>
    %and3A_236 = arith.andi %ne3A_235, %ne3A_227 : vector<16xi1>
    %add3A_237 = vector.broadcast %select_n3A_222 : i32 to vector<16xi32>
    %add3A_238 = arith.addi %rem3A_224, %add3A_237 : vector<16xi32>
    %select_n3A_239 = arith.select %and3A_236, %add3A_238, %rem3A_224 : vector<16xi1>, vector<16xi32>
    %add3A_240 = arith.constant 0 : i32
    %add3A_241 = vector.broadcast %add3A_240 : i32 to vector<16xi32>
    %add3A_242 = arith.addi %add3A_241, %select_n3A_239 : vector<16xi32>
    %add3A_243 = arith.constant 8 : i32
    %add3A_244 = vector.broadcast %add3A_243 : i32 to vector<16xi32>
    %add3A_245 = arith.addi %iota3A, %add3A_244 : vector<16xi32>
    %jit3A_246 = arith.constant 16 : i32
    %eq3A_247 = arith.constant 0 : i32
    %eq3A_248 = arith.cmpi eq, %jit3A_246, %eq3A_247 : i32
    %jit3A_249 = arith.constant 1 : i32
    %select_n3A_250 = arith.select %eq3A_248, %jit3A_249, %jit3A_246 : i32
    %rem3A_251 = vector.broadcast %select_n3A_250 : i32 to vector<16xi32>
    %rem3A_252 = arith.remsi %add3A_245, %rem3A_251 : vector<16xi32>
    %ne3A_253 = arith.constant 0 : i32
    %ne3A_254 = vector.broadcast %ne3A_253 : i32 to vector<16xi32>
    %ne3A_255 = arith.cmpi ne, %rem3A_252, %ne3A_254 : vector<16xi32>
    %lt3A_256 = arith.constant 0 : i32
    %lt3A_257 = vector.broadcast %lt3A_256 : i32 to vector<16xi32>
    %lt3A_258 = arith.cmpi slt, %rem3A_252, %lt3A_257 : vector<16xi32>
    %lt3A_259 = arith.constant 0 : i32
    %lt3A_260 = arith.cmpi slt, %select_n3A_250, %lt3A_259 : i32
    %ne3A_261 = vector.broadcast %lt3A_260 : i1 to vector<16xi1>
    %ne3A_262 = vector.broadcast %ne3A_261 : vector<16xi1> to vector<16xi1>
    %ne3A_263 = arith.xori %lt3A_258, %ne3A_262 : vector<16xi1>
    %and3A_264 = arith.andi %ne3A_263, %ne3A_255 : vector<16xi1>
    %add3A_265 = vector.broadcast %select_n3A_250 : i32 to vector<16xi32>
    %add3A_266 = arith.addi %rem3A_252, %add3A_265 : vector<16xi32>
    %select_n3A_267 = arith.select %and3A_264, %add3A_266, %rem3A_252 : vector<16xi1>, vector<16xi32>
    %add3A_268 = arith.constant 0 : i32
    %add3A_269 = vector.broadcast %add3A_268 : i32 to vector<16xi32>
    %add3A_270 = arith.addi %add3A_269, %select_n3A_267 : vector<16xi32>
    %add3A_271 = arith.constant 9 : i32
    %add3A_272 = vector.broadcast %add3A_271 : i32 to vector<16xi32>
    %add3A_273 = arith.addi %iota3A, %add3A_272 : vector<16xi32>
    %jit3A_274 = arith.constant 16 : i32
    %eq3A_275 = arith.constant 0 : i32
    %eq3A_276 = arith.cmpi eq, %jit3A_274, %eq3A_275 : i32
    %jit3A_277 = arith.constant 1 : i32
    %select_n3A_278 = arith.select %eq3A_276, %jit3A_277, %jit3A_274 : i32
    %rem3A_279 = vector.broadcast %select_n3A_278 : i32 to vector<16xi32>
    %rem3A_280 = arith.remsi %add3A_273, %rem3A_279 : vector<16xi32>
    %ne3A_281 = arith.constant 0 : i32
    %ne3A_282 = vector.broadcast %ne3A_281 : i32 to vector<16xi32>
    %ne3A_283 = arith.cmpi ne, %rem3A_280, %ne3A_282 : vector<16xi32>
    %lt3A_284 = arith.constant 0 : i32
    %lt3A_285 = vector.broadcast %lt3A_284 : i32 to vector<16xi32>
    %lt3A_286 = arith.cmpi slt, %rem3A_280, %lt3A_285 : vector<16xi32>
    %lt3A_287 = arith.constant 0 : i32
    %lt3A_288 = arith.cmpi slt, %select_n3A_278, %lt3A_287 : i32
    %ne3A_289 = vector.broadcast %lt3A_288 : i1 to vector<16xi1>
    %ne3A_290 = vector.broadcast %ne3A_289 : vector<16xi1> to vector<16xi1>
    %ne3A_291 = arith.xori %lt3A_286, %ne3A_290 : vector<16xi1>
    %and3A_292 = arith.andi %ne3A_291, %ne3A_283 : vector<16xi1>
    %add3A_293 = vector.broadcast %select_n3A_278 : i32 to vector<16xi32>
    %add3A_294 = arith.addi %rem3A_280, %add3A_293 : vector<16xi32>
    %select_n3A_295 = arith.select %and3A_292, %add3A_294, %rem3A_280 : vector<16xi1>, vector<16xi32>
    %add3A_296 = arith.constant 0 : i32
    %add3A_297 = vector.broadcast %add3A_296 : i32 to vector<16xi32>
    %add3A_298 = arith.addi %add3A_297, %select_n3A_295 : vector<16xi32>
    %add3A_299 = arith.constant 10 : i32
    %add3A_300 = vector.broadcast %add3A_299 : i32 to vector<16xi32>
    %add3A_301 = arith.addi %iota3A, %add3A_300 : vector<16xi32>
    %jit3A_302 = arith.constant 16 : i32
    %eq3A_303 = arith.constant 0 : i32
    %eq3A_304 = arith.cmpi eq, %jit3A_302, %eq3A_303 : i32
    %jit3A_305 = arith.constant 1 : i32
    %select_n3A_306 = arith.select %eq3A_304, %jit3A_305, %jit3A_302 : i32
    %rem3A_307 = vector.broadcast %select_n3A_306 : i32 to vector<16xi32>
    %rem3A_308 = arith.remsi %add3A_301, %rem3A_307 : vector<16xi32>
    %ne3A_309 = arith.constant 0 : i32
    %ne3A_310 = vector.broadcast %ne3A_309 : i32 to vector<16xi32>
    %ne3A_311 = arith.cmpi ne, %rem3A_308, %ne3A_310 : vector<16xi32>
    %lt3A_312 = arith.constant 0 : i32
    %lt3A_313 = vector.broadcast %lt3A_312 : i32 to vector<16xi32>
    %lt3A_314 = arith.cmpi slt, %rem3A_308, %lt3A_313 : vector<16xi32>
    %lt3A_315 = arith.constant 0 : i32
    %lt3A_316 = arith.cmpi slt, %select_n3A_306, %lt3A_315 : i32
    %ne3A_317 = vector.broadcast %lt3A_316 : i1 to vector<16xi1>
    %ne3A_318 = vector.broadcast %ne3A_317 : vector<16xi1> to vector<16xi1>
    %ne3A_319 = arith.xori %lt3A_314, %ne3A_318 : vector<16xi1>
    %and3A_320 = arith.andi %ne3A_319, %ne3A_311 : vector<16xi1>
    %add3A_321 = vector.broadcast %select_n3A_306 : i32 to vector<16xi32>
    %add3A_322 = arith.addi %rem3A_308, %add3A_321 : vector<16xi32>
    %select_n3A_323 = arith.select %and3A_320, %add3A_322, %rem3A_308 : vector<16xi1>, vector<16xi32>
    %add3A_324 = arith.constant 0 : i32
    %add3A_325 = vector.broadcast %add3A_324 : i32 to vector<16xi32>
    %add3A_326 = arith.addi %add3A_325, %select_n3A_323 : vector<16xi32>
    %add3A_327 = arith.constant 11 : i32
    %add3A_328 = vector.broadcast %add3A_327 : i32 to vector<16xi32>
    %add3A_329 = arith.addi %iota3A, %add3A_328 : vector<16xi32>
    %jit3A_330 = arith.constant 16 : i32
    %eq3A_331 = arith.constant 0 : i32
    %eq3A_332 = arith.cmpi eq, %jit3A_330, %eq3A_331 : i32
    %jit3A_333 = arith.constant 1 : i32
    %select_n3A_334 = arith.select %eq3A_332, %jit3A_333, %jit3A_330 : i32
    %rem3A_335 = vector.broadcast %select_n3A_334 : i32 to vector<16xi32>
    %rem3A_336 = arith.remsi %add3A_329, %rem3A_335 : vector<16xi32>
    %ne3A_337 = arith.constant 0 : i32
    %ne3A_338 = vector.broadcast %ne3A_337 : i32 to vector<16xi32>
    %ne3A_339 = arith.cmpi ne, %rem3A_336, %ne3A_338 : vector<16xi32>
    %lt3A_340 = arith.constant 0 : i32
    %lt3A_341 = vector.broadcast %lt3A_340 : i32 to vector<16xi32>
    %lt3A_342 = arith.cmpi slt, %rem3A_336, %lt3A_341 : vector<16xi32>
    %lt3A_343 = arith.constant 0 : i32
    %lt3A_344 = arith.cmpi slt, %select_n3A_334, %lt3A_343 : i32
    %ne3A_345 = vector.broadcast %lt3A_344 : i1 to vector<16xi1>
    %ne3A_346 = vector.broadcast %ne3A_345 : vector<16xi1> to vector<16xi1>
    %ne3A_347 = arith.xori %lt3A_342, %ne3A_346 : vector<16xi1>
    %and3A_348 = arith.andi %ne3A_347, %ne3A_339 : vector<16xi1>
    %add3A_349 = vector.broadcast %select_n3A_334 : i32 to vector<16xi32>
    %add3A_350 = arith.addi %rem3A_336, %add3A_349 : vector<16xi32>
    %select_n3A_351 = arith.select %and3A_348, %add3A_350, %rem3A_336 : vector<16xi1>, vector<16xi32>
    %add3A_352 = arith.constant 0 : i32
    %add3A_353 = vector.broadcast %add3A_352 : i32 to vector<16xi32>
    %add3A_354 = arith.addi %add3A_353, %select_n3A_351 : vector<16xi32>
    %add3A_355 = arith.constant 12 : i32
    %add3A_356 = vector.broadcast %add3A_355 : i32 to vector<16xi32>
    %add3A_357 = arith.addi %iota3A, %add3A_356 : vector<16xi32>
    %jit3A_358 = arith.constant 16 : i32
    %eq3A_359 = arith.constant 0 : i32
    %eq3A_360 = arith.cmpi eq, %jit3A_358, %eq3A_359 : i32
    %jit3A_361 = arith.constant 1 : i32
    %select_n3A_362 = arith.select %eq3A_360, %jit3A_361, %jit3A_358 : i32
    %rem3A_363 = vector.broadcast %select_n3A_362 : i32 to vector<16xi32>
    %rem3A_364 = arith.remsi %add3A_357, %rem3A_363 : vector<16xi32>
    %ne3A_365 = arith.constant 0 : i32
    %ne3A_366 = vector.broadcast %ne3A_365 : i32 to vector<16xi32>
    %ne3A_367 = arith.cmpi ne, %rem3A_364, %ne3A_366 : vector<16xi32>
    %lt3A_368 = arith.constant 0 : i32
    %lt3A_369 = vector.broadcast %lt3A_368 : i32 to vector<16xi32>
    %lt3A_370 = arith.cmpi slt, %rem3A_364, %lt3A_369 : vector<16xi32>
    %lt3A_371 = arith.constant 0 : i32
    %lt3A_372 = arith.cmpi slt, %select_n3A_362, %lt3A_371 : i32
    %ne3A_373 = vector.broadcast %lt3A_372 : i1 to vector<16xi1>
    %ne3A_374 = vector.broadcast %ne3A_373 : vector<16xi1> to vector<16xi1>
    %ne3A_375 = arith.xori %lt3A_370, %ne3A_374 : vector<16xi1>
    %and3A_376 = arith.andi %ne3A_375, %ne3A_367 : vector<16xi1>
    %add3A_377 = vector.broadcast %select_n3A_362 : i32 to vector<16xi32>
    %add3A_378 = arith.addi %rem3A_364, %add3A_377 : vector<16xi32>
    %select_n3A_379 = arith.select %and3A_376, %add3A_378, %rem3A_364 : vector<16xi1>, vector<16xi32>
    %add3A_380 = arith.constant 0 : i32
    %add3A_381 = vector.broadcast %add3A_380 : i32 to vector<16xi32>
    %add3A_382 = arith.addi %add3A_381, %select_n3A_379 : vector<16xi32>
    %add3A_383 = arith.constant 13 : i32
    %add3A_384 = vector.broadcast %add3A_383 : i32 to vector<16xi32>
    %add3A_385 = arith.addi %iota3A, %add3A_384 : vector<16xi32>
    %jit3A_386 = arith.constant 16 : i32
    %eq3A_387 = arith.constant 0 : i32
    %eq3A_388 = arith.cmpi eq, %jit3A_386, %eq3A_387 : i32
    %jit3A_389 = arith.constant 1 : i32
    %select_n3A_390 = arith.select %eq3A_388, %jit3A_389, %jit3A_386 : i32
    %rem3A_391 = vector.broadcast %select_n3A_390 : i32 to vector<16xi32>
    %rem3A_392 = arith.remsi %add3A_385, %rem3A_391 : vector<16xi32>
    %ne3A_393 = arith.constant 0 : i32
    %ne3A_394 = vector.broadcast %ne3A_393 : i32 to vector<16xi32>
    %ne3A_395 = arith.cmpi ne, %rem3A_392, %ne3A_394 : vector<16xi32>
    %lt3A_396 = arith.constant 0 : i32
    %lt3A_397 = vector.broadcast %lt3A_396 : i32 to vector<16xi32>
    %lt3A_398 = arith.cmpi slt, %rem3A_392, %lt3A_397 : vector<16xi32>
    %lt3A_399 = arith.constant 0 : i32
    %lt3A_400 = arith.cmpi slt, %select_n3A_390, %lt3A_399 : i32
    %ne3A_401 = vector.broadcast %lt3A_400 : i1 to vector<16xi1>
    %ne3A_402 = vector.broadcast %ne3A_401 : vector<16xi1> to vector<16xi1>
    %ne3A_403 = arith.xori %lt3A_398, %ne3A_402 : vector<16xi1>
    %and3A_404 = arith.andi %ne3A_403, %ne3A_395 : vector<16xi1>
    %add3A_405 = vector.broadcast %select_n3A_390 : i32 to vector<16xi32>
    %add3A_406 = arith.addi %rem3A_392, %add3A_405 : vector<16xi32>
    %select_n3A_407 = arith.select %and3A_404, %add3A_406, %rem3A_392 : vector<16xi1>, vector<16xi32>
    %add3A_408 = arith.constant 0 : i32
    %add3A_409 = vector.broadcast %add3A_408 : i32 to vector<16xi32>
    %add3A_410 = arith.addi %add3A_409, %select_n3A_407 : vector<16xi32>
    %add3A_411 = arith.constant 14 : i32
    %add3A_412 = vector.broadcast %add3A_411 : i32 to vector<16xi32>
    %add3A_413 = arith.addi %iota3A, %add3A_412 : vector<16xi32>
    %jit3A_414 = arith.constant 16 : i32
    %eq3A_415 = arith.constant 0 : i32
    %eq3A_416 = arith.cmpi eq, %jit3A_414, %eq3A_415 : i32
    %jit3A_417 = arith.constant 1 : i32
    %select_n3A_418 = arith.select %eq3A_416, %jit3A_417, %jit3A_414 : i32
    %rem3A_419 = vector.broadcast %select_n3A_418 : i32 to vector<16xi32>
    %rem3A_420 = arith.remsi %add3A_413, %rem3A_419 : vector<16xi32>
    %ne3A_421 = arith.constant 0 : i32
    %ne3A_422 = vector.broadcast %ne3A_421 : i32 to vector<16xi32>
    %ne3A_423 = arith.cmpi ne, %rem3A_420, %ne3A_422 : vector<16xi32>
    %lt3A_424 = arith.constant 0 : i32
    %lt3A_425 = vector.broadcast %lt3A_424 : i32 to vector<16xi32>
    %lt3A_426 = arith.cmpi slt, %rem3A_420, %lt3A_425 : vector<16xi32>
    %lt3A_427 = arith.constant 0 : i32
    %lt3A_428 = arith.cmpi slt, %select_n3A_418, %lt3A_427 : i32
    %ne3A_429 = vector.broadcast %lt3A_428 : i1 to vector<16xi1>
    %ne3A_430 = vector.broadcast %ne3A_429 : vector<16xi1> to vector<16xi1>
    %ne3A_431 = arith.xori %lt3A_426, %ne3A_430 : vector<16xi1>
    %and3A_432 = arith.andi %ne3A_431, %ne3A_423 : vector<16xi1>
    %add3A_433 = vector.broadcast %select_n3A_418 : i32 to vector<16xi32>
    %add3A_434 = arith.addi %rem3A_420, %add3A_433 : vector<16xi32>
    %select_n3A_435 = arith.select %and3A_432, %add3A_434, %rem3A_420 : vector<16xi1>, vector<16xi32>
    %add3A_436 = arith.constant 0 : i32
    %add3A_437 = vector.broadcast %add3A_436 : i32 to vector<16xi32>
    %add3A_438 = arith.addi %add3A_437, %select_n3A_435 : vector<16xi32>
    %add3A_439 = arith.constant 15 : i32
    %add3A_440 = vector.broadcast %add3A_439 : i32 to vector<16xi32>
    %add3A_441 = arith.addi %iota3A, %add3A_440 : vector<16xi32>
    %jit3A_442 = arith.constant 16 : i32
    %eq3A_443 = arith.constant 0 : i32
    %eq3A_444 = arith.cmpi eq, %jit3A_442, %eq3A_443 : i32
    %jit3A_445 = arith.constant 1 : i32
    %select_n3A_446 = arith.select %eq3A_444, %jit3A_445, %jit3A_442 : i32
    %rem3A_447 = vector.broadcast %select_n3A_446 : i32 to vector<16xi32>
    %rem3A_448 = arith.remsi %add3A_441, %rem3A_447 : vector<16xi32>
    %ne3A_449 = arith.constant 0 : i32
    %ne3A_450 = vector.broadcast %ne3A_449 : i32 to vector<16xi32>
    %ne3A_451 = arith.cmpi ne, %rem3A_448, %ne3A_450 : vector<16xi32>
    %lt3A_452 = arith.constant 0 : i32
    %lt3A_453 = vector.broadcast %lt3A_452 : i32 to vector<16xi32>
    %lt3A_454 = arith.cmpi slt, %rem3A_448, %lt3A_453 : vector<16xi32>
    %lt3A_455 = arith.constant 0 : i32
    %lt3A_456 = arith.cmpi slt, %select_n3A_446, %lt3A_455 : i32
    %ne3A_457 = vector.broadcast %lt3A_456 : i1 to vector<16xi1>
    %ne3A_458 = vector.broadcast %ne3A_457 : vector<16xi1> to vector<16xi1>
    %ne3A_459 = arith.xori %lt3A_454, %ne3A_458 : vector<16xi1>
    %and3A_460 = arith.andi %ne3A_459, %ne3A_451 : vector<16xi1>
    %add3A_461 = vector.broadcast %select_n3A_446 : i32 to vector<16xi32>
    %add3A_462 = arith.addi %rem3A_448, %add3A_461 : vector<16xi32>
    %select_n3A_463 = arith.select %and3A_460, %add3A_462, %rem3A_448 : vector<16xi1>, vector<16xi32>
    %add3A_464 = arith.constant 0 : i32
    %add3A_465 = vector.broadcast %add3A_464 : i32 to vector<16xi32>
    %add3A_466 = arith.addi %add3A_465, %select_n3A_463 : vector<16xi32>
    %add3A_467 = arith.constant 0 : i32
    %add3A_468 = vector.broadcast %add3A_467 : i32 to vector<16xi32>
    %add3A_469 = arith.addi %iota3A, %add3A_468 : vector<16xi32>
    %jit3A_470 = arith.constant 16 : i32
    %eq3A_471 = arith.constant 0 : i32
    %eq3A_472 = arith.cmpi eq, %jit3A_470, %eq3A_471 : i32
    %jit3A_473 = arith.constant 1 : i32
    %select_n3A_474 = arith.select %eq3A_472, %jit3A_473, %jit3A_470 : i32
    %rem3A_475 = vector.broadcast %select_n3A_474 : i32 to vector<16xi32>
    %rem3A_476 = arith.remsi %add3A_469, %rem3A_475 : vector<16xi32>
    %ne3A_477 = arith.constant 0 : i32
    %ne3A_478 = vector.broadcast %ne3A_477 : i32 to vector<16xi32>
    %ne3A_479 = arith.cmpi ne, %rem3A_476, %ne3A_478 : vector<16xi32>
    %lt3A_480 = arith.constant 0 : i32
    %lt3A_481 = vector.broadcast %lt3A_480 : i32 to vector<16xi32>
    %lt3A_482 = arith.cmpi slt, %rem3A_476, %lt3A_481 : vector<16xi32>
    %lt3A_483 = arith.constant 0 : i32
    %lt3A_484 = arith.cmpi slt, %select_n3A_474, %lt3A_483 : i32
    %ne3A_485 = vector.broadcast %lt3A_484 : i1 to vector<16xi1>
    %ne3A_486 = vector.broadcast %ne3A_485 : vector<16xi1> to vector<16xi1>
    %ne3A_487 = arith.xori %lt3A_482, %ne3A_486 : vector<16xi1>
    %and3A_488 = arith.andi %ne3A_487, %ne3A_479 : vector<16xi1>
    %add3A_489 = vector.broadcast %select_n3A_474 : i32 to vector<16xi32>
    %add3A_490 = arith.addi %rem3A_476, %add3A_489 : vector<16xi32>
    %select_n3A_491 = arith.select %and3A_488, %add3A_490, %rem3A_476 : vector<16xi1>, vector<16xi32>
    %add3A_492 = arith.constant 16 : i32
    %add3A_493 = vector.broadcast %add3A_492 : i32 to vector<16xi32>
    %add3A_494 = arith.addi %add3A_493, %select_n3A_491 : vector<16xi32>
    %add3A_495 = arith.constant 1 : i32
    %add3A_496 = vector.broadcast %add3A_495 : i32 to vector<16xi32>
    %add3A_497 = arith.addi %iota3A, %add3A_496 : vector<16xi32>
    %jit3A_498 = arith.constant 16 : i32
    %eq3A_499 = arith.constant 0 : i32
    %eq3A_500 = arith.cmpi eq, %jit3A_498, %eq3A_499 : i32
    %jit3A_501 = arith.constant 1 : i32
    %select_n3A_502 = arith.select %eq3A_500, %jit3A_501, %jit3A_498 : i32
    %rem3A_503 = vector.broadcast %select_n3A_502 : i32 to vector<16xi32>
    %rem3A_504 = arith.remsi %add3A_497, %rem3A_503 : vector<16xi32>
    %ne3A_505 = arith.constant 0 : i32
    %ne3A_506 = vector.broadcast %ne3A_505 : i32 to vector<16xi32>
    %ne3A_507 = arith.cmpi ne, %rem3A_504, %ne3A_506 : vector<16xi32>
    %lt3A_508 = arith.constant 0 : i32
    %lt3A_509 = vector.broadcast %lt3A_508 : i32 to vector<16xi32>
    %lt3A_510 = arith.cmpi slt, %rem3A_504, %lt3A_509 : vector<16xi32>
    %lt3A_511 = arith.constant 0 : i32
    %lt3A_512 = arith.cmpi slt, %select_n3A_502, %lt3A_511 : i32
    %ne3A_513 = vector.broadcast %lt3A_512 : i1 to vector<16xi1>
    %ne3A_514 = vector.broadcast %ne3A_513 : vector<16xi1> to vector<16xi1>
    %ne3A_515 = arith.xori %lt3A_510, %ne3A_514 : vector<16xi1>
    %and3A_516 = arith.andi %ne3A_515, %ne3A_507 : vector<16xi1>
    %add3A_517 = vector.broadcast %select_n3A_502 : i32 to vector<16xi32>
    %add3A_518 = arith.addi %rem3A_504, %add3A_517 : vector<16xi32>
    %select_n3A_519 = arith.select %and3A_516, %add3A_518, %rem3A_504 : vector<16xi1>, vector<16xi32>
    %add3A_520 = arith.constant 16 : i32
    %add3A_521 = vector.broadcast %add3A_520 : i32 to vector<16xi32>
    %add3A_522 = arith.addi %add3A_521, %select_n3A_519 : vector<16xi32>
    %add3A_523 = arith.constant 2 : i32
    %add3A_524 = vector.broadcast %add3A_523 : i32 to vector<16xi32>
    %add3A_525 = arith.addi %iota3A, %add3A_524 : vector<16xi32>
    %jit3A_526 = arith.constant 16 : i32
    %eq3A_527 = arith.constant 0 : i32
    %eq3A_528 = arith.cmpi eq, %jit3A_526, %eq3A_527 : i32
    %jit3A_529 = arith.constant 1 : i32
    %select_n3A_530 = arith.select %eq3A_528, %jit3A_529, %jit3A_526 : i32
    %rem3A_531 = vector.broadcast %select_n3A_530 : i32 to vector<16xi32>
    %rem3A_532 = arith.remsi %add3A_525, %rem3A_531 : vector<16xi32>
    %ne3A_533 = arith.constant 0 : i32
    %ne3A_534 = vector.broadcast %ne3A_533 : i32 to vector<16xi32>
    %ne3A_535 = arith.cmpi ne, %rem3A_532, %ne3A_534 : vector<16xi32>
    %lt3A_536 = arith.constant 0 : i32
    %lt3A_537 = vector.broadcast %lt3A_536 : i32 to vector<16xi32>
    %lt3A_538 = arith.cmpi slt, %rem3A_532, %lt3A_537 : vector<16xi32>
    %lt3A_539 = arith.constant 0 : i32
    %lt3A_540 = arith.cmpi slt, %select_n3A_530, %lt3A_539 : i32
    %ne3A_541 = vector.broadcast %lt3A_540 : i1 to vector<16xi1>
    %ne3A_542 = vector.broadcast %ne3A_541 : vector<16xi1> to vector<16xi1>
    %ne3A_543 = arith.xori %lt3A_538, %ne3A_542 : vector<16xi1>
    %and3A_544 = arith.andi %ne3A_543, %ne3A_535 : vector<16xi1>
    %add3A_545 = vector.broadcast %select_n3A_530 : i32 to vector<16xi32>
    %add3A_546 = arith.addi %rem3A_532, %add3A_545 : vector<16xi32>
    %select_n3A_547 = arith.select %and3A_544, %add3A_546, %rem3A_532 : vector<16xi1>, vector<16xi32>
    %add3A_548 = arith.constant 16 : i32
    %add3A_549 = vector.broadcast %add3A_548 : i32 to vector<16xi32>
    %add3A_550 = arith.addi %add3A_549, %select_n3A_547 : vector<16xi32>
    %add3A_551 = arith.constant 3 : i32
    %add3A_552 = vector.broadcast %add3A_551 : i32 to vector<16xi32>
    %add3A_553 = arith.addi %iota3A, %add3A_552 : vector<16xi32>
    %jit3A_554 = arith.constant 16 : i32
    %eq3A_555 = arith.constant 0 : i32
    %eq3A_556 = arith.cmpi eq, %jit3A_554, %eq3A_555 : i32
    %jit3A_557 = arith.constant 1 : i32
    %select_n3A_558 = arith.select %eq3A_556, %jit3A_557, %jit3A_554 : i32
    %rem3A_559 = vector.broadcast %select_n3A_558 : i32 to vector<16xi32>
    %rem3A_560 = arith.remsi %add3A_553, %rem3A_559 : vector<16xi32>
    %ne3A_561 = arith.constant 0 : i32
    %ne3A_562 = vector.broadcast %ne3A_561 : i32 to vector<16xi32>
    %ne3A_563 = arith.cmpi ne, %rem3A_560, %ne3A_562 : vector<16xi32>
    %lt3A_564 = arith.constant 0 : i32
    %lt3A_565 = vector.broadcast %lt3A_564 : i32 to vector<16xi32>
    %lt3A_566 = arith.cmpi slt, %rem3A_560, %lt3A_565 : vector<16xi32>
    %lt3A_567 = arith.constant 0 : i32
    %lt3A_568 = arith.cmpi slt, %select_n3A_558, %lt3A_567 : i32
    %ne3A_569 = vector.broadcast %lt3A_568 : i1 to vector<16xi1>
    %ne3A_570 = vector.broadcast %ne3A_569 : vector<16xi1> to vector<16xi1>
    %ne3A_571 = arith.xori %lt3A_566, %ne3A_570 : vector<16xi1>
    %and3A_572 = arith.andi %ne3A_571, %ne3A_563 : vector<16xi1>
    %add3A_573 = vector.broadcast %select_n3A_558 : i32 to vector<16xi32>
    %add3A_574 = arith.addi %rem3A_560, %add3A_573 : vector<16xi32>
    %select_n3A_575 = arith.select %and3A_572, %add3A_574, %rem3A_560 : vector<16xi1>, vector<16xi32>
    %add3A_576 = arith.constant 16 : i32
    %add3A_577 = vector.broadcast %add3A_576 : i32 to vector<16xi32>
    %add3A_578 = arith.addi %add3A_577, %select_n3A_575 : vector<16xi32>
    %add3A_579 = arith.constant 4 : i32
    %add3A_580 = vector.broadcast %add3A_579 : i32 to vector<16xi32>
    %add3A_581 = arith.addi %iota3A, %add3A_580 : vector<16xi32>
    %jit3A_582 = arith.constant 16 : i32
    %eq3A_583 = arith.constant 0 : i32
    %eq3A_584 = arith.cmpi eq, %jit3A_582, %eq3A_583 : i32
    %jit3A_585 = arith.constant 1 : i32
    %select_n3A_586 = arith.select %eq3A_584, %jit3A_585, %jit3A_582 : i32
    %rem3A_587 = vector.broadcast %select_n3A_586 : i32 to vector<16xi32>
    %rem3A_588 = arith.remsi %add3A_581, %rem3A_587 : vector<16xi32>
    %ne3A_589 = arith.constant 0 : i32
    %ne3A_590 = vector.broadcast %ne3A_589 : i32 to vector<16xi32>
    %ne3A_591 = arith.cmpi ne, %rem3A_588, %ne3A_590 : vector<16xi32>
    %lt3A_592 = arith.constant 0 : i32
    %lt3A_593 = vector.broadcast %lt3A_592 : i32 to vector<16xi32>
    %lt3A_594 = arith.cmpi slt, %rem3A_588, %lt3A_593 : vector<16xi32>
    %lt3A_595 = arith.constant 0 : i32
    %lt3A_596 = arith.cmpi slt, %select_n3A_586, %lt3A_595 : i32
    %ne3A_597 = vector.broadcast %lt3A_596 : i1 to vector<16xi1>
    %ne3A_598 = vector.broadcast %ne3A_597 : vector<16xi1> to vector<16xi1>
    %ne3A_599 = arith.xori %lt3A_594, %ne3A_598 : vector<16xi1>
    %and3A_600 = arith.andi %ne3A_599, %ne3A_591 : vector<16xi1>
    %add3A_601 = vector.broadcast %select_n3A_586 : i32 to vector<16xi32>
    %add3A_602 = arith.addi %rem3A_588, %add3A_601 : vector<16xi32>
    %select_n3A_603 = arith.select %and3A_600, %add3A_602, %rem3A_588 : vector<16xi1>, vector<16xi32>
    %add3A_604 = arith.constant 16 : i32
    %add3A_605 = vector.broadcast %add3A_604 : i32 to vector<16xi32>
    %add3A_606 = arith.addi %add3A_605, %select_n3A_603 : vector<16xi32>
    %add3A_607 = arith.constant 5 : i32
    %add3A_608 = vector.broadcast %add3A_607 : i32 to vector<16xi32>
    %add3A_609 = arith.addi %iota3A, %add3A_608 : vector<16xi32>
    %jit3A_610 = arith.constant 16 : i32
    %eq3A_611 = arith.constant 0 : i32
    %eq3A_612 = arith.cmpi eq, %jit3A_610, %eq3A_611 : i32
    %jit3A_613 = arith.constant 1 : i32
    %select_n3A_614 = arith.select %eq3A_612, %jit3A_613, %jit3A_610 : i32
    %rem3A_615 = vector.broadcast %select_n3A_614 : i32 to vector<16xi32>
    %rem3A_616 = arith.remsi %add3A_609, %rem3A_615 : vector<16xi32>
    %ne3A_617 = arith.constant 0 : i32
    %ne3A_618 = vector.broadcast %ne3A_617 : i32 to vector<16xi32>
    %ne3A_619 = arith.cmpi ne, %rem3A_616, %ne3A_618 : vector<16xi32>
    %lt3A_620 = arith.constant 0 : i32
    %lt3A_621 = vector.broadcast %lt3A_620 : i32 to vector<16xi32>
    %lt3A_622 = arith.cmpi slt, %rem3A_616, %lt3A_621 : vector<16xi32>
    %lt3A_623 = arith.constant 0 : i32
    %lt3A_624 = arith.cmpi slt, %select_n3A_614, %lt3A_623 : i32
    %ne3A_625 = vector.broadcast %lt3A_624 : i1 to vector<16xi1>
    %ne3A_626 = vector.broadcast %ne3A_625 : vector<16xi1> to vector<16xi1>
    %ne3A_627 = arith.xori %lt3A_622, %ne3A_626 : vector<16xi1>
    %and3A_628 = arith.andi %ne3A_627, %ne3A_619 : vector<16xi1>
    %add3A_629 = vector.broadcast %select_n3A_614 : i32 to vector<16xi32>
    %add3A_630 = arith.addi %rem3A_616, %add3A_629 : vector<16xi32>
    %select_n3A_631 = arith.select %and3A_628, %add3A_630, %rem3A_616 : vector<16xi1>, vector<16xi32>
    %add3A_632 = arith.constant 16 : i32
    %add3A_633 = vector.broadcast %add3A_632 : i32 to vector<16xi32>
    %add3A_634 = arith.addi %add3A_633, %select_n3A_631 : vector<16xi32>
    %add3A_635 = arith.constant 6 : i32
    %add3A_636 = vector.broadcast %add3A_635 : i32 to vector<16xi32>
    %add3A_637 = arith.addi %iota3A, %add3A_636 : vector<16xi32>
    %jit3A_638 = arith.constant 16 : i32
    %eq3A_639 = arith.constant 0 : i32
    %eq3A_640 = arith.cmpi eq, %jit3A_638, %eq3A_639 : i32
    %jit3A_641 = arith.constant 1 : i32
    %select_n3A_642 = arith.select %eq3A_640, %jit3A_641, %jit3A_638 : i32
    %rem3A_643 = vector.broadcast %select_n3A_642 : i32 to vector<16xi32>
    %rem3A_644 = arith.remsi %add3A_637, %rem3A_643 : vector<16xi32>
    %ne3A_645 = arith.constant 0 : i32
    %ne3A_646 = vector.broadcast %ne3A_645 : i32 to vector<16xi32>
    %ne3A_647 = arith.cmpi ne, %rem3A_644, %ne3A_646 : vector<16xi32>
    %lt3A_648 = arith.constant 0 : i32
    %lt3A_649 = vector.broadcast %lt3A_648 : i32 to vector<16xi32>
    %lt3A_650 = arith.cmpi slt, %rem3A_644, %lt3A_649 : vector<16xi32>
    %lt3A_651 = arith.constant 0 : i32
    %lt3A_652 = arith.cmpi slt, %select_n3A_642, %lt3A_651 : i32
    %ne3A_653 = vector.broadcast %lt3A_652 : i1 to vector<16xi1>
    %ne3A_654 = vector.broadcast %ne3A_653 : vector<16xi1> to vector<16xi1>
    %ne3A_655 = arith.xori %lt3A_650, %ne3A_654 : vector<16xi1>
    %and3A_656 = arith.andi %ne3A_655, %ne3A_647 : vector<16xi1>
    %add3A_657 = vector.broadcast %select_n3A_642 : i32 to vector<16xi32>
    %add3A_658 = arith.addi %rem3A_644, %add3A_657 : vector<16xi32>
    %select_n3A_659 = arith.select %and3A_656, %add3A_658, %rem3A_644 : vector<16xi1>, vector<16xi32>
    %add3A_660 = arith.constant 16 : i32
    %add3A_661 = vector.broadcast %add3A_660 : i32 to vector<16xi32>
    %add3A_662 = arith.addi %add3A_661, %select_n3A_659 : vector<16xi32>
    %add3A_663 = arith.constant 7 : i32
    %add3A_664 = vector.broadcast %add3A_663 : i32 to vector<16xi32>
    %add3A_665 = arith.addi %iota3A, %add3A_664 : vector<16xi32>
    %jit3A_666 = arith.constant 16 : i32
    %eq3A_667 = arith.constant 0 : i32
    %eq3A_668 = arith.cmpi eq, %jit3A_666, %eq3A_667 : i32
    %jit3A_669 = arith.constant 1 : i32
    %select_n3A_670 = arith.select %eq3A_668, %jit3A_669, %jit3A_666 : i32
    %rem3A_671 = vector.broadcast %select_n3A_670 : i32 to vector<16xi32>
    %rem3A_672 = arith.remsi %add3A_665, %rem3A_671 : vector<16xi32>
    %ne3A_673 = arith.constant 0 : i32
    %ne3A_674 = vector.broadcast %ne3A_673 : i32 to vector<16xi32>
    %ne3A_675 = arith.cmpi ne, %rem3A_672, %ne3A_674 : vector<16xi32>
    %lt3A_676 = arith.constant 0 : i32
    %lt3A_677 = vector.broadcast %lt3A_676 : i32 to vector<16xi32>
    %lt3A_678 = arith.cmpi slt, %rem3A_672, %lt3A_677 : vector<16xi32>
    %lt3A_679 = arith.constant 0 : i32
    %lt3A_680 = arith.cmpi slt, %select_n3A_670, %lt3A_679 : i32
    %ne3A_681 = vector.broadcast %lt3A_680 : i1 to vector<16xi1>
    %ne3A_682 = vector.broadcast %ne3A_681 : vector<16xi1> to vector<16xi1>
    %ne3A_683 = arith.xori %lt3A_678, %ne3A_682 : vector<16xi1>
    %and3A_684 = arith.andi %ne3A_683, %ne3A_675 : vector<16xi1>
    %add3A_685 = vector.broadcast %select_n3A_670 : i32 to vector<16xi32>
    %add3A_686 = arith.addi %rem3A_672, %add3A_685 : vector<16xi32>
    %select_n3A_687 = arith.select %and3A_684, %add3A_686, %rem3A_672 : vector<16xi1>, vector<16xi32>
    %add3A_688 = arith.constant 16 : i32
    %add3A_689 = vector.broadcast %add3A_688 : i32 to vector<16xi32>
    %add3A_690 = arith.addi %add3A_689, %select_n3A_687 : vector<16xi32>
    %add3A_691 = arith.constant 8 : i32
    %add3A_692 = vector.broadcast %add3A_691 : i32 to vector<16xi32>
    %add3A_693 = arith.addi %iota3A, %add3A_692 : vector<16xi32>
    %jit3A_694 = arith.constant 16 : i32
    %eq3A_695 = arith.constant 0 : i32
    %eq3A_696 = arith.cmpi eq, %jit3A_694, %eq3A_695 : i32
    %jit3A_697 = arith.constant 1 : i32
    %select_n3A_698 = arith.select %eq3A_696, %jit3A_697, %jit3A_694 : i32
    %rem3A_699 = vector.broadcast %select_n3A_698 : i32 to vector<16xi32>
    %rem3A_700 = arith.remsi %add3A_693, %rem3A_699 : vector<16xi32>
    %ne3A_701 = arith.constant 0 : i32
    %ne3A_702 = vector.broadcast %ne3A_701 : i32 to vector<16xi32>
    %ne3A_703 = arith.cmpi ne, %rem3A_700, %ne3A_702 : vector<16xi32>
    %lt3A_704 = arith.constant 0 : i32
    %lt3A_705 = vector.broadcast %lt3A_704 : i32 to vector<16xi32>
    %lt3A_706 = arith.cmpi slt, %rem3A_700, %lt3A_705 : vector<16xi32>
    %lt3A_707 = arith.constant 0 : i32
    %lt3A_708 = arith.cmpi slt, %select_n3A_698, %lt3A_707 : i32
    %ne3A_709 = vector.broadcast %lt3A_708 : i1 to vector<16xi1>
    %ne3A_710 = vector.broadcast %ne3A_709 : vector<16xi1> to vector<16xi1>
    %ne3A_711 = arith.xori %lt3A_706, %ne3A_710 : vector<16xi1>
    %and3A_712 = arith.andi %ne3A_711, %ne3A_703 : vector<16xi1>
    %add3A_713 = vector.broadcast %select_n3A_698 : i32 to vector<16xi32>
    %add3A_714 = arith.addi %rem3A_700, %add3A_713 : vector<16xi32>
    %select_n3A_715 = arith.select %and3A_712, %add3A_714, %rem3A_700 : vector<16xi1>, vector<16xi32>
    %add3A_716 = arith.constant 16 : i32
    %add3A_717 = vector.broadcast %add3A_716 : i32 to vector<16xi32>
    %add3A_718 = arith.addi %add3A_717, %select_n3A_715 : vector<16xi32>
    %add3A_719 = arith.constant 9 : i32
    %add3A_720 = vector.broadcast %add3A_719 : i32 to vector<16xi32>
    %add3A_721 = arith.addi %iota3A, %add3A_720 : vector<16xi32>
    %jit3A_722 = arith.constant 16 : i32
    %eq3A_723 = arith.constant 0 : i32
    %eq3A_724 = arith.cmpi eq, %jit3A_722, %eq3A_723 : i32
    %jit3A_725 = arith.constant 1 : i32
    %select_n3A_726 = arith.select %eq3A_724, %jit3A_725, %jit3A_722 : i32
    %rem3A_727 = vector.broadcast %select_n3A_726 : i32 to vector<16xi32>
    %rem3A_728 = arith.remsi %add3A_721, %rem3A_727 : vector<16xi32>
    %ne3A_729 = arith.constant 0 : i32
    %ne3A_730 = vector.broadcast %ne3A_729 : i32 to vector<16xi32>
    %ne3A_731 = arith.cmpi ne, %rem3A_728, %ne3A_730 : vector<16xi32>
    %lt3A_732 = arith.constant 0 : i32
    %lt3A_733 = vector.broadcast %lt3A_732 : i32 to vector<16xi32>
    %lt3A_734 = arith.cmpi slt, %rem3A_728, %lt3A_733 : vector<16xi32>
    %lt3A_735 = arith.constant 0 : i32
    %lt3A_736 = arith.cmpi slt, %select_n3A_726, %lt3A_735 : i32
    %ne3A_737 = vector.broadcast %lt3A_736 : i1 to vector<16xi1>
    %ne3A_738 = vector.broadcast %ne3A_737 : vector<16xi1> to vector<16xi1>
    %ne3A_739 = arith.xori %lt3A_734, %ne3A_738 : vector<16xi1>
    %and3A_740 = arith.andi %ne3A_739, %ne3A_731 : vector<16xi1>
    %add3A_741 = vector.broadcast %select_n3A_726 : i32 to vector<16xi32>
    %add3A_742 = arith.addi %rem3A_728, %add3A_741 : vector<16xi32>
    %select_n3A_743 = arith.select %and3A_740, %add3A_742, %rem3A_728 : vector<16xi1>, vector<16xi32>
    %add3A_744 = arith.constant 16 : i32
    %add3A_745 = vector.broadcast %add3A_744 : i32 to vector<16xi32>
    %add3A_746 = arith.addi %add3A_745, %select_n3A_743 : vector<16xi32>
    %add3A_747 = arith.constant 10 : i32
    %add3A_748 = vector.broadcast %add3A_747 : i32 to vector<16xi32>
    %add3A_749 = arith.addi %iota3A, %add3A_748 : vector<16xi32>
    %jit3A_750 = arith.constant 16 : i32
    %eq3A_751 = arith.constant 0 : i32
    %eq3A_752 = arith.cmpi eq, %jit3A_750, %eq3A_751 : i32
    %jit3A_753 = arith.constant 1 : i32
    %select_n3A_754 = arith.select %eq3A_752, %jit3A_753, %jit3A_750 : i32
    %rem3A_755 = vector.broadcast %select_n3A_754 : i32 to vector<16xi32>
    %rem3A_756 = arith.remsi %add3A_749, %rem3A_755 : vector<16xi32>
    %ne3A_757 = arith.constant 0 : i32
    %ne3A_758 = vector.broadcast %ne3A_757 : i32 to vector<16xi32>
    %ne3A_759 = arith.cmpi ne, %rem3A_756, %ne3A_758 : vector<16xi32>
    %lt3A_760 = arith.constant 0 : i32
    %lt3A_761 = vector.broadcast %lt3A_760 : i32 to vector<16xi32>
    %lt3A_762 = arith.cmpi slt, %rem3A_756, %lt3A_761 : vector<16xi32>
    %lt3A_763 = arith.constant 0 : i32
    %lt3A_764 = arith.cmpi slt, %select_n3A_754, %lt3A_763 : i32
    %ne3A_765 = vector.broadcast %lt3A_764 : i1 to vector<16xi1>
    %ne3A_766 = vector.broadcast %ne3A_765 : vector<16xi1> to vector<16xi1>
    %ne3A_767 = arith.xori %lt3A_762, %ne3A_766 : vector<16xi1>
    %and3A_768 = arith.andi %ne3A_767, %ne3A_759 : vector<16xi1>
    %add3A_769 = vector.broadcast %select_n3A_754 : i32 to vector<16xi32>
    %add3A_770 = arith.addi %rem3A_756, %add3A_769 : vector<16xi32>
    %select_n3A_771 = arith.select %and3A_768, %add3A_770, %rem3A_756 : vector<16xi1>, vector<16xi32>
    %add3A_772 = arith.constant 16 : i32
    %add3A_773 = vector.broadcast %add3A_772 : i32 to vector<16xi32>
    %add3A_774 = arith.addi %add3A_773, %select_n3A_771 : vector<16xi32>
    %add3A_775 = arith.constant 11 : i32
    %add3A_776 = vector.broadcast %add3A_775 : i32 to vector<16xi32>
    %add3A_777 = arith.addi %iota3A, %add3A_776 : vector<16xi32>
    %jit3A_778 = arith.constant 16 : i32
    %eq3A_779 = arith.constant 0 : i32
    %eq3A_780 = arith.cmpi eq, %jit3A_778, %eq3A_779 : i32
    %jit3A_781 = arith.constant 1 : i32
    %select_n3A_782 = arith.select %eq3A_780, %jit3A_781, %jit3A_778 : i32
    %rem3A_783 = vector.broadcast %select_n3A_782 : i32 to vector<16xi32>
    %rem3A_784 = arith.remsi %add3A_777, %rem3A_783 : vector<16xi32>
    %ne3A_785 = arith.constant 0 : i32
    %ne3A_786 = vector.broadcast %ne3A_785 : i32 to vector<16xi32>
    %ne3A_787 = arith.cmpi ne, %rem3A_784, %ne3A_786 : vector<16xi32>
    %lt3A_788 = arith.constant 0 : i32
    %lt3A_789 = vector.broadcast %lt3A_788 : i32 to vector<16xi32>
    %lt3A_790 = arith.cmpi slt, %rem3A_784, %lt3A_789 : vector<16xi32>
    %lt3A_791 = arith.constant 0 : i32
    %lt3A_792 = arith.cmpi slt, %select_n3A_782, %lt3A_791 : i32
    %ne3A_793 = vector.broadcast %lt3A_792 : i1 to vector<16xi1>
    %ne3A_794 = vector.broadcast %ne3A_793 : vector<16xi1> to vector<16xi1>
    %ne3A_795 = arith.xori %lt3A_790, %ne3A_794 : vector<16xi1>
    %and3A_796 = arith.andi %ne3A_795, %ne3A_787 : vector<16xi1>
    %add3A_797 = vector.broadcast %select_n3A_782 : i32 to vector<16xi32>
    %add3A_798 = arith.addi %rem3A_784, %add3A_797 : vector<16xi32>
    %select_n3A_799 = arith.select %and3A_796, %add3A_798, %rem3A_784 : vector<16xi1>, vector<16xi32>
    %add3A_800 = arith.constant 16 : i32
    %add3A_801 = vector.broadcast %add3A_800 : i32 to vector<16xi32>
    %add3A_802 = arith.addi %add3A_801, %select_n3A_799 : vector<16xi32>
    %add3A_803 = arith.constant 12 : i32
    %add3A_804 = vector.broadcast %add3A_803 : i32 to vector<16xi32>
    %add3A_805 = arith.addi %iota3A, %add3A_804 : vector<16xi32>
    %jit3A_806 = arith.constant 16 : i32
    %eq3A_807 = arith.constant 0 : i32
    %eq3A_808 = arith.cmpi eq, %jit3A_806, %eq3A_807 : i32
    %jit3A_809 = arith.constant 1 : i32
    %select_n3A_810 = arith.select %eq3A_808, %jit3A_809, %jit3A_806 : i32
    %rem3A_811 = vector.broadcast %select_n3A_810 : i32 to vector<16xi32>
    %rem3A_812 = arith.remsi %add3A_805, %rem3A_811 : vector<16xi32>
    %ne3A_813 = arith.constant 0 : i32
    %ne3A_814 = vector.broadcast %ne3A_813 : i32 to vector<16xi32>
    %ne3A_815 = arith.cmpi ne, %rem3A_812, %ne3A_814 : vector<16xi32>
    %lt3A_816 = arith.constant 0 : i32
    %lt3A_817 = vector.broadcast %lt3A_816 : i32 to vector<16xi32>
    %lt3A_818 = arith.cmpi slt, %rem3A_812, %lt3A_817 : vector<16xi32>
    %lt3A_819 = arith.constant 0 : i32
    %lt3A_820 = arith.cmpi slt, %select_n3A_810, %lt3A_819 : i32
    %ne3A_821 = vector.broadcast %lt3A_820 : i1 to vector<16xi1>
    %ne3A_822 = vector.broadcast %ne3A_821 : vector<16xi1> to vector<16xi1>
    %ne3A_823 = arith.xori %lt3A_818, %ne3A_822 : vector<16xi1>
    %and3A_824 = arith.andi %ne3A_823, %ne3A_815 : vector<16xi1>
    %add3A_825 = vector.broadcast %select_n3A_810 : i32 to vector<16xi32>
    %add3A_826 = arith.addi %rem3A_812, %add3A_825 : vector<16xi32>
    %select_n3A_827 = arith.select %and3A_824, %add3A_826, %rem3A_812 : vector<16xi1>, vector<16xi32>
    %add3A_828 = arith.constant 16 : i32
    %add3A_829 = vector.broadcast %add3A_828 : i32 to vector<16xi32>
    %add3A_830 = arith.addi %add3A_829, %select_n3A_827 : vector<16xi32>
    %add3A_831 = arith.constant 13 : i32
    %add3A_832 = vector.broadcast %add3A_831 : i32 to vector<16xi32>
    %add3A_833 = arith.addi %iota3A, %add3A_832 : vector<16xi32>
    %jit3A_834 = arith.constant 16 : i32
    %eq3A_835 = arith.constant 0 : i32
    %eq3A_836 = arith.cmpi eq, %jit3A_834, %eq3A_835 : i32
    %jit3A_837 = arith.constant 1 : i32
    %select_n3A_838 = arith.select %eq3A_836, %jit3A_837, %jit3A_834 : i32
    %rem3A_839 = vector.broadcast %select_n3A_838 : i32 to vector<16xi32>
    %rem3A_840 = arith.remsi %add3A_833, %rem3A_839 : vector<16xi32>
    %ne3A_841 = arith.constant 0 : i32
    %ne3A_842 = vector.broadcast %ne3A_841 : i32 to vector<16xi32>
    %ne3A_843 = arith.cmpi ne, %rem3A_840, %ne3A_842 : vector<16xi32>
    %lt3A_844 = arith.constant 0 : i32
    %lt3A_845 = vector.broadcast %lt3A_844 : i32 to vector<16xi32>
    %lt3A_846 = arith.cmpi slt, %rem3A_840, %lt3A_845 : vector<16xi32>
    %lt3A_847 = arith.constant 0 : i32
    %lt3A_848 = arith.cmpi slt, %select_n3A_838, %lt3A_847 : i32
    %ne3A_849 = vector.broadcast %lt3A_848 : i1 to vector<16xi1>
    %ne3A_850 = vector.broadcast %ne3A_849 : vector<16xi1> to vector<16xi1>
    %ne3A_851 = arith.xori %lt3A_846, %ne3A_850 : vector<16xi1>
    %and3A_852 = arith.andi %ne3A_851, %ne3A_843 : vector<16xi1>
    %add3A_853 = vector.broadcast %select_n3A_838 : i32 to vector<16xi32>
    %add3A_854 = arith.addi %rem3A_840, %add3A_853 : vector<16xi32>
    %select_n3A_855 = arith.select %and3A_852, %add3A_854, %rem3A_840 : vector<16xi1>, vector<16xi32>
    %add3A_856 = arith.constant 16 : i32
    %add3A_857 = vector.broadcast %add3A_856 : i32 to vector<16xi32>
    %add3A_858 = arith.addi %add3A_857, %select_n3A_855 : vector<16xi32>
    %add3A_859 = arith.constant 14 : i32
    %add3A_860 = vector.broadcast %add3A_859 : i32 to vector<16xi32>
    %add3A_861 = arith.addi %iota3A, %add3A_860 : vector<16xi32>
    %jit3A_862 = arith.constant 16 : i32
    %eq3A_863 = arith.constant 0 : i32
    %eq3A_864 = arith.cmpi eq, %jit3A_862, %eq3A_863 : i32
    %jit3A_865 = arith.constant 1 : i32
    %select_n3A_866 = arith.select %eq3A_864, %jit3A_865, %jit3A_862 : i32
    %rem3A_867 = vector.broadcast %select_n3A_866 : i32 to vector<16xi32>
    %rem3A_868 = arith.remsi %add3A_861, %rem3A_867 : vector<16xi32>
    %ne3A_869 = arith.constant 0 : i32
    %ne3A_870 = vector.broadcast %ne3A_869 : i32 to vector<16xi32>
    %ne3A_871 = arith.cmpi ne, %rem3A_868, %ne3A_870 : vector<16xi32>
    %lt3A_872 = arith.constant 0 : i32
    %lt3A_873 = vector.broadcast %lt3A_872 : i32 to vector<16xi32>
    %lt3A_874 = arith.cmpi slt, %rem3A_868, %lt3A_873 : vector<16xi32>
    %lt3A_875 = arith.constant 0 : i32
    %lt3A_876 = arith.cmpi slt, %select_n3A_866, %lt3A_875 : i32
    %ne3A_877 = vector.broadcast %lt3A_876 : i1 to vector<16xi1>
    %ne3A_878 = vector.broadcast %ne3A_877 : vector<16xi1> to vector<16xi1>
    %ne3A_879 = arith.xori %lt3A_874, %ne3A_878 : vector<16xi1>
    %and3A_880 = arith.andi %ne3A_879, %ne3A_871 : vector<16xi1>
    %add3A_881 = vector.broadcast %select_n3A_866 : i32 to vector<16xi32>
    %add3A_882 = arith.addi %rem3A_868, %add3A_881 : vector<16xi32>
    %select_n3A_883 = arith.select %and3A_880, %add3A_882, %rem3A_868 : vector<16xi1>, vector<16xi32>
    %add3A_884 = arith.constant 16 : i32
    %add3A_885 = vector.broadcast %add3A_884 : i32 to vector<16xi32>
    %add3A_886 = arith.addi %add3A_885, %select_n3A_883 : vector<16xi32>
    %add3A_887 = arith.constant 15 : i32
    %add3A_888 = vector.broadcast %add3A_887 : i32 to vector<16xi32>
    %add3A_889 = arith.addi %iota3A, %add3A_888 : vector<16xi32>
    %jit3A_890 = arith.constant 16 : i32
    %eq3A_891 = arith.constant 0 : i32
    %eq3A_892 = arith.cmpi eq, %jit3A_890, %eq3A_891 : i32
    %jit3A_893 = arith.constant 1 : i32
    %select_n3A_894 = arith.select %eq3A_892, %jit3A_893, %jit3A_890 : i32
    %rem3A_895 = vector.broadcast %select_n3A_894 : i32 to vector<16xi32>
    %rem3A_896 = arith.remsi %add3A_889, %rem3A_895 : vector<16xi32>
    %ne3A_897 = arith.constant 0 : i32
    %ne3A_898 = vector.broadcast %ne3A_897 : i32 to vector<16xi32>
    %ne3A_899 = arith.cmpi ne, %rem3A_896, %ne3A_898 : vector<16xi32>
    %lt3A_900 = arith.constant 0 : i32
    %lt3A_901 = vector.broadcast %lt3A_900 : i32 to vector<16xi32>
    %lt3A_902 = arith.cmpi slt, %rem3A_896, %lt3A_901 : vector<16xi32>
    %lt3A_903 = arith.constant 0 : i32
    %lt3A_904 = arith.cmpi slt, %select_n3A_894, %lt3A_903 : i32
    %ne3A_905 = vector.broadcast %lt3A_904 : i1 to vector<16xi1>
    %ne3A_906 = vector.broadcast %ne3A_905 : vector<16xi1> to vector<16xi1>
    %ne3A_907 = arith.xori %lt3A_902, %ne3A_906 : vector<16xi1>
    %and3A_908 = arith.andi %ne3A_907, %ne3A_899 : vector<16xi1>
    %add3A_909 = vector.broadcast %select_n3A_894 : i32 to vector<16xi32>
    %add3A_910 = arith.addi %rem3A_896, %add3A_909 : vector<16xi32>
    %select_n3A_911 = arith.select %and3A_908, %add3A_910, %rem3A_896 : vector<16xi1>, vector<16xi32>
    %add3A_912 = arith.constant 16 : i32
    %add3A_913 = vector.broadcast %add3A_912 : i32 to vector<16xi32>
    %add3A_914 = arith.addi %add3A_913, %select_n3A_911 : vector<16xi32>
    %mul3A_915 = arith.constant 32 : i32
    %mul3A_916 = vector.broadcast %mul3A_915 : i32 to vector<16xi32>
    %mul3A_917 = arith.muli %mul3A_916, %iota3A : vector<16xi32>
    %add3A_918 = arith.addi %mul3A_917, %add3A_46 : vector<16xi32>
    %jit3A_919 = arith.constant 128 : i32
    %div3A_920 = vector.broadcast %jit3A_919 : i32 to vector<16xi32>
    %div3A_921 = arith.divsi %add3A_918, %div3A_920 : vector<16xi32>
    %sign3A_922 = arith.constant 0 : i32
    %sign3A_923 = vector.broadcast %sign3A_922 : i32 to vector<16xi32>
    %sign3A_924 = arith.cmpi sgt, %add3A_918, %sign3A_923 : vector<16xi32>
    %sign3A_925 = arith.extui %sign3A_924 : vector<16xi1> to vector<16xi32>
    %sign3A_926 = arith.constant 0 : i32
    %sign3A_927 = vector.broadcast %sign3A_926 : i32 to vector<16xi32>
    %sign3A_928 = arith.cmpi slt, %add3A_918, %sign3A_927 : vector<16xi32>
    %sign3A_929 = arith.extui %sign3A_928 : vector<16xi1> to vector<16xi32>
    %sign3A_930 = arith.subi %sign3A_925, %sign3A_929 : vector<16xi32>
    %sign3A_931 = arith.constant 0 : i32
    %sign3A_932 = arith.cmpi sgt, %jit3A_919, %sign3A_931 : i32
    %sign3A_933 = arith.extui %sign3A_932 : i1 to i32
    %sign3A_934 = arith.constant 0 : i32
    %sign3A_935 = arith.cmpi slt, %jit3A_919, %sign3A_934 : i32
    %sign3A_936 = arith.extui %sign3A_935 : i1 to i32
    %sign3A_937 = arith.subi %sign3A_933, %sign3A_936 : i32
    %ne3A_938 = vector.broadcast %sign3A_937 : i32 to vector<16xi32>
    %ne3A_939 = arith.cmpi ne, %sign3A_930, %ne3A_938 : vector<16xi32>
    %rem3A_940 = vector.broadcast %jit3A_919 : i32 to vector<16xi32>
    %rem3A_941 = arith.remsi %add3A_918, %rem3A_940 : vector<16xi32>
    %ne3A_942 = arith.constant 0 : i32
    %ne3A_943 = vector.broadcast %ne3A_942 : i32 to vector<16xi32>
    %ne3A_944 = arith.cmpi ne, %rem3A_941, %ne3A_943 : vector<16xi32>
    %and3A_945 = arith.andi %ne3A_939, %ne3A_944 : vector<16xi1>
    %sub3A_946 = arith.constant 1 : i32
    %sub3A_947 = vector.broadcast %sub3A_946 : i32 to vector<16xi32>
    %sub3A_948 = arith.subi %div3A_921, %sub3A_947 : vector<16xi32>
    %select_n3A_949 = arith.select %and3A_945, %sub3A_948, %div3A_921 : vector<16xi1>, vector<16xi32>
    %mul3A_950 = arith.constant 32 : i32
    %mul3A_951 = vector.broadcast %mul3A_950 : i32 to vector<16xi32>
    %mul3A_952 = arith.muli %mul3A_951, %iota3A : vector<16xi32>
    %add3A_953 = arith.addi %mul3A_952, %add3A_74 : vector<16xi32>
    %jit3A_954 = arith.constant 128 : i32
    %div3A_955 = vector.broadcast %jit3A_954 : i32 to vector<16xi32>
    %div3A_956 = arith.divsi %add3A_953, %div3A_955 : vector<16xi32>
    %sign3A_957 = arith.constant 0 : i32
    %sign3A_958 = vector.broadcast %sign3A_957 : i32 to vector<16xi32>
    %sign3A_959 = arith.cmpi sgt, %add3A_953, %sign3A_958 : vector<16xi32>
    %sign3A_960 = arith.extui %sign3A_959 : vector<16xi1> to vector<16xi32>
    %sign3A_961 = arith.constant 0 : i32
    %sign3A_962 = vector.broadcast %sign3A_961 : i32 to vector<16xi32>
    %sign3A_963 = arith.cmpi slt, %add3A_953, %sign3A_962 : vector<16xi32>
    %sign3A_964 = arith.extui %sign3A_963 : vector<16xi1> to vector<16xi32>
    %sign3A_965 = arith.subi %sign3A_960, %sign3A_964 : vector<16xi32>
    %sign3A_966 = arith.constant 0 : i32
    %sign3A_967 = arith.cmpi sgt, %jit3A_954, %sign3A_966 : i32
    %sign3A_968 = arith.extui %sign3A_967 : i1 to i32
    %sign3A_969 = arith.constant 0 : i32
    %sign3A_970 = arith.cmpi slt, %jit3A_954, %sign3A_969 : i32
    %sign3A_971 = arith.extui %sign3A_970 : i1 to i32
    %sign3A_972 = arith.subi %sign3A_968, %sign3A_971 : i32
    %ne3A_973 = vector.broadcast %sign3A_972 : i32 to vector<16xi32>
    %ne3A_974 = arith.cmpi ne, %sign3A_965, %ne3A_973 : vector<16xi32>
    %rem3A_975 = vector.broadcast %jit3A_954 : i32 to vector<16xi32>
    %rem3A_976 = arith.remsi %add3A_953, %rem3A_975 : vector<16xi32>
    %ne3A_977 = arith.constant 0 : i32
    %ne3A_978 = vector.broadcast %ne3A_977 : i32 to vector<16xi32>
    %ne3A_979 = arith.cmpi ne, %rem3A_976, %ne3A_978 : vector<16xi32>
    %and3A_980 = arith.andi %ne3A_974, %ne3A_979 : vector<16xi1>
    %sub3A_981 = arith.constant 1 : i32
    %sub3A_982 = vector.broadcast %sub3A_981 : i32 to vector<16xi32>
    %sub3A_983 = arith.subi %div3A_956, %sub3A_982 : vector<16xi32>
    %select_n3A_984 = arith.select %and3A_980, %sub3A_983, %div3A_956 : vector<16xi1>, vector<16xi32>
    %mul3A_985 = arith.constant 32 : i32
    %mul3A_986 = vector.broadcast %mul3A_985 : i32 to vector<16xi32>
    %mul3A_987 = arith.muli %mul3A_986, %iota3A : vector<16xi32>
    %add3A_988 = arith.addi %mul3A_987, %add3A_102 : vector<16xi32>
    %jit3A_989 = arith.constant 128 : i32
    %div3A_990 = vector.broadcast %jit3A_989 : i32 to vector<16xi32>
    %div3A_991 = arith.divsi %add3A_988, %div3A_990 : vector<16xi32>
    %sign3A_992 = arith.constant 0 : i32
    %sign3A_993 = vector.broadcast %sign3A_992 : i32 to vector<16xi32>
    %sign3A_994 = arith.cmpi sgt, %add3A_988, %sign3A_993 : vector<16xi32>
    %sign3A_995 = arith.extui %sign3A_994 : vector<16xi1> to vector<16xi32>
    %sign3A_996 = arith.constant 0 : i32
    %sign3A_997 = vector.broadcast %sign3A_996 : i32 to vector<16xi32>
    %sign3A_998 = arith.cmpi slt, %add3A_988, %sign3A_997 : vector<16xi32>
    %sign3A_999 = arith.extui %sign3A_998 : vector<16xi1> to vector<16xi32>
    %sign3A_1000 = arith.subi %sign3A_995, %sign3A_999 : vector<16xi32>
    %sign3A_1001 = arith.constant 0 : i32
    %sign3A_1002 = arith.cmpi sgt, %jit3A_989, %sign3A_1001 : i32
    %sign3A_1003 = arith.extui %sign3A_1002 : i1 to i32
    %sign3A_1004 = arith.constant 0 : i32
    %sign3A_1005 = arith.cmpi slt, %jit3A_989, %sign3A_1004 : i32
    %sign3A_1006 = arith.extui %sign3A_1005 : i1 to i32
    %sign3A_1007 = arith.subi %sign3A_1003, %sign3A_1006 : i32
    %ne3A_1008 = vector.broadcast %sign3A_1007 : i32 to vector<16xi32>
    %ne3A_1009 = arith.cmpi ne, %sign3A_1000, %ne3A_1008 : vector<16xi32>
    %rem3A_1010 = vector.broadcast %jit3A_989 : i32 to vector<16xi32>
    %rem3A_1011 = arith.remsi %add3A_988, %rem3A_1010 : vector<16xi32>
    %ne3A_1012 = arith.constant 0 : i32
    %ne3A_1013 = vector.broadcast %ne3A_1012 : i32 to vector<16xi32>
    %ne3A_1014 = arith.cmpi ne, %rem3A_1011, %ne3A_1013 : vector<16xi32>
    %and3A_1015 = arith.andi %ne3A_1009, %ne3A_1014 : vector<16xi1>
    %sub3A_1016 = arith.constant 1 : i32
    %sub3A_1017 = vector.broadcast %sub3A_1016 : i32 to vector<16xi32>
    %sub3A_1018 = arith.subi %div3A_991, %sub3A_1017 : vector<16xi32>
    %select_n3A_1019 = arith.select %and3A_1015, %sub3A_1018, %div3A_991 : vector<16xi1>, vector<16xi32>
    %mul3A_1020 = arith.constant 32 : i32
    %mul3A_1021 = vector.broadcast %mul3A_1020 : i32 to vector<16xi32>
    %mul3A_1022 = arith.muli %mul3A_1021, %iota3A : vector<16xi32>
    %add3A_1023 = arith.addi %mul3A_1022, %add3A_130 : vector<16xi32>
    %jit3A_1024 = arith.constant 128 : i32
    %div3A_1025 = vector.broadcast %jit3A_1024 : i32 to vector<16xi32>
    %div3A_1026 = arith.divsi %add3A_1023, %div3A_1025 : vector<16xi32>
    %sign3A_1027 = arith.constant 0 : i32
    %sign3A_1028 = vector.broadcast %sign3A_1027 : i32 to vector<16xi32>
    %sign3A_1029 = arith.cmpi sgt, %add3A_1023, %sign3A_1028 : vector<16xi32>
    %sign3A_1030 = arith.extui %sign3A_1029 : vector<16xi1> to vector<16xi32>
    %sign3A_1031 = arith.constant 0 : i32
    %sign3A_1032 = vector.broadcast %sign3A_1031 : i32 to vector<16xi32>
    %sign3A_1033 = arith.cmpi slt, %add3A_1023, %sign3A_1032 : vector<16xi32>
    %sign3A_1034 = arith.extui %sign3A_1033 : vector<16xi1> to vector<16xi32>
    %sign3A_1035 = arith.subi %sign3A_1030, %sign3A_1034 : vector<16xi32>
    %sign3A_1036 = arith.constant 0 : i32
    %sign3A_1037 = arith.cmpi sgt, %jit3A_1024, %sign3A_1036 : i32
    %sign3A_1038 = arith.extui %sign3A_1037 : i1 to i32
    %sign3A_1039 = arith.constant 0 : i32
    %sign3A_1040 = arith.cmpi slt, %jit3A_1024, %sign3A_1039 : i32
    %sign3A_1041 = arith.extui %sign3A_1040 : i1 to i32
    %sign3A_1042 = arith.subi %sign3A_1038, %sign3A_1041 : i32
    %ne3A_1043 = vector.broadcast %sign3A_1042 : i32 to vector<16xi32>
    %ne3A_1044 = arith.cmpi ne, %sign3A_1035, %ne3A_1043 : vector<16xi32>
    %rem3A_1045 = vector.broadcast %jit3A_1024 : i32 to vector<16xi32>
    %rem3A_1046 = arith.remsi %add3A_1023, %rem3A_1045 : vector<16xi32>
    %ne3A_1047 = arith.constant 0 : i32
    %ne3A_1048 = vector.broadcast %ne3A_1047 : i32 to vector<16xi32>
    %ne3A_1049 = arith.cmpi ne, %rem3A_1046, %ne3A_1048 : vector<16xi32>
    %and3A_1050 = arith.andi %ne3A_1044, %ne3A_1049 : vector<16xi1>
    %sub3A_1051 = arith.constant 1 : i32
    %sub3A_1052 = vector.broadcast %sub3A_1051 : i32 to vector<16xi32>
    %sub3A_1053 = arith.subi %div3A_1026, %sub3A_1052 : vector<16xi32>
    %select_n3A_1054 = arith.select %and3A_1050, %sub3A_1053, %div3A_1026 : vector<16xi1>, vector<16xi32>
    %mul3A_1055 = arith.constant 32 : i32
    %mul3A_1056 = vector.broadcast %mul3A_1055 : i32 to vector<16xi32>
    %mul3A_1057 = arith.muli %mul3A_1056, %iota3A : vector<16xi32>
    %add3A_1058 = arith.addi %mul3A_1057, %add3A_158 : vector<16xi32>
    %jit3A_1059 = arith.constant 128 : i32
    %div3A_1060 = vector.broadcast %jit3A_1059 : i32 to vector<16xi32>
    %div3A_1061 = arith.divsi %add3A_1058, %div3A_1060 : vector<16xi32>
    %sign3A_1062 = arith.constant 0 : i32
    %sign3A_1063 = vector.broadcast %sign3A_1062 : i32 to vector<16xi32>
    %sign3A_1064 = arith.cmpi sgt, %add3A_1058, %sign3A_1063 : vector<16xi32>
    %sign3A_1065 = arith.extui %sign3A_1064 : vector<16xi1> to vector<16xi32>
    %sign3A_1066 = arith.constant 0 : i32
    %sign3A_1067 = vector.broadcast %sign3A_1066 : i32 to vector<16xi32>
    %sign3A_1068 = arith.cmpi slt, %add3A_1058, %sign3A_1067 : vector<16xi32>
    %sign3A_1069 = arith.extui %sign3A_1068 : vector<16xi1> to vector<16xi32>
    %sign3A_1070 = arith.subi %sign3A_1065, %sign3A_1069 : vector<16xi32>
    %sign3A_1071 = arith.constant 0 : i32
    %sign3A_1072 = arith.cmpi sgt, %jit3A_1059, %sign3A_1071 : i32
    %sign3A_1073 = arith.extui %sign3A_1072 : i1 to i32
    %sign3A_1074 = arith.constant 0 : i32
    %sign3A_1075 = arith.cmpi slt, %jit3A_1059, %sign3A_1074 : i32
    %sign3A_1076 = arith.extui %sign3A_1075 : i1 to i32
    %sign3A_1077 = arith.subi %sign3A_1073, %sign3A_1076 : i32
    %ne3A_1078 = vector.broadcast %sign3A_1077 : i32 to vector<16xi32>
    %ne3A_1079 = arith.cmpi ne, %sign3A_1070, %ne3A_1078 : vector<16xi32>
    %rem3A_1080 = vector.broadcast %jit3A_1059 : i32 to vector<16xi32>
    %rem3A_1081 = arith.remsi %add3A_1058, %rem3A_1080 : vector<16xi32>
    %ne3A_1082 = arith.constant 0 : i32
    %ne3A_1083 = vector.broadcast %ne3A_1082 : i32 to vector<16xi32>
    %ne3A_1084 = arith.cmpi ne, %rem3A_1081, %ne3A_1083 : vector<16xi32>
    %and3A_1085 = arith.andi %ne3A_1079, %ne3A_1084 : vector<16xi1>
    %sub3A_1086 = arith.constant 1 : i32
    %sub3A_1087 = vector.broadcast %sub3A_1086 : i32 to vector<16xi32>
    %sub3A_1088 = arith.subi %div3A_1061, %sub3A_1087 : vector<16xi32>
    %select_n3A_1089 = arith.select %and3A_1085, %sub3A_1088, %div3A_1061 : vector<16xi1>, vector<16xi32>
    %mul3A_1090 = arith.constant 32 : i32
    %mul3A_1091 = vector.broadcast %mul3A_1090 : i32 to vector<16xi32>
    %mul3A_1092 = arith.muli %mul3A_1091, %iota3A : vector<16xi32>
    %add3A_1093 = arith.addi %mul3A_1092, %add3A_186 : vector<16xi32>
    %jit3A_1094 = arith.constant 128 : i32
    %div3A_1095 = vector.broadcast %jit3A_1094 : i32 to vector<16xi32>
    %div3A_1096 = arith.divsi %add3A_1093, %div3A_1095 : vector<16xi32>
    %sign3A_1097 = arith.constant 0 : i32
    %sign3A_1098 = vector.broadcast %sign3A_1097 : i32 to vector<16xi32>
    %sign3A_1099 = arith.cmpi sgt, %add3A_1093, %sign3A_1098 : vector<16xi32>
    %sign3A_1100 = arith.extui %sign3A_1099 : vector<16xi1> to vector<16xi32>
    %sign3A_1101 = arith.constant 0 : i32
    %sign3A_1102 = vector.broadcast %sign3A_1101 : i32 to vector<16xi32>
    %sign3A_1103 = arith.cmpi slt, %add3A_1093, %sign3A_1102 : vector<16xi32>
    %sign3A_1104 = arith.extui %sign3A_1103 : vector<16xi1> to vector<16xi32>
    %sign3A_1105 = arith.subi %sign3A_1100, %sign3A_1104 : vector<16xi32>
    %sign3A_1106 = arith.constant 0 : i32
    %sign3A_1107 = arith.cmpi sgt, %jit3A_1094, %sign3A_1106 : i32
    %sign3A_1108 = arith.extui %sign3A_1107 : i1 to i32
    %sign3A_1109 = arith.constant 0 : i32
    %sign3A_1110 = arith.cmpi slt, %jit3A_1094, %sign3A_1109 : i32
    %sign3A_1111 = arith.extui %sign3A_1110 : i1 to i32
    %sign3A_1112 = arith.subi %sign3A_1108, %sign3A_1111 : i32
    %ne3A_1113 = vector.broadcast %sign3A_1112 : i32 to vector<16xi32>
    %ne3A_1114 = arith.cmpi ne, %sign3A_1105, %ne3A_1113 : vector<16xi32>
    %rem3A_1115 = vector.broadcast %jit3A_1094 : i32 to vector<16xi32>
    %rem3A_1116 = arith.remsi %add3A_1093, %rem3A_1115 : vector<16xi32>
    %ne3A_1117 = arith.constant 0 : i32
    %ne3A_1118 = vector.broadcast %ne3A_1117 : i32 to vector<16xi32>
    %ne3A_1119 = arith.cmpi ne, %rem3A_1116, %ne3A_1118 : vector<16xi32>
    %and3A_1120 = arith.andi %ne3A_1114, %ne3A_1119 : vector<16xi1>
    %sub3A_1121 = arith.constant 1 : i32
    %sub3A_1122 = vector.broadcast %sub3A_1121 : i32 to vector<16xi32>
    %sub3A_1123 = arith.subi %div3A_1096, %sub3A_1122 : vector<16xi32>
    %select_n3A_1124 = arith.select %and3A_1120, %sub3A_1123, %div3A_1096 : vector<16xi1>, vector<16xi32>
    %mul3A_1125 = arith.constant 32 : i32
    %mul3A_1126 = vector.broadcast %mul3A_1125 : i32 to vector<16xi32>
    %mul3A_1127 = arith.muli %mul3A_1126, %iota3A : vector<16xi32>
    %add3A_1128 = arith.addi %mul3A_1127, %add3A_214 : vector<16xi32>
    %jit3A_1129 = arith.constant 128 : i32
    %div3A_1130 = vector.broadcast %jit3A_1129 : i32 to vector<16xi32>
    %div3A_1131 = arith.divsi %add3A_1128, %div3A_1130 : vector<16xi32>
    %sign3A_1132 = arith.constant 0 : i32
    %sign3A_1133 = vector.broadcast %sign3A_1132 : i32 to vector<16xi32>
    %sign3A_1134 = arith.cmpi sgt, %add3A_1128, %sign3A_1133 : vector<16xi32>
    %sign3A_1135 = arith.extui %sign3A_1134 : vector<16xi1> to vector<16xi32>
    %sign3A_1136 = arith.constant 0 : i32
    %sign3A_1137 = vector.broadcast %sign3A_1136 : i32 to vector<16xi32>
    %sign3A_1138 = arith.cmpi slt, %add3A_1128, %sign3A_1137 : vector<16xi32>
    %sign3A_1139 = arith.extui %sign3A_1138 : vector<16xi1> to vector<16xi32>
    %sign3A_1140 = arith.subi %sign3A_1135, %sign3A_1139 : vector<16xi32>
    %sign3A_1141 = arith.constant 0 : i32
    %sign3A_1142 = arith.cmpi sgt, %jit3A_1129, %sign3A_1141 : i32
    %sign3A_1143 = arith.extui %sign3A_1142 : i1 to i32
    %sign3A_1144 = arith.constant 0 : i32
    %sign3A_1145 = arith.cmpi slt, %jit3A_1129, %sign3A_1144 : i32
    %sign3A_1146 = arith.extui %sign3A_1145 : i1 to i32
    %sign3A_1147 = arith.subi %sign3A_1143, %sign3A_1146 : i32
    %ne3A_1148 = vector.broadcast %sign3A_1147 : i32 to vector<16xi32>
    %ne3A_1149 = arith.cmpi ne, %sign3A_1140, %ne3A_1148 : vector<16xi32>
    %rem3A_1150 = vector.broadcast %jit3A_1129 : i32 to vector<16xi32>
    %rem3A_1151 = arith.remsi %add3A_1128, %rem3A_1150 : vector<16xi32>
    %ne3A_1152 = arith.constant 0 : i32
    %ne3A_1153 = vector.broadcast %ne3A_1152 : i32 to vector<16xi32>
    %ne3A_1154 = arith.cmpi ne, %rem3A_1151, %ne3A_1153 : vector<16xi32>
    %and3A_1155 = arith.andi %ne3A_1149, %ne3A_1154 : vector<16xi1>
    %sub3A_1156 = arith.constant 1 : i32
    %sub3A_1157 = vector.broadcast %sub3A_1156 : i32 to vector<16xi32>
    %sub3A_1158 = arith.subi %div3A_1131, %sub3A_1157 : vector<16xi32>
    %select_n3A_1159 = arith.select %and3A_1155, %sub3A_1158, %div3A_1131 : vector<16xi1>, vector<16xi32>
    %mul3A_1160 = arith.constant 32 : i32
    %mul3A_1161 = vector.broadcast %mul3A_1160 : i32 to vector<16xi32>
    %mul3A_1162 = arith.muli %mul3A_1161, %iota3A : vector<16xi32>
    %add3A_1163 = arith.addi %mul3A_1162, %add3A_242 : vector<16xi32>
    %jit3A_1164 = arith.constant 128 : i32
    %div3A_1165 = vector.broadcast %jit3A_1164 : i32 to vector<16xi32>
    %div3A_1166 = arith.divsi %add3A_1163, %div3A_1165 : vector<16xi32>
    %sign3A_1167 = arith.constant 0 : i32
    %sign3A_1168 = vector.broadcast %sign3A_1167 : i32 to vector<16xi32>
    %sign3A_1169 = arith.cmpi sgt, %add3A_1163, %sign3A_1168 : vector<16xi32>
    %sign3A_1170 = arith.extui %sign3A_1169 : vector<16xi1> to vector<16xi32>
    %sign3A_1171 = arith.constant 0 : i32
    %sign3A_1172 = vector.broadcast %sign3A_1171 : i32 to vector<16xi32>
    %sign3A_1173 = arith.cmpi slt, %add3A_1163, %sign3A_1172 : vector<16xi32>
    %sign3A_1174 = arith.extui %sign3A_1173 : vector<16xi1> to vector<16xi32>
    %sign3A_1175 = arith.subi %sign3A_1170, %sign3A_1174 : vector<16xi32>
    %sign3A_1176 = arith.constant 0 : i32
    %sign3A_1177 = arith.cmpi sgt, %jit3A_1164, %sign3A_1176 : i32
    %sign3A_1178 = arith.extui %sign3A_1177 : i1 to i32
    %sign3A_1179 = arith.constant 0 : i32
    %sign3A_1180 = arith.cmpi slt, %jit3A_1164, %sign3A_1179 : i32
    %sign3A_1181 = arith.extui %sign3A_1180 : i1 to i32
    %sign3A_1182 = arith.subi %sign3A_1178, %sign3A_1181 : i32
    %ne3A_1183 = vector.broadcast %sign3A_1182 : i32 to vector<16xi32>
    %ne3A_1184 = arith.cmpi ne, %sign3A_1175, %ne3A_1183 : vector<16xi32>
    %rem3A_1185 = vector.broadcast %jit3A_1164 : i32 to vector<16xi32>
    %rem3A_1186 = arith.remsi %add3A_1163, %rem3A_1185 : vector<16xi32>
    %ne3A_1187 = arith.constant 0 : i32
    %ne3A_1188 = vector.broadcast %ne3A_1187 : i32 to vector<16xi32>
    %ne3A_1189 = arith.cmpi ne, %rem3A_1186, %ne3A_1188 : vector<16xi32>
    %and3A_1190 = arith.andi %ne3A_1184, %ne3A_1189 : vector<16xi1>
    %sub3A_1191 = arith.constant 1 : i32
    %sub3A_1192 = vector.broadcast %sub3A_1191 : i32 to vector<16xi32>
    %sub3A_1193 = arith.subi %div3A_1166, %sub3A_1192 : vector<16xi32>
    %select_n3A_1194 = arith.select %and3A_1190, %sub3A_1193, %div3A_1166 : vector<16xi1>, vector<16xi32>
    %mul3A_1195 = arith.constant 32 : i32
    %mul3A_1196 = vector.broadcast %mul3A_1195 : i32 to vector<16xi32>
    %mul3A_1197 = arith.muli %mul3A_1196, %iota3A : vector<16xi32>
    %add3A_1198 = arith.addi %mul3A_1197, %add3A_270 : vector<16xi32>
    %jit3A_1199 = arith.constant 128 : i32
    %div3A_1200 = vector.broadcast %jit3A_1199 : i32 to vector<16xi32>
    %div3A_1201 = arith.divsi %add3A_1198, %div3A_1200 : vector<16xi32>
    %sign3A_1202 = arith.constant 0 : i32
    %sign3A_1203 = vector.broadcast %sign3A_1202 : i32 to vector<16xi32>
    %sign3A_1204 = arith.cmpi sgt, %add3A_1198, %sign3A_1203 : vector<16xi32>
    %sign3A_1205 = arith.extui %sign3A_1204 : vector<16xi1> to vector<16xi32>
    %sign3A_1206 = arith.constant 0 : i32
    %sign3A_1207 = vector.broadcast %sign3A_1206 : i32 to vector<16xi32>
    %sign3A_1208 = arith.cmpi slt, %add3A_1198, %sign3A_1207 : vector<16xi32>
    %sign3A_1209 = arith.extui %sign3A_1208 : vector<16xi1> to vector<16xi32>
    %sign3A_1210 = arith.subi %sign3A_1205, %sign3A_1209 : vector<16xi32>
    %sign3A_1211 = arith.constant 0 : i32
    %sign3A_1212 = arith.cmpi sgt, %jit3A_1199, %sign3A_1211 : i32
    %sign3A_1213 = arith.extui %sign3A_1212 : i1 to i32
    %sign3A_1214 = arith.constant 0 : i32
    %sign3A_1215 = arith.cmpi slt, %jit3A_1199, %sign3A_1214 : i32
    %sign3A_1216 = arith.extui %sign3A_1215 : i1 to i32
    %sign3A_1217 = arith.subi %sign3A_1213, %sign3A_1216 : i32
    %ne3A_1218 = vector.broadcast %sign3A_1217 : i32 to vector<16xi32>
    %ne3A_1219 = arith.cmpi ne, %sign3A_1210, %ne3A_1218 : vector<16xi32>
    %rem3A_1220 = vector.broadcast %jit3A_1199 : i32 to vector<16xi32>
    %rem3A_1221 = arith.remsi %add3A_1198, %rem3A_1220 : vector<16xi32>
    %ne3A_1222 = arith.constant 0 : i32
    %ne3A_1223 = vector.broadcast %ne3A_1222 : i32 to vector<16xi32>
    %ne3A_1224 = arith.cmpi ne, %rem3A_1221, %ne3A_1223 : vector<16xi32>
    %and3A_1225 = arith.andi %ne3A_1219, %ne3A_1224 : vector<16xi1>
    %sub3A_1226 = arith.constant 1 : i32
    %sub3A_1227 = vector.broadcast %sub3A_1226 : i32 to vector<16xi32>
    %sub3A_1228 = arith.subi %div3A_1201, %sub3A_1227 : vector<16xi32>
    %select_n3A_1229 = arith.select %and3A_1225, %sub3A_1228, %div3A_1201 : vector<16xi1>, vector<16xi32>
    %mul3A_1230 = arith.constant 32 : i32
    %mul3A_1231 = vector.broadcast %mul3A_1230 : i32 to vector<16xi32>
    %mul3A_1232 = arith.muli %mul3A_1231, %iota3A : vector<16xi32>
    %add3A_1233 = arith.addi %mul3A_1232, %add3A_298 : vector<16xi32>
    %jit3A_1234 = arith.constant 128 : i32
    %div3A_1235 = vector.broadcast %jit3A_1234 : i32 to vector<16xi32>
    %div3A_1236 = arith.divsi %add3A_1233, %div3A_1235 : vector<16xi32>
    %sign3A_1237 = arith.constant 0 : i32
    %sign3A_1238 = vector.broadcast %sign3A_1237 : i32 to vector<16xi32>
    %sign3A_1239 = arith.cmpi sgt, %add3A_1233, %sign3A_1238 : vector<16xi32>
    %sign3A_1240 = arith.extui %sign3A_1239 : vector<16xi1> to vector<16xi32>
    %sign3A_1241 = arith.constant 0 : i32
    %sign3A_1242 = vector.broadcast %sign3A_1241 : i32 to vector<16xi32>
    %sign3A_1243 = arith.cmpi slt, %add3A_1233, %sign3A_1242 : vector<16xi32>
    %sign3A_1244 = arith.extui %sign3A_1243 : vector<16xi1> to vector<16xi32>
    %sign3A_1245 = arith.subi %sign3A_1240, %sign3A_1244 : vector<16xi32>
    %sign3A_1246 = arith.constant 0 : i32
    %sign3A_1247 = arith.cmpi sgt, %jit3A_1234, %sign3A_1246 : i32
    %sign3A_1248 = arith.extui %sign3A_1247 : i1 to i32
    %sign3A_1249 = arith.constant 0 : i32
    %sign3A_1250 = arith.cmpi slt, %jit3A_1234, %sign3A_1249 : i32
    %sign3A_1251 = arith.extui %sign3A_1250 : i1 to i32
    %sign3A_1252 = arith.subi %sign3A_1248, %sign3A_1251 : i32
    %ne3A_1253 = vector.broadcast %sign3A_1252 : i32 to vector<16xi32>
    %ne3A_1254 = arith.cmpi ne, %sign3A_1245, %ne3A_1253 : vector<16xi32>
    %rem3A_1255 = vector.broadcast %jit3A_1234 : i32 to vector<16xi32>
    %rem3A_1256 = arith.remsi %add3A_1233, %rem3A_1255 : vector<16xi32>
    %ne3A_1257 = arith.constant 0 : i32
    %ne3A_1258 = vector.broadcast %ne3A_1257 : i32 to vector<16xi32>
    %ne3A_1259 = arith.cmpi ne, %rem3A_1256, %ne3A_1258 : vector<16xi32>
    %and3A_1260 = arith.andi %ne3A_1254, %ne3A_1259 : vector<16xi1>
    %sub3A_1261 = arith.constant 1 : i32
    %sub3A_1262 = vector.broadcast %sub3A_1261 : i32 to vector<16xi32>
    %sub3A_1263 = arith.subi %div3A_1236, %sub3A_1262 : vector<16xi32>
    %select_n3A_1264 = arith.select %and3A_1260, %sub3A_1263, %div3A_1236 : vector<16xi1>, vector<16xi32>
    %mul3A_1265 = arith.constant 32 : i32
    %mul3A_1266 = vector.broadcast %mul3A_1265 : i32 to vector<16xi32>
    %mul3A_1267 = arith.muli %mul3A_1266, %iota3A : vector<16xi32>
    %add3A_1268 = arith.addi %mul3A_1267, %add3A_326 : vector<16xi32>
    %jit3A_1269 = arith.constant 128 : i32
    %div3A_1270 = vector.broadcast %jit3A_1269 : i32 to vector<16xi32>
    %div3A_1271 = arith.divsi %add3A_1268, %div3A_1270 : vector<16xi32>
    %sign3A_1272 = arith.constant 0 : i32
    %sign3A_1273 = vector.broadcast %sign3A_1272 : i32 to vector<16xi32>
    %sign3A_1274 = arith.cmpi sgt, %add3A_1268, %sign3A_1273 : vector<16xi32>
    %sign3A_1275 = arith.extui %sign3A_1274 : vector<16xi1> to vector<16xi32>
    %sign3A_1276 = arith.constant 0 : i32
    %sign3A_1277 = vector.broadcast %sign3A_1276 : i32 to vector<16xi32>
    %sign3A_1278 = arith.cmpi slt, %add3A_1268, %sign3A_1277 : vector<16xi32>
    %sign3A_1279 = arith.extui %sign3A_1278 : vector<16xi1> to vector<16xi32>
    %sign3A_1280 = arith.subi %sign3A_1275, %sign3A_1279 : vector<16xi32>
    %sign3A_1281 = arith.constant 0 : i32
    %sign3A_1282 = arith.cmpi sgt, %jit3A_1269, %sign3A_1281 : i32
    %sign3A_1283 = arith.extui %sign3A_1282 : i1 to i32
    %sign3A_1284 = arith.constant 0 : i32
    %sign3A_1285 = arith.cmpi slt, %jit3A_1269, %sign3A_1284 : i32
    %sign3A_1286 = arith.extui %sign3A_1285 : i1 to i32
    %sign3A_1287 = arith.subi %sign3A_1283, %sign3A_1286 : i32
    %ne3A_1288 = vector.broadcast %sign3A_1287 : i32 to vector<16xi32>
    %ne3A_1289 = arith.cmpi ne, %sign3A_1280, %ne3A_1288 : vector<16xi32>
    %rem3A_1290 = vector.broadcast %jit3A_1269 : i32 to vector<16xi32>
    %rem3A_1291 = arith.remsi %add3A_1268, %rem3A_1290 : vector<16xi32>
    %ne3A_1292 = arith.constant 0 : i32
    %ne3A_1293 = vector.broadcast %ne3A_1292 : i32 to vector<16xi32>
    %ne3A_1294 = arith.cmpi ne, %rem3A_1291, %ne3A_1293 : vector<16xi32>
    %and3A_1295 = arith.andi %ne3A_1289, %ne3A_1294 : vector<16xi1>
    %sub3A_1296 = arith.constant 1 : i32
    %sub3A_1297 = vector.broadcast %sub3A_1296 : i32 to vector<16xi32>
    %sub3A_1298 = arith.subi %div3A_1271, %sub3A_1297 : vector<16xi32>
    %select_n3A_1299 = arith.select %and3A_1295, %sub3A_1298, %div3A_1271 : vector<16xi1>, vector<16xi32>
    %mul3A_1300 = arith.constant 32 : i32
    %mul3A_1301 = vector.broadcast %mul3A_1300 : i32 to vector<16xi32>
    %mul3A_1302 = arith.muli %mul3A_1301, %iota3A : vector<16xi32>
    %add3A_1303 = arith.addi %mul3A_1302, %add3A_354 : vector<16xi32>
    %jit3A_1304 = arith.constant 128 : i32
    %div3A_1305 = vector.broadcast %jit3A_1304 : i32 to vector<16xi32>
    %div3A_1306 = arith.divsi %add3A_1303, %div3A_1305 : vector<16xi32>
    %sign3A_1307 = arith.constant 0 : i32
    %sign3A_1308 = vector.broadcast %sign3A_1307 : i32 to vector<16xi32>
    %sign3A_1309 = arith.cmpi sgt, %add3A_1303, %sign3A_1308 : vector<16xi32>
    %sign3A_1310 = arith.extui %sign3A_1309 : vector<16xi1> to vector<16xi32>
    %sign3A_1311 = arith.constant 0 : i32
    %sign3A_1312 = vector.broadcast %sign3A_1311 : i32 to vector<16xi32>
    %sign3A_1313 = arith.cmpi slt, %add3A_1303, %sign3A_1312 : vector<16xi32>
    %sign3A_1314 = arith.extui %sign3A_1313 : vector<16xi1> to vector<16xi32>
    %sign3A_1315 = arith.subi %sign3A_1310, %sign3A_1314 : vector<16xi32>
    %sign3A_1316 = arith.constant 0 : i32
    %sign3A_1317 = arith.cmpi sgt, %jit3A_1304, %sign3A_1316 : i32
    %sign3A_1318 = arith.extui %sign3A_1317 : i1 to i32
    %sign3A_1319 = arith.constant 0 : i32
    %sign3A_1320 = arith.cmpi slt, %jit3A_1304, %sign3A_1319 : i32
    %sign3A_1321 = arith.extui %sign3A_1320 : i1 to i32
    %sign3A_1322 = arith.subi %sign3A_1318, %sign3A_1321 : i32
    %ne3A_1323 = vector.broadcast %sign3A_1322 : i32 to vector<16xi32>
    %ne3A_1324 = arith.cmpi ne, %sign3A_1315, %ne3A_1323 : vector<16xi32>
    %rem3A_1325 = vector.broadcast %jit3A_1304 : i32 to vector<16xi32>
    %rem3A_1326 = arith.remsi %add3A_1303, %rem3A_1325 : vector<16xi32>
    %ne3A_1327 = arith.constant 0 : i32
    %ne3A_1328 = vector.broadcast %ne3A_1327 : i32 to vector<16xi32>
    %ne3A_1329 = arith.cmpi ne, %rem3A_1326, %ne3A_1328 : vector<16xi32>
    %and3A_1330 = arith.andi %ne3A_1324, %ne3A_1329 : vector<16xi1>
    %sub3A_1331 = arith.constant 1 : i32
    %sub3A_1332 = vector.broadcast %sub3A_1331 : i32 to vector<16xi32>
    %sub3A_1333 = arith.subi %div3A_1306, %sub3A_1332 : vector<16xi32>
    %select_n3A_1334 = arith.select %and3A_1330, %sub3A_1333, %div3A_1306 : vector<16xi1>, vector<16xi32>
    %mul3A_1335 = arith.constant 32 : i32
    %mul3A_1336 = vector.broadcast %mul3A_1335 : i32 to vector<16xi32>
    %mul3A_1337 = arith.muli %mul3A_1336, %iota3A : vector<16xi32>
    %add3A_1338 = arith.addi %mul3A_1337, %add3A_382 : vector<16xi32>
    %jit3A_1339 = arith.constant 128 : i32
    %div3A_1340 = vector.broadcast %jit3A_1339 : i32 to vector<16xi32>
    %div3A_1341 = arith.divsi %add3A_1338, %div3A_1340 : vector<16xi32>
    %sign3A_1342 = arith.constant 0 : i32
    %sign3A_1343 = vector.broadcast %sign3A_1342 : i32 to vector<16xi32>
    %sign3A_1344 = arith.cmpi sgt, %add3A_1338, %sign3A_1343 : vector<16xi32>
    %sign3A_1345 = arith.extui %sign3A_1344 : vector<16xi1> to vector<16xi32>
    %sign3A_1346 = arith.constant 0 : i32
    %sign3A_1347 = vector.broadcast %sign3A_1346 : i32 to vector<16xi32>
    %sign3A_1348 = arith.cmpi slt, %add3A_1338, %sign3A_1347 : vector<16xi32>
    %sign3A_1349 = arith.extui %sign3A_1348 : vector<16xi1> to vector<16xi32>
    %sign3A_1350 = arith.subi %sign3A_1345, %sign3A_1349 : vector<16xi32>
    %sign3A_1351 = arith.constant 0 : i32
    %sign3A_1352 = arith.cmpi sgt, %jit3A_1339, %sign3A_1351 : i32
    %sign3A_1353 = arith.extui %sign3A_1352 : i1 to i32
    %sign3A_1354 = arith.constant 0 : i32
    %sign3A_1355 = arith.cmpi slt, %jit3A_1339, %sign3A_1354 : i32
    %sign3A_1356 = arith.extui %sign3A_1355 : i1 to i32
    %sign3A_1357 = arith.subi %sign3A_1353, %sign3A_1356 : i32
    %ne3A_1358 = vector.broadcast %sign3A_1357 : i32 to vector<16xi32>
    %ne3A_1359 = arith.cmpi ne, %sign3A_1350, %ne3A_1358 : vector<16xi32>
    %rem3A_1360 = vector.broadcast %jit3A_1339 : i32 to vector<16xi32>
    %rem3A_1361 = arith.remsi %add3A_1338, %rem3A_1360 : vector<16xi32>
    %ne3A_1362 = arith.constant 0 : i32
    %ne3A_1363 = vector.broadcast %ne3A_1362 : i32 to vector<16xi32>
    %ne3A_1364 = arith.cmpi ne, %rem3A_1361, %ne3A_1363 : vector<16xi32>
    %and3A_1365 = arith.andi %ne3A_1359, %ne3A_1364 : vector<16xi1>
    %sub3A_1366 = arith.constant 1 : i32
    %sub3A_1367 = vector.broadcast %sub3A_1366 : i32 to vector<16xi32>
    %sub3A_1368 = arith.subi %div3A_1341, %sub3A_1367 : vector<16xi32>
    %select_n3A_1369 = arith.select %and3A_1365, %sub3A_1368, %div3A_1341 : vector<16xi1>, vector<16xi32>
    %mul3A_1370 = arith.constant 32 : i32
    %mul3A_1371 = vector.broadcast %mul3A_1370 : i32 to vector<16xi32>
    %mul3A_1372 = arith.muli %mul3A_1371, %iota3A : vector<16xi32>
    %add3A_1373 = arith.addi %mul3A_1372, %add3A_410 : vector<16xi32>
    %jit3A_1374 = arith.constant 128 : i32
    %div3A_1375 = vector.broadcast %jit3A_1374 : i32 to vector<16xi32>
    %div3A_1376 = arith.divsi %add3A_1373, %div3A_1375 : vector<16xi32>
    %sign3A_1377 = arith.constant 0 : i32
    %sign3A_1378 = vector.broadcast %sign3A_1377 : i32 to vector<16xi32>
    %sign3A_1379 = arith.cmpi sgt, %add3A_1373, %sign3A_1378 : vector<16xi32>
    %sign3A_1380 = arith.extui %sign3A_1379 : vector<16xi1> to vector<16xi32>
    %sign3A_1381 = arith.constant 0 : i32
    %sign3A_1382 = vector.broadcast %sign3A_1381 : i32 to vector<16xi32>
    %sign3A_1383 = arith.cmpi slt, %add3A_1373, %sign3A_1382 : vector<16xi32>
    %sign3A_1384 = arith.extui %sign3A_1383 : vector<16xi1> to vector<16xi32>
    %sign3A_1385 = arith.subi %sign3A_1380, %sign3A_1384 : vector<16xi32>
    %sign3A_1386 = arith.constant 0 : i32
    %sign3A_1387 = arith.cmpi sgt, %jit3A_1374, %sign3A_1386 : i32
    %sign3A_1388 = arith.extui %sign3A_1387 : i1 to i32
    %sign3A_1389 = arith.constant 0 : i32
    %sign3A_1390 = arith.cmpi slt, %jit3A_1374, %sign3A_1389 : i32
    %sign3A_1391 = arith.extui %sign3A_1390 : i1 to i32
    %sign3A_1392 = arith.subi %sign3A_1388, %sign3A_1391 : i32
    %ne3A_1393 = vector.broadcast %sign3A_1392 : i32 to vector<16xi32>
    %ne3A_1394 = arith.cmpi ne, %sign3A_1385, %ne3A_1393 : vector<16xi32>
    %rem3A_1395 = vector.broadcast %jit3A_1374 : i32 to vector<16xi32>
    %rem3A_1396 = arith.remsi %add3A_1373, %rem3A_1395 : vector<16xi32>
    %ne3A_1397 = arith.constant 0 : i32
    %ne3A_1398 = vector.broadcast %ne3A_1397 : i32 to vector<16xi32>
    %ne3A_1399 = arith.cmpi ne, %rem3A_1396, %ne3A_1398 : vector<16xi32>
    %and3A_1400 = arith.andi %ne3A_1394, %ne3A_1399 : vector<16xi1>
    %sub3A_1401 = arith.constant 1 : i32
    %sub3A_1402 = vector.broadcast %sub3A_1401 : i32 to vector<16xi32>
    %sub3A_1403 = arith.subi %div3A_1376, %sub3A_1402 : vector<16xi32>
    %select_n3A_1404 = arith.select %and3A_1400, %sub3A_1403, %div3A_1376 : vector<16xi1>, vector<16xi32>
    %mul3A_1405 = arith.constant 32 : i32
    %mul3A_1406 = vector.broadcast %mul3A_1405 : i32 to vector<16xi32>
    %mul3A_1407 = arith.muli %mul3A_1406, %iota3A : vector<16xi32>
    %add3A_1408 = arith.addi %mul3A_1407, %add3A_438 : vector<16xi32>
    %jit3A_1409 = arith.constant 128 : i32
    %div3A_1410 = vector.broadcast %jit3A_1409 : i32 to vector<16xi32>
    %div3A_1411 = arith.divsi %add3A_1408, %div3A_1410 : vector<16xi32>
    %sign3A_1412 = arith.constant 0 : i32
    %sign3A_1413 = vector.broadcast %sign3A_1412 : i32 to vector<16xi32>
    %sign3A_1414 = arith.cmpi sgt, %add3A_1408, %sign3A_1413 : vector<16xi32>
    %sign3A_1415 = arith.extui %sign3A_1414 : vector<16xi1> to vector<16xi32>
    %sign3A_1416 = arith.constant 0 : i32
    %sign3A_1417 = vector.broadcast %sign3A_1416 : i32 to vector<16xi32>
    %sign3A_1418 = arith.cmpi slt, %add3A_1408, %sign3A_1417 : vector<16xi32>
    %sign3A_1419 = arith.extui %sign3A_1418 : vector<16xi1> to vector<16xi32>
    %sign3A_1420 = arith.subi %sign3A_1415, %sign3A_1419 : vector<16xi32>
    %sign3A_1421 = arith.constant 0 : i32
    %sign3A_1422 = arith.cmpi sgt, %jit3A_1409, %sign3A_1421 : i32
    %sign3A_1423 = arith.extui %sign3A_1422 : i1 to i32
    %sign3A_1424 = arith.constant 0 : i32
    %sign3A_1425 = arith.cmpi slt, %jit3A_1409, %sign3A_1424 : i32
    %sign3A_1426 = arith.extui %sign3A_1425 : i1 to i32
    %sign3A_1427 = arith.subi %sign3A_1423, %sign3A_1426 : i32
    %ne3A_1428 = vector.broadcast %sign3A_1427 : i32 to vector<16xi32>
    %ne3A_1429 = arith.cmpi ne, %sign3A_1420, %ne3A_1428 : vector<16xi32>
    %rem3A_1430 = vector.broadcast %jit3A_1409 : i32 to vector<16xi32>
    %rem3A_1431 = arith.remsi %add3A_1408, %rem3A_1430 : vector<16xi32>
    %ne3A_1432 = arith.constant 0 : i32
    %ne3A_1433 = vector.broadcast %ne3A_1432 : i32 to vector<16xi32>
    %ne3A_1434 = arith.cmpi ne, %rem3A_1431, %ne3A_1433 : vector<16xi32>
    %and3A_1435 = arith.andi %ne3A_1429, %ne3A_1434 : vector<16xi1>
    %sub3A_1436 = arith.constant 1 : i32
    %sub3A_1437 = vector.broadcast %sub3A_1436 : i32 to vector<16xi32>
    %sub3A_1438 = arith.subi %div3A_1411, %sub3A_1437 : vector<16xi32>
    %select_n3A_1439 = arith.select %and3A_1435, %sub3A_1438, %div3A_1411 : vector<16xi1>, vector<16xi32>
    %mul3A_1440 = arith.constant 32 : i32
    %mul3A_1441 = vector.broadcast %mul3A_1440 : i32 to vector<16xi32>
    %mul3A_1442 = arith.muli %mul3A_1441, %iota3A : vector<16xi32>
    %add3A_1443 = arith.addi %mul3A_1442, %add3A_466 : vector<16xi32>
    %jit3A_1444 = arith.constant 128 : i32
    %div3A_1445 = vector.broadcast %jit3A_1444 : i32 to vector<16xi32>
    %div3A_1446 = arith.divsi %add3A_1443, %div3A_1445 : vector<16xi32>
    %sign3A_1447 = arith.constant 0 : i32
    %sign3A_1448 = vector.broadcast %sign3A_1447 : i32 to vector<16xi32>
    %sign3A_1449 = arith.cmpi sgt, %add3A_1443, %sign3A_1448 : vector<16xi32>
    %sign3A_1450 = arith.extui %sign3A_1449 : vector<16xi1> to vector<16xi32>
    %sign3A_1451 = arith.constant 0 : i32
    %sign3A_1452 = vector.broadcast %sign3A_1451 : i32 to vector<16xi32>
    %sign3A_1453 = arith.cmpi slt, %add3A_1443, %sign3A_1452 : vector<16xi32>
    %sign3A_1454 = arith.extui %sign3A_1453 : vector<16xi1> to vector<16xi32>
    %sign3A_1455 = arith.subi %sign3A_1450, %sign3A_1454 : vector<16xi32>
    %sign3A_1456 = arith.constant 0 : i32
    %sign3A_1457 = arith.cmpi sgt, %jit3A_1444, %sign3A_1456 : i32
    %sign3A_1458 = arith.extui %sign3A_1457 : i1 to i32
    %sign3A_1459 = arith.constant 0 : i32
    %sign3A_1460 = arith.cmpi slt, %jit3A_1444, %sign3A_1459 : i32
    %sign3A_1461 = arith.extui %sign3A_1460 : i1 to i32
    %sign3A_1462 = arith.subi %sign3A_1458, %sign3A_1461 : i32
    %ne3A_1463 = vector.broadcast %sign3A_1462 : i32 to vector<16xi32>
    %ne3A_1464 = arith.cmpi ne, %sign3A_1455, %ne3A_1463 : vector<16xi32>
    %rem3A_1465 = vector.broadcast %jit3A_1444 : i32 to vector<16xi32>
    %rem3A_1466 = arith.remsi %add3A_1443, %rem3A_1465 : vector<16xi32>
    %ne3A_1467 = arith.constant 0 : i32
    %ne3A_1468 = vector.broadcast %ne3A_1467 : i32 to vector<16xi32>
    %ne3A_1469 = arith.cmpi ne, %rem3A_1466, %ne3A_1468 : vector<16xi32>
    %and3A_1470 = arith.andi %ne3A_1464, %ne3A_1469 : vector<16xi1>
    %sub3A_1471 = arith.constant 1 : i32
    %sub3A_1472 = vector.broadcast %sub3A_1471 : i32 to vector<16xi32>
    %sub3A_1473 = arith.subi %div3A_1446, %sub3A_1472 : vector<16xi32>
    %select_n3A_1474 = arith.select %and3A_1470, %sub3A_1473, %div3A_1446 : vector<16xi1>, vector<16xi32>
    %mul3A_1475 = arith.constant 32 : i32
    %mul3A_1476 = vector.broadcast %mul3A_1475 : i32 to vector<16xi32>
    %mul3A_1477 = arith.muli %mul3A_1476, %iota3A : vector<16xi32>
    %add3A_1478 = arith.addi %mul3A_1477, %add3A_494 : vector<16xi32>
    %jit3A_1479 = arith.constant 128 : i32
    %div3A_1480 = vector.broadcast %jit3A_1479 : i32 to vector<16xi32>
    %div3A_1481 = arith.divsi %add3A_1478, %div3A_1480 : vector<16xi32>
    %sign3A_1482 = arith.constant 0 : i32
    %sign3A_1483 = vector.broadcast %sign3A_1482 : i32 to vector<16xi32>
    %sign3A_1484 = arith.cmpi sgt, %add3A_1478, %sign3A_1483 : vector<16xi32>
    %sign3A_1485 = arith.extui %sign3A_1484 : vector<16xi1> to vector<16xi32>
    %sign3A_1486 = arith.constant 0 : i32
    %sign3A_1487 = vector.broadcast %sign3A_1486 : i32 to vector<16xi32>
    %sign3A_1488 = arith.cmpi slt, %add3A_1478, %sign3A_1487 : vector<16xi32>
    %sign3A_1489 = arith.extui %sign3A_1488 : vector<16xi1> to vector<16xi32>
    %sign3A_1490 = arith.subi %sign3A_1485, %sign3A_1489 : vector<16xi32>
    %sign3A_1491 = arith.constant 0 : i32
    %sign3A_1492 = arith.cmpi sgt, %jit3A_1479, %sign3A_1491 : i32
    %sign3A_1493 = arith.extui %sign3A_1492 : i1 to i32
    %sign3A_1494 = arith.constant 0 : i32
    %sign3A_1495 = arith.cmpi slt, %jit3A_1479, %sign3A_1494 : i32
    %sign3A_1496 = arith.extui %sign3A_1495 : i1 to i32
    %sign3A_1497 = arith.subi %sign3A_1493, %sign3A_1496 : i32
    %ne3A_1498 = vector.broadcast %sign3A_1497 : i32 to vector<16xi32>
    %ne3A_1499 = arith.cmpi ne, %sign3A_1490, %ne3A_1498 : vector<16xi32>
    %rem3A_1500 = vector.broadcast %jit3A_1479 : i32 to vector<16xi32>
    %rem3A_1501 = arith.remsi %add3A_1478, %rem3A_1500 : vector<16xi32>
    %ne3A_1502 = arith.constant 0 : i32
    %ne3A_1503 = vector.broadcast %ne3A_1502 : i32 to vector<16xi32>
    %ne3A_1504 = arith.cmpi ne, %rem3A_1501, %ne3A_1503 : vector<16xi32>
    %and3A_1505 = arith.andi %ne3A_1499, %ne3A_1504 : vector<16xi1>
    %sub3A_1506 = arith.constant 1 : i32
    %sub3A_1507 = vector.broadcast %sub3A_1506 : i32 to vector<16xi32>
    %sub3A_1508 = arith.subi %div3A_1481, %sub3A_1507 : vector<16xi32>
    %select_n3A_1509 = arith.select %and3A_1505, %sub3A_1508, %div3A_1481 : vector<16xi1>, vector<16xi32>
    %mul3A_1510 = arith.constant 32 : i32
    %mul3A_1511 = vector.broadcast %mul3A_1510 : i32 to vector<16xi32>
    %mul3A_1512 = arith.muli %mul3A_1511, %iota3A : vector<16xi32>
    %add3A_1513 = arith.addi %mul3A_1512, %add3A_522 : vector<16xi32>
    %jit3A_1514 = arith.constant 128 : i32
    %div3A_1515 = vector.broadcast %jit3A_1514 : i32 to vector<16xi32>
    %div3A_1516 = arith.divsi %add3A_1513, %div3A_1515 : vector<16xi32>
    %sign3A_1517 = arith.constant 0 : i32
    %sign3A_1518 = vector.broadcast %sign3A_1517 : i32 to vector<16xi32>
    %sign3A_1519 = arith.cmpi sgt, %add3A_1513, %sign3A_1518 : vector<16xi32>
    %sign3A_1520 = arith.extui %sign3A_1519 : vector<16xi1> to vector<16xi32>
    %sign3A_1521 = arith.constant 0 : i32
    %sign3A_1522 = vector.broadcast %sign3A_1521 : i32 to vector<16xi32>
    %sign3A_1523 = arith.cmpi slt, %add3A_1513, %sign3A_1522 : vector<16xi32>
    %sign3A_1524 = arith.extui %sign3A_1523 : vector<16xi1> to vector<16xi32>
    %sign3A_1525 = arith.subi %sign3A_1520, %sign3A_1524 : vector<16xi32>
    %sign3A_1526 = arith.constant 0 : i32
    %sign3A_1527 = arith.cmpi sgt, %jit3A_1514, %sign3A_1526 : i32
    %sign3A_1528 = arith.extui %sign3A_1527 : i1 to i32
    %sign3A_1529 = arith.constant 0 : i32
    %sign3A_1530 = arith.cmpi slt, %jit3A_1514, %sign3A_1529 : i32
    %sign3A_1531 = arith.extui %sign3A_1530 : i1 to i32
    %sign3A_1532 = arith.subi %sign3A_1528, %sign3A_1531 : i32
    %ne3A_1533 = vector.broadcast %sign3A_1532 : i32 to vector<16xi32>
    %ne3A_1534 = arith.cmpi ne, %sign3A_1525, %ne3A_1533 : vector<16xi32>
    %rem3A_1535 = vector.broadcast %jit3A_1514 : i32 to vector<16xi32>
    %rem3A_1536 = arith.remsi %add3A_1513, %rem3A_1535 : vector<16xi32>
    %ne3A_1537 = arith.constant 0 : i32
    %ne3A_1538 = vector.broadcast %ne3A_1537 : i32 to vector<16xi32>
    %ne3A_1539 = arith.cmpi ne, %rem3A_1536, %ne3A_1538 : vector<16xi32>
    %and3A_1540 = arith.andi %ne3A_1534, %ne3A_1539 : vector<16xi1>
    %sub3A_1541 = arith.constant 1 : i32
    %sub3A_1542 = vector.broadcast %sub3A_1541 : i32 to vector<16xi32>
    %sub3A_1543 = arith.subi %div3A_1516, %sub3A_1542 : vector<16xi32>
    %select_n3A_1544 = arith.select %and3A_1540, %sub3A_1543, %div3A_1516 : vector<16xi1>, vector<16xi32>
    %mul3A_1545 = arith.constant 32 : i32
    %mul3A_1546 = vector.broadcast %mul3A_1545 : i32 to vector<16xi32>
    %mul3A_1547 = arith.muli %mul3A_1546, %iota3A : vector<16xi32>
    %add3A_1548 = arith.addi %mul3A_1547, %add3A_550 : vector<16xi32>
    %jit3A_1549 = arith.constant 128 : i32
    %div3A_1550 = vector.broadcast %jit3A_1549 : i32 to vector<16xi32>
    %div3A_1551 = arith.divsi %add3A_1548, %div3A_1550 : vector<16xi32>
    %sign3A_1552 = arith.constant 0 : i32
    %sign3A_1553 = vector.broadcast %sign3A_1552 : i32 to vector<16xi32>
    %sign3A_1554 = arith.cmpi sgt, %add3A_1548, %sign3A_1553 : vector<16xi32>
    %sign3A_1555 = arith.extui %sign3A_1554 : vector<16xi1> to vector<16xi32>
    %sign3A_1556 = arith.constant 0 : i32
    %sign3A_1557 = vector.broadcast %sign3A_1556 : i32 to vector<16xi32>
    %sign3A_1558 = arith.cmpi slt, %add3A_1548, %sign3A_1557 : vector<16xi32>
    %sign3A_1559 = arith.extui %sign3A_1558 : vector<16xi1> to vector<16xi32>
    %sign3A_1560 = arith.subi %sign3A_1555, %sign3A_1559 : vector<16xi32>
    %sign3A_1561 = arith.constant 0 : i32
    %sign3A_1562 = arith.cmpi sgt, %jit3A_1549, %sign3A_1561 : i32
    %sign3A_1563 = arith.extui %sign3A_1562 : i1 to i32
    %sign3A_1564 = arith.constant 0 : i32
    %sign3A_1565 = arith.cmpi slt, %jit3A_1549, %sign3A_1564 : i32
    %sign3A_1566 = arith.extui %sign3A_1565 : i1 to i32
    %sign3A_1567 = arith.subi %sign3A_1563, %sign3A_1566 : i32
    %ne3A_1568 = vector.broadcast %sign3A_1567 : i32 to vector<16xi32>
    %ne3A_1569 = arith.cmpi ne, %sign3A_1560, %ne3A_1568 : vector<16xi32>
    %rem3A_1570 = vector.broadcast %jit3A_1549 : i32 to vector<16xi32>
    %rem3A_1571 = arith.remsi %add3A_1548, %rem3A_1570 : vector<16xi32>
    %ne3A_1572 = arith.constant 0 : i32
    %ne3A_1573 = vector.broadcast %ne3A_1572 : i32 to vector<16xi32>
    %ne3A_1574 = arith.cmpi ne, %rem3A_1571, %ne3A_1573 : vector<16xi32>
    %and3A_1575 = arith.andi %ne3A_1569, %ne3A_1574 : vector<16xi1>
    %sub3A_1576 = arith.constant 1 : i32
    %sub3A_1577 = vector.broadcast %sub3A_1576 : i32 to vector<16xi32>
    %sub3A_1578 = arith.subi %div3A_1551, %sub3A_1577 : vector<16xi32>
    %select_n3A_1579 = arith.select %and3A_1575, %sub3A_1578, %div3A_1551 : vector<16xi1>, vector<16xi32>
    %mul3A_1580 = arith.constant 32 : i32
    %mul3A_1581 = vector.broadcast %mul3A_1580 : i32 to vector<16xi32>
    %mul3A_1582 = arith.muli %mul3A_1581, %iota3A : vector<16xi32>
    %add3A_1583 = arith.addi %mul3A_1582, %add3A_578 : vector<16xi32>
    %jit3A_1584 = arith.constant 128 : i32
    %div3A_1585 = vector.broadcast %jit3A_1584 : i32 to vector<16xi32>
    %div3A_1586 = arith.divsi %add3A_1583, %div3A_1585 : vector<16xi32>
    %sign3A_1587 = arith.constant 0 : i32
    %sign3A_1588 = vector.broadcast %sign3A_1587 : i32 to vector<16xi32>
    %sign3A_1589 = arith.cmpi sgt, %add3A_1583, %sign3A_1588 : vector<16xi32>
    %sign3A_1590 = arith.extui %sign3A_1589 : vector<16xi1> to vector<16xi32>
    %sign3A_1591 = arith.constant 0 : i32
    %sign3A_1592 = vector.broadcast %sign3A_1591 : i32 to vector<16xi32>
    %sign3A_1593 = arith.cmpi slt, %add3A_1583, %sign3A_1592 : vector<16xi32>
    %sign3A_1594 = arith.extui %sign3A_1593 : vector<16xi1> to vector<16xi32>
    %sign3A_1595 = arith.subi %sign3A_1590, %sign3A_1594 : vector<16xi32>
    %sign3A_1596 = arith.constant 0 : i32
    %sign3A_1597 = arith.cmpi sgt, %jit3A_1584, %sign3A_1596 : i32
    %sign3A_1598 = arith.extui %sign3A_1597 : i1 to i32
    %sign3A_1599 = arith.constant 0 : i32
    %sign3A_1600 = arith.cmpi slt, %jit3A_1584, %sign3A_1599 : i32
    %sign3A_1601 = arith.extui %sign3A_1600 : i1 to i32
    %sign3A_1602 = arith.subi %sign3A_1598, %sign3A_1601 : i32
    %ne3A_1603 = vector.broadcast %sign3A_1602 : i32 to vector<16xi32>
    %ne3A_1604 = arith.cmpi ne, %sign3A_1595, %ne3A_1603 : vector<16xi32>
    %rem3A_1605 = vector.broadcast %jit3A_1584 : i32 to vector<16xi32>
    %rem3A_1606 = arith.remsi %add3A_1583, %rem3A_1605 : vector<16xi32>
    %ne3A_1607 = arith.constant 0 : i32
    %ne3A_1608 = vector.broadcast %ne3A_1607 : i32 to vector<16xi32>
    %ne3A_1609 = arith.cmpi ne, %rem3A_1606, %ne3A_1608 : vector<16xi32>
    %and3A_1610 = arith.andi %ne3A_1604, %ne3A_1609 : vector<16xi1>
    %sub3A_1611 = arith.constant 1 : i32
    %sub3A_1612 = vector.broadcast %sub3A_1611 : i32 to vector<16xi32>
    %sub3A_1613 = arith.subi %div3A_1586, %sub3A_1612 : vector<16xi32>
    %select_n3A_1614 = arith.select %and3A_1610, %sub3A_1613, %div3A_1586 : vector<16xi1>, vector<16xi32>
    %mul3A_1615 = arith.constant 32 : i32
    %mul3A_1616 = vector.broadcast %mul3A_1615 : i32 to vector<16xi32>
    %mul3A_1617 = arith.muli %mul3A_1616, %iota3A : vector<16xi32>
    %add3A_1618 = arith.addi %mul3A_1617, %add3A_606 : vector<16xi32>
    %jit3A_1619 = arith.constant 128 : i32
    %div3A_1620 = vector.broadcast %jit3A_1619 : i32 to vector<16xi32>
    %div3A_1621 = arith.divsi %add3A_1618, %div3A_1620 : vector<16xi32>
    %sign3A_1622 = arith.constant 0 : i32
    %sign3A_1623 = vector.broadcast %sign3A_1622 : i32 to vector<16xi32>
    %sign3A_1624 = arith.cmpi sgt, %add3A_1618, %sign3A_1623 : vector<16xi32>
    %sign3A_1625 = arith.extui %sign3A_1624 : vector<16xi1> to vector<16xi32>
    %sign3A_1626 = arith.constant 0 : i32
    %sign3A_1627 = vector.broadcast %sign3A_1626 : i32 to vector<16xi32>
    %sign3A_1628 = arith.cmpi slt, %add3A_1618, %sign3A_1627 : vector<16xi32>
    %sign3A_1629 = arith.extui %sign3A_1628 : vector<16xi1> to vector<16xi32>
    %sign3A_1630 = arith.subi %sign3A_1625, %sign3A_1629 : vector<16xi32>
    %sign3A_1631 = arith.constant 0 : i32
    %sign3A_1632 = arith.cmpi sgt, %jit3A_1619, %sign3A_1631 : i32
    %sign3A_1633 = arith.extui %sign3A_1632 : i1 to i32
    %sign3A_1634 = arith.constant 0 : i32
    %sign3A_1635 = arith.cmpi slt, %jit3A_1619, %sign3A_1634 : i32
    %sign3A_1636 = arith.extui %sign3A_1635 : i1 to i32
    %sign3A_1637 = arith.subi %sign3A_1633, %sign3A_1636 : i32
    %ne3A_1638 = vector.broadcast %sign3A_1637 : i32 to vector<16xi32>
    %ne3A_1639 = arith.cmpi ne, %sign3A_1630, %ne3A_1638 : vector<16xi32>
    %rem3A_1640 = vector.broadcast %jit3A_1619 : i32 to vector<16xi32>
    %rem3A_1641 = arith.remsi %add3A_1618, %rem3A_1640 : vector<16xi32>
    %ne3A_1642 = arith.constant 0 : i32
    %ne3A_1643 = vector.broadcast %ne3A_1642 : i32 to vector<16xi32>
    %ne3A_1644 = arith.cmpi ne, %rem3A_1641, %ne3A_1643 : vector<16xi32>
    %and3A_1645 = arith.andi %ne3A_1639, %ne3A_1644 : vector<16xi1>
    %sub3A_1646 = arith.constant 1 : i32
    %sub3A_1647 = vector.broadcast %sub3A_1646 : i32 to vector<16xi32>
    %sub3A_1648 = arith.subi %div3A_1621, %sub3A_1647 : vector<16xi32>
    %select_n3A_1649 = arith.select %and3A_1645, %sub3A_1648, %div3A_1621 : vector<16xi1>, vector<16xi32>
    %mul3A_1650 = arith.constant 32 : i32
    %mul3A_1651 = vector.broadcast %mul3A_1650 : i32 to vector<16xi32>
    %mul3A_1652 = arith.muli %mul3A_1651, %iota3A : vector<16xi32>
    %add3A_1653 = arith.addi %mul3A_1652, %add3A_634 : vector<16xi32>
    %jit3A_1654 = arith.constant 128 : i32
    %div3A_1655 = vector.broadcast %jit3A_1654 : i32 to vector<16xi32>
    %div3A_1656 = arith.divsi %add3A_1653, %div3A_1655 : vector<16xi32>
    %sign3A_1657 = arith.constant 0 : i32
    %sign3A_1658 = vector.broadcast %sign3A_1657 : i32 to vector<16xi32>
    %sign3A_1659 = arith.cmpi sgt, %add3A_1653, %sign3A_1658 : vector<16xi32>
    %sign3A_1660 = arith.extui %sign3A_1659 : vector<16xi1> to vector<16xi32>
    %sign3A_1661 = arith.constant 0 : i32
    %sign3A_1662 = vector.broadcast %sign3A_1661 : i32 to vector<16xi32>
    %sign3A_1663 = arith.cmpi slt, %add3A_1653, %sign3A_1662 : vector<16xi32>
    %sign3A_1664 = arith.extui %sign3A_1663 : vector<16xi1> to vector<16xi32>
    %sign3A_1665 = arith.subi %sign3A_1660, %sign3A_1664 : vector<16xi32>
    %sign3A_1666 = arith.constant 0 : i32
    %sign3A_1667 = arith.cmpi sgt, %jit3A_1654, %sign3A_1666 : i32
    %sign3A_1668 = arith.extui %sign3A_1667 : i1 to i32
    %sign3A_1669 = arith.constant 0 : i32
    %sign3A_1670 = arith.cmpi slt, %jit3A_1654, %sign3A_1669 : i32
    %sign3A_1671 = arith.extui %sign3A_1670 : i1 to i32
    %sign3A_1672 = arith.subi %sign3A_1668, %sign3A_1671 : i32
    %ne3A_1673 = vector.broadcast %sign3A_1672 : i32 to vector<16xi32>
    %ne3A_1674 = arith.cmpi ne, %sign3A_1665, %ne3A_1673 : vector<16xi32>
    %rem3A_1675 = vector.broadcast %jit3A_1654 : i32 to vector<16xi32>
    %rem3A_1676 = arith.remsi %add3A_1653, %rem3A_1675 : vector<16xi32>
    %ne3A_1677 = arith.constant 0 : i32
    %ne3A_1678 = vector.broadcast %ne3A_1677 : i32 to vector<16xi32>
    %ne3A_1679 = arith.cmpi ne, %rem3A_1676, %ne3A_1678 : vector<16xi32>
    %and3A_1680 = arith.andi %ne3A_1674, %ne3A_1679 : vector<16xi1>
    %sub3A_1681 = arith.constant 1 : i32
    %sub3A_1682 = vector.broadcast %sub3A_1681 : i32 to vector<16xi32>
    %sub3A_1683 = arith.subi %div3A_1656, %sub3A_1682 : vector<16xi32>
    %select_n3A_1684 = arith.select %and3A_1680, %sub3A_1683, %div3A_1656 : vector<16xi1>, vector<16xi32>
    %mul3A_1685 = arith.constant 32 : i32
    %mul3A_1686 = vector.broadcast %mul3A_1685 : i32 to vector<16xi32>
    %mul3A_1687 = arith.muli %mul3A_1686, %iota3A : vector<16xi32>
    %add3A_1688 = arith.addi %mul3A_1687, %add3A_662 : vector<16xi32>
    %jit3A_1689 = arith.constant 128 : i32
    %div3A_1690 = vector.broadcast %jit3A_1689 : i32 to vector<16xi32>
    %div3A_1691 = arith.divsi %add3A_1688, %div3A_1690 : vector<16xi32>
    %sign3A_1692 = arith.constant 0 : i32
    %sign3A_1693 = vector.broadcast %sign3A_1692 : i32 to vector<16xi32>
    %sign3A_1694 = arith.cmpi sgt, %add3A_1688, %sign3A_1693 : vector<16xi32>
    %sign3A_1695 = arith.extui %sign3A_1694 : vector<16xi1> to vector<16xi32>
    %sign3A_1696 = arith.constant 0 : i32
    %sign3A_1697 = vector.broadcast %sign3A_1696 : i32 to vector<16xi32>
    %sign3A_1698 = arith.cmpi slt, %add3A_1688, %sign3A_1697 : vector<16xi32>
    %sign3A_1699 = arith.extui %sign3A_1698 : vector<16xi1> to vector<16xi32>
    %sign3A_1700 = arith.subi %sign3A_1695, %sign3A_1699 : vector<16xi32>
    %sign3A_1701 = arith.constant 0 : i32
    %sign3A_1702 = arith.cmpi sgt, %jit3A_1689, %sign3A_1701 : i32
    %sign3A_1703 = arith.extui %sign3A_1702 : i1 to i32
    %sign3A_1704 = arith.constant 0 : i32
    %sign3A_1705 = arith.cmpi slt, %jit3A_1689, %sign3A_1704 : i32
    %sign3A_1706 = arith.extui %sign3A_1705 : i1 to i32
    %sign3A_1707 = arith.subi %sign3A_1703, %sign3A_1706 : i32
    %ne3A_1708 = vector.broadcast %sign3A_1707 : i32 to vector<16xi32>
    %ne3A_1709 = arith.cmpi ne, %sign3A_1700, %ne3A_1708 : vector<16xi32>
    %rem3A_1710 = vector.broadcast %jit3A_1689 : i32 to vector<16xi32>
    %rem3A_1711 = arith.remsi %add3A_1688, %rem3A_1710 : vector<16xi32>
    %ne3A_1712 = arith.constant 0 : i32
    %ne3A_1713 = vector.broadcast %ne3A_1712 : i32 to vector<16xi32>
    %ne3A_1714 = arith.cmpi ne, %rem3A_1711, %ne3A_1713 : vector<16xi32>
    %and3A_1715 = arith.andi %ne3A_1709, %ne3A_1714 : vector<16xi1>
    %sub3A_1716 = arith.constant 1 : i32
    %sub3A_1717 = vector.broadcast %sub3A_1716 : i32 to vector<16xi32>
    %sub3A_1718 = arith.subi %div3A_1691, %sub3A_1717 : vector<16xi32>
    %select_n3A_1719 = arith.select %and3A_1715, %sub3A_1718, %div3A_1691 : vector<16xi1>, vector<16xi32>
    %mul3A_1720 = arith.constant 32 : i32
    %mul3A_1721 = vector.broadcast %mul3A_1720 : i32 to vector<16xi32>
    %mul3A_1722 = arith.muli %mul3A_1721, %iota3A : vector<16xi32>
    %add3A_1723 = arith.addi %mul3A_1722, %add3A_690 : vector<16xi32>
    %jit3A_1724 = arith.constant 128 : i32
    %div3A_1725 = vector.broadcast %jit3A_1724 : i32 to vector<16xi32>
    %div3A_1726 = arith.divsi %add3A_1723, %div3A_1725 : vector<16xi32>
    %sign3A_1727 = arith.constant 0 : i32
    %sign3A_1728 = vector.broadcast %sign3A_1727 : i32 to vector<16xi32>
    %sign3A_1729 = arith.cmpi sgt, %add3A_1723, %sign3A_1728 : vector<16xi32>
    %sign3A_1730 = arith.extui %sign3A_1729 : vector<16xi1> to vector<16xi32>
    %sign3A_1731 = arith.constant 0 : i32
    %sign3A_1732 = vector.broadcast %sign3A_1731 : i32 to vector<16xi32>
    %sign3A_1733 = arith.cmpi slt, %add3A_1723, %sign3A_1732 : vector<16xi32>
    %sign3A_1734 = arith.extui %sign3A_1733 : vector<16xi1> to vector<16xi32>
    %sign3A_1735 = arith.subi %sign3A_1730, %sign3A_1734 : vector<16xi32>
    %sign3A_1736 = arith.constant 0 : i32
    %sign3A_1737 = arith.cmpi sgt, %jit3A_1724, %sign3A_1736 : i32
    %sign3A_1738 = arith.extui %sign3A_1737 : i1 to i32
    %sign3A_1739 = arith.constant 0 : i32
    %sign3A_1740 = arith.cmpi slt, %jit3A_1724, %sign3A_1739 : i32
    %sign3A_1741 = arith.extui %sign3A_1740 : i1 to i32
    %sign3A_1742 = arith.subi %sign3A_1738, %sign3A_1741 : i32
    %ne3A_1743 = vector.broadcast %sign3A_1742 : i32 to vector<16xi32>
    %ne3A_1744 = arith.cmpi ne, %sign3A_1735, %ne3A_1743 : vector<16xi32>
    %rem3A_1745 = vector.broadcast %jit3A_1724 : i32 to vector<16xi32>
    %rem3A_1746 = arith.remsi %add3A_1723, %rem3A_1745 : vector<16xi32>
    %ne3A_1747 = arith.constant 0 : i32
    %ne3A_1748 = vector.broadcast %ne3A_1747 : i32 to vector<16xi32>
    %ne3A_1749 = arith.cmpi ne, %rem3A_1746, %ne3A_1748 : vector<16xi32>
    %and3A_1750 = arith.andi %ne3A_1744, %ne3A_1749 : vector<16xi1>
    %sub3A_1751 = arith.constant 1 : i32
    %sub3A_1752 = vector.broadcast %sub3A_1751 : i32 to vector<16xi32>
    %sub3A_1753 = arith.subi %div3A_1726, %sub3A_1752 : vector<16xi32>
    %select_n3A_1754 = arith.select %and3A_1750, %sub3A_1753, %div3A_1726 : vector<16xi1>, vector<16xi32>
    %mul3A_1755 = arith.constant 32 : i32
    %mul3A_1756 = vector.broadcast %mul3A_1755 : i32 to vector<16xi32>
    %mul3A_1757 = arith.muli %mul3A_1756, %iota3A : vector<16xi32>
    %add3A_1758 = arith.addi %mul3A_1757, %add3A_718 : vector<16xi32>
    %jit3A_1759 = arith.constant 128 : i32
    %div3A_1760 = vector.broadcast %jit3A_1759 : i32 to vector<16xi32>
    %div3A_1761 = arith.divsi %add3A_1758, %div3A_1760 : vector<16xi32>
    %sign3A_1762 = arith.constant 0 : i32
    %sign3A_1763 = vector.broadcast %sign3A_1762 : i32 to vector<16xi32>
    %sign3A_1764 = arith.cmpi sgt, %add3A_1758, %sign3A_1763 : vector<16xi32>
    %sign3A_1765 = arith.extui %sign3A_1764 : vector<16xi1> to vector<16xi32>
    %sign3A_1766 = arith.constant 0 : i32
    %sign3A_1767 = vector.broadcast %sign3A_1766 : i32 to vector<16xi32>
    %sign3A_1768 = arith.cmpi slt, %add3A_1758, %sign3A_1767 : vector<16xi32>
    %sign3A_1769 = arith.extui %sign3A_1768 : vector<16xi1> to vector<16xi32>
    %sign3A_1770 = arith.subi %sign3A_1765, %sign3A_1769 : vector<16xi32>
    %sign3A_1771 = arith.constant 0 : i32
    %sign3A_1772 = arith.cmpi sgt, %jit3A_1759, %sign3A_1771 : i32
    %sign3A_1773 = arith.extui %sign3A_1772 : i1 to i32
    %sign3A_1774 = arith.constant 0 : i32
    %sign3A_1775 = arith.cmpi slt, %jit3A_1759, %sign3A_1774 : i32
    %sign3A_1776 = arith.extui %sign3A_1775 : i1 to i32
    %sign3A_1777 = arith.subi %sign3A_1773, %sign3A_1776 : i32
    %ne3A_1778 = vector.broadcast %sign3A_1777 : i32 to vector<16xi32>
    %ne3A_1779 = arith.cmpi ne, %sign3A_1770, %ne3A_1778 : vector<16xi32>
    %rem3A_1780 = vector.broadcast %jit3A_1759 : i32 to vector<16xi32>
    %rem3A_1781 = arith.remsi %add3A_1758, %rem3A_1780 : vector<16xi32>
    %ne3A_1782 = arith.constant 0 : i32
    %ne3A_1783 = vector.broadcast %ne3A_1782 : i32 to vector<16xi32>
    %ne3A_1784 = arith.cmpi ne, %rem3A_1781, %ne3A_1783 : vector<16xi32>
    %and3A_1785 = arith.andi %ne3A_1779, %ne3A_1784 : vector<16xi1>
    %sub3A_1786 = arith.constant 1 : i32
    %sub3A_1787 = vector.broadcast %sub3A_1786 : i32 to vector<16xi32>
    %sub3A_1788 = arith.subi %div3A_1761, %sub3A_1787 : vector<16xi32>
    %select_n3A_1789 = arith.select %and3A_1785, %sub3A_1788, %div3A_1761 : vector<16xi1>, vector<16xi32>
    %mul3A_1790 = arith.constant 32 : i32
    %mul3A_1791 = vector.broadcast %mul3A_1790 : i32 to vector<16xi32>
    %mul3A_1792 = arith.muli %mul3A_1791, %iota3A : vector<16xi32>
    %add3A_1793 = arith.addi %mul3A_1792, %add3A_746 : vector<16xi32>
    %jit3A_1794 = arith.constant 128 : i32
    %div3A_1795 = vector.broadcast %jit3A_1794 : i32 to vector<16xi32>
    %div3A_1796 = arith.divsi %add3A_1793, %div3A_1795 : vector<16xi32>
    %sign3A_1797 = arith.constant 0 : i32
    %sign3A_1798 = vector.broadcast %sign3A_1797 : i32 to vector<16xi32>
    %sign3A_1799 = arith.cmpi sgt, %add3A_1793, %sign3A_1798 : vector<16xi32>
    %sign3A_1800 = arith.extui %sign3A_1799 : vector<16xi1> to vector<16xi32>
    %sign3A_1801 = arith.constant 0 : i32
    %sign3A_1802 = vector.broadcast %sign3A_1801 : i32 to vector<16xi32>
    %sign3A_1803 = arith.cmpi slt, %add3A_1793, %sign3A_1802 : vector<16xi32>
    %sign3A_1804 = arith.extui %sign3A_1803 : vector<16xi1> to vector<16xi32>
    %sign3A_1805 = arith.subi %sign3A_1800, %sign3A_1804 : vector<16xi32>
    %sign3A_1806 = arith.constant 0 : i32
    %sign3A_1807 = arith.cmpi sgt, %jit3A_1794, %sign3A_1806 : i32
    %sign3A_1808 = arith.extui %sign3A_1807 : i1 to i32
    %sign3A_1809 = arith.constant 0 : i32
    %sign3A_1810 = arith.cmpi slt, %jit3A_1794, %sign3A_1809 : i32
    %sign3A_1811 = arith.extui %sign3A_1810 : i1 to i32
    %sign3A_1812 = arith.subi %sign3A_1808, %sign3A_1811 : i32
    %ne3A_1813 = vector.broadcast %sign3A_1812 : i32 to vector<16xi32>
    %ne3A_1814 = arith.cmpi ne, %sign3A_1805, %ne3A_1813 : vector<16xi32>
    %rem3A_1815 = vector.broadcast %jit3A_1794 : i32 to vector<16xi32>
    %rem3A_1816 = arith.remsi %add3A_1793, %rem3A_1815 : vector<16xi32>
    %ne3A_1817 = arith.constant 0 : i32
    %ne3A_1818 = vector.broadcast %ne3A_1817 : i32 to vector<16xi32>
    %ne3A_1819 = arith.cmpi ne, %rem3A_1816, %ne3A_1818 : vector<16xi32>
    %and3A_1820 = arith.andi %ne3A_1814, %ne3A_1819 : vector<16xi1>
    %sub3A_1821 = arith.constant 1 : i32
    %sub3A_1822 = vector.broadcast %sub3A_1821 : i32 to vector<16xi32>
    %sub3A_1823 = arith.subi %div3A_1796, %sub3A_1822 : vector<16xi32>
    %select_n3A_1824 = arith.select %and3A_1820, %sub3A_1823, %div3A_1796 : vector<16xi1>, vector<16xi32>
    %mul3A_1825 = arith.constant 32 : i32
    %mul3A_1826 = vector.broadcast %mul3A_1825 : i32 to vector<16xi32>
    %mul3A_1827 = arith.muli %mul3A_1826, %iota3A : vector<16xi32>
    %add3A_1828 = arith.addi %mul3A_1827, %add3A_774 : vector<16xi32>
    %jit3A_1829 = arith.constant 128 : i32
    %div3A_1830 = vector.broadcast %jit3A_1829 : i32 to vector<16xi32>
    %div3A_1831 = arith.divsi %add3A_1828, %div3A_1830 : vector<16xi32>
    %sign3A_1832 = arith.constant 0 : i32
    %sign3A_1833 = vector.broadcast %sign3A_1832 : i32 to vector<16xi32>
    %sign3A_1834 = arith.cmpi sgt, %add3A_1828, %sign3A_1833 : vector<16xi32>
    %sign3A_1835 = arith.extui %sign3A_1834 : vector<16xi1> to vector<16xi32>
    %sign3A_1836 = arith.constant 0 : i32
    %sign3A_1837 = vector.broadcast %sign3A_1836 : i32 to vector<16xi32>
    %sign3A_1838 = arith.cmpi slt, %add3A_1828, %sign3A_1837 : vector<16xi32>
    %sign3A_1839 = arith.extui %sign3A_1838 : vector<16xi1> to vector<16xi32>
    %sign3A_1840 = arith.subi %sign3A_1835, %sign3A_1839 : vector<16xi32>
    %sign3A_1841 = arith.constant 0 : i32
    %sign3A_1842 = arith.cmpi sgt, %jit3A_1829, %sign3A_1841 : i32
    %sign3A_1843 = arith.extui %sign3A_1842 : i1 to i32
    %sign3A_1844 = arith.constant 0 : i32
    %sign3A_1845 = arith.cmpi slt, %jit3A_1829, %sign3A_1844 : i32
    %sign3A_1846 = arith.extui %sign3A_1845 : i1 to i32
    %sign3A_1847 = arith.subi %sign3A_1843, %sign3A_1846 : i32
    %ne3A_1848 = vector.broadcast %sign3A_1847 : i32 to vector<16xi32>
    %ne3A_1849 = arith.cmpi ne, %sign3A_1840, %ne3A_1848 : vector<16xi32>
    %rem3A_1850 = vector.broadcast %jit3A_1829 : i32 to vector<16xi32>
    %rem3A_1851 = arith.remsi %add3A_1828, %rem3A_1850 : vector<16xi32>
    %ne3A_1852 = arith.constant 0 : i32
    %ne3A_1853 = vector.broadcast %ne3A_1852 : i32 to vector<16xi32>
    %ne3A_1854 = arith.cmpi ne, %rem3A_1851, %ne3A_1853 : vector<16xi32>
    %and3A_1855 = arith.andi %ne3A_1849, %ne3A_1854 : vector<16xi1>
    %sub3A_1856 = arith.constant 1 : i32
    %sub3A_1857 = vector.broadcast %sub3A_1856 : i32 to vector<16xi32>
    %sub3A_1858 = arith.subi %div3A_1831, %sub3A_1857 : vector<16xi32>
    %select_n3A_1859 = arith.select %and3A_1855, %sub3A_1858, %div3A_1831 : vector<16xi1>, vector<16xi32>
    %mul3A_1860 = arith.constant 32 : i32
    %mul3A_1861 = vector.broadcast %mul3A_1860 : i32 to vector<16xi32>
    %mul3A_1862 = arith.muli %mul3A_1861, %iota3A : vector<16xi32>
    %add3A_1863 = arith.addi %mul3A_1862, %add3A_802 : vector<16xi32>
    %jit3A_1864 = arith.constant 128 : i32
    %div3A_1865 = vector.broadcast %jit3A_1864 : i32 to vector<16xi32>
    %div3A_1866 = arith.divsi %add3A_1863, %div3A_1865 : vector<16xi32>
    %sign3A_1867 = arith.constant 0 : i32
    %sign3A_1868 = vector.broadcast %sign3A_1867 : i32 to vector<16xi32>
    %sign3A_1869 = arith.cmpi sgt, %add3A_1863, %sign3A_1868 : vector<16xi32>
    %sign3A_1870 = arith.extui %sign3A_1869 : vector<16xi1> to vector<16xi32>
    %sign3A_1871 = arith.constant 0 : i32
    %sign3A_1872 = vector.broadcast %sign3A_1871 : i32 to vector<16xi32>
    %sign3A_1873 = arith.cmpi slt, %add3A_1863, %sign3A_1872 : vector<16xi32>
    %sign3A_1874 = arith.extui %sign3A_1873 : vector<16xi1> to vector<16xi32>
    %sign3A_1875 = arith.subi %sign3A_1870, %sign3A_1874 : vector<16xi32>
    %sign3A_1876 = arith.constant 0 : i32
    %sign3A_1877 = arith.cmpi sgt, %jit3A_1864, %sign3A_1876 : i32
    %sign3A_1878 = arith.extui %sign3A_1877 : i1 to i32
    %sign3A_1879 = arith.constant 0 : i32
    %sign3A_1880 = arith.cmpi slt, %jit3A_1864, %sign3A_1879 : i32
    %sign3A_1881 = arith.extui %sign3A_1880 : i1 to i32
    %sign3A_1882 = arith.subi %sign3A_1878, %sign3A_1881 : i32
    %ne3A_1883 = vector.broadcast %sign3A_1882 : i32 to vector<16xi32>
    %ne3A_1884 = arith.cmpi ne, %sign3A_1875, %ne3A_1883 : vector<16xi32>
    %rem3A_1885 = vector.broadcast %jit3A_1864 : i32 to vector<16xi32>
    %rem3A_1886 = arith.remsi %add3A_1863, %rem3A_1885 : vector<16xi32>
    %ne3A_1887 = arith.constant 0 : i32
    %ne3A_1888 = vector.broadcast %ne3A_1887 : i32 to vector<16xi32>
    %ne3A_1889 = arith.cmpi ne, %rem3A_1886, %ne3A_1888 : vector<16xi32>
    %and3A_1890 = arith.andi %ne3A_1884, %ne3A_1889 : vector<16xi1>
    %sub3A_1891 = arith.constant 1 : i32
    %sub3A_1892 = vector.broadcast %sub3A_1891 : i32 to vector<16xi32>
    %sub3A_1893 = arith.subi %div3A_1866, %sub3A_1892 : vector<16xi32>
    %select_n3A_1894 = arith.select %and3A_1890, %sub3A_1893, %div3A_1866 : vector<16xi1>, vector<16xi32>
    %mul3A_1895 = arith.constant 32 : i32
    %mul3A_1896 = vector.broadcast %mul3A_1895 : i32 to vector<16xi32>
    %mul3A_1897 = arith.muli %mul3A_1896, %iota3A : vector<16xi32>
    %add3A_1898 = arith.addi %mul3A_1897, %add3A_830 : vector<16xi32>
    %jit3A_1899 = arith.constant 128 : i32
    %div3A_1900 = vector.broadcast %jit3A_1899 : i32 to vector<16xi32>
    %div3A_1901 = arith.divsi %add3A_1898, %div3A_1900 : vector<16xi32>
    %sign3A_1902 = arith.constant 0 : i32
    %sign3A_1903 = vector.broadcast %sign3A_1902 : i32 to vector<16xi32>
    %sign3A_1904 = arith.cmpi sgt, %add3A_1898, %sign3A_1903 : vector<16xi32>
    %sign3A_1905 = arith.extui %sign3A_1904 : vector<16xi1> to vector<16xi32>
    %sign3A_1906 = arith.constant 0 : i32
    %sign3A_1907 = vector.broadcast %sign3A_1906 : i32 to vector<16xi32>
    %sign3A_1908 = arith.cmpi slt, %add3A_1898, %sign3A_1907 : vector<16xi32>
    %sign3A_1909 = arith.extui %sign3A_1908 : vector<16xi1> to vector<16xi32>
    %sign3A_1910 = arith.subi %sign3A_1905, %sign3A_1909 : vector<16xi32>
    %sign3A_1911 = arith.constant 0 : i32
    %sign3A_1912 = arith.cmpi sgt, %jit3A_1899, %sign3A_1911 : i32
    %sign3A_1913 = arith.extui %sign3A_1912 : i1 to i32
    %sign3A_1914 = arith.constant 0 : i32
    %sign3A_1915 = arith.cmpi slt, %jit3A_1899, %sign3A_1914 : i32
    %sign3A_1916 = arith.extui %sign3A_1915 : i1 to i32
    %sign3A_1917 = arith.subi %sign3A_1913, %sign3A_1916 : i32
    %ne3A_1918 = vector.broadcast %sign3A_1917 : i32 to vector<16xi32>
    %ne3A_1919 = arith.cmpi ne, %sign3A_1910, %ne3A_1918 : vector<16xi32>
    %rem3A_1920 = vector.broadcast %jit3A_1899 : i32 to vector<16xi32>
    %rem3A_1921 = arith.remsi %add3A_1898, %rem3A_1920 : vector<16xi32>
    %ne3A_1922 = arith.constant 0 : i32
    %ne3A_1923 = vector.broadcast %ne3A_1922 : i32 to vector<16xi32>
    %ne3A_1924 = arith.cmpi ne, %rem3A_1921, %ne3A_1923 : vector<16xi32>
    %and3A_1925 = arith.andi %ne3A_1919, %ne3A_1924 : vector<16xi1>
    %sub3A_1926 = arith.constant 1 : i32
    %sub3A_1927 = vector.broadcast %sub3A_1926 : i32 to vector<16xi32>
    %sub3A_1928 = arith.subi %div3A_1901, %sub3A_1927 : vector<16xi32>
    %select_n3A_1929 = arith.select %and3A_1925, %sub3A_1928, %div3A_1901 : vector<16xi1>, vector<16xi32>
    %mul3A_1930 = arith.constant 32 : i32
    %mul3A_1931 = vector.broadcast %mul3A_1930 : i32 to vector<16xi32>
    %mul3A_1932 = arith.muli %mul3A_1931, %iota3A : vector<16xi32>
    %add3A_1933 = arith.addi %mul3A_1932, %add3A_858 : vector<16xi32>
    %jit3A_1934 = arith.constant 128 : i32
    %div3A_1935 = vector.broadcast %jit3A_1934 : i32 to vector<16xi32>
    %div3A_1936 = arith.divsi %add3A_1933, %div3A_1935 : vector<16xi32>
    %sign3A_1937 = arith.constant 0 : i32
    %sign3A_1938 = vector.broadcast %sign3A_1937 : i32 to vector<16xi32>
    %sign3A_1939 = arith.cmpi sgt, %add3A_1933, %sign3A_1938 : vector<16xi32>
    %sign3A_1940 = arith.extui %sign3A_1939 : vector<16xi1> to vector<16xi32>
    %sign3A_1941 = arith.constant 0 : i32
    %sign3A_1942 = vector.broadcast %sign3A_1941 : i32 to vector<16xi32>
    %sign3A_1943 = arith.cmpi slt, %add3A_1933, %sign3A_1942 : vector<16xi32>
    %sign3A_1944 = arith.extui %sign3A_1943 : vector<16xi1> to vector<16xi32>
    %sign3A_1945 = arith.subi %sign3A_1940, %sign3A_1944 : vector<16xi32>
    %sign3A_1946 = arith.constant 0 : i32
    %sign3A_1947 = arith.cmpi sgt, %jit3A_1934, %sign3A_1946 : i32
    %sign3A_1948 = arith.extui %sign3A_1947 : i1 to i32
    %sign3A_1949 = arith.constant 0 : i32
    %sign3A_1950 = arith.cmpi slt, %jit3A_1934, %sign3A_1949 : i32
    %sign3A_1951 = arith.extui %sign3A_1950 : i1 to i32
    %sign3A_1952 = arith.subi %sign3A_1948, %sign3A_1951 : i32
    %ne3A_1953 = vector.broadcast %sign3A_1952 : i32 to vector<16xi32>
    %ne3A_1954 = arith.cmpi ne, %sign3A_1945, %ne3A_1953 : vector<16xi32>
    %rem3A_1955 = vector.broadcast %jit3A_1934 : i32 to vector<16xi32>
    %rem3A_1956 = arith.remsi %add3A_1933, %rem3A_1955 : vector<16xi32>
    %ne3A_1957 = arith.constant 0 : i32
    %ne3A_1958 = vector.broadcast %ne3A_1957 : i32 to vector<16xi32>
    %ne3A_1959 = arith.cmpi ne, %rem3A_1956, %ne3A_1958 : vector<16xi32>
    %and3A_1960 = arith.andi %ne3A_1954, %ne3A_1959 : vector<16xi1>
    %sub3A_1961 = arith.constant 1 : i32
    %sub3A_1962 = vector.broadcast %sub3A_1961 : i32 to vector<16xi32>
    %sub3A_1963 = arith.subi %div3A_1936, %sub3A_1962 : vector<16xi32>
    %select_n3A_1964 = arith.select %and3A_1960, %sub3A_1963, %div3A_1936 : vector<16xi1>, vector<16xi32>
    %mul3A_1965 = arith.constant 32 : i32
    %mul3A_1966 = vector.broadcast %mul3A_1965 : i32 to vector<16xi32>
    %mul3A_1967 = arith.muli %mul3A_1966, %iota3A : vector<16xi32>
    %add3A_1968 = arith.addi %mul3A_1967, %add3A_886 : vector<16xi32>
    %jit3A_1969 = arith.constant 128 : i32
    %div3A_1970 = vector.broadcast %jit3A_1969 : i32 to vector<16xi32>
    %div3A_1971 = arith.divsi %add3A_1968, %div3A_1970 : vector<16xi32>
    %sign3A_1972 = arith.constant 0 : i32
    %sign3A_1973 = vector.broadcast %sign3A_1972 : i32 to vector<16xi32>
    %sign3A_1974 = arith.cmpi sgt, %add3A_1968, %sign3A_1973 : vector<16xi32>
    %sign3A_1975 = arith.extui %sign3A_1974 : vector<16xi1> to vector<16xi32>
    %sign3A_1976 = arith.constant 0 : i32
    %sign3A_1977 = vector.broadcast %sign3A_1976 : i32 to vector<16xi32>
    %sign3A_1978 = arith.cmpi slt, %add3A_1968, %sign3A_1977 : vector<16xi32>
    %sign3A_1979 = arith.extui %sign3A_1978 : vector<16xi1> to vector<16xi32>
    %sign3A_1980 = arith.subi %sign3A_1975, %sign3A_1979 : vector<16xi32>
    %sign3A_1981 = arith.constant 0 : i32
    %sign3A_1982 = arith.cmpi sgt, %jit3A_1969, %sign3A_1981 : i32
    %sign3A_1983 = arith.extui %sign3A_1982 : i1 to i32
    %sign3A_1984 = arith.constant 0 : i32
    %sign3A_1985 = arith.cmpi slt, %jit3A_1969, %sign3A_1984 : i32
    %sign3A_1986 = arith.extui %sign3A_1985 : i1 to i32
    %sign3A_1987 = arith.subi %sign3A_1983, %sign3A_1986 : i32
    %ne3A_1988 = vector.broadcast %sign3A_1987 : i32 to vector<16xi32>
    %ne3A_1989 = arith.cmpi ne, %sign3A_1980, %ne3A_1988 : vector<16xi32>
    %rem3A_1990 = vector.broadcast %jit3A_1969 : i32 to vector<16xi32>
    %rem3A_1991 = arith.remsi %add3A_1968, %rem3A_1990 : vector<16xi32>
    %ne3A_1992 = arith.constant 0 : i32
    %ne3A_1993 = vector.broadcast %ne3A_1992 : i32 to vector<16xi32>
    %ne3A_1994 = arith.cmpi ne, %rem3A_1991, %ne3A_1993 : vector<16xi32>
    %and3A_1995 = arith.andi %ne3A_1989, %ne3A_1994 : vector<16xi1>
    %sub3A_1996 = arith.constant 1 : i32
    %sub3A_1997 = vector.broadcast %sub3A_1996 : i32 to vector<16xi32>
    %sub3A_1998 = arith.subi %div3A_1971, %sub3A_1997 : vector<16xi32>
    %select_n3A_1999 = arith.select %and3A_1995, %sub3A_1998, %div3A_1971 : vector<16xi1>, vector<16xi32>
    %mul3A_2000 = arith.constant 32 : i32
    %mul3A_2001 = vector.broadcast %mul3A_2000 : i32 to vector<16xi32>
    %mul3A_2002 = arith.muli %mul3A_2001, %iota3A : vector<16xi32>
    %add3A_2003 = arith.addi %mul3A_2002, %add3A_914 : vector<16xi32>
    %jit3A_2004 = arith.constant 128 : i32
    %div3A_2005 = vector.broadcast %jit3A_2004 : i32 to vector<16xi32>
    %div3A_2006 = arith.divsi %add3A_2003, %div3A_2005 : vector<16xi32>
    %sign3A_2007 = arith.constant 0 : i32
    %sign3A_2008 = vector.broadcast %sign3A_2007 : i32 to vector<16xi32>
    %sign3A_2009 = arith.cmpi sgt, %add3A_2003, %sign3A_2008 : vector<16xi32>
    %sign3A_2010 = arith.extui %sign3A_2009 : vector<16xi1> to vector<16xi32>
    %sign3A_2011 = arith.constant 0 : i32
    %sign3A_2012 = vector.broadcast %sign3A_2011 : i32 to vector<16xi32>
    %sign3A_2013 = arith.cmpi slt, %add3A_2003, %sign3A_2012 : vector<16xi32>
    %sign3A_2014 = arith.extui %sign3A_2013 : vector<16xi1> to vector<16xi32>
    %sign3A_2015 = arith.subi %sign3A_2010, %sign3A_2014 : vector<16xi32>
    %sign3A_2016 = arith.constant 0 : i32
    %sign3A_2017 = arith.cmpi sgt, %jit3A_2004, %sign3A_2016 : i32
    %sign3A_2018 = arith.extui %sign3A_2017 : i1 to i32
    %sign3A_2019 = arith.constant 0 : i32
    %sign3A_2020 = arith.cmpi slt, %jit3A_2004, %sign3A_2019 : i32
    %sign3A_2021 = arith.extui %sign3A_2020 : i1 to i32
    %sign3A_2022 = arith.subi %sign3A_2018, %sign3A_2021 : i32
    %ne3A_2023 = vector.broadcast %sign3A_2022 : i32 to vector<16xi32>
    %ne3A_2024 = arith.cmpi ne, %sign3A_2015, %ne3A_2023 : vector<16xi32>
    %rem3A_2025 = vector.broadcast %jit3A_2004 : i32 to vector<16xi32>
    %rem3A_2026 = arith.remsi %add3A_2003, %rem3A_2025 : vector<16xi32>
    %ne3A_2027 = arith.constant 0 : i32
    %ne3A_2028 = vector.broadcast %ne3A_2027 : i32 to vector<16xi32>
    %ne3A_2029 = arith.cmpi ne, %rem3A_2026, %ne3A_2028 : vector<16xi32>
    %and3A_2030 = arith.andi %ne3A_2024, %ne3A_2029 : vector<16xi1>
    %sub3A_2031 = arith.constant 1 : i32
    %sub3A_2032 = vector.broadcast %sub3A_2031 : i32 to vector<16xi32>
    %sub3A_2033 = arith.subi %div3A_2006, %sub3A_2032 : vector<16xi32>
    %select_n3A_2034 = arith.select %and3A_2030, %sub3A_2033, %div3A_2006 : vector<16xi1>, vector<16xi32>
    %mul3A_2035 = arith.constant 32 : i32
    %mul3A_2036 = vector.broadcast %mul3A_2035 : i32 to vector<16xi32>
    %mul3A_2037 = arith.muli %mul3A_2036, %iota3A : vector<16xi32>
    %add3A_2038 = arith.addi %mul3A_2037, %add3A_46 : vector<16xi32>
    %rem3A_2039 = arith.constant 128 : i32
    %rem3A_2040 = vector.broadcast %rem3A_2039 : i32 to vector<16xi32>
    %rem3A_2041 = arith.remsi %add3A_2038, %rem3A_2040 : vector<16xi32>
    %mul3A_2042 = arith.constant 32 : i32
    %mul3A_2043 = vector.broadcast %mul3A_2042 : i32 to vector<16xi32>
    %mul3A_2044 = arith.muli %mul3A_2043, %iota3A : vector<16xi32>
    %add3A_2045 = arith.addi %mul3A_2044, %add3A_74 : vector<16xi32>
    %rem3A_2046 = arith.constant 128 : i32
    %rem3A_2047 = vector.broadcast %rem3A_2046 : i32 to vector<16xi32>
    %rem3A_2048 = arith.remsi %add3A_2045, %rem3A_2047 : vector<16xi32>
    %mul3A_2049 = arith.constant 32 : i32
    %mul3A_2050 = vector.broadcast %mul3A_2049 : i32 to vector<16xi32>
    %mul3A_2051 = arith.muli %mul3A_2050, %iota3A : vector<16xi32>
    %add3A_2052 = arith.addi %mul3A_2051, %add3A_102 : vector<16xi32>
    %rem3A_2053 = arith.constant 128 : i32
    %rem3A_2054 = vector.broadcast %rem3A_2053 : i32 to vector<16xi32>
    %rem3A_2055 = arith.remsi %add3A_2052, %rem3A_2054 : vector<16xi32>
    %mul3A_2056 = arith.constant 32 : i32
    %mul3A_2057 = vector.broadcast %mul3A_2056 : i32 to vector<16xi32>
    %mul3A_2058 = arith.muli %mul3A_2057, %iota3A : vector<16xi32>
    %add3A_2059 = arith.addi %mul3A_2058, %add3A_130 : vector<16xi32>
    %rem3A_2060 = arith.constant 128 : i32
    %rem3A_2061 = vector.broadcast %rem3A_2060 : i32 to vector<16xi32>
    %rem3A_2062 = arith.remsi %add3A_2059, %rem3A_2061 : vector<16xi32>
    %mul3A_2063 = arith.constant 32 : i32
    %mul3A_2064 = vector.broadcast %mul3A_2063 : i32 to vector<16xi32>
    %mul3A_2065 = arith.muli %mul3A_2064, %iota3A : vector<16xi32>
    %add3A_2066 = arith.addi %mul3A_2065, %add3A_158 : vector<16xi32>
    %rem3A_2067 = arith.constant 128 : i32
    %rem3A_2068 = vector.broadcast %rem3A_2067 : i32 to vector<16xi32>
    %rem3A_2069 = arith.remsi %add3A_2066, %rem3A_2068 : vector<16xi32>
    %mul3A_2070 = arith.constant 32 : i32
    %mul3A_2071 = vector.broadcast %mul3A_2070 : i32 to vector<16xi32>
    %mul3A_2072 = arith.muli %mul3A_2071, %iota3A : vector<16xi32>
    %add3A_2073 = arith.addi %mul3A_2072, %add3A_186 : vector<16xi32>
    %rem3A_2074 = arith.constant 128 : i32
    %rem3A_2075 = vector.broadcast %rem3A_2074 : i32 to vector<16xi32>
    %rem3A_2076 = arith.remsi %add3A_2073, %rem3A_2075 : vector<16xi32>
    %mul3A_2077 = arith.constant 32 : i32
    %mul3A_2078 = vector.broadcast %mul3A_2077 : i32 to vector<16xi32>
    %mul3A_2079 = arith.muli %mul3A_2078, %iota3A : vector<16xi32>
    %add3A_2080 = arith.addi %mul3A_2079, %add3A_214 : vector<16xi32>
    %rem3A_2081 = arith.constant 128 : i32
    %rem3A_2082 = vector.broadcast %rem3A_2081 : i32 to vector<16xi32>
    %rem3A_2083 = arith.remsi %add3A_2080, %rem3A_2082 : vector<16xi32>
    %mul3A_2084 = arith.constant 32 : i32
    %mul3A_2085 = vector.broadcast %mul3A_2084 : i32 to vector<16xi32>
    %mul3A_2086 = arith.muli %mul3A_2085, %iota3A : vector<16xi32>
    %add3A_2087 = arith.addi %mul3A_2086, %add3A_242 : vector<16xi32>
    %rem3A_2088 = arith.constant 128 : i32
    %rem3A_2089 = vector.broadcast %rem3A_2088 : i32 to vector<16xi32>
    %rem3A_2090 = arith.remsi %add3A_2087, %rem3A_2089 : vector<16xi32>
    %mul3A_2091 = arith.constant 32 : i32
    %mul3A_2092 = vector.broadcast %mul3A_2091 : i32 to vector<16xi32>
    %mul3A_2093 = arith.muli %mul3A_2092, %iota3A : vector<16xi32>
    %add3A_2094 = arith.addi %mul3A_2093, %add3A_270 : vector<16xi32>
    %rem3A_2095 = arith.constant 128 : i32
    %rem3A_2096 = vector.broadcast %rem3A_2095 : i32 to vector<16xi32>
    %rem3A_2097 = arith.remsi %add3A_2094, %rem3A_2096 : vector<16xi32>
    %mul3A_2098 = arith.constant 32 : i32
    %mul3A_2099 = vector.broadcast %mul3A_2098 : i32 to vector<16xi32>
    %mul3A_2100 = arith.muli %mul3A_2099, %iota3A : vector<16xi32>
    %add3A_2101 = arith.addi %mul3A_2100, %add3A_298 : vector<16xi32>
    %rem3A_2102 = arith.constant 128 : i32
    %rem3A_2103 = vector.broadcast %rem3A_2102 : i32 to vector<16xi32>
    %rem3A_2104 = arith.remsi %add3A_2101, %rem3A_2103 : vector<16xi32>
    %mul3A_2105 = arith.constant 32 : i32
    %mul3A_2106 = vector.broadcast %mul3A_2105 : i32 to vector<16xi32>
    %mul3A_2107 = arith.muli %mul3A_2106, %iota3A : vector<16xi32>
    %add3A_2108 = arith.addi %mul3A_2107, %add3A_326 : vector<16xi32>
    %rem3A_2109 = arith.constant 128 : i32
    %rem3A_2110 = vector.broadcast %rem3A_2109 : i32 to vector<16xi32>
    %rem3A_2111 = arith.remsi %add3A_2108, %rem3A_2110 : vector<16xi32>
    %mul3A_2112 = arith.constant 32 : i32
    %mul3A_2113 = vector.broadcast %mul3A_2112 : i32 to vector<16xi32>
    %mul3A_2114 = arith.muli %mul3A_2113, %iota3A : vector<16xi32>
    %add3A_2115 = arith.addi %mul3A_2114, %add3A_354 : vector<16xi32>
    %rem3A_2116 = arith.constant 128 : i32
    %rem3A_2117 = vector.broadcast %rem3A_2116 : i32 to vector<16xi32>
    %rem3A_2118 = arith.remsi %add3A_2115, %rem3A_2117 : vector<16xi32>
    %mul3A_2119 = arith.constant 32 : i32
    %mul3A_2120 = vector.broadcast %mul3A_2119 : i32 to vector<16xi32>
    %mul3A_2121 = arith.muli %mul3A_2120, %iota3A : vector<16xi32>
    %add3A_2122 = arith.addi %mul3A_2121, %add3A_382 : vector<16xi32>
    %rem3A_2123 = arith.constant 128 : i32
    %rem3A_2124 = vector.broadcast %rem3A_2123 : i32 to vector<16xi32>
    %rem3A_2125 = arith.remsi %add3A_2122, %rem3A_2124 : vector<16xi32>
    %mul3A_2126 = arith.constant 32 : i32
    %mul3A_2127 = vector.broadcast %mul3A_2126 : i32 to vector<16xi32>
    %mul3A_2128 = arith.muli %mul3A_2127, %iota3A : vector<16xi32>
    %add3A_2129 = arith.addi %mul3A_2128, %add3A_410 : vector<16xi32>
    %rem3A_2130 = arith.constant 128 : i32
    %rem3A_2131 = vector.broadcast %rem3A_2130 : i32 to vector<16xi32>
    %rem3A_2132 = arith.remsi %add3A_2129, %rem3A_2131 : vector<16xi32>
    %mul3A_2133 = arith.constant 32 : i32
    %mul3A_2134 = vector.broadcast %mul3A_2133 : i32 to vector<16xi32>
    %mul3A_2135 = arith.muli %mul3A_2134, %iota3A : vector<16xi32>
    %add3A_2136 = arith.addi %mul3A_2135, %add3A_438 : vector<16xi32>
    %rem3A_2137 = arith.constant 128 : i32
    %rem3A_2138 = vector.broadcast %rem3A_2137 : i32 to vector<16xi32>
    %rem3A_2139 = arith.remsi %add3A_2136, %rem3A_2138 : vector<16xi32>
    %mul3A_2140 = arith.constant 32 : i32
    %mul3A_2141 = vector.broadcast %mul3A_2140 : i32 to vector<16xi32>
    %mul3A_2142 = arith.muli %mul3A_2141, %iota3A : vector<16xi32>
    %add3A_2143 = arith.addi %mul3A_2142, %add3A_466 : vector<16xi32>
    %rem3A_2144 = arith.constant 128 : i32
    %rem3A_2145 = vector.broadcast %rem3A_2144 : i32 to vector<16xi32>
    %rem3A_2146 = arith.remsi %add3A_2143, %rem3A_2145 : vector<16xi32>
    %mul3A_2147 = arith.constant 32 : i32
    %mul3A_2148 = vector.broadcast %mul3A_2147 : i32 to vector<16xi32>
    %mul3A_2149 = arith.muli %mul3A_2148, %iota3A : vector<16xi32>
    %add3A_2150 = arith.addi %mul3A_2149, %add3A_494 : vector<16xi32>
    %rem3A_2151 = arith.constant 128 : i32
    %rem3A_2152 = vector.broadcast %rem3A_2151 : i32 to vector<16xi32>
    %rem3A_2153 = arith.remsi %add3A_2150, %rem3A_2152 : vector<16xi32>
    %mul3A_2154 = arith.constant 32 : i32
    %mul3A_2155 = vector.broadcast %mul3A_2154 : i32 to vector<16xi32>
    %mul3A_2156 = arith.muli %mul3A_2155, %iota3A : vector<16xi32>
    %add3A_2157 = arith.addi %mul3A_2156, %add3A_522 : vector<16xi32>
    %rem3A_2158 = arith.constant 128 : i32
    %rem3A_2159 = vector.broadcast %rem3A_2158 : i32 to vector<16xi32>
    %rem3A_2160 = arith.remsi %add3A_2157, %rem3A_2159 : vector<16xi32>
    %mul3A_2161 = arith.constant 32 : i32
    %mul3A_2162 = vector.broadcast %mul3A_2161 : i32 to vector<16xi32>
    %mul3A_2163 = arith.muli %mul3A_2162, %iota3A : vector<16xi32>
    %add3A_2164 = arith.addi %mul3A_2163, %add3A_550 : vector<16xi32>
    %rem3A_2165 = arith.constant 128 : i32
    %rem3A_2166 = vector.broadcast %rem3A_2165 : i32 to vector<16xi32>
    %rem3A_2167 = arith.remsi %add3A_2164, %rem3A_2166 : vector<16xi32>
    %mul3A_2168 = arith.constant 32 : i32
    %mul3A_2169 = vector.broadcast %mul3A_2168 : i32 to vector<16xi32>
    %mul3A_2170 = arith.muli %mul3A_2169, %iota3A : vector<16xi32>
    %add3A_2171 = arith.addi %mul3A_2170, %add3A_578 : vector<16xi32>
    %rem3A_2172 = arith.constant 128 : i32
    %rem3A_2173 = vector.broadcast %rem3A_2172 : i32 to vector<16xi32>
    %rem3A_2174 = arith.remsi %add3A_2171, %rem3A_2173 : vector<16xi32>
    %mul3A_2175 = arith.constant 32 : i32
    %mul3A_2176 = vector.broadcast %mul3A_2175 : i32 to vector<16xi32>
    %mul3A_2177 = arith.muli %mul3A_2176, %iota3A : vector<16xi32>
    %add3A_2178 = arith.addi %mul3A_2177, %add3A_606 : vector<16xi32>
    %rem3A_2179 = arith.constant 128 : i32
    %rem3A_2180 = vector.broadcast %rem3A_2179 : i32 to vector<16xi32>
    %rem3A_2181 = arith.remsi %add3A_2178, %rem3A_2180 : vector<16xi32>
    %mul3A_2182 = arith.constant 32 : i32
    %mul3A_2183 = vector.broadcast %mul3A_2182 : i32 to vector<16xi32>
    %mul3A_2184 = arith.muli %mul3A_2183, %iota3A : vector<16xi32>
    %add3A_2185 = arith.addi %mul3A_2184, %add3A_634 : vector<16xi32>
    %rem3A_2186 = arith.constant 128 : i32
    %rem3A_2187 = vector.broadcast %rem3A_2186 : i32 to vector<16xi32>
    %rem3A_2188 = arith.remsi %add3A_2185, %rem3A_2187 : vector<16xi32>
    %mul3A_2189 = arith.constant 32 : i32
    %mul3A_2190 = vector.broadcast %mul3A_2189 : i32 to vector<16xi32>
    %mul3A_2191 = arith.muli %mul3A_2190, %iota3A : vector<16xi32>
    %add3A_2192 = arith.addi %mul3A_2191, %add3A_662 : vector<16xi32>
    %rem3A_2193 = arith.constant 128 : i32
    %rem3A_2194 = vector.broadcast %rem3A_2193 : i32 to vector<16xi32>
    %rem3A_2195 = arith.remsi %add3A_2192, %rem3A_2194 : vector<16xi32>
    %mul3A_2196 = arith.constant 32 : i32
    %mul3A_2197 = vector.broadcast %mul3A_2196 : i32 to vector<16xi32>
    %mul3A_2198 = arith.muli %mul3A_2197, %iota3A : vector<16xi32>
    %add3A_2199 = arith.addi %mul3A_2198, %add3A_690 : vector<16xi32>
    %rem3A_2200 = arith.constant 128 : i32
    %rem3A_2201 = vector.broadcast %rem3A_2200 : i32 to vector<16xi32>
    %rem3A_2202 = arith.remsi %add3A_2199, %rem3A_2201 : vector<16xi32>
    %mul3A_2203 = arith.constant 32 : i32
    %mul3A_2204 = vector.broadcast %mul3A_2203 : i32 to vector<16xi32>
    %mul3A_2205 = arith.muli %mul3A_2204, %iota3A : vector<16xi32>
    %add3A_2206 = arith.addi %mul3A_2205, %add3A_718 : vector<16xi32>
    %rem3A_2207 = arith.constant 128 : i32
    %rem3A_2208 = vector.broadcast %rem3A_2207 : i32 to vector<16xi32>
    %rem3A_2209 = arith.remsi %add3A_2206, %rem3A_2208 : vector<16xi32>
    %mul3A_2210 = arith.constant 32 : i32
    %mul3A_2211 = vector.broadcast %mul3A_2210 : i32 to vector<16xi32>
    %mul3A_2212 = arith.muli %mul3A_2211, %iota3A : vector<16xi32>
    %add3A_2213 = arith.addi %mul3A_2212, %add3A_746 : vector<16xi32>
    %rem3A_2214 = arith.constant 128 : i32
    %rem3A_2215 = vector.broadcast %rem3A_2214 : i32 to vector<16xi32>
    %rem3A_2216 = arith.remsi %add3A_2213, %rem3A_2215 : vector<16xi32>
    %mul3A_2217 = arith.constant 32 : i32
    %mul3A_2218 = vector.broadcast %mul3A_2217 : i32 to vector<16xi32>
    %mul3A_2219 = arith.muli %mul3A_2218, %iota3A : vector<16xi32>
    %add3A_2220 = arith.addi %mul3A_2219, %add3A_774 : vector<16xi32>
    %rem3A_2221 = arith.constant 128 : i32
    %rem3A_2222 = vector.broadcast %rem3A_2221 : i32 to vector<16xi32>
    %rem3A_2223 = arith.remsi %add3A_2220, %rem3A_2222 : vector<16xi32>
    %mul3A_2224 = arith.constant 32 : i32
    %mul3A_2225 = vector.broadcast %mul3A_2224 : i32 to vector<16xi32>
    %mul3A_2226 = arith.muli %mul3A_2225, %iota3A : vector<16xi32>
    %add3A_2227 = arith.addi %mul3A_2226, %add3A_802 : vector<16xi32>
    %rem3A_2228 = arith.constant 128 : i32
    %rem3A_2229 = vector.broadcast %rem3A_2228 : i32 to vector<16xi32>
    %rem3A_2230 = arith.remsi %add3A_2227, %rem3A_2229 : vector<16xi32>
    %mul3A_2231 = arith.constant 32 : i32
    %mul3A_2232 = vector.broadcast %mul3A_2231 : i32 to vector<16xi32>
    %mul3A_2233 = arith.muli %mul3A_2232, %iota3A : vector<16xi32>
    %add3A_2234 = arith.addi %mul3A_2233, %add3A_830 : vector<16xi32>
    %rem3A_2235 = arith.constant 128 : i32
    %rem3A_2236 = vector.broadcast %rem3A_2235 : i32 to vector<16xi32>
    %rem3A_2237 = arith.remsi %add3A_2234, %rem3A_2236 : vector<16xi32>
    %mul3A_2238 = arith.constant 32 : i32
    %mul3A_2239 = vector.broadcast %mul3A_2238 : i32 to vector<16xi32>
    %mul3A_2240 = arith.muli %mul3A_2239, %iota3A : vector<16xi32>
    %add3A_2241 = arith.addi %mul3A_2240, %add3A_858 : vector<16xi32>
    %rem3A_2242 = arith.constant 128 : i32
    %rem3A_2243 = vector.broadcast %rem3A_2242 : i32 to vector<16xi32>
    %rem3A_2244 = arith.remsi %add3A_2241, %rem3A_2243 : vector<16xi32>
    %mul3A_2245 = arith.constant 32 : i32
    %mul3A_2246 = vector.broadcast %mul3A_2245 : i32 to vector<16xi32>
    %mul3A_2247 = arith.muli %mul3A_2246, %iota3A : vector<16xi32>
    %add3A_2248 = arith.addi %mul3A_2247, %add3A_886 : vector<16xi32>
    %rem3A_2249 = arith.constant 128 : i32
    %rem3A_2250 = vector.broadcast %rem3A_2249 : i32 to vector<16xi32>
    %rem3A_2251 = arith.remsi %add3A_2248, %rem3A_2250 : vector<16xi32>
    %mul3A_2252 = arith.constant 32 : i32
    %mul3A_2253 = vector.broadcast %mul3A_2252 : i32 to vector<16xi32>
    %mul3A_2254 = arith.muli %mul3A_2253, %iota3A : vector<16xi32>
    %add3A_2255 = arith.addi %mul3A_2254, %add3A_914 : vector<16xi32>
    %rem3A_2256 = arith.constant 128 : i32
    %rem3A_2257 = vector.broadcast %rem3A_2256 : i32 to vector<16xi32>
    %rem3A_2258 = arith.remsi %add3A_2255, %rem3A_2257 : vector<16xi32>
    %gt3A = arith.constant 0 : i32
    %gt3A_2259 = arith.cmpi sgt, %add3A_20, %gt3A : i32
    %convert_element_type3A = arith.extui %gt3A_2259 : i1 to i32
    %cond3A = arith.constant 0 : i32
    %cond3A_2260 = arith.cmpi ne, %convert_element_type3A, %cond3A : i32
    scf.if %cond3A_2260 {
      %add3A_2266 = arith.constant 0 : i32
      %add3A_2267 = arith.addi %add3A_2266, %add3A : i32
      %mul3A_2268 = arith.constant 512 : i32
      %mul3A_2269 = arith.muli %add3A_2267, %mul3A_2268 : i32
      %dma_start3A = arith.constant 0 : i32
      %dma_start3A_2270 = arith.constant 0 : i32
      %dma_start3A_2271 = arith.constant 0 : i32
      %dma_start3A_2272 = tpu.memref_slice %arg5[%dma_start3A, %dma_start3A_2270, %dma_start3A_2271] : memref<2x32x512xf32, #tpu.memory_space<vmem>> -> memref<1x32x512xf32, #tpu.memory_space<vmem>>
      %dma_start3A_2273 = tpu.memref_squeeze %dma_start3A_2272 : memref<1x32x512xf32, #tpu.memory_space<vmem>> -> memref<32x512xf32, #tpu.memory_space<vmem>>
      %dma_start3A_2274 = arith.constant 0 : i32
      %dma_start3A_2275 = tpu.memref_slice %arg2[%dma_start3A_2274, %mul3A_2269] : memref<32x1000000xf32, #tpu.memory_space<hbm>> -> memref<32x512xf32, #tpu.memory_space<hbm>>
      %dma_start3A_2276 = arith.constant 0 : i32
      %dma_start3A_2277 = arith.constant 0 : i32
      %dma_start3A_2278 = tpu.memref_slice %arg5[%dma_start3A, %dma_start3A_2276, %dma_start3A_2277] : memref<2x32x512xf32, #tpu.memory_space<vmem>> -> memref<1x32x512xf32, #tpu.memory_space<vmem>>
      %dma_start3A_2279 = tpu.memref_squeeze %dma_start3A_2278 : memref<1x32x512xf32, #tpu.memory_space<vmem>> -> memref<32x512xf32, #tpu.memory_space<vmem>>
      %dma_start3A_2280 = arith.constant 0 : i32
      %dma_start3A_2281 = tpu.memref_slice %arg2[%dma_start3A_2280, %mul3A_2269] : memref<32x1000000xf32, #tpu.memory_space<hbm>> -> memref<32x512xf32, #tpu.memory_space<hbm>>
      tpu.enqueue_dma source(%dma_start3A_2281 : memref<32x512xf32, #tpu.memory_space<hbm>>) target(%dma_start3A_2279 : memref<32x512xf32, #tpu.memory_space<vmem>>) target_semaphore(%arg8 : memref<!tpu.dma_semaphore, #tpu.memory_space<semaphore_mem>>)
      %while3A = arith.constant 0 : i32
      %while3A_2282 = arith.constant 0 : i32
      %while3A_2283 = arith.subi %add3A_20, %while3A_2282 : i32
      %while3A_2284 = arith.addi %while3A_2282, %while3A_2283 : i32
      %while3A_2285 = arith.constant 1 : i32
      %while3A_2286 = arith.divsi %while3A_2283, %while3A_2285 : i32
      %while3A_2287 = arith.muli %while3A_2286, %while3A_2285 : i32
      %while3A_2288 = arith.addi %while3A_2282, %while3A_2287 : i32
      %while3A_2289 = arith.constant 1 : i32
      scf.for %while3A_2310 = %while3A_2282 to %while3A_2288 step %while3A_2289  : i32 {
        %rem3A_2311 = arith.constant 2 : i32
        %rem3A_2312 = arith.remsi %while3A_2310, %rem3A_2311 : i32
        %dma_wait3A_2313 = arith.constant 0 : i32
        %dma_wait3A_2314 = arith.constant 0 : i32
        %dma_wait3A_2315 = tpu.memref_slice %arg5[%rem3A_2312, %dma_wait3A_2313, %dma_wait3A_2314] : memref<2x32x512xf32, #tpu.memory_space<vmem>> -> memref<1x32x512xf32, #tpu.memory_space<vmem>>
        %dma_wait3A_2316 = tpu.memref_squeeze %dma_wait3A_2315 : memref<1x32x512xf32, #tpu.memory_space<vmem>> -> memref<32x512xf32, #tpu.memory_space<vmem>>
        %dma_wait3A_2317 = arith.constant 0 : i32
        %dma_wait3A_2318 = arith.constant 0 : i32
        %dma_wait3A_2319 = tpu.memref_slice %arg2[%dma_wait3A_2317, %dma_wait3A_2318] : memref<32x1000000xf32, #tpu.memory_space<hbm>> -> memref<32x512xf32, #tpu.memory_space<hbm>>
        %dma_wait3A_2320 = arith.constant 0 : i32
        %dma_wait3A_2321 = arith.constant 0 : i32
        %dma_wait3A_2322 = tpu.memref_slice %arg5[%rem3A_2312, %dma_wait3A_2320, %dma_wait3A_2321] : memref<2x32x512xf32, #tpu.memory_space<vmem>> -> memref<1x32x512xf32, #tpu.memory_space<vmem>>
        %dma_wait3A_2323 = tpu.memref_squeeze %dma_wait3A_2322 : memref<1x32x512xf32, #tpu.memory_space<vmem>> -> memref<32x512xf32, #tpu.memory_space<vmem>>
        %dma_wait3A_2324 = arith.constant 0 : i32
        %dma_wait3A_2325 = arith.constant 0 : i32
        %dma_wait3A_2326 = tpu.memref_slice %arg2[%dma_wait3A_2324, %dma_wait3A_2325] : memref<32x1000000xf32, #tpu.memory_space<hbm>> -> memref<32x512xf32, #tpu.memory_space<hbm>>
        tpu.wait_dma2 semaphore(%arg8 : memref<!tpu.dma_semaphore, #tpu.memory_space<semaphore_mem>>) src(%dma_wait3A_2326 : memref<32x512xf32, #tpu.memory_space<hbm>>) dst(%dma_wait3A_2323 : memref<32x512xf32, #tpu.memory_space<vmem>>)
        %add3A_2327 = arith.constant 1 : i32
        %add3A_2328 = arith.addi %while3A_2310, %add3A_2327 : i32
        %lt3A_2329 = arith.cmpi slt, %add3A_2328, %add3A_20 : i32
        %convert_element_type3A_2330 = arith.extui %lt3A_2329 : i1 to i32
        %cond3A_2331 = arith.constant 0 : i32
        %cond3A_2332 = arith.cmpi ne, %convert_element_type3A_2330, %cond3A_2331 : i32
        scf.if %cond3A_2332 {
          %add3A_2359 = arith.constant 1 : i32
          %add3A_2360 = arith.addi %while3A_2310, %add3A_2359 : i32
          %mul3A_2361 = arith.constant 32 : i32
          %mul3A_2362 = arith.muli %add3A_2360, %mul3A_2361 : i32
          %add3A_2363 = arith.addi %mul3A_2362, %add3A : i32
          %sub3A_2364 = arith.constant 1 : i32
          %sub3A_2365 = arith.subi %sub3A_2364, %rem3A_2312 : i32
          %mul3A_2366 = arith.constant 512 : i32
          %mul3A_2367 = arith.muli %add3A_2363, %mul3A_2366 : i32
          %dma_start3A_2368 = arith.constant 0 : i32
          %dma_start3A_2369 = arith.constant 0 : i32
          %dma_start3A_2370 = tpu.memref_slice %arg5[%sub3A_2365, %dma_start3A_2368, %dma_start3A_2369] : memref<2x32x512xf32, #tpu.memory_space<vmem>> -> memref<1x32x512xf32, #tpu.memory_space<vmem>>
          %dma_start3A_2371 = tpu.memref_squeeze %dma_start3A_2370 : memref<1x32x512xf32, #tpu.memory_space<vmem>> -> memref<32x512xf32, #tpu.memory_space<vmem>>
          %dma_start3A_2372 = arith.constant 0 : i32
          %dma_start3A_2373 = tpu.memref_slice %arg2[%dma_start3A_2372, %mul3A_2367] : memref<32x1000000xf32, #tpu.memory_space<hbm>> -> memref<32x512xf32, #tpu.memory_space<hbm>>
          %dma_start3A_2374 = arith.constant 0 : i32
          %dma_start3A_2375 = arith.constant 0 : i32
          %dma_start3A_2376 = tpu.memref_slice %arg5[%sub3A_2365, %dma_start3A_2374, %dma_start3A_2375] : memref<2x32x512xf32, #tpu.memory_space<vmem>> -> memref<1x32x512xf32, #tpu.memory_space<vmem>>
          %dma_start3A_2377 = tpu.memref_squeeze %dma_start3A_2376 : memref<1x32x512xf32, #tpu.memory_space<vmem>> -> memref<32x512xf32, #tpu.memory_space<vmem>>
          %dma_start3A_2378 = arith.constant 0 : i32
          %dma_start3A_2379 = tpu.memref_slice %arg2[%dma_start3A_2378, %mul3A_2367] : memref<32x1000000xf32, #tpu.memory_space<hbm>> -> memref<32x512xf32, #tpu.memory_space<hbm>>
          tpu.enqueue_dma source(%dma_start3A_2379 : memref<32x512xf32, #tpu.memory_space<hbm>>) target(%dma_start3A_2377 : memref<32x512xf32, #tpu.memory_space<vmem>>) target_semaphore(%arg8 : memref<!tpu.dma_semaphore, #tpu.memory_space<semaphore_mem>>)
        } else {
        }
        %ge3A = arith.constant 2 : i32
        %ge3A_2333 = arith.cmpi sge, %while3A_2310, %ge3A : i32
        %convert_element_type3A_2334 = arith.extui %ge3A_2333 : i1 to i32
        %cond3A_2335 = arith.constant 0 : i32
        %cond3A_2336 = arith.cmpi ne, %convert_element_type3A_2334, %cond3A_2335 : i32
        scf.if %cond3A_2336 {
          %sub3A_2359 = arith.constant 2 : i32
          %sub3A_2360 = arith.subi %while3A_2310, %sub3A_2359 : i32
          %mul3A_2361 = arith.constant 32 : i32
          %mul3A_2362 = arith.muli %sub3A_2360, %mul3A_2361 : i32
          %add3A_2363 = arith.addi %mul3A_2362, %add3A : i32
          %mul3A_2364 = arith.constant 128 : i32
          %mul3A_2365 = arith.muli %add3A_2363, %mul3A_2364 : i32
          %dma_wait3A_2366 = arith.constant 0 : i32
          %dma_wait3A_2367 = arith.constant 0 : i32
          %dma_wait3A_2368 = tpu.memref_slice %arg6[%rem3A_2312, %dma_wait3A_2366, %dma_wait3A_2367] : memref<2x128x128xf32, #tpu.memory_space<vmem>> -> memref<1x128x128xf32, #tpu.memory_space<vmem>>
          %dma_wait3A_2369 = tpu.memref_squeeze %dma_wait3A_2368 : memref<1x128x128xf32, #tpu.memory_space<vmem>> -> memref<128x128xf32, #tpu.memory_space<vmem>>
          %dma_wait3A_2370 = arith.constant 0 : i32
          %dma_wait3A_2371 = tpu.memref_slice %arg4[%mul3A_2365, %dma_wait3A_2370] : memref<250000x128xf32, #tpu.memory_space<hbm>> -> memref<128x128xf32, #tpu.memory_space<hbm>>
          %dma_wait3A_2372 = arith.constant 0 : i32
          %dma_wait3A_2373 = tpu.memref_slice %arg4[%mul3A_2365, %dma_wait3A_2372] : memref<250000x128xf32, #tpu.memory_space<hbm>> -> memref<128x128xf32, #tpu.memory_space<hbm>>
          %dma_wait3A_2374 = arith.constant 0 : i32
          %dma_wait3A_2375 = arith.constant 0 : i32
          %dma_wait3A_2376 = tpu.memref_slice %arg6[%rem3A_2312, %dma_wait3A_2374, %dma_wait3A_2375] : memref<2x128x128xf32, #tpu.memory_space<vmem>> -> memref<1x128x128xf32, #tpu.memory_space<vmem>>
          %dma_wait3A_2377 = tpu.memref_squeeze %dma_wait3A_2376 : memref<1x128x128xf32, #tpu.memory_space<vmem>> -> memref<128x128xf32, #tpu.memory_space<vmem>>
          tpu.wait_dma2 semaphore(%arg9 : memref<!tpu.dma_semaphore, #tpu.memory_space<semaphore_mem>>) src(%dma_wait3A_2377 : memref<128x128xf32, #tpu.memory_space<vmem>>) dst(%dma_wait3A_2373 : memref<128x128xf32, #tpu.memory_space<hbm>>)
        } else {
        }
        %scan3A = arith.constant 0 : i32
        %scan3A_2337 = arith.constant 0 : i32
        %scan3A_2338 = arith.constant 32 : i32
        %scan3A_2339 = arith.addi %scan3A_2337, %scan3A_2338 : i32
        %scan3A_2340 = arith.constant 1 : i32
        scf.for %scan3A_2359 = %scan3A_2337 to %scan3A_2339 step %scan3A_2340  : i32 {
          %mul3A_2360 = arith.constant 16 : i32
          %mul3A_2361 = arith.muli %scan3A_2359, %mul3A_2360 : i32
          %add3A_2362 = vector.broadcast %mul3A_2361 : i32 to vector<16xi32>
          %add3A_2363 = arith.addi %add3A_2362, %iota3A : vector<16xi32>
          %gather3A = arith.constant 0 : i32
          %gather3A_2364 = arith.constant 0 : i32
          %gather3A_2365 = tpu.memref_slice %arg5[%rem3A_2312, %gather3A, %gather3A_2364] : memref<2x32x512xf32, #tpu.memory_space<vmem>> -> memref<1x32x512xf32, #tpu.memory_space<vmem>>
          %gather3A_2366 = tpu.memref_squeeze %gather3A_2365 : memref<1x32x512xf32, #tpu.memory_space<vmem>> -> memref<32x512xf32, #tpu.memory_space<vmem>>
          %gather3A_2367 = tpu.vector_load_idx %gather3A_2366[%add3A_46, %add3A_2363] : memref<32x512xf32, #tpu.memory_space<vmem>>[vector<16xi32>, vector<16xi32>], vector<16xf32>,
          %mul3A_2368 = arith.constant 4 : i32
          %mul3A_2369 = arith.muli %mul3A_2368, %scan3A_2359 : i32
          %add3A_2370 = vector.broadcast %mul3A_2369 : i32 to vector<16xi32>
          %add3A_2371 = arith.addi %add3A_2370, %select_n3A_949 : vector<16xi32>
          %scatter3A = arith.constant 0 : i32
          %scatter3A_2372 = arith.constant 0 : i32
          %scatter3A_2373 = tpu.memref_slice %arg6[%rem3A_2312, %scatter3A, %scatter3A_2372] : memref<2x128x128xf32, #tpu.memory_space<vmem>> -> memref<1x128x128xf32, #tpu.memory_space<vmem>>
          %scatter3A_2374 = tpu.memref_squeeze %scatter3A_2373 : memref<1x128x128xf32, #tpu.memory_space<vmem>> -> memref<128x128xf32, #tpu.memory_space<vmem>>
          tpu.vector_store_idx %scatter3A_2374[%add3A_2371, %rem3A_2041], %gather3A_2367 : memref<128x128xf32, #tpu.memory_space<vmem>>[vector<16xi32>, vector<16xi32>], vector<16xf32>,
          %gather3A_2375 = arith.constant 0 : i32
          %gather3A_2376 = arith.constant 0 : i32
          %gather3A_2377 = tpu.memref_slice %arg5[%rem3A_2312, %gather3A_2375, %gather3A_2376] : memref<2x32x512xf32, #tpu.memory_space<vmem>> -> memref<1x32x512xf32, #tpu.memory_space<vmem>>
          %gather3A_2378 = tpu.memref_squeeze %gather3A_2377 : memref<1x32x512xf32, #tpu.memory_space<vmem>> -> memref<32x512xf32, #tpu.memory_space<vmem>>
          %gather3A_2379 = tpu.vector_load_idx %gather3A_2378[%add3A_74, %add3A_2363] : memref<32x512xf32, #tpu.memory_space<vmem>>[vector<16xi32>, vector<16xi32>], vector<16xf32>,
          %mul3A_2380 = arith.constant 4 : i32
          %mul3A_2381 = arith.muli %mul3A_2380, %scan3A_2359 : i32
          %add3A_2382 = vector.broadcast %mul3A_2381 : i32 to vector<16xi32>
          %add3A_2383 = arith.addi %add3A_2382, %select_n3A_984 : vector<16xi32>
          %scatter3A_2384 = arith.constant 0 : i32
          %scatter3A_2385 = arith.constant 0 : i32
          %scatter3A_2386 = tpu.memref_slice %arg6[%rem3A_2312, %scatter3A_2384, %scatter3A_2385] : memref<2x128x128xf32, #tpu.memory_space<vmem>> -> memref<1x128x128xf32, #tpu.memory_space<vmem>>
          %scatter3A_2387 = tpu.memref_squeeze %scatter3A_2386 : memref<1x128x128xf32, #tpu.memory_space<vmem>> -> memref<128x128xf32, #tpu.memory_space<vmem>>
          tpu.vector_store_idx %scatter3A_2387[%add3A_2383, %rem3A_2048], %gather3A_2379 : memref<128x128xf32, #tpu.memory_space<vmem>>[vector<16xi32>, vector<16xi32>], vector<16xf32>,
          %gather3A_2388 = arith.constant 0 : i32
          %gather3A_2389 = arith.constant 0 : i32
          %gather3A_2390 = tpu.memref_slice %arg5[%rem3A_2312, %gather3A_2388, %gather3A_2389] : memref<2x32x512xf32, #tpu.memory_space<vmem>> -> memref<1x32x512xf32, #tpu.memory_space<vmem>>
          %gather3A_2391 = tpu.memref_squeeze %gather3A_2390 : memref<1x32x512xf32, #tpu.memory_space<vmem>> -> memref<32x512xf32, #tpu.memory_space<vmem>>
          %gather3A_2392 = tpu.vector_load_idx %gather3A_2391[%add3A_102, %add3A_2363] : memref<32x512xf32, #tpu.memory_space<vmem>>[vector<16xi32>, vector<16xi32>], vector<16xf32>,
          %mul3A_2393 = arith.constant 4 : i32
          %mul3A_2394 = arith.muli %mul3A_2393, %scan3A_2359 : i32
          %add3A_2395 = vector.broadcast %mul3A_2394 : i32 to vector<16xi32>
          %add3A_2396 = arith.addi %add3A_2395, %select_n3A_1019 : vector<16xi32>
          %scatter3A_2397 = arith.constant 0 : i32
          %scatter3A_2398 = arith.constant 0 : i32
          %scatter3A_2399 = tpu.memref_slice %arg6[%rem3A_2312, %scatter3A_2397, %scatter3A_2398] : memref<2x128x128xf32, #tpu.memory_space<vmem>> -> memref<1x128x128xf32, #tpu.memory_space<vmem>>
          %scatter3A_2400 = tpu.memref_squeeze %scatter3A_2399 : memref<1x128x128xf32, #tpu.memory_space<vmem>> -> memref<128x128xf32, #tpu.memory_space<vmem>>
          tpu.vector_store_idx %scatter3A_2400[%add3A_2396, %rem3A_2055], %gather3A_2392 : memref<128x128xf32, #tpu.memory_space<vmem>>[vector<16xi32>, vector<16xi32>], vector<16xf32>,
          %gather3A_2401 = arith.constant 0 : i32
          %gather3A_2402 = arith.constant 0 : i32
          %gather3A_2403 = tpu.memref_slice %arg5[%rem3A_2312, %gather3A_2401, %gather3A_2402] : memref<2x32x512xf32, #tpu.memory_space<vmem>> -> memref<1x32x512xf32, #tpu.memory_space<vmem>>
          %gather3A_2404 = tpu.memref_squeeze %gather3A_2403 : memref<1x32x512xf32, #tpu.memory_space<vmem>> -> memref<32x512xf32, #tpu.memory_space<vmem>>
          %gather3A_2405 = tpu.vector_load_idx %gather3A_2404[%add3A_130, %add3A_2363] : memref<32x512xf32, #tpu.memory_space<vmem>>[vector<16xi32>, vector<16xi32>], vector<16xf32>,
          %mul3A_2406 = arith.constant 4 : i32
          %mul3A_2407 = arith.muli %mul3A_2406, %scan3A_2359 : i32
          %add3A_2408 = vector.broadcast %mul3A_2407 : i32 to vector<16xi32>
          %add3A_2409 = arith.addi %add3A_2408, %select_n3A_1054 : vector<16xi32>
          %scatter3A_2410 = arith.constant 0 : i32
          %scatter3A_2411 = arith.constant 0 : i32
          %scatter3A_2412 = tpu.memref_slice %arg6[%rem3A_2312, %scatter3A_2410, %scatter3A_2411] : memref<2x128x128xf32, #tpu.memory_space<vmem>> -> memref<1x128x128xf32, #tpu.memory_space<vmem>>
          %scatter3A_2413 = tpu.memref_squeeze %scatter3A_2412 : memref<1x128x128xf32, #tpu.memory_space<vmem>> -> memref<128x128xf32, #tpu.memory_space<vmem>>
          tpu.vector_store_idx %scatter3A_2413[%add3A_2409, %rem3A_2062], %gather3A_2405 : memref<128x128xf32, #tpu.memory_space<vmem>>[vector<16xi32>, vector<16xi32>], vector<16xf32>,
          %gather3A_2414 = arith.constant 0 : i32
          %gather3A_2415 = arith.constant 0 : i32
          %gather3A_2416 = tpu.memref_slice %arg5[%rem3A_2312, %gather3A_2414, %gather3A_2415] : memref<2x32x512xf32, #tpu.memory_space<vmem>> -> memref<1x32x512xf32, #tpu.memory_space<vmem>>
          %gather3A_2417 = tpu.memref_squeeze %gather3A_2416 : memref<1x32x512xf32, #tpu.memory_space<vmem>> -> memref<32x512xf32, #tpu.memory_space<vmem>>
          %gather3A_2418 = tpu.vector_load_idx %gather3A_2417[%add3A_158, %add3A_2363] : memref<32x512xf32, #tpu.memory_space<vmem>>[vector<16xi32>, vector<16xi32>], vector<16xf32>,
          %mul3A_2419 = arith.constant 4 : i32
          %mul3A_2420 = arith.muli %mul3A_2419, %scan3A_2359 : i32
          %add3A_2421 = vector.broadcast %mul3A_2420 : i32 to vector<16xi32>
          %add3A_2422 = arith.addi %add3A_2421, %select_n3A_1089 : vector<16xi32>
          %scatter3A_2423 = arith.constant 0 : i32
          %scatter3A_2424 = arith.constant 0 : i32
          %scatter3A_2425 = tpu.memref_slice %arg6[%rem3A_2312, %scatter3A_2423, %scatter3A_2424] : memref<2x128x128xf32, #tpu.memory_space<vmem>> -> memref<1x128x128xf32, #tpu.memory_space<vmem>>
          %scatter3A_2426 = tpu.memref_squeeze %scatter3A_2425 : memref<1x128x128xf32, #tpu.memory_space<vmem>> -> memref<128x128xf32, #tpu.memory_space<vmem>>
          tpu.vector_store_idx %scatter3A_2426[%add3A_2422, %rem3A_2069], %gather3A_2418 : memref<128x128xf32, #tpu.memory_space<vmem>>[vector<16xi32>, vector<16xi32>], vector<16xf32>,
          %gather3A_2427 = arith.constant 0 : i32
          %gather3A_2428 = arith.constant 0 : i32
          %gather3A_2429 = tpu.memref_slice %arg5[%rem3A_2312, %gather3A_2427, %gather3A_2428] : memref<2x32x512xf32, #tpu.memory_space<vmem>> -> memref<1x32x512xf32, #tpu.memory_space<vmem>>
          %gather3A_2430 = tpu.memref_squeeze %gather3A_2429 : memref<1x32x512xf32, #tpu.memory_space<vmem>> -> memref<32x512xf32, #tpu.memory_space<vmem>>
          %gather3A_2431 = tpu.vector_load_idx %gather3A_2430[%add3A_186, %add3A_2363] : memref<32x512xf32, #tpu.memory_space<vmem>>[vector<16xi32>, vector<16xi32>], vector<16xf32>,
          %mul3A_2432 = arith.constant 4 : i32
          %mul3A_2433 = arith.muli %mul3A_2432, %scan3A_2359 : i32
          %add3A_2434 = vector.broadcast %mul3A_2433 : i32 to vector<16xi32>
          %add3A_2435 = arith.addi %add3A_2434, %select_n3A_1124 : vector<16xi32>
          %scatter3A_2436 = arith.constant 0 : i32
          %scatter3A_2437 = arith.constant 0 : i32
          %scatter3A_2438 = tpu.memref_slice %arg6[%rem3A_2312, %scatter3A_2436, %scatter3A_2437] : memref<2x128x128xf32, #tpu.memory_space<vmem>> -> memref<1x128x128xf32, #tpu.memory_space<vmem>>
          %scatter3A_2439 = tpu.memref_squeeze %scatter3A_2438 : memref<1x128x128xf32, #tpu.memory_space<vmem>> -> memref<128x128xf32, #tpu.memory_space<vmem>>
          tpu.vector_store_idx %scatter3A_2439[%add3A_2435, %rem3A_2076], %gather3A_2431 : memref<128x128xf32, #tpu.memory_space<vmem>>[vector<16xi32>, vector<16xi32>], vector<16xf32>,
          %gather3A_2440 = arith.constant 0 : i32
          %gather3A_2441 = arith.constant 0 : i32
          %gather3A_2442 = tpu.memref_slice %arg5[%rem3A_2312, %gather3A_2440, %gather3A_2441] : memref<2x32x512xf32, #tpu.memory_space<vmem>> -> memref<1x32x512xf32, #tpu.memory_space<vmem>>
          %gather3A_2443 = tpu.memref_squeeze %gather3A_2442 : memref<1x32x512xf32, #tpu.memory_space<vmem>> -> memref<32x512xf32, #tpu.memory_space<vmem>>
          %gather3A_2444 = tpu.vector_load_idx %gather3A_2443[%add3A_214, %add3A_2363] : memref<32x512xf32, #tpu.memory_space<vmem>>[vector<16xi32>, vector<16xi32>], vector<16xf32>,
          %mul3A_2445 = arith.constant 4 : i32
          %mul3A_2446 = arith.muli %mul3A_2445, %scan3A_2359 : i32
          %add3A_2447 = vector.broadcast %mul3A_2446 : i32 to vector<16xi32>
          %add3A_2448 = arith.addi %add3A_2447, %select_n3A_1159 : vector<16xi32>
          %scatter3A_2449 = arith.constant 0 : i32
          %scatter3A_2450 = arith.constant 0 : i32
          %scatter3A_2451 = tpu.memref_slice %arg6[%rem3A_2312, %scatter3A_2449, %scatter3A_2450] : memref<2x128x128xf32, #tpu.memory_space<vmem>> -> memref<1x128x128xf32, #tpu.memory_space<vmem>>
          %scatter3A_2452 = tpu.memref_squeeze %scatter3A_2451 : memref<1x128x128xf32, #tpu.memory_space<vmem>> -> memref<128x128xf32, #tpu.memory_space<vmem>>
          tpu.vector_store_idx %scatter3A_2452[%add3A_2448, %rem3A_2083], %gather3A_2444 : memref<128x128xf32, #tpu.memory_space<vmem>>[vector<16xi32>, vector<16xi32>], vector<16xf32>,
          %gather3A_2453 = arith.constant 0 : i32
          %gather3A_2454 = arith.constant 0 : i32
          %gather3A_2455 = tpu.memref_slice %arg5[%rem3A_2312, %gather3A_2453, %gather3A_2454] : memref<2x32x512xf32, #tpu.memory_space<vmem>> -> memref<1x32x512xf32, #tpu.memory_space<vmem>>
          %gather3A_2456 = tpu.memref_squeeze %gather3A_2455 : memref<1x32x512xf32, #tpu.memory_space<vmem>> -> memref<32x512xf32, #tpu.memory_space<vmem>>
          %gather3A_2457 = tpu.vector_load_idx %gather3A_2456[%add3A_242, %add3A_2363] : memref<32x512xf32, #tpu.memory_space<vmem>>[vector<16xi32>, vector<16xi32>], vector<16xf32>,
          %mul3A_2458 = arith.constant 4 : i32
          %mul3A_2459 = arith.muli %mul3A_2458, %scan3A_2359 : i32
          %add3A_2460 = vector.broadcast %mul3A_2459 : i32 to vector<16xi32>
          %add3A_2461 = arith.addi %add3A_2460, %select_n3A_1194 : vector<16xi32>
          %scatter3A_2462 = arith.constant 0 : i32
          %scatter3A_2463 = arith.constant 0 : i32
          %scatter3A_2464 = tpu.memref_slice %arg6[%rem3A_2312, %scatter3A_2462, %scatter3A_2463] : memref<2x128x128xf32, #tpu.memory_space<vmem>> -> memref<1x128x128xf32, #tpu.memory_space<vmem>>
          %scatter3A_2465 = tpu.memref_squeeze %scatter3A_2464 : memref<1x128x128xf32, #tpu.memory_space<vmem>> -> memref<128x128xf32, #tpu.memory_space<vmem>>
          tpu.vector_store_idx %scatter3A_2465[%add3A_2461, %rem3A_2090], %gather3A_2457 : memref<128x128xf32, #tpu.memory_space<vmem>>[vector<16xi32>, vector<16xi32>], vector<16xf32>,
          %gather3A_2466 = arith.constant 0 : i32
          %gather3A_2467 = arith.constant 0 : i32
          %gather3A_2468 = tpu.memref_slice %arg5[%rem3A_2312, %gather3A_2466, %gather3A_2467] : memref<2x32x512xf32, #tpu.memory_space<vmem>> -> memref<1x32x512xf32, #tpu.memory_space<vmem>>
          %gather3A_2469 = tpu.memref_squeeze %gather3A_2468 : memref<1x32x512xf32, #tpu.memory_space<vmem>> -> memref<32x512xf32, #tpu.memory_space<vmem>>
          %gather3A_2470 = tpu.vector_load_idx %gather3A_2469[%add3A_270, %add3A_2363] : memref<32x512xf32, #tpu.memory_space<vmem>>[vector<16xi32>, vector<16xi32>], vector<16xf32>,
          %mul3A_2471 = arith.constant 4 : i32
          %mul3A_2472 = arith.muli %mul3A_2471, %scan3A_2359 : i32
          %add3A_2473 = vector.broadcast %mul3A_2472 : i32 to vector<16xi32>
          %add3A_2474 = arith.addi %add3A_2473, %select_n3A_1229 : vector<16xi32>
          %scatter3A_2475 = arith.constant 0 : i32
          %scatter3A_2476 = arith.constant 0 : i32
          %scatter3A_2477 = tpu.memref_slice %arg6[%rem3A_2312, %scatter3A_2475, %scatter3A_2476] : memref<2x128x128xf32, #tpu.memory_space<vmem>> -> memref<1x128x128xf32, #tpu.memory_space<vmem>>
          %scatter3A_2478 = tpu.memref_squeeze %scatter3A_2477 : memref<1x128x128xf32, #tpu.memory_space<vmem>> -> memref<128x128xf32, #tpu.memory_space<vmem>>
          tpu.vector_store_idx %scatter3A_2478[%add3A_2474, %rem3A_2097], %gather3A_2470 : memref<128x128xf32, #tpu.memory_space<vmem>>[vector<16xi32>, vector<16xi32>], vector<16xf32>,
          %gather3A_2479 = arith.constant 0 : i32
          %gather3A_2480 = arith.constant 0 : i32
          %gather3A_2481 = tpu.memref_slice %arg5[%rem3A_2312, %gather3A_2479, %gather3A_2480] : memref<2x32x512xf32, #tpu.memory_space<vmem>> -> memref<1x32x512xf32, #tpu.memory_space<vmem>>
          %gather3A_2482 = tpu.memref_squeeze %gather3A_2481 : memref<1x32x512xf32, #tpu.memory_space<vmem>> -> memref<32x512xf32, #tpu.memory_space<vmem>>
          %gather3A_2483 = tpu.vector_load_idx %gather3A_2482[%add3A_298, %add3A_2363] : memref<32x512xf32, #tpu.memory_space<vmem>>[vector<16xi32>, vector<16xi32>], vector<16xf32>,
          %mul3A_2484 = arith.constant 4 : i32
          %mul3A_2485 = arith.muli %mul3A_2484, %scan3A_2359 : i32
          %add3A_2486 = vector.broadcast %mul3A_2485 : i32 to vector<16xi32>
          %add3A_2487 = arith.addi %add3A_2486, %select_n3A_1264 : vector<16xi32>
          %scatter3A_2488 = arith.constant 0 : i32
          %scatter3A_2489 = arith.constant 0 : i32
          %scatter3A_2490 = tpu.memref_slice %arg6[%rem3A_2312, %scatter3A_2488, %scatter3A_2489] : memref<2x128x128xf32, #tpu.memory_space<vmem>> -> memref<1x128x128xf32, #tpu.memory_space<vmem>>
          %scatter3A_2491 = tpu.memref_squeeze %scatter3A_2490 : memref<1x128x128xf32, #tpu.memory_space<vmem>> -> memref<128x128xf32, #tpu.memory_space<vmem>>
          tpu.vector_store_idx %scatter3A_2491[%add3A_2487, %rem3A_2104], %gather3A_2483 : memref<128x128xf32, #tpu.memory_space<vmem>>[vector<16xi32>, vector<16xi32>], vector<16xf32>,
          %gather3A_2492 = arith.constant 0 : i32
          %gather3A_2493 = arith.constant 0 : i32
          %gather3A_2494 = tpu.memref_slice %arg5[%rem3A_2312, %gather3A_2492, %gather3A_2493] : memref<2x32x512xf32, #tpu.memory_space<vmem>> -> memref<1x32x512xf32, #tpu.memory_space<vmem>>
          %gather3A_2495 = tpu.memref_squeeze %gather3A_2494 : memref<1x32x512xf32, #tpu.memory_space<vmem>> -> memref<32x512xf32, #tpu.memory_space<vmem>>
          %gather3A_2496 = tpu.vector_load_idx %gather3A_2495[%add3A_326, %add3A_2363] : memref<32x512xf32, #tpu.memory_space<vmem>>[vector<16xi32>, vector<16xi32>], vector<16xf32>,
          %mul3A_2497 = arith.constant 4 : i32
          %mul3A_2498 = arith.muli %mul3A_2497, %scan3A_2359 : i32
          %add3A_2499 = vector.broadcast %mul3A_2498 : i32 to vector<16xi32>
          %add3A_2500 = arith.addi %add3A_2499, %select_n3A_1299 : vector<16xi32>
          %scatter3A_2501 = arith.constant 0 : i32
          %scatter3A_2502 = arith.constant 0 : i32
          %scatter3A_2503 = tpu.memref_slice %arg6[%rem3A_2312, %scatter3A_2501, %scatter3A_2502] : memref<2x128x128xf32, #tpu.memory_space<vmem>> -> memref<1x128x128xf32, #tpu.memory_space<vmem>>
          %scatter3A_2504 = tpu.memref_squeeze %scatter3A_2503 : memref<1x128x128xf32, #tpu.memory_space<vmem>> -> memref<128x128xf32, #tpu.memory_space<vmem>>
          tpu.vector_store_idx %scatter3A_2504[%add3A_2500, %rem3A_2111], %gather3A_2496 : memref<128x128xf32, #tpu.memory_space<vmem>>[vector<16xi32>, vector<16xi32>], vector<16xf32>,
          %gather3A_2505 = arith.constant 0 : i32
          %gather3A_2506 = arith.constant 0 : i32
          %gather3A_2507 = tpu.memref_slice %arg5[%rem3A_2312, %gather3A_2505, %gather3A_2506] : memref<2x32x512xf32, #tpu.memory_space<vmem>> -> memref<1x32x512xf32, #tpu.memory_space<vmem>>
          %gather3A_2508 = tpu.memref_squeeze %gather3A_2507 : memref<1x32x512xf32, #tpu.memory_space<vmem>> -> memref<32x512xf32, #tpu.memory_space<vmem>>
          %gather3A_2509 = tpu.vector_load_idx %gather3A_2508[%add3A_354, %add3A_2363] : memref<32x512xf32, #tpu.memory_space<vmem>>[vector<16xi32>, vector<16xi32>], vector<16xf32>,
          %mul3A_2510 = arith.constant 4 : i32
          %mul3A_2511 = arith.muli %mul3A_2510, %scan3A_2359 : i32
          %add3A_2512 = vector.broadcast %mul3A_2511 : i32 to vector<16xi32>
          %add3A_2513 = arith.addi %add3A_2512, %select_n3A_1334 : vector<16xi32>
          %scatter3A_2514 = arith.constant 0 : i32
          %scatter3A_2515 = arith.constant 0 : i32
          %scatter3A_2516 = tpu.memref_slice %arg6[%rem3A_2312, %scatter3A_2514, %scatter3A_2515] : memref<2x128x128xf32, #tpu.memory_space<vmem>> -> memref<1x128x128xf32, #tpu.memory_space<vmem>>
          %scatter3A_2517 = tpu.memref_squeeze %scatter3A_2516 : memref<1x128x128xf32, #tpu.memory_space<vmem>> -> memref<128x128xf32, #tpu.memory_space<vmem>>
          tpu.vector_store_idx %scatter3A_2517[%add3A_2513, %rem3A_2118], %gather3A_2509 : memref<128x128xf32, #tpu.memory_space<vmem>>[vector<16xi32>, vector<16xi32>], vector<16xf32>,
          %gather3A_2518 = arith.constant 0 : i32
          %gather3A_2519 = arith.constant 0 : i32
          %gather3A_2520 = tpu.memref_slice %arg5[%rem3A_2312, %gather3A_2518, %gather3A_2519] : memref<2x32x512xf32, #tpu.memory_space<vmem>> -> memref<1x32x512xf32, #tpu.memory_space<vmem>>
          %gather3A_2521 = tpu.memref_squeeze %gather3A_2520 : memref<1x32x512xf32, #tpu.memory_space<vmem>> -> memref<32x512xf32, #tpu.memory_space<vmem>>
          %gather3A_2522 = tpu.vector_load_idx %gather3A_2521[%add3A_382, %add3A_2363] : memref<32x512xf32, #tpu.memory_space<vmem>>[vector<16xi32>, vector<16xi32>], vector<16xf32>,
          %mul3A_2523 = arith.constant 4 : i32
          %mul3A_2524 = arith.muli %mul3A_2523, %scan3A_2359 : i32
          %add3A_2525 = vector.broadcast %mul3A_2524 : i32 to vector<16xi32>
          %add3A_2526 = arith.addi %add3A_2525, %select_n3A_1369 : vector<16xi32>
          %scatter3A_2527 = arith.constant 0 : i32
          %scatter3A_2528 = arith.constant 0 : i32
          %scatter3A_2529 = tpu.memref_slice %arg6[%rem3A_2312, %scatter3A_2527, %scatter3A_2528] : memref<2x128x128xf32, #tpu.memory_space<vmem>> -> memref<1x128x128xf32, #tpu.memory_space<vmem>>
          %scatter3A_2530 = tpu.memref_squeeze %scatter3A_2529 : memref<1x128x128xf32, #tpu.memory_space<vmem>> -> memref<128x128xf32, #tpu.memory_space<vmem>>
          tpu.vector_store_idx %scatter3A_2530[%add3A_2526, %rem3A_2125], %gather3A_2522 : memref<128x128xf32, #tpu.memory_space<vmem>>[vector<16xi32>, vector<16xi32>], vector<16xf32>,
          %gather3A_2531 = arith.constant 0 : i32
          %gather3A_2532 = arith.constant 0 : i32
          %gather3A_2533 = tpu.memref_slice %arg5[%rem3A_2312, %gather3A_2531, %gather3A_2532] : memref<2x32x512xf32, #tpu.memory_space<vmem>> -> memref<1x32x512xf32, #tpu.memory_space<vmem>>
          %gather3A_2534 = tpu.memref_squeeze %gather3A_2533 : memref<1x32x512xf32, #tpu.memory_space<vmem>> -> memref<32x512xf32, #tpu.memory_space<vmem>>
          %gather3A_2535 = tpu.vector_load_idx %gather3A_2534[%add3A_410, %add3A_2363] : memref<32x512xf32, #tpu.memory_space<vmem>>[vector<16xi32>, vector<16xi32>], vector<16xf32>,
          %mul3A_2536 = arith.constant 4 : i32
          %mul3A_2537 = arith.muli %mul3A_2536, %scan3A_2359 : i32
          %add3A_2538 = vector.broadcast %mul3A_2537 : i32 to vector<16xi32>
          %add3A_2539 = arith.addi %add3A_2538, %select_n3A_1404 : vector<16xi32>
          %scatter3A_2540 = arith.constant 0 : i32
          %scatter3A_2541 = arith.constant 0 : i32
          %scatter3A_2542 = tpu.memref_slice %arg6[%rem3A_2312, %scatter3A_2540, %scatter3A_2541] : memref<2x128x128xf32, #tpu.memory_space<vmem>> -> memref<1x128x128xf32, #tpu.memory_space<vmem>>
          %scatter3A_2543 = tpu.memref_squeeze %scatter3A_2542 : memref<1x128x128xf32, #tpu.memory_space<vmem>> -> memref<128x128xf32, #tpu.memory_space<vmem>>
          tpu.vector_store_idx %scatter3A_2543[%add3A_2539, %rem3A_2132], %gather3A_2535 : memref<128x128xf32, #tpu.memory_space<vmem>>[vector<16xi32>, vector<16xi32>], vector<16xf32>,
          %gather3A_2544 = arith.constant 0 : i32
          %gather3A_2545 = arith.constant 0 : i32
          %gather3A_2546 = tpu.memref_slice %arg5[%rem3A_2312, %gather3A_2544, %gather3A_2545] : memref<2x32x512xf32, #tpu.memory_space<vmem>> -> memref<1x32x512xf32, #tpu.memory_space<vmem>>
          %gather3A_2547 = tpu.memref_squeeze %gather3A_2546 : memref<1x32x512xf32, #tpu.memory_space<vmem>> -> memref<32x512xf32, #tpu.memory_space<vmem>>
          %gather3A_2548 = tpu.vector_load_idx %gather3A_2547[%add3A_438, %add3A_2363] : memref<32x512xf32, #tpu.memory_space<vmem>>[vector<16xi32>, vector<16xi32>], vector<16xf32>,
          %mul3A_2549 = arith.constant 4 : i32
          %mul3A_2550 = arith.muli %mul3A_2549, %scan3A_2359 : i32
          %add3A_2551 = vector.broadcast %mul3A_2550 : i32 to vector<16xi32>
          %add3A_2552 = arith.addi %add3A_2551, %select_n3A_1439 : vector<16xi32>
          %scatter3A_2553 = arith.constant 0 : i32
          %scatter3A_2554 = arith.constant 0 : i32
          %scatter3A_2555 = tpu.memref_slice %arg6[%rem3A_2312, %scatter3A_2553, %scatter3A_2554] : memref<2x128x128xf32, #tpu.memory_space<vmem>> -> memref<1x128x128xf32, #tpu.memory_space<vmem>>
          %scatter3A_2556 = tpu.memref_squeeze %scatter3A_2555 : memref<1x128x128xf32, #tpu.memory_space<vmem>> -> memref<128x128xf32, #tpu.memory_space<vmem>>
          tpu.vector_store_idx %scatter3A_2556[%add3A_2552, %rem3A_2139], %gather3A_2548 : memref<128x128xf32, #tpu.memory_space<vmem>>[vector<16xi32>, vector<16xi32>], vector<16xf32>,
          %gather3A_2557 = arith.constant 0 : i32
          %gather3A_2558 = arith.constant 0 : i32
          %gather3A_2559 = tpu.memref_slice %arg5[%rem3A_2312, %gather3A_2557, %gather3A_2558] : memref<2x32x512xf32, #tpu.memory_space<vmem>> -> memref<1x32x512xf32, #tpu.memory_space<vmem>>
          %gather3A_2560 = tpu.memref_squeeze %gather3A_2559 : memref<1x32x512xf32, #tpu.memory_space<vmem>> -> memref<32x512xf32, #tpu.memory_space<vmem>>
          %gather3A_2561 = tpu.vector_load_idx %gather3A_2560[%add3A_466, %add3A_2363] : memref<32x512xf32, #tpu.memory_space<vmem>>[vector<16xi32>, vector<16xi32>], vector<16xf32>,
          %mul3A_2562 = arith.constant 4 : i32
          %mul3A_2563 = arith.muli %mul3A_2562, %scan3A_2359 : i32
          %add3A_2564 = vector.broadcast %mul3A_2563 : i32 to vector<16xi32>
          %add3A_2565 = arith.addi %add3A_2564, %select_n3A_1474 : vector<16xi32>
          %scatter3A_2566 = arith.constant 0 : i32
          %scatter3A_2567 = arith.constant 0 : i32
          %scatter3A_2568 = tpu.memref_slice %arg6[%rem3A_2312, %scatter3A_2566, %scatter3A_2567] : memref<2x128x128xf32, #tpu.memory_space<vmem>> -> memref<1x128x128xf32, #tpu.memory_space<vmem>>
          %scatter3A_2569 = tpu.memref_squeeze %scatter3A_2568 : memref<1x128x128xf32, #tpu.memory_space<vmem>> -> memref<128x128xf32, #tpu.memory_space<vmem>>
          tpu.vector_store_idx %scatter3A_2569[%add3A_2565, %rem3A_2146], %gather3A_2561 : memref<128x128xf32, #tpu.memory_space<vmem>>[vector<16xi32>, vector<16xi32>], vector<16xf32>,
          %gather3A_2570 = arith.constant 0 : i32
          %gather3A_2571 = arith.constant 0 : i32
          %gather3A_2572 = tpu.memref_slice %arg5[%rem3A_2312, %gather3A_2570, %gather3A_2571] : memref<2x32x512xf32, #tpu.memory_space<vmem>> -> memref<1x32x512xf32, #tpu.memory_space<vmem>>
          %gather3A_2573 = tpu.memref_squeeze %gather3A_2572 : memref<1x32x512xf32, #tpu.memory_space<vmem>> -> memref<32x512xf32, #tpu.memory_space<vmem>>
          %gather3A_2574 = tpu.vector_load_idx %gather3A_2573[%add3A_494, %add3A_2363] : memref<32x512xf32, #tpu.memory_space<vmem>>[vector<16xi32>, vector<16xi32>], vector<16xf32>,
          %mul3A_2575 = arith.constant 4 : i32
          %mul3A_2576 = arith.muli %mul3A_2575, %scan3A_2359 : i32
          %add3A_2577 = vector.broadcast %mul3A_2576 : i32 to vector<16xi32>
          %add3A_2578 = arith.addi %add3A_2577, %select_n3A_1509 : vector<16xi32>
          %scatter3A_2579 = arith.constant 0 : i32
          %scatter3A_2580 = arith.constant 0 : i32
          %scatter3A_2581 = tpu.memref_slice %arg6[%rem3A_2312, %scatter3A_2579, %scatter3A_2580] : memref<2x128x128xf32, #tpu.memory_space<vmem>> -> memref<1x128x128xf32, #tpu.memory_space<vmem>>
          %scatter3A_2582 = tpu.memref_squeeze %scatter3A_2581 : memref<1x128x128xf32, #tpu.memory_space<vmem>> -> memref<128x128xf32, #tpu.memory_space<vmem>>
          tpu.vector_store_idx %scatter3A_2582[%add3A_2578, %rem3A_2153], %gather3A_2574 : memref<128x128xf32, #tpu.memory_space<vmem>>[vector<16xi32>, vector<16xi32>], vector<16xf32>,
          %gather3A_2583 = arith.constant 0 : i32
          %gather3A_2584 = arith.constant 0 : i32
          %gather3A_2585 = tpu.memref_slice %arg5[%rem3A_2312, %gather3A_2583, %gather3A_2584] : memref<2x32x512xf32, #tpu.memory_space<vmem>> -> memref<1x32x512xf32, #tpu.memory_space<vmem>>
          %gather3A_2586 = tpu.memref_squeeze %gather3A_2585 : memref<1x32x512xf32, #tpu.memory_space<vmem>> -> memref<32x512xf32, #tpu.memory_space<vmem>>
          %gather3A_2587 = tpu.vector_load_idx %gather3A_2586[%add3A_522, %add3A_2363] : memref<32x512xf32, #tpu.memory_space<vmem>>[vector<16xi32>, vector<16xi32>], vector<16xf32>,
          %mul3A_2588 = arith.constant 4 : i32
          %mul3A_2589 = arith.muli %mul3A_2588, %scan3A_2359 : i32
          %add3A_2590 = vector.broadcast %mul3A_2589 : i32 to vector<16xi32>
          %add3A_2591 = arith.addi %add3A_2590, %select_n3A_1544 : vector<16xi32>
          %scatter3A_2592 = arith.constant 0 : i32
          %scatter3A_2593 = arith.constant 0 : i32
          %scatter3A_2594 = tpu.memref_slice %arg6[%rem3A_2312, %scatter3A_2592, %scatter3A_2593] : memref<2x128x128xf32, #tpu.memory_space<vmem>> -> memref<1x128x128xf32, #tpu.memory_space<vmem>>
          %scatter3A_2595 = tpu.memref_squeeze %scatter3A_2594 : memref<1x128x128xf32, #tpu.memory_space<vmem>> -> memref<128x128xf32, #tpu.memory_space<vmem>>
          tpu.vector_store_idx %scatter3A_2595[%add3A_2591, %rem3A_2160], %gather3A_2587 : memref<128x128xf32, #tpu.memory_space<vmem>>[vector<16xi32>, vector<16xi32>], vector<16xf32>,
          %gather3A_2596 = arith.constant 0 : i32
          %gather3A_2597 = arith.constant 0 : i32
          %gather3A_2598 = tpu.memref_slice %arg5[%rem3A_2312, %gather3A_2596, %gather3A_2597] : memref<2x32x512xf32, #tpu.memory_space<vmem>> -> memref<1x32x512xf32, #tpu.memory_space<vmem>>
          %gather3A_2599 = tpu.memref_squeeze %gather3A_2598 : memref<1x32x512xf32, #tpu.memory_space<vmem>> -> memref<32x512xf32, #tpu.memory_space<vmem>>
          %gather3A_2600 = tpu.vector_load_idx %gather3A_2599[%add3A_550, %add3A_2363] : memref<32x512xf32, #tpu.memory_space<vmem>>[vector<16xi32>, vector<16xi32>], vector<16xf32>,
          %mul3A_2601 = arith.constant 4 : i32
          %mul3A_2602 = arith.muli %mul3A_2601, %scan3A_2359 : i32
          %add3A_2603 = vector.broadcast %mul3A_2602 : i32 to vector<16xi32>
          %add3A_2604 = arith.addi %add3A_2603, %select_n3A_1579 : vector<16xi32>
          %scatter3A_2605 = arith.constant 0 : i32
          %scatter3A_2606 = arith.constant 0 : i32
          %scatter3A_2607 = tpu.memref_slice %arg6[%rem3A_2312, %scatter3A_2605, %scatter3A_2606] : memref<2x128x128xf32, #tpu.memory_space<vmem>> -> memref<1x128x128xf32, #tpu.memory_space<vmem>>
          %scatter3A_2608 = tpu.memref_squeeze %scatter3A_2607 : memref<1x128x128xf32, #tpu.memory_space<vmem>> -> memref<128x128xf32, #tpu.memory_space<vmem>>
          tpu.vector_store_idx %scatter3A_2608[%add3A_2604, %rem3A_2167], %gather3A_2600 : memref<128x128xf32, #tpu.memory_space<vmem>>[vector<16xi32>, vector<16xi32>], vector<16xf32>,
          %gather3A_2609 = arith.constant 0 : i32
          %gather3A_2610 = arith.constant 0 : i32
          %gather3A_2611 = tpu.memref_slice %arg5[%rem3A_2312, %gather3A_2609, %gather3A_2610] : memref<2x32x512xf32, #tpu.memory_space<vmem>> -> memref<1x32x512xf32, #tpu.memory_space<vmem>>
          %gather3A_2612 = tpu.memref_squeeze %gather3A_2611 : memref<1x32x512xf32, #tpu.memory_space<vmem>> -> memref<32x512xf32, #tpu.memory_space<vmem>>
          %gather3A_2613 = tpu.vector_load_idx %gather3A_2612[%add3A_578, %add3A_2363] : memref<32x512xf32, #tpu.memory_space<vmem>>[vector<16xi32>, vector<16xi32>], vector<16xf32>,
          %mul3A_2614 = arith.constant 4 : i32
          %mul3A_2615 = arith.muli %mul3A_2614, %scan3A_2359 : i32
          %add3A_2616 = vector.broadcast %mul3A_2615 : i32 to vector<16xi32>
          %add3A_2617 = arith.addi %add3A_2616, %select_n3A_1614 : vector<16xi32>
          %scatter3A_2618 = arith.constant 0 : i32
          %scatter3A_2619 = arith.constant 0 : i32
          %scatter3A_2620 = tpu.memref_slice %arg6[%rem3A_2312, %scatter3A_2618, %scatter3A_2619] : memref<2x128x128xf32, #tpu.memory_space<vmem>> -> memref<1x128x128xf32, #tpu.memory_space<vmem>>
          %scatter3A_2621 = tpu.memref_squeeze %scatter3A_2620 : memref<1x128x128xf32, #tpu.memory_space<vmem>> -> memref<128x128xf32, #tpu.memory_space<vmem>>
          tpu.vector_store_idx %scatter3A_2621[%add3A_2617, %rem3A_2174], %gather3A_2613 : memref<128x128xf32, #tpu.memory_space<vmem>>[vector<16xi32>, vector<16xi32>], vector<16xf32>,
          %gather3A_2622 = arith.constant 0 : i32
          %gather3A_2623 = arith.constant 0 : i32
          %gather3A_2624 = tpu.memref_slice %arg5[%rem3A_2312, %gather3A_2622, %gather3A_2623] : memref<2x32x512xf32, #tpu.memory_space<vmem>> -> memref<1x32x512xf32, #tpu.memory_space<vmem>>
          %gather3A_2625 = tpu.memref_squeeze %gather3A_2624 : memref<1x32x512xf32, #tpu.memory_space<vmem>> -> memref<32x512xf32, #tpu.memory_space<vmem>>
          %gather3A_2626 = tpu.vector_load_idx %gather3A_2625[%add3A_606, %add3A_2363] : memref<32x512xf32, #tpu.memory_space<vmem>>[vector<16xi32>, vector<16xi32>], vector<16xf32>,
          %mul3A_2627 = arith.constant 4 : i32
          %mul3A_2628 = arith.muli %mul3A_2627, %scan3A_2359 : i32
          %add3A_2629 = vector.broadcast %mul3A_2628 : i32 to vector<16xi32>
          %add3A_2630 = arith.addi %add3A_2629, %select_n3A_1649 : vector<16xi32>
          %scatter3A_2631 = arith.constant 0 : i32
          %scatter3A_2632 = arith.constant 0 : i32
          %scatter3A_2633 = tpu.memref_slice %arg6[%rem3A_2312, %scatter3A_2631, %scatter3A_2632] : memref<2x128x128xf32, #tpu.memory_space<vmem>> -> memref<1x128x128xf32, #tpu.memory_space<vmem>>
          %scatter3A_2634 = tpu.memref_squeeze %scatter3A_2633 : memref<1x128x128xf32, #tpu.memory_space<vmem>> -> memref<128x128xf32, #tpu.memory_space<vmem>>
          tpu.vector_store_idx %scatter3A_2634[%add3A_2630, %rem3A_2181], %gather3A_2626 : memref<128x128xf32, #tpu.memory_space<vmem>>[vector<16xi32>, vector<16xi32>], vector<16xf32>,
          %gather3A_2635 = arith.constant 0 : i32
          %gather3A_2636 = arith.constant 0 : i32
          %gather3A_2637 = tpu.memref_slice %arg5[%rem3A_2312, %gather3A_2635, %gather3A_2636] : memref<2x32x512xf32, #tpu.memory_space<vmem>> -> memref<1x32x512xf32, #tpu.memory_space<vmem>>
          %gather3A_2638 = tpu.memref_squeeze %gather3A_2637 : memref<1x32x512xf32, #tpu.memory_space<vmem>> -> memref<32x512xf32, #tpu.memory_space<vmem>>
          %gather3A_2639 = tpu.vector_load_idx %gather3A_2638[%add3A_634, %add3A_2363] : memref<32x512xf32, #tpu.memory_space<vmem>>[vector<16xi32>, vector<16xi32>], vector<16xf32>,
          %mul3A_2640 = arith.constant 4 : i32
          %mul3A_2641 = arith.muli %mul3A_2640, %scan3A_2359 : i32
          %add3A_2642 = vector.broadcast %mul3A_2641 : i32 to vector<16xi32>
          %add3A_2643 = arith.addi %add3A_2642, %select_n3A_1684 : vector<16xi32>
          %scatter3A_2644 = arith.constant 0 : i32
          %scatter3A_2645 = arith.constant 0 : i32
          %scatter3A_2646 = tpu.memref_slice %arg6[%rem3A_2312, %scatter3A_2644, %scatter3A_2645] : memref<2x128x128xf32, #tpu.memory_space<vmem>> -> memref<1x128x128xf32, #tpu.memory_space<vmem>>
          %scatter3A_2647 = tpu.memref_squeeze %scatter3A_2646 : memref<1x128x128xf32, #tpu.memory_space<vmem>> -> memref<128x128xf32, #tpu.memory_space<vmem>>
          tpu.vector_store_idx %scatter3A_2647[%add3A_2643, %rem3A_2188], %gather3A_2639 : memref<128x128xf32, #tpu.memory_space<vmem>>[vector<16xi32>, vector<16xi32>], vector<16xf32>,
          %gather3A_2648 = arith.constant 0 : i32
          %gather3A_2649 = arith.constant 0 : i32
          %gather3A_2650 = tpu.memref_slice %arg5[%rem3A_2312, %gather3A_2648, %gather3A_2649] : memref<2x32x512xf32, #tpu.memory_space<vmem>> -> memref<1x32x512xf32, #tpu.memory_space<vmem>>
          %gather3A_2651 = tpu.memref_squeeze %gather3A_2650 : memref<1x32x512xf32, #tpu.memory_space<vmem>> -> memref<32x512xf32, #tpu.memory_space<vmem>>
          %gather3A_2652 = tpu.vector_load_idx %gather3A_2651[%add3A_662, %add3A_2363] : memref<32x512xf32, #tpu.memory_space<vmem>>[vector<16xi32>, vector<16xi32>], vector<16xf32>,
          %mul3A_2653 = arith.constant 4 : i32
          %mul3A_2654 = arith.muli %mul3A_2653, %scan3A_2359 : i32
          %add3A_2655 = vector.broadcast %mul3A_2654 : i32 to vector<16xi32>
          %add3A_2656 = arith.addi %add3A_2655, %select_n3A_1719 : vector<16xi32>
          %scatter3A_2657 = arith.constant 0 : i32
          %scatter3A_2658 = arith.constant 0 : i32
          %scatter3A_2659 = tpu.memref_slice %arg6[%rem3A_2312, %scatter3A_2657, %scatter3A_2658] : memref<2x128x128xf32, #tpu.memory_space<vmem>> -> memref<1x128x128xf32, #tpu.memory_space<vmem>>
          %scatter3A_2660 = tpu.memref_squeeze %scatter3A_2659 : memref<1x128x128xf32, #tpu.memory_space<vmem>> -> memref<128x128xf32, #tpu.memory_space<vmem>>
          tpu.vector_store_idx %scatter3A_2660[%add3A_2656, %rem3A_2195], %gather3A_2652 : memref<128x128xf32, #tpu.memory_space<vmem>>[vector<16xi32>, vector<16xi32>], vector<16xf32>,
          %gather3A_2661 = arith.constant 0 : i32
          %gather3A_2662 = arith.constant 0 : i32
          %gather3A_2663 = tpu.memref_slice %arg5[%rem3A_2312, %gather3A_2661, %gather3A_2662] : memref<2x32x512xf32, #tpu.memory_space<vmem>> -> memref<1x32x512xf32, #tpu.memory_space<vmem>>
          %gather3A_2664 = tpu.memref_squeeze %gather3A_2663 : memref<1x32x512xf32, #tpu.memory_space<vmem>> -> memref<32x512xf32, #tpu.memory_space<vmem>>
          %gather3A_2665 = tpu.vector_load_idx %gather3A_2664[%add3A_690, %add3A_2363] : memref<32x512xf32, #tpu.memory_space<vmem>>[vector<16xi32>, vector<16xi32>], vector<16xf32>,
          %mul3A_2666 = arith.constant 4 : i32
          %mul3A_2667 = arith.muli %mul3A_2666, %scan3A_2359 : i32
          %add3A_2668 = vector.broadcast %mul3A_2667 : i32 to vector<16xi32>
          %add3A_2669 = arith.addi %add3A_2668, %select_n3A_1754 : vector<16xi32>
          %scatter3A_2670 = arith.constant 0 : i32
          %scatter3A_2671 = arith.constant 0 : i32
          %scatter3A_2672 = tpu.memref_slice %arg6[%rem3A_2312, %scatter3A_2670, %scatter3A_2671] : memref<2x128x128xf32, #tpu.memory_space<vmem>> -> memref<1x128x128xf32, #tpu.memory_space<vmem>>
          %scatter3A_2673 = tpu.memref_squeeze %scatter3A_2672 : memref<1x128x128xf32, #tpu.memory_space<vmem>> -> memref<128x128xf32, #tpu.memory_space<vmem>>
          tpu.vector_store_idx %scatter3A_2673[%add3A_2669, %rem3A_2202], %gather3A_2665 : memref<128x128xf32, #tpu.memory_space<vmem>>[vector<16xi32>, vector<16xi32>], vector<16xf32>,
          %gather3A_2674 = arith.constant 0 : i32
          %gather3A_2675 = arith.constant 0 : i32
          %gather3A_2676 = tpu.memref_slice %arg5[%rem3A_2312, %gather3A_2674, %gather3A_2675] : memref<2x32x512xf32, #tpu.memory_space<vmem>> -> memref<1x32x512xf32, #tpu.memory_space<vmem>>
          %gather3A_2677 = tpu.memref_squeeze %gather3A_2676 : memref<1x32x512xf32, #tpu.memory_space<vmem>> -> memref<32x512xf32, #tpu.memory_space<vmem>>
          %gather3A_2678 = tpu.vector_load_idx %gather3A_2677[%add3A_718, %add3A_2363] : memref<32x512xf32, #tpu.memory_space<vmem>>[vector<16xi32>, vector<16xi32>], vector<16xf32>,
          %mul3A_2679 = arith.constant 4 : i32
          %mul3A_2680 = arith.muli %mul3A_2679, %scan3A_2359 : i32
          %add3A_2681 = vector.broadcast %mul3A_2680 : i32 to vector<16xi32>
          %add3A_2682 = arith.addi %add3A_2681, %select_n3A_1789 : vector<16xi32>
          %scatter3A_2683 = arith.constant 0 : i32
          %scatter3A_2684 = arith.constant 0 : i32
          %scatter3A_2685 = tpu.memref_slice %arg6[%rem3A_2312, %scatter3A_2683, %scatter3A_2684] : memref<2x128x128xf32, #tpu.memory_space<vmem>> -> memref<1x128x128xf32, #tpu.memory_space<vmem>>
          %scatter3A_2686 = tpu.memref_squeeze %scatter3A_2685 : memref<1x128x128xf32, #tpu.memory_space<vmem>> -> memref<128x128xf32, #tpu.memory_space<vmem>>
          tpu.vector_store_idx %scatter3A_2686[%add3A_2682, %rem3A_2209], %gather3A_2678 : memref<128x128xf32, #tpu.memory_space<vmem>>[vector<16xi32>, vector<16xi32>], vector<16xf32>,
          %gather3A_2687 = arith.constant 0 : i32
          %gather3A_2688 = arith.constant 0 : i32
          %gather3A_2689 = tpu.memref_slice %arg5[%rem3A_2312, %gather3A_2687, %gather3A_2688] : memref<2x32x512xf32, #tpu.memory_space<vmem>> -> memref<1x32x512xf32, #tpu.memory_space<vmem>>
          %gather3A_2690 = tpu.memref_squeeze %gather3A_2689 : memref<1x32x512xf32, #tpu.memory_space<vmem>> -> memref<32x512xf32, #tpu.memory_space<vmem>>
          %gather3A_2691 = tpu.vector_load_idx %gather3A_2690[%add3A_746, %add3A_2363] : memref<32x512xf32, #tpu.memory_space<vmem>>[vector<16xi32>, vector<16xi32>], vector<16xf32>,
          %mul3A_2692 = arith.constant 4 : i32
          %mul3A_2693 = arith.muli %mul3A_2692, %scan3A_2359 : i32
          %add3A_2694 = vector.broadcast %mul3A_2693 : i32 to vector<16xi32>
          %add3A_2695 = arith.addi %add3A_2694, %select_n3A_1824 : vector<16xi32>
          %scatter3A_2696 = arith.constant 0 : i32
          %scatter3A_2697 = arith.constant 0 : i32
          %scatter3A_2698 = tpu.memref_slice %arg6[%rem3A_2312, %scatter3A_2696, %scatter3A_2697] : memref<2x128x128xf32, #tpu.memory_space<vmem>> -> memref<1x128x128xf32, #tpu.memory_space<vmem>>
          %scatter3A_2699 = tpu.memref_squeeze %scatter3A_2698 : memref<1x128x128xf32, #tpu.memory_space<vmem>> -> memref<128x128xf32, #tpu.memory_space<vmem>>
          tpu.vector_store_idx %scatter3A_2699[%add3A_2695, %rem3A_2216], %gather3A_2691 : memref<128x128xf32, #tpu.memory_space<vmem>>[vector<16xi32>, vector<16xi32>], vector<16xf32>,
          %gather3A_2700 = arith.constant 0 : i32
          %gather3A_2701 = arith.constant 0 : i32
          %gather3A_2702 = tpu.memref_slice %arg5[%rem3A_2312, %gather3A_2700, %gather3A_2701] : memref<2x32x512xf32, #tpu.memory_space<vmem>> -> memref<1x32x512xf32, #tpu.memory_space<vmem>>
          %gather3A_2703 = tpu.memref_squeeze %gather3A_2702 : memref<1x32x512xf32, #tpu.memory_space<vmem>> -> memref<32x512xf32, #tpu.memory_space<vmem>>
          %gather3A_2704 = tpu.vector_load_idx %gather3A_2703[%add3A_774, %add3A_2363] : memref<32x512xf32, #tpu.memory_space<vmem>>[vector<16xi32>, vector<16xi32>], vector<16xf32>,
          %mul3A_2705 = arith.constant 4 : i32
          %mul3A_2706 = arith.muli %mul3A_2705, %scan3A_2359 : i32
          %add3A_2707 = vector.broadcast %mul3A_2706 : i32 to vector<16xi32>
          %add3A_2708 = arith.addi %add3A_2707, %select_n3A_1859 : vector<16xi32>
          %scatter3A_2709 = arith.constant 0 : i32
          %scatter3A_2710 = arith.constant 0 : i32
          %scatter3A_2711 = tpu.memref_slice %arg6[%rem3A_2312, %scatter3A_2709, %scatter3A_2710] : memref<2x128x128xf32, #tpu.memory_space<vmem>> -> memref<1x128x128xf32, #tpu.memory_space<vmem>>
          %scatter3A_2712 = tpu.memref_squeeze %scatter3A_2711 : memref<1x128x128xf32, #tpu.memory_space<vmem>> -> memref<128x128xf32, #tpu.memory_space<vmem>>
          tpu.vector_store_idx %scatter3A_2712[%add3A_2708, %rem3A_2223], %gather3A_2704 : memref<128x128xf32, #tpu.memory_space<vmem>>[vector<16xi32>, vector<16xi32>], vector<16xf32>,
          %gather3A_2713 = arith.constant 0 : i32
          %gather3A_2714 = arith.constant 0 : i32
          %gather3A_2715 = tpu.memref_slice %arg5[%rem3A_2312, %gather3A_2713, %gather3A_2714] : memref<2x32x512xf32, #tpu.memory_space<vmem>> -> memref<1x32x512xf32, #tpu.memory_space<vmem>>
          %gather3A_2716 = tpu.memref_squeeze %gather3A_2715 : memref<1x32x512xf32, #tpu.memory_space<vmem>> -> memref<32x512xf32, #tpu.memory_space<vmem>>
          %gather3A_2717 = tpu.vector_load_idx %gather3A_2716[%add3A_802, %add3A_2363] : memref<32x512xf32, #tpu.memory_space<vmem>>[vector<16xi32>, vector<16xi32>], vector<16xf32>,
          %mul3A_2718 = arith.constant 4 : i32
          %mul3A_2719 = arith.muli %mul3A_2718, %scan3A_2359 : i32
          %add3A_2720 = vector.broadcast %mul3A_2719 : i32 to vector<16xi32>
          %add3A_2721 = arith.addi %add3A_2720, %select_n3A_1894 : vector<16xi32>
          %scatter3A_2722 = arith.constant 0 : i32
          %scatter3A_2723 = arith.constant 0 : i32
          %scatter3A_2724 = tpu.memref_slice %arg6[%rem3A_2312, %scatter3A_2722, %scatter3A_2723] : memref<2x128x128xf32, #tpu.memory_space<vmem>> -> memref<1x128x128xf32, #tpu.memory_space<vmem>>
          %scatter3A_2725 = tpu.memref_squeeze %scatter3A_2724 : memref<1x128x128xf32, #tpu.memory_space<vmem>> -> memref<128x128xf32, #tpu.memory_space<vmem>>
          tpu.vector_store_idx %scatter3A_2725[%add3A_2721, %rem3A_2230], %gather3A_2717 : memref<128x128xf32, #tpu.memory_space<vmem>>[vector<16xi32>, vector<16xi32>], vector<16xf32>,
          %gather3A_2726 = arith.constant 0 : i32
          %gather3A_2727 = arith.constant 0 : i32
          %gather3A_2728 = tpu.memref_slice %arg5[%rem3A_2312, %gather3A_2726, %gather3A_2727] : memref<2x32x512xf32, #tpu.memory_space<vmem>> -> memref<1x32x512xf32, #tpu.memory_space<vmem>>
          %gather3A_2729 = tpu.memref_squeeze %gather3A_2728 : memref<1x32x512xf32, #tpu.memory_space<vmem>> -> memref<32x512xf32, #tpu.memory_space<vmem>>
          %gather3A_2730 = tpu.vector_load_idx %gather3A_2729[%add3A_830, %add3A_2363] : memref<32x512xf32, #tpu.memory_space<vmem>>[vector<16xi32>, vector<16xi32>], vector<16xf32>,
          %mul3A_2731 = arith.constant 4 : i32
          %mul3A_2732 = arith.muli %mul3A_2731, %scan3A_2359 : i32
          %add3A_2733 = vector.broadcast %mul3A_2732 : i32 to vector<16xi32>
          %add3A_2734 = arith.addi %add3A_2733, %select_n3A_1929 : vector<16xi32>
          %scatter3A_2735 = arith.constant 0 : i32
          %scatter3A_2736 = arith.constant 0 : i32
          %scatter3A_2737 = tpu.memref_slice %arg6[%rem3A_2312, %scatter3A_2735, %scatter3A_2736] : memref<2x128x128xf32, #tpu.memory_space<vmem>> -> memref<1x128x128xf32, #tpu.memory_space<vmem>>
          %scatter3A_2738 = tpu.memref_squeeze %scatter3A_2737 : memref<1x128x128xf32, #tpu.memory_space<vmem>> -> memref<128x128xf32, #tpu.memory_space<vmem>>
          tpu.vector_store_idx %scatter3A_2738[%add3A_2734, %rem3A_2237], %gather3A_2730 : memref<128x128xf32, #tpu.memory_space<vmem>>[vector<16xi32>, vector<16xi32>], vector<16xf32>,
          %gather3A_2739 = arith.constant 0 : i32
          %gather3A_2740 = arith.constant 0 : i32
          %gather3A_2741 = tpu.memref_slice %arg5[%rem3A_2312, %gather3A_2739, %gather3A_2740] : memref<2x32x512xf32, #tpu.memory_space<vmem>> -> memref<1x32x512xf32, #tpu.memory_space<vmem>>
          %gather3A_2742 = tpu.memref_squeeze %gather3A_2741 : memref<1x32x512xf32, #tpu.memory_space<vmem>> -> memref<32x512xf32, #tpu.memory_space<vmem>>
          %gather3A_2743 = tpu.vector_load_idx %gather3A_2742[%add3A_858, %add3A_2363] : memref<32x512xf32, #tpu.memory_space<vmem>>[vector<16xi32>, vector<16xi32>], vector<16xf32>,
          %mul3A_2744 = arith.constant 4 : i32
          %mul3A_2745 = arith.muli %mul3A_2744, %scan3A_2359 : i32
          %add3A_2746 = vector.broadcast %mul3A_2745 : i32 to vector<16xi32>
          %add3A_2747 = arith.addi %add3A_2746, %select_n3A_1964 : vector<16xi32>
          %scatter3A_2748 = arith.constant 0 : i32
          %scatter3A_2749 = arith.constant 0 : i32
          %scatter3A_2750 = tpu.memref_slice %arg6[%rem3A_2312, %scatter3A_2748, %scatter3A_2749] : memref<2x128x128xf32, #tpu.memory_space<vmem>> -> memref<1x128x128xf32, #tpu.memory_space<vmem>>
          %scatter3A_2751 = tpu.memref_squeeze %scatter3A_2750 : memref<1x128x128xf32, #tpu.memory_space<vmem>> -> memref<128x128xf32, #tpu.memory_space<vmem>>
          tpu.vector_store_idx %scatter3A_2751[%add3A_2747, %rem3A_2244], %gather3A_2743 : memref<128x128xf32, #tpu.memory_space<vmem>>[vector<16xi32>, vector<16xi32>], vector<16xf32>,
          %gather3A_2752 = arith.constant 0 : i32
          %gather3A_2753 = arith.constant 0 : i32
          %gather3A_2754 = tpu.memref_slice %arg5[%rem3A_2312, %gather3A_2752, %gather3A_2753] : memref<2x32x512xf32, #tpu.memory_space<vmem>> -> memref<1x32x512xf32, #tpu.memory_space<vmem>>
          %gather3A_2755 = tpu.memref_squeeze %gather3A_2754 : memref<1x32x512xf32, #tpu.memory_space<vmem>> -> memref<32x512xf32, #tpu.memory_space<vmem>>
          %gather3A_2756 = tpu.vector_load_idx %gather3A_2755[%add3A_886, %add3A_2363] : memref<32x512xf32, #tpu.memory_space<vmem>>[vector<16xi32>, vector<16xi32>], vector<16xf32>,
          %mul3A_2757 = arith.constant 4 : i32
          %mul3A_2758 = arith.muli %mul3A_2757, %scan3A_2359 : i32
          %add3A_2759 = vector.broadcast %mul3A_2758 : i32 to vector<16xi32>
          %add3A_2760 = arith.addi %add3A_2759, %select_n3A_1999 : vector<16xi32>
          %scatter3A_2761 = arith.constant 0 : i32
          %scatter3A_2762 = arith.constant 0 : i32
          %scatter3A_2763 = tpu.memref_slice %arg6[%rem3A_2312, %scatter3A_2761, %scatter3A_2762] : memref<2x128x128xf32, #tpu.memory_space<vmem>> -> memref<1x128x128xf32, #tpu.memory_space<vmem>>
          %scatter3A_2764 = tpu.memref_squeeze %scatter3A_2763 : memref<1x128x128xf32, #tpu.memory_space<vmem>> -> memref<128x128xf32, #tpu.memory_space<vmem>>
          tpu.vector_store_idx %scatter3A_2764[%add3A_2760, %rem3A_2251], %gather3A_2756 : memref<128x128xf32, #tpu.memory_space<vmem>>[vector<16xi32>, vector<16xi32>], vector<16xf32>,
          %gather3A_2765 = arith.constant 0 : i32
          %gather3A_2766 = arith.constant 0 : i32
          %gather3A_2767 = tpu.memref_slice %arg5[%rem3A_2312, %gather3A_2765, %gather3A_2766] : memref<2x32x512xf32, #tpu.memory_space<vmem>> -> memref<1x32x512xf32, #tpu.memory_space<vmem>>
          %gather3A_2768 = tpu.memref_squeeze %gather3A_2767 : memref<1x32x512xf32, #tpu.memory_space<vmem>> -> memref<32x512xf32, #tpu.memory_space<vmem>>
          %gather3A_2769 = tpu.vector_load_idx %gather3A_2768[%add3A_914, %add3A_2363] : memref<32x512xf32, #tpu.memory_space<vmem>>[vector<16xi32>, vector<16xi32>], vector<16xf32>,
          %mul3A_2770 = arith.constant 4 : i32
          %mul3A_2771 = arith.muli %mul3A_2770, %scan3A_2359 : i32
          %add3A_2772 = vector.broadcast %mul3A_2771 : i32 to vector<16xi32>
          %add3A_2773 = arith.addi %add3A_2772, %select_n3A_2034 : vector<16xi32>
          %scatter3A_2774 = arith.constant 0 : i32
          %scatter3A_2775 = arith.constant 0 : i32
          %scatter3A_2776 = tpu.memref_slice %arg6[%rem3A_2312, %scatter3A_2774, %scatter3A_2775] : memref<2x128x128xf32, #tpu.memory_space<vmem>> -> memref<1x128x128xf32, #tpu.memory_space<vmem>>
          %scatter3A_2777 = tpu.memref_squeeze %scatter3A_2776 : memref<1x128x128xf32, #tpu.memory_space<vmem>> -> memref<128x128xf32, #tpu.memory_space<vmem>>
          tpu.vector_store_idx %scatter3A_2777[%add3A_2773, %rem3A_2258], %gather3A_2769 : memref<128x128xf32, #tpu.memory_space<vmem>>[vector<16xi32>, vector<16xi32>], vector<16xf32>,
        }
        %scan3A_2341 = arith.constant 32 : i32
        %mul3A_2342 = arith.constant 32 : i32
        %mul3A_2343 = arith.muli %while3A_2310, %mul3A_2342 : i32
        %add3A_2344 = arith.addi %mul3A_2343, %add3A : i32
        %mul3A_2345 = arith.constant 128 : i32
        %mul3A_2346 = arith.muli %add3A_2344, %mul3A_2345 : i32
        %dma_start3A_2347 = arith.constant 0 : i32
        %dma_start3A_2348 = arith.constant 0 : i32
        %dma_start3A_2349 = tpu.memref_slice %arg6[%rem3A_2312, %dma_start3A_2347, %dma_start3A_2348] : memref<2x128x128xf32, #tpu.memory_space<vmem>> -> memref<1x128x128xf32, #tpu.memory_space<vmem>>
        %dma_start3A_2350 = tpu.memref_squeeze %dma_start3A_2349 : memref<1x128x128xf32, #tpu.memory_space<vmem>> -> memref<128x128xf32, #tpu.memory_space<vmem>>
        %dma_start3A_2351 = arith.constant 0 : i32
        %dma_start3A_2352 = tpu.memref_slice %arg4[%mul3A_2346, %dma_start3A_2351] : memref<250000x128xf32, #tpu.memory_space<hbm>> -> memref<128x128xf32, #tpu.memory_space<hbm>>
        %dma_start3A_2353 = arith.constant 0 : i32
        %dma_start3A_2354 = tpu.memref_slice %arg4[%mul3A_2346, %dma_start3A_2353] : memref<250000x128xf32, #tpu.memory_space<hbm>> -> memref<128x128xf32, #tpu.memory_space<hbm>>
        %dma_start3A_2355 = arith.constant 0 : i32
        %dma_start3A_2356 = arith.constant 0 : i32
        %dma_start3A_2357 = tpu.memref_slice %arg6[%rem3A_2312, %dma_start3A_2355, %dma_start3A_2356] : memref<2x128x128xf32, #tpu.memory_space<vmem>> -> memref<1x128x128xf32, #tpu.memory_space<vmem>>
        %dma_start3A_2358 = tpu.memref_squeeze %dma_start3A_2357 : memref<1x128x128xf32, #tpu.memory_space<vmem>> -> memref<128x128xf32, #tpu.memory_space<vmem>>
        tpu.enqueue_dma source(%dma_start3A_2358 : memref<128x128xf32, #tpu.memory_space<vmem>>) target(%dma_start3A_2354 : memref<128x128xf32, #tpu.memory_space<hbm>>) target_semaphore(%arg9 : memref<!tpu.dma_semaphore, #tpu.memory_space<semaphore_mem>>)
      }
      %while3A_2290 = arith.constant 1 : i32
      scf.for %while3A_2310 = %while3A_2288 to %while3A_2284 step %while3A_2290  : i32 {
        %rem3A_2311 = arith.constant 2 : i32
        %rem3A_2312 = arith.remsi %while3A_2310, %rem3A_2311 : i32
        %dma_wait3A_2313 = arith.constant 0 : i32
        %dma_wait3A_2314 = arith.constant 0 : i32
        %dma_wait3A_2315 = tpu.memref_slice %arg5[%rem3A_2312, %dma_wait3A_2313, %dma_wait3A_2314] : memref<2x32x512xf32, #tpu.memory_space<vmem>> -> memref<1x32x512xf32, #tpu.memory_space<vmem>>
        %dma_wait3A_2316 = tpu.memref_squeeze %dma_wait3A_2315 : memref<1x32x512xf32, #tpu.memory_space<vmem>> -> memref<32x512xf32, #tpu.memory_space<vmem>>
        %dma_wait3A_2317 = arith.constant 0 : i32
        %dma_wait3A_2318 = arith.constant 0 : i32
        %dma_wait3A_2319 = tpu.memref_slice %arg2[%dma_wait3A_2317, %dma_wait3A_2318] : memref<32x1000000xf32, #tpu.memory_space<hbm>> -> memref<32x512xf32, #tpu.memory_space<hbm>>
        %dma_wait3A_2320 = arith.constant 0 : i32
        %dma_wait3A_2321 = arith.constant 0 : i32
        %dma_wait3A_2322 = tpu.memref_slice %arg5[%rem3A_2312, %dma_wait3A_2320, %dma_wait3A_2321] : memref<2x32x512xf32, #tpu.memory_space<vmem>> -> memref<1x32x512xf32, #tpu.memory_space<vmem>>
        %dma_wait3A_2323 = tpu.memref_squeeze %dma_wait3A_2322 : memref<1x32x512xf32, #tpu.memory_space<vmem>> -> memref<32x512xf32, #tpu.memory_space<vmem>>
        %dma_wait3A_2324 = arith.constant 0 : i32
        %dma_wait3A_2325 = arith.constant 0 : i32
        %dma_wait3A_2326 = tpu.memref_slice %arg2[%dma_wait3A_2324, %dma_wait3A_2325] : memref<32x1000000xf32, #tpu.memory_space<hbm>> -> memref<32x512xf32, #tpu.memory_space<hbm>>
        tpu.wait_dma2 semaphore(%arg8 : memref<!tpu.dma_semaphore, #tpu.memory_space<semaphore_mem>>) src(%dma_wait3A_2326 : memref<32x512xf32, #tpu.memory_space<hbm>>) dst(%dma_wait3A_2323 : memref<32x512xf32, #tpu.memory_space<vmem>>)
        %add3A_2327 = arith.constant 1 : i32
        %add3A_2328 = arith.addi %while3A_2310, %add3A_2327 : i32
        %lt3A_2329 = arith.cmpi slt, %add3A_2328, %add3A_20 : i32
        %convert_element_type3A_2330 = arith.extui %lt3A_2329 : i1 to i32
        %cond3A_2331 = arith.constant 0 : i32
        %cond3A_2332 = arith.cmpi ne, %convert_element_type3A_2330, %cond3A_2331 : i32
        scf.if %cond3A_2332 {
          %add3A_2359 = arith.constant 1 : i32
          %add3A_2360 = arith.addi %while3A_2310, %add3A_2359 : i32
          %mul3A_2361 = arith.constant 32 : i32
          %mul3A_2362 = arith.muli %add3A_2360, %mul3A_2361 : i32
          %add3A_2363 = arith.addi %mul3A_2362, %add3A : i32
          %sub3A_2364 = arith.constant 1 : i32
          %sub3A_2365 = arith.subi %sub3A_2364, %rem3A_2312 : i32
          %mul3A_2366 = arith.constant 512 : i32
          %mul3A_2367 = arith.muli %add3A_2363, %mul3A_2366 : i32
          %dma_start3A_2368 = arith.constant 0 : i32
          %dma_start3A_2369 = arith.constant 0 : i32
          %dma_start3A_2370 = tpu.memref_slice %arg5[%sub3A_2365, %dma_start3A_2368, %dma_start3A_2369] : memref<2x32x512xf32, #tpu.memory_space<vmem>> -> memref<1x32x512xf32, #tpu.memory_space<vmem>>
          %dma_start3A_2371 = tpu.memref_squeeze %dma_start3A_2370 : memref<1x32x512xf32, #tpu.memory_space<vmem>> -> memref<32x512xf32, #tpu.memory_space<vmem>>
          %dma_start3A_2372 = arith.constant 0 : i32
          %dma_start3A_2373 = tpu.memref_slice %arg2[%dma_start3A_2372, %mul3A_2367] : memref<32x1000000xf32, #tpu.memory_space<hbm>> -> memref<32x512xf32, #tpu.memory_space<hbm>>
          %dma_start3A_2374 = arith.constant 0 : i32
          %dma_start3A_2375 = arith.constant 0 : i32
          %dma_start3A_2376 = tpu.memref_slice %arg5[%sub3A_2365, %dma_start3A_2374, %dma_start3A_2375] : memref<2x32x512xf32, #tpu.memory_space<vmem>> -> memref<1x32x512xf32, #tpu.memory_space<vmem>>
          %dma_start3A_2377 = tpu.memref_squeeze %dma_start3A_2376 : memref<1x32x512xf32, #tpu.memory_space<vmem>> -> memref<32x512xf32, #tpu.memory_space<vmem>>
          %dma_start3A_2378 = arith.constant 0 : i32
          %dma_start3A_2379 = tpu.memref_slice %arg2[%dma_start3A_2378, %mul3A_2367] : memref<32x1000000xf32, #tpu.memory_space<hbm>> -> memref<32x512xf32, #tpu.memory_space<hbm>>
          tpu.enqueue_dma source(%dma_start3A_2379 : memref<32x512xf32, #tpu.memory_space<hbm>>) target(%dma_start3A_2377 : memref<32x512xf32, #tpu.memory_space<vmem>>) target_semaphore(%arg8 : memref<!tpu.dma_semaphore, #tpu.memory_space<semaphore_mem>>)
        } else {
        }
        %ge3A = arith.constant 2 : i32
        %ge3A_2333 = arith.cmpi sge, %while3A_2310, %ge3A : i32
        %convert_element_type3A_2334 = arith.extui %ge3A_2333 : i1 to i32
        %cond3A_2335 = arith.constant 0 : i32
        %cond3A_2336 = arith.cmpi ne, %convert_element_type3A_2334, %cond3A_2335 : i32
        scf.if %cond3A_2336 {
          %sub3A_2359 = arith.constant 2 : i32
          %sub3A_2360 = arith.subi %while3A_2310, %sub3A_2359 : i32
          %mul3A_2361 = arith.constant 32 : i32
          %mul3A_2362 = arith.muli %sub3A_2360, %mul3A_2361 : i32
          %add3A_2363 = arith.addi %mul3A_2362, %add3A : i32
          %mul3A_2364 = arith.constant 128 : i32
          %mul3A_2365 = arith.muli %add3A_2363, %mul3A_2364 : i32
          %dma_wait3A_2366 = arith.constant 0 : i32
          %dma_wait3A_2367 = arith.constant 0 : i32
          %dma_wait3A_2368 = tpu.memref_slice %arg6[%rem3A_2312, %dma_wait3A_2366, %dma_wait3A_2367] : memref<2x128x128xf32, #tpu.memory_space<vmem>> -> memref<1x128x128xf32, #tpu.memory_space<vmem>>
          %dma_wait3A_2369 = tpu.memref_squeeze %dma_wait3A_2368 : memref<1x128x128xf32, #tpu.memory_space<vmem>> -> memref<128x128xf32, #tpu.memory_space<vmem>>
          %dma_wait3A_2370 = arith.constant 0 : i32
          %dma_wait3A_2371 = tpu.memref_slice %arg4[%mul3A_2365, %dma_wait3A_2370] : memref<250000x128xf32, #tpu.memory_space<hbm>> -> memref<128x128xf32, #tpu.memory_space<hbm>>
          %dma_wait3A_2372 = arith.constant 0 : i32
          %dma_wait3A_2373 = tpu.memref_slice %arg4[%mul3A_2365, %dma_wait3A_2372] : memref<250000x128xf32, #tpu.memory_space<hbm>> -> memref<128x128xf32, #tpu.memory_space<hbm>>
          %dma_wait3A_2374 = arith.constant 0 : i32
          %dma_wait3A_2375 = arith.constant 0 : i32
          %dma_wait3A_2376 = tpu.memref_slice %arg6[%rem3A_2312, %dma_wait3A_2374, %dma_wait3A_2375] : memref<2x128x128xf32, #tpu.memory_space<vmem>> -> memref<1x128x128xf32, #tpu.memory_space<vmem>>
          %dma_wait3A_2377 = tpu.memref_squeeze %dma_wait3A_2376 : memref<1x128x128xf32, #tpu.memory_space<vmem>> -> memref<128x128xf32, #tpu.memory_space<vmem>>
          tpu.wait_dma2 semaphore(%arg9 : memref<!tpu.dma_semaphore, #tpu.memory_space<semaphore_mem>>) src(%dma_wait3A_2377 : memref<128x128xf32, #tpu.memory_space<vmem>>) dst(%dma_wait3A_2373 : memref<128x128xf32, #tpu.memory_space<hbm>>)
        } else {
        }
        %scan3A = arith.constant 0 : i32
        %scan3A_2337 = arith.constant 0 : i32
        %scan3A_2338 = arith.constant 32 : i32
        %scan3A_2339 = arith.addi %scan3A_2337, %scan3A_2338 : i32
        %scan3A_2340 = arith.constant 1 : i32
        scf.for %scan3A_2359 = %scan3A_2337 to %scan3A_2339 step %scan3A_2340  : i32 {
          %mul3A_2360 = arith.constant 16 : i32
          %mul3A_2361 = arith.muli %scan3A_2359, %mul3A_2360 : i32
          %add3A_2362 = vector.broadcast %mul3A_2361 : i32 to vector<16xi32>
          %add3A_2363 = arith.addi %add3A_2362, %iota3A : vector<16xi32>
          %gather3A = arith.constant 0 : i32
          %gather3A_2364 = arith.constant 0 : i32
          %gather3A_2365 = tpu.memref_slice %arg5[%rem3A_2312, %gather3A, %gather3A_2364] : memref<2x32x512xf32, #tpu.memory_space<vmem>> -> memref<1x32x512xf32, #tpu.memory_space<vmem>>
          %gather3A_2366 = tpu.memref_squeeze %gather3A_2365 : memref<1x32x512xf32, #tpu.memory_space<vmem>> -> memref<32x512xf32, #tpu.memory_space<vmem>>
          %gather3A_2367 = tpu.vector_load_idx %gather3A_2366[%add3A_46, %add3A_2363] : memref<32x512xf32, #tpu.memory_space<vmem>>[vector<16xi32>, vector<16xi32>], vector<16xf32>,
          %mul3A_2368 = arith.constant 4 : i32
          %mul3A_2369 = arith.muli %mul3A_2368, %scan3A_2359 : i32
          %add3A_2370 = vector.broadcast %mul3A_2369 : i32 to vector<16xi32>
          %add3A_2371 = arith.addi %add3A_2370, %select_n3A_949 : vector<16xi32>
          %scatter3A = arith.constant 0 : i32
          %scatter3A_2372 = arith.constant 0 : i32
          %scatter3A_2373 = tpu.memref_slice %arg6[%rem3A_2312, %scatter3A, %scatter3A_2372] : memref<2x128x128xf32, #tpu.memory_space<vmem>> -> memref<1x128x128xf32, #tpu.memory_space<vmem>>
          %scatter3A_2374 = tpu.memref_squeeze %scatter3A_2373 : memref<1x128x128xf32, #tpu.memory_space<vmem>> -> memref<128x128xf32, #tpu.memory_space<vmem>>
          tpu.vector_store_idx %scatter3A_2374[%add3A_2371, %rem3A_2041], %gather3A_2367 : memref<128x128xf32, #tpu.memory_space<vmem>>[vector<16xi32>, vector<16xi32>], vector<16xf32>,
          %gather3A_2375 = arith.constant 0 : i32
          %gather3A_2376 = arith.constant 0 : i32
          %gather3A_2377 = tpu.memref_slice %arg5[%rem3A_2312, %gather3A_2375, %gather3A_2376] : memref<2x32x512xf32, #tpu.memory_space<vmem>> -> memref<1x32x512xf32, #tpu.memory_space<vmem>>
          %gather3A_2378 = tpu.memref_squeeze %gather3A_2377 : memref<1x32x512xf32, #tpu.memory_space<vmem>> -> memref<32x512xf32, #tpu.memory_space<vmem>>
          %gather3A_2379 = tpu.vector_load_idx %gather3A_2378[%add3A_74, %add3A_2363] : memref<32x512xf32, #tpu.memory_space<vmem>>[vector<16xi32>, vector<16xi32>], vector<16xf32>,
          %mul3A_2380 = arith.constant 4 : i32
          %mul3A_2381 = arith.muli %mul3A_2380, %scan3A_2359 : i32
          %add3A_2382 = vector.broadcast %mul3A_2381 : i32 to vector<16xi32>
          %add3A_2383 = arith.addi %add3A_2382, %select_n3A_984 : vector<16xi32>
          %scatter3A_2384 = arith.constant 0 : i32
          %scatter3A_2385 = arith.constant 0 : i32
          %scatter3A_2386 = tpu.memref_slice %arg6[%rem3A_2312, %scatter3A_2384, %scatter3A_2385] : memref<2x128x128xf32, #tpu.memory_space<vmem>> -> memref<1x128x128xf32, #tpu.memory_space<vmem>>
          %scatter3A_2387 = tpu.memref_squeeze %scatter3A_2386 : memref<1x128x128xf32, #tpu.memory_space<vmem>> -> memref<128x128xf32, #tpu.memory_space<vmem>>
          tpu.vector_store_idx %scatter3A_2387[%add3A_2383, %rem3A_2048], %gather3A_2379 : memref<128x128xf32, #tpu.memory_space<vmem>>[vector<16xi32>, vector<16xi32>], vector<16xf32>,
          %gather3A_2388 = arith.constant 0 : i32
          %gather3A_2389 = arith.constant 0 : i32
          %gather3A_2390 = tpu.memref_slice %arg5[%rem3A_2312, %gather3A_2388, %gather3A_2389] : memref<2x32x512xf32, #tpu.memory_space<vmem>> -> memref<1x32x512xf32, #tpu.memory_space<vmem>>
          %gather3A_2391 = tpu.memref_squeeze %gather3A_2390 : memref<1x32x512xf32, #tpu.memory_space<vmem>> -> memref<32x512xf32, #tpu.memory_space<vmem>>
          %gather3A_2392 = tpu.vector_load_idx %gather3A_2391[%add3A_102, %add3A_2363] : memref<32x512xf32, #tpu.memory_space<vmem>>[vector<16xi32>, vector<16xi32>], vector<16xf32>,
          %mul3A_2393 = arith.constant 4 : i32
          %mul3A_2394 = arith.muli %mul3A_2393, %scan3A_2359 : i32
          %add3A_2395 = vector.broadcast %mul3A_2394 : i32 to vector<16xi32>
          %add3A_2396 = arith.addi %add3A_2395, %select_n3A_1019 : vector<16xi32>
          %scatter3A_2397 = arith.constant 0 : i32
          %scatter3A_2398 = arith.constant 0 : i32
          %scatter3A_2399 = tpu.memref_slice %arg6[%rem3A_2312, %scatter3A_2397, %scatter3A_2398] : memref<2x128x128xf32, #tpu.memory_space<vmem>> -> memref<1x128x128xf32, #tpu.memory_space<vmem>>
          %scatter3A_2400 = tpu.memref_squeeze %scatter3A_2399 : memref<1x128x128xf32, #tpu.memory_space<vmem>> -> memref<128x128xf32, #tpu.memory_space<vmem>>
          tpu.vector_store_idx %scatter3A_2400[%add3A_2396, %rem3A_2055], %gather3A_2392 : memref<128x128xf32, #tpu.memory_space<vmem>>[vector<16xi32>, vector<16xi32>], vector<16xf32>,
          %gather3A_2401 = arith.constant 0 : i32
          %gather3A_2402 = arith.constant 0 : i32
          %gather3A_2403 = tpu.memref_slice %arg5[%rem3A_2312, %gather3A_2401, %gather3A_2402] : memref<2x32x512xf32, #tpu.memory_space<vmem>> -> memref<1x32x512xf32, #tpu.memory_space<vmem>>
          %gather3A_2404 = tpu.memref_squeeze %gather3A_2403 : memref<1x32x512xf32, #tpu.memory_space<vmem>> -> memref<32x512xf32, #tpu.memory_space<vmem>>
          %gather3A_2405 = tpu.vector_load_idx %gather3A_2404[%add3A_130, %add3A_2363] : memref<32x512xf32, #tpu.memory_space<vmem>>[vector<16xi32>, vector<16xi32>], vector<16xf32>,
          %mul3A_2406 = arith.constant 4 : i32
          %mul3A_2407 = arith.muli %mul3A_2406, %scan3A_2359 : i32
          %add3A_2408 = vector.broadcast %mul3A_2407 : i32 to vector<16xi32>
          %add3A_2409 = arith.addi %add3A_2408, %select_n3A_1054 : vector<16xi32>
          %scatter3A_2410 = arith.constant 0 : i32
          %scatter3A_2411 = arith.constant 0 : i32
          %scatter3A_2412 = tpu.memref_slice %arg6[%rem3A_2312, %scatter3A_2410, %scatter3A_2411] : memref<2x128x128xf32, #tpu.memory_space<vmem>> -> memref<1x128x128xf32, #tpu.memory_space<vmem>>
          %scatter3A_2413 = tpu.memref_squeeze %scatter3A_2412 : memref<1x128x128xf32, #tpu.memory_space<vmem>> -> memref<128x128xf32, #tpu.memory_space<vmem>>
          tpu.vector_store_idx %scatter3A_2413[%add3A_2409, %rem3A_2062], %gather3A_2405 : memref<128x128xf32, #tpu.memory_space<vmem>>[vector<16xi32>, vector<16xi32>], vector<16xf32>,
          %gather3A_2414 = arith.constant 0 : i32
          %gather3A_2415 = arith.constant 0 : i32
          %gather3A_2416 = tpu.memref_slice %arg5[%rem3A_2312, %gather3A_2414, %gather3A_2415] : memref<2x32x512xf32, #tpu.memory_space<vmem>> -> memref<1x32x512xf32, #tpu.memory_space<vmem>>
          %gather3A_2417 = tpu.memref_squeeze %gather3A_2416 : memref<1x32x512xf32, #tpu.memory_space<vmem>> -> memref<32x512xf32, #tpu.memory_space<vmem>>
          %gather3A_2418 = tpu.vector_load_idx %gather3A_2417[%add3A_158, %add3A_2363] : memref<32x512xf32, #tpu.memory_space<vmem>>[vector<16xi32>, vector<16xi32>], vector<16xf32>,
          %mul3A_2419 = arith.constant 4 : i32
          %mul3A_2420 = arith.muli %mul3A_2419, %scan3A_2359 : i32
          %add3A_2421 = vector.broadcast %mul3A_2420 : i32 to vector<16xi32>
          %add3A_2422 = arith.addi %add3A_2421, %select_n3A_1089 : vector<16xi32>
          %scatter3A_2423 = arith.constant 0 : i32
          %scatter3A_2424 = arith.constant 0 : i32
          %scatter3A_2425 = tpu.memref_slice %arg6[%rem3A_2312, %scatter3A_2423, %scatter3A_2424] : memref<2x128x128xf32, #tpu.memory_space<vmem>> -> memref<1x128x128xf32, #tpu.memory_space<vmem>>
          %scatter3A_2426 = tpu.memref_squeeze %scatter3A_2425 : memref<1x128x128xf32, #tpu.memory_space<vmem>> -> memref<128x128xf32, #tpu.memory_space<vmem>>
          tpu.vector_store_idx %scatter3A_2426[%add3A_2422, %rem3A_2069], %gather3A_2418 : memref<128x128xf32, #tpu.memory_space<vmem>>[vector<16xi32>, vector<16xi32>], vector<16xf32>,
          %gather3A_2427 = arith.constant 0 : i32
          %gather3A_2428 = arith.constant 0 : i32
          %gather3A_2429 = tpu.memref_slice %arg5[%rem3A_2312, %gather3A_2427, %gather3A_2428] : memref<2x32x512xf32, #tpu.memory_space<vmem>> -> memref<1x32x512xf32, #tpu.memory_space<vmem>>
          %gather3A_2430 = tpu.memref_squeeze %gather3A_2429 : memref<1x32x512xf32, #tpu.memory_space<vmem>> -> memref<32x512xf32, #tpu.memory_space<vmem>>
          %gather3A_2431 = tpu.vector_load_idx %gather3A_2430[%add3A_186, %add3A_2363] : memref<32x512xf32, #tpu.memory_space<vmem>>[vector<16xi32>, vector<16xi32>], vector<16xf32>,
          %mul3A_2432 = arith.constant 4 : i32
          %mul3A_2433 = arith.muli %mul3A_2432, %scan3A_2359 : i32
          %add3A_2434 = vector.broadcast %mul3A_2433 : i32 to vector<16xi32>
          %add3A_2435 = arith.addi %add3A_2434, %select_n3A_1124 : vector<16xi32>
          %scatter3A_2436 = arith.constant 0 : i32
          %scatter3A_2437 = arith.constant 0 : i32
          %scatter3A_2438 = tpu.memref_slice %arg6[%rem3A_2312, %scatter3A_2436, %scatter3A_2437] : memref<2x128x128xf32, #tpu.memory_space<vmem>> -> memref<1x128x128xf32, #tpu.memory_space<vmem>>
          %scatter3A_2439 = tpu.memref_squeeze %scatter3A_2438 : memref<1x128x128xf32, #tpu.memory_space<vmem>> -> memref<128x128xf32, #tpu.memory_space<vmem>>
          tpu.vector_store_idx %scatter3A_2439[%add3A_2435, %rem3A_2076], %gather3A_2431 : memref<128x128xf32, #tpu.memory_space<vmem>>[vector<16xi32>, vector<16xi32>], vector<16xf32>,
          %gather3A_2440 = arith.constant 0 : i32
          %gather3A_2441 = arith.constant 0 : i32
          %gather3A_2442 = tpu.memref_slice %arg5[%rem3A_2312, %gather3A_2440, %gather3A_2441] : memref<2x32x512xf32, #tpu.memory_space<vmem>> -> memref<1x32x512xf32, #tpu.memory_space<vmem>>
          %gather3A_2443 = tpu.memref_squeeze %gather3A_2442 : memref<1x32x512xf32, #tpu.memory_space<vmem>> -> memref<32x512xf32, #tpu.memory_space<vmem>>
          %gather3A_2444 = tpu.vector_load_idx %gather3A_2443[%add3A_214, %add3A_2363] : memref<32x512xf32, #tpu.memory_space<vmem>>[vector<16xi32>, vector<16xi32>], vector<16xf32>,
          %mul3A_2445 = arith.constant 4 : i32
          %mul3A_2446 = arith.muli %mul3A_2445, %scan3A_2359 : i32
          %add3A_2447 = vector.broadcast %mul3A_2446 : i32 to vector<16xi32>
          %add3A_2448 = arith.addi %add3A_2447, %select_n3A_1159 : vector<16xi32>
          %scatter3A_2449 = arith.constant 0 : i32
          %scatter3A_2450 = arith.constant 0 : i32
          %scatter3A_2451 = tpu.memref_slice %arg6[%rem3A_2312, %scatter3A_2449, %scatter3A_2450] : memref<2x128x128xf32, #tpu.memory_space<vmem>> -> memref<1x128x128xf32, #tpu.memory_space<vmem>>
          %scatter3A_2452 = tpu.memref_squeeze %scatter3A_2451 : memref<1x128x128xf32, #tpu.memory_space<vmem>> -> memref<128x128xf32, #tpu.memory_space<vmem>>
          tpu.vector_store_idx %scatter3A_2452[%add3A_2448, %rem3A_2083], %gather3A_2444 : memref<128x128xf32, #tpu.memory_space<vmem>>[vector<16xi32>, vector<16xi32>], vector<16xf32>,
          %gather3A_2453 = arith.constant 0 : i32
          %gather3A_2454 = arith.constant 0 : i32
          %gather3A_2455 = tpu.memref_slice %arg5[%rem3A_2312, %gather3A_2453, %gather3A_2454] : memref<2x32x512xf32, #tpu.memory_space<vmem>> -> memref<1x32x512xf32, #tpu.memory_space<vmem>>
          %gather3A_2456 = tpu.memref_squeeze %gather3A_2455 : memref<1x32x512xf32, #tpu.memory_space<vmem>> -> memref<32x512xf32, #tpu.memory_space<vmem>>
          %gather3A_2457 = tpu.vector_load_idx %gather3A_2456[%add3A_242, %add3A_2363] : memref<32x512xf32, #tpu.memory_space<vmem>>[vector<16xi32>, vector<16xi32>], vector<16xf32>,
          %mul3A_2458 = arith.constant 4 : i32
          %mul3A_2459 = arith.muli %mul3A_2458, %scan3A_2359 : i32
          %add3A_2460 = vector.broadcast %mul3A_2459 : i32 to vector<16xi32>
          %add3A_2461 = arith.addi %add3A_2460, %select_n3A_1194 : vector<16xi32>
          %scatter3A_2462 = arith.constant 0 : i32
          %scatter3A_2463 = arith.constant 0 : i32
          %scatter3A_2464 = tpu.memref_slice %arg6[%rem3A_2312, %scatter3A_2462, %scatter3A_2463] : memref<2x128x128xf32, #tpu.memory_space<vmem>> -> memref<1x128x128xf32, #tpu.memory_space<vmem>>
          %scatter3A_2465 = tpu.memref_squeeze %scatter3A_2464 : memref<1x128x128xf32, #tpu.memory_space<vmem>> -> memref<128x128xf32, #tpu.memory_space<vmem>>
          tpu.vector_store_idx %scatter3A_2465[%add3A_2461, %rem3A_2090], %gather3A_2457 : memref<128x128xf32, #tpu.memory_space<vmem>>[vector<16xi32>, vector<16xi32>], vector<16xf32>,
          %gather3A_2466 = arith.constant 0 : i32
          %gather3A_2467 = arith.constant 0 : i32
          %gather3A_2468 = tpu.memref_slice %arg5[%rem3A_2312, %gather3A_2466, %gather3A_2467] : memref<2x32x512xf32, #tpu.memory_space<vmem>> -> memref<1x32x512xf32, #tpu.memory_space<vmem>>
          %gather3A_2469 = tpu.memref_squeeze %gather3A_2468 : memref<1x32x512xf32, #tpu.memory_space<vmem>> -> memref<32x512xf32, #tpu.memory_space<vmem>>
          %gather3A_2470 = tpu.vector_load_idx %gather3A_2469[%add3A_270, %add3A_2363] : memref<32x512xf32, #tpu.memory_space<vmem>>[vector<16xi32>, vector<16xi32>], vector<16xf32>,
          %mul3A_2471 = arith.constant 4 : i32
          %mul3A_2472 = arith.muli %mul3A_2471, %scan3A_2359 : i32
          %add3A_2473 = vector.broadcast %mul3A_2472 : i32 to vector<16xi32>
          %add3A_2474 = arith.addi %add3A_2473, %select_n3A_1229 : vector<16xi32>
          %scatter3A_2475 = arith.constant 0 : i32
          %scatter3A_2476 = arith.constant 0 : i32
          %scatter3A_2477 = tpu.memref_slice %arg6[%rem3A_2312, %scatter3A_2475, %scatter3A_2476] : memref<2x128x128xf32, #tpu.memory_space<vmem>> -> memref<1x128x128xf32, #tpu.memory_space<vmem>>
          %scatter3A_2478 = tpu.memref_squeeze %scatter3A_2477 : memref<1x128x128xf32, #tpu.memory_space<vmem>> -> memref<128x128xf32, #tpu.memory_space<vmem>>
          tpu.vector_store_idx %scatter3A_2478[%add3A_2474, %rem3A_2097], %gather3A_2470 : memref<128x128xf32, #tpu.memory_space<vmem>>[vector<16xi32>, vector<16xi32>], vector<16xf32>,
          %gather3A_2479 = arith.constant 0 : i32
          %gather3A_2480 = arith.constant 0 : i32
          %gather3A_2481 = tpu.memref_slice %arg5[%rem3A_2312, %gather3A_2479, %gather3A_2480] : memref<2x32x512xf32, #tpu.memory_space<vmem>> -> memref<1x32x512xf32, #tpu.memory_space<vmem>>
          %gather3A_2482 = tpu.memref_squeeze %gather3A_2481 : memref<1x32x512xf32, #tpu.memory_space<vmem>> -> memref<32x512xf32, #tpu.memory_space<vmem>>
          %gather3A_2483 = tpu.vector_load_idx %gather3A_2482[%add3A_298, %add3A_2363] : memref<32x512xf32, #tpu.memory_space<vmem>>[vector<16xi32>, vector<16xi32>], vector<16xf32>,
          %mul3A_2484 = arith.constant 4 : i32
          %mul3A_2485 = arith.muli %mul3A_2484, %scan3A_2359 : i32
          %add3A_2486 = vector.broadcast %mul3A_2485 : i32 to vector<16xi32>
          %add3A_2487 = arith.addi %add3A_2486, %select_n3A_1264 : vector<16xi32>
          %scatter3A_2488 = arith.constant 0 : i32
          %scatter3A_2489 = arith.constant 0 : i32
          %scatter3A_2490 = tpu.memref_slice %arg6[%rem3A_2312, %scatter3A_2488, %scatter3A_2489] : memref<2x128x128xf32, #tpu.memory_space<vmem>> -> memref<1x128x128xf32, #tpu.memory_space<vmem>>
          %scatter3A_2491 = tpu.memref_squeeze %scatter3A_2490 : memref<1x128x128xf32, #tpu.memory_space<vmem>> -> memref<128x128xf32, #tpu.memory_space<vmem>>
          tpu.vector_store_idx %scatter3A_2491[%add3A_2487, %rem3A_2104], %gather3A_2483 : memref<128x128xf32, #tpu.memory_space<vmem>>[vector<16xi32>, vector<16xi32>], vector<16xf32>,
          %gather3A_2492 = arith.constant 0 : i32
          %gather3A_2493 = arith.constant 0 : i32
          %gather3A_2494 = tpu.memref_slice %arg5[%rem3A_2312, %gather3A_2492, %gather3A_2493] : memref<2x32x512xf32, #tpu.memory_space<vmem>> -> memref<1x32x512xf32, #tpu.memory_space<vmem>>
          %gather3A_2495 = tpu.memref_squeeze %gather3A_2494 : memref<1x32x512xf32, #tpu.memory_space<vmem>> -> memref<32x512xf32, #tpu.memory_space<vmem>>
          %gather3A_2496 = tpu.vector_load_idx %gather3A_2495[%add3A_326, %add3A_2363] : memref<32x512xf32, #tpu.memory_space<vmem>>[vector<16xi32>, vector<16xi32>], vector<16xf32>,
          %mul3A_2497 = arith.constant 4 : i32
          %mul3A_2498 = arith.muli %mul3A_2497, %scan3A_2359 : i32
          %add3A_2499 = vector.broadcast %mul3A_2498 : i32 to vector<16xi32>
          %add3A_2500 = arith.addi %add3A_2499, %select_n3A_1299 : vector<16xi32>
          %scatter3A_2501 = arith.constant 0 : i32
          %scatter3A_2502 = arith.constant 0 : i32
          %scatter3A_2503 = tpu.memref_slice %arg6[%rem3A_2312, %scatter3A_2501, %scatter3A_2502] : memref<2x128x128xf32, #tpu.memory_space<vmem>> -> memref<1x128x128xf32, #tpu.memory_space<vmem>>
          %scatter3A_2504 = tpu.memref_squeeze %scatter3A_2503 : memref<1x128x128xf32, #tpu.memory_space<vmem>> -> memref<128x128xf32, #tpu.memory_space<vmem>>
          tpu.vector_store_idx %scatter3A_2504[%add3A_2500, %rem3A_2111], %gather3A_2496 : memref<128x128xf32, #tpu.memory_space<vmem>>[vector<16xi32>, vector<16xi32>], vector<16xf32>,
          %gather3A_2505 = arith.constant 0 : i32
          %gather3A_2506 = arith.constant 0 : i32
          %gather3A_2507 = tpu.memref_slice %arg5[%rem3A_2312, %gather3A_2505, %gather3A_2506] : memref<2x32x512xf32, #tpu.memory_space<vmem>> -> memref<1x32x512xf32, #tpu.memory_space<vmem>>
          %gather3A_2508 = tpu.memref_squeeze %gather3A_2507 : memref<1x32x512xf32, #tpu.memory_space<vmem>> -> memref<32x512xf32, #tpu.memory_space<vmem>>
          %gather3A_2509 = tpu.vector_load_idx %gather3A_2508[%add3A_354, %add3A_2363] : memref<32x512xf32, #tpu.memory_space<vmem>>[vector<16xi32>, vector<16xi32>], vector<16xf32>,
          %mul3A_2510 = arith.constant 4 : i32
          %mul3A_2511 = arith.muli %mul3A_2510, %scan3A_2359 : i32
          %add3A_2512 = vector.broadcast %mul3A_2511 : i32 to vector<16xi32>
          %add3A_2513 = arith.addi %add3A_2512, %select_n3A_1334 : vector<16xi32>
          %scatter3A_2514 = arith.constant 0 : i32
          %scatter3A_2515 = arith.constant 0 : i32
          %scatter3A_2516 = tpu.memref_slice %arg6[%rem3A_2312, %scatter3A_2514, %scatter3A_2515] : memref<2x128x128xf32, #tpu.memory_space<vmem>> -> memref<1x128x128xf32, #tpu.memory_space<vmem>>
          %scatter3A_2517 = tpu.memref_squeeze %scatter3A_2516 : memref<1x128x128xf32, #tpu.memory_space<vmem>> -> memref<128x128xf32, #tpu.memory_space<vmem>>
          tpu.vector_store_idx %scatter3A_2517[%add3A_2513, %rem3A_2118], %gather3A_2509 : memref<128x128xf32, #tpu.memory_space<vmem>>[vector<16xi32>, vector<16xi32>], vector<16xf32>,
          %gather3A_2518 = arith.constant 0 : i32
          %gather3A_2519 = arith.constant 0 : i32
          %gather3A_2520 = tpu.memref_slice %arg5[%rem3A_2312, %gather3A_2518, %gather3A_2519] : memref<2x32x512xf32, #tpu.memory_space<vmem>> -> memref<1x32x512xf32, #tpu.memory_space<vmem>>
          %gather3A_2521 = tpu.memref_squeeze %gather3A_2520 : memref<1x32x512xf32, #tpu.memory_space<vmem>> -> memref<32x512xf32, #tpu.memory_space<vmem>>
          %gather3A_2522 = tpu.vector_load_idx %gather3A_2521[%add3A_382, %add3A_2363] : memref<32x512xf32, #tpu.memory_space<vmem>>[vector<16xi32>, vector<16xi32>], vector<16xf32>,
          %mul3A_2523 = arith.constant 4 : i32
          %mul3A_2524 = arith.muli %mul3A_2523, %scan3A_2359 : i32
          %add3A_2525 = vector.broadcast %mul3A_2524 : i32 to vector<16xi32>
          %add3A_2526 = arith.addi %add3A_2525, %select_n3A_1369 : vector<16xi32>
          %scatter3A_2527 = arith.constant 0 : i32
          %scatter3A_2528 = arith.constant 0 : i32
          %scatter3A_2529 = tpu.memref_slice %arg6[%rem3A_2312, %scatter3A_2527, %scatter3A_2528] : memref<2x128x128xf32, #tpu.memory_space<vmem>> -> memref<1x128x128xf32, #tpu.memory_space<vmem>>
          %scatter3A_2530 = tpu.memref_squeeze %scatter3A_2529 : memref<1x128x128xf32, #tpu.memory_space<vmem>> -> memref<128x128xf32, #tpu.memory_space<vmem>>
          tpu.vector_store_idx %scatter3A_2530[%add3A_2526, %rem3A_2125], %gather3A_2522 : memref<128x128xf32, #tpu.memory_space<vmem>>[vector<16xi32>, vector<16xi32>], vector<16xf32>,
          %gather3A_2531 = arith.constant 0 : i32
          %gather3A_2532 = arith.constant 0 : i32
          %gather3A_2533 = tpu.memref_slice %arg5[%rem3A_2312, %gather3A_2531, %gather3A_2532] : memref<2x32x512xf32, #tpu.memory_space<vmem>> -> memref<1x32x512xf32, #tpu.memory_space<vmem>>
          %gather3A_2534 = tpu.memref_squeeze %gather3A_2533 : memref<1x32x512xf32, #tpu.memory_space<vmem>> -> memref<32x512xf32, #tpu.memory_space<vmem>>
          %gather3A_2535 = tpu.vector_load_idx %gather3A_2534[%add3A_410, %add3A_2363] : memref<32x512xf32, #tpu.memory_space<vmem>>[vector<16xi32>, vector<16xi32>], vector<16xf32>,
          %mul3A_2536 = arith.constant 4 : i32
          %mul3A_2537 = arith.muli %mul3A_2536, %scan3A_2359 : i32
          %add3A_2538 = vector.broadcast %mul3A_2537 : i32 to vector<16xi32>
          %add3A_2539 = arith.addi %add3A_2538, %select_n3A_1404 : vector<16xi32>
          %scatter3A_2540 = arith.constant 0 : i32
          %scatter3A_2541 = arith.constant 0 : i32
          %scatter3A_2542 = tpu.memref_slice %arg6[%rem3A_2312, %scatter3A_2540, %scatter3A_2541] : memref<2x128x128xf32, #tpu.memory_space<vmem>> -> memref<1x128x128xf32, #tpu.memory_space<vmem>>
          %scatter3A_2543 = tpu.memref_squeeze %scatter3A_2542 : memref<1x128x128xf32, #tpu.memory_space<vmem>> -> memref<128x128xf32, #tpu.memory_space<vmem>>
          tpu.vector_store_idx %scatter3A_2543[%add3A_2539, %rem3A_2132], %gather3A_2535 : memref<128x128xf32, #tpu.memory_space<vmem>>[vector<16xi32>, vector<16xi32>], vector<16xf32>,
          %gather3A_2544 = arith.constant 0 : i32
          %gather3A_2545 = arith.constant 0 : i32
          %gather3A_2546 = tpu.memref_slice %arg5[%rem3A_2312, %gather3A_2544, %gather3A_2545] : memref<2x32x512xf32, #tpu.memory_space<vmem>> -> memref<1x32x512xf32, #tpu.memory_space<vmem>>
          %gather3A_2547 = tpu.memref_squeeze %gather3A_2546 : memref<1x32x512xf32, #tpu.memory_space<vmem>> -> memref<32x512xf32, #tpu.memory_space<vmem>>
          %gather3A_2548 = tpu.vector_load_idx %gather3A_2547[%add3A_438, %add3A_2363] : memref<32x512xf32, #tpu.memory_space<vmem>>[vector<16xi32>, vector<16xi32>], vector<16xf32>,
          %mul3A_2549 = arith.constant 4 : i32
          %mul3A_2550 = arith.muli %mul3A_2549, %scan3A_2359 : i32
          %add3A_2551 = vector.broadcast %mul3A_2550 : i32 to vector<16xi32>
          %add3A_2552 = arith.addi %add3A_2551, %select_n3A_1439 : vector<16xi32>
          %scatter3A_2553 = arith.constant 0 : i32
          %scatter3A_2554 = arith.constant 0 : i32
          %scatter3A_2555 = tpu.memref_slice %arg6[%rem3A_2312, %scatter3A_2553, %scatter3A_2554] : memref<2x128x128xf32, #tpu.memory_space<vmem>> -> memref<1x128x128xf32, #tpu.memory_space<vmem>>
          %scatter3A_2556 = tpu.memref_squeeze %scatter3A_2555 : memref<1x128x128xf32, #tpu.memory_space<vmem>> -> memref<128x128xf32, #tpu.memory_space<vmem>>
          tpu.vector_store_idx %scatter3A_2556[%add3A_2552, %rem3A_2139], %gather3A_2548 : memref<128x128xf32, #tpu.memory_space<vmem>>[vector<16xi32>, vector<16xi32>], vector<16xf32>,
          %gather3A_2557 = arith.constant 0 : i32
          %gather3A_2558 = arith.constant 0 : i32
          %gather3A_2559 = tpu.memref_slice %arg5[%rem3A_2312, %gather3A_2557, %gather3A_2558] : memref<2x32x512xf32, #tpu.memory_space<vmem>> -> memref<1x32x512xf32, #tpu.memory_space<vmem>>
          %gather3A_2560 = tpu.memref_squeeze %gather3A_2559 : memref<1x32x512xf32, #tpu.memory_space<vmem>> -> memref<32x512xf32, #tpu.memory_space<vmem>>
          %gather3A_2561 = tpu.vector_load_idx %gather3A_2560[%add3A_466, %add3A_2363] : memref<32x512xf32, #tpu.memory_space<vmem>>[vector<16xi32>, vector<16xi32>], vector<16xf32>,
          %mul3A_2562 = arith.constant 4 : i32
          %mul3A_2563 = arith.muli %mul3A_2562, %scan3A_2359 : i32
          %add3A_2564 = vector.broadcast %mul3A_2563 : i32 to vector<16xi32>
          %add3A_2565 = arith.addi %add3A_2564, %select_n3A_1474 : vector<16xi32>
          %scatter3A_2566 = arith.constant 0 : i32
          %scatter3A_2567 = arith.constant 0 : i32
          %scatter3A_2568 = tpu.memref_slice %arg6[%rem3A_2312, %scatter3A_2566, %scatter3A_2567] : memref<2x128x128xf32, #tpu.memory_space<vmem>> -> memref<1x128x128xf32, #tpu.memory_space<vmem>>
          %scatter3A_2569 = tpu.memref_squeeze %scatter3A_2568 : memref<1x128x128xf32, #tpu.memory_space<vmem>> -> memref<128x128xf32, #tpu.memory_space<vmem>>
          tpu.vector_store_idx %scatter3A_2569[%add3A_2565, %rem3A_2146], %gather3A_2561 : memref<128x128xf32, #tpu.memory_space<vmem>>[vector<16xi32>, vector<16xi32>], vector<16xf32>,
          %gather3A_2570 = arith.constant 0 : i32
          %gather3A_2571 = arith.constant 0 : i32
          %gather3A_2572 = tpu.memref_slice %arg5[%rem3A_2312, %gather3A_2570, %gather3A_2571] : memref<2x32x512xf32, #tpu.memory_space<vmem>> -> memref<1x32x512xf32, #tpu.memory_space<vmem>>
          %gather3A_2573 = tpu.memref_squeeze %gather3A_2572 : memref<1x32x512xf32, #tpu.memory_space<vmem>> -> memref<32x512xf32, #tpu.memory_space<vmem>>
          %gather3A_2574 = tpu.vector_load_idx %gather3A_2573[%add3A_494, %add3A_2363] : memref<32x512xf32, #tpu.memory_space<vmem>>[vector<16xi32>, vector<16xi32>], vector<16xf32>,
          %mul3A_2575 = arith.constant 4 : i32
          %mul3A_2576 = arith.muli %mul3A_2575, %scan3A_2359 : i32
          %add3A_2577 = vector.broadcast %mul3A_2576 : i32 to vector<16xi32>
          %add3A_2578 = arith.addi %add3A_2577, %select_n3A_1509 : vector<16xi32>
          %scatter3A_2579 = arith.constant 0 : i32
          %scatter3A_2580 = arith.constant 0 : i32
          %scatter3A_2581 = tpu.memref_slice %arg6[%rem3A_2312, %scatter3A_2579, %scatter3A_2580] : memref<2x128x128xf32, #tpu.memory_space<vmem>> -> memref<1x128x128xf32, #tpu.memory_space<vmem>>
          %scatter3A_2582 = tpu.memref_squeeze %scatter3A_2581 : memref<1x128x128xf32, #tpu.memory_space<vmem>> -> memref<128x128xf32, #tpu.memory_space<vmem>>
          tpu.vector_store_idx %scatter3A_2582[%add3A_2578, %rem3A_2153], %gather3A_2574 : memref<128x128xf32, #tpu.memory_space<vmem>>[vector<16xi32>, vector<16xi32>], vector<16xf32>,
          %gather3A_2583 = arith.constant 0 : i32
          %gather3A_2584 = arith.constant 0 : i32
          %gather3A_2585 = tpu.memref_slice %arg5[%rem3A_2312, %gather3A_2583, %gather3A_2584] : memref<2x32x512xf32, #tpu.memory_space<vmem>> -> memref<1x32x512xf32, #tpu.memory_space<vmem>>
          %gather3A_2586 = tpu.memref_squeeze %gather3A_2585 : memref<1x32x512xf32, #tpu.memory_space<vmem>> -> memref<32x512xf32, #tpu.memory_space<vmem>>
          %gather3A_2587 = tpu.vector_load_idx %gather3A_2586[%add3A_522, %add3A_2363] : memref<32x512xf32, #tpu.memory_space<vmem>>[vector<16xi32>, vector<16xi32>], vector<16xf32>,
          %mul3A_2588 = arith.constant 4 : i32
          %mul3A_2589 = arith.muli %mul3A_2588, %scan3A_2359 : i32
          %add3A_2590 = vector.broadcast %mul3A_2589 : i32 to vector<16xi32>
          %add3A_2591 = arith.addi %add3A_2590, %select_n3A_1544 : vector<16xi32>
          %scatter3A_2592 = arith.constant 0 : i32
          %scatter3A_2593 = arith.constant 0 : i32
          %scatter3A_2594 = tpu.memref_slice %arg6[%rem3A_2312, %scatter3A_2592, %scatter3A_2593] : memref<2x128x128xf32, #tpu.memory_space<vmem>> -> memref<1x128x128xf32, #tpu.memory_space<vmem>>
          %scatter3A_2595 = tpu.memref_squeeze %scatter3A_2594 : memref<1x128x128xf32, #tpu.memory_space<vmem>> -> memref<128x128xf32, #tpu.memory_space<vmem>>
          tpu.vector_store_idx %scatter3A_2595[%add3A_2591, %rem3A_2160], %gather3A_2587 : memref<128x128xf32, #tpu.memory_space<vmem>>[vector<16xi32>, vector<16xi32>], vector<16xf32>,
          %gather3A_2596 = arith.constant 0 : i32
          %gather3A_2597 = arith.constant 0 : i32
          %gather3A_2598 = tpu.memref_slice %arg5[%rem3A_2312, %gather3A_2596, %gather3A_2597] : memref<2x32x512xf32, #tpu.memory_space<vmem>> -> memref<1x32x512xf32, #tpu.memory_space<vmem>>
          %gather3A_2599 = tpu.memref_squeeze %gather3A_2598 : memref<1x32x512xf32, #tpu.memory_space<vmem>> -> memref<32x512xf32, #tpu.memory_space<vmem>>
          %gather3A_2600 = tpu.vector_load_idx %gather3A_2599[%add3A_550, %add3A_2363] : memref<32x512xf32, #tpu.memory_space<vmem>>[vector<16xi32>, vector<16xi32>], vector<16xf32>,
          %mul3A_2601 = arith.constant 4 : i32
          %mul3A_2602 = arith.muli %mul3A_2601, %scan3A_2359 : i32
          %add3A_2603 = vector.broadcast %mul3A_2602 : i32 to vector<16xi32>
          %add3A_2604 = arith.addi %add3A_2603, %select_n3A_1579 : vector<16xi32>
          %scatter3A_2605 = arith.constant 0 : i32
          %scatter3A_2606 = arith.constant 0 : i32
          %scatter3A_2607 = tpu.memref_slice %arg6[%rem3A_2312, %scatter3A_2605, %scatter3A_2606] : memref<2x128x128xf32, #tpu.memory_space<vmem>> -> memref<1x128x128xf32, #tpu.memory_space<vmem>>
          %scatter3A_2608 = tpu.memref_squeeze %scatter3A_2607 : memref<1x128x128xf32, #tpu.memory_space<vmem>> -> memref<128x128xf32, #tpu.memory_space<vmem>>
          tpu.vector_store_idx %scatter3A_2608[%add3A_2604, %rem3A_2167], %gather3A_2600 : memref<128x128xf32, #tpu.memory_space<vmem>>[vector<16xi32>, vector<16xi32>], vector<16xf32>,
          %gather3A_2609 = arith.constant 0 : i32
          %gather3A_2610 = arith.constant 0 : i32
          %gather3A_2611 = tpu.memref_slice %arg5[%rem3A_2312, %gather3A_2609, %gather3A_2610] : memref<2x32x512xf32, #tpu.memory_space<vmem>> -> memref<1x32x512xf32, #tpu.memory_space<vmem>>
          %gather3A_2612 = tpu.memref_squeeze %gather3A_2611 : memref<1x32x512xf32, #tpu.memory_space<vmem>> -> memref<32x512xf32, #tpu.memory_space<vmem>>
          %gather3A_2613 = tpu.vector_load_idx %gather3A_2612[%add3A_578, %add3A_2363] : memref<32x512xf32, #tpu.memory_space<vmem>>[vector<16xi32>, vector<16xi32>], vector<16xf32>,
          %mul3A_2614 = arith.constant 4 : i32
          %mul3A_2615 = arith.muli %mul3A_2614, %scan3A_2359 : i32
          %add3A_2616 = vector.broadcast %mul3A_2615 : i32 to vector<16xi32>
          %add3A_2617 = arith.addi %add3A_2616, %select_n3A_1614 : vector<16xi32>
          %scatter3A_2618 = arith.constant 0 : i32
          %scatter3A_2619 = arith.constant 0 : i32
          %scatter3A_2620 = tpu.memref_slice %arg6[%rem3A_2312, %scatter3A_2618, %scatter3A_2619] : memref<2x128x128xf32, #tpu.memory_space<vmem>> -> memref<1x128x128xf32, #tpu.memory_space<vmem>>
          %scatter3A_2621 = tpu.memref_squeeze %scatter3A_2620 : memref<1x128x128xf32, #tpu.memory_space<vmem>> -> memref<128x128xf32, #tpu.memory_space<vmem>>
          tpu.vector_store_idx %scatter3A_2621[%add3A_2617, %rem3A_2174], %gather3A_2613 : memref<128x128xf32, #tpu.memory_space<vmem>>[vector<16xi32>, vector<16xi32>], vector<16xf32>,
          %gather3A_2622 = arith.constant 0 : i32
          %gather3A_2623 = arith.constant 0 : i32
          %gather3A_2624 = tpu.memref_slice %arg5[%rem3A_2312, %gather3A_2622, %gather3A_2623] : memref<2x32x512xf32, #tpu.memory_space<vmem>> -> memref<1x32x512xf32, #tpu.memory_space<vmem>>
          %gather3A_2625 = tpu.memref_squeeze %gather3A_2624 : memref<1x32x512xf32, #tpu.memory_space<vmem>> -> memref<32x512xf32, #tpu.memory_space<vmem>>
          %gather3A_2626 = tpu.vector_load_idx %gather3A_2625[%add3A_606, %add3A_2363] : memref<32x512xf32, #tpu.memory_space<vmem>>[vector<16xi32>, vector<16xi32>], vector<16xf32>,
          %mul3A_2627 = arith.constant 4 : i32
          %mul3A_2628 = arith.muli %mul3A_2627, %scan3A_2359 : i32
          %add3A_2629 = vector.broadcast %mul3A_2628 : i32 to vector<16xi32>
          %add3A_2630 = arith.addi %add3A_2629, %select_n3A_1649 : vector<16xi32>
          %scatter3A_2631 = arith.constant 0 : i32
          %scatter3A_2632 = arith.constant 0 : i32
          %scatter3A_2633 = tpu.memref_slice %arg6[%rem3A_2312, %scatter3A_2631, %scatter3A_2632] : memref<2x128x128xf32, #tpu.memory_space<vmem>> -> memref<1x128x128xf32, #tpu.memory_space<vmem>>
          %scatter3A_2634 = tpu.memref_squeeze %scatter3A_2633 : memref<1x128x128xf32, #tpu.memory_space<vmem>> -> memref<128x128xf32, #tpu.memory_space<vmem>>
          tpu.vector_store_idx %scatter3A_2634[%add3A_2630, %rem3A_2181], %gather3A_2626 : memref<128x128xf32, #tpu.memory_space<vmem>>[vector<16xi32>, vector<16xi32>], vector<16xf32>,
          %gather3A_2635 = arith.constant 0 : i32
          %gather3A_2636 = arith.constant 0 : i32
          %gather3A_2637 = tpu.memref_slice %arg5[%rem3A_2312, %gather3A_2635, %gather3A_2636] : memref<2x32x512xf32, #tpu.memory_space<vmem>> -> memref<1x32x512xf32, #tpu.memory_space<vmem>>
          %gather3A_2638 = tpu.memref_squeeze %gather3A_2637 : memref<1x32x512xf32, #tpu.memory_space<vmem>> -> memref<32x512xf32, #tpu.memory_space<vmem>>
          %gather3A_2639 = tpu.vector_load_idx %gather3A_2638[%add3A_634, %add3A_2363] : memref<32x512xf32, #tpu.memory_space<vmem>>[vector<16xi32>, vector<16xi32>], vector<16xf32>,
          %mul3A_2640 = arith.constant 4 : i32
          %mul3A_2641 = arith.muli %mul3A_2640, %scan3A_2359 : i32
          %add3A_2642 = vector.broadcast %mul3A_2641 : i32 to vector<16xi32>
          %add3A_2643 = arith.addi %add3A_2642, %select_n3A_1684 : vector<16xi32>
          %scatter3A_2644 = arith.constant 0 : i32
          %scatter3A_2645 = arith.constant 0 : i32
          %scatter3A_2646 = tpu.memref_slice %arg6[%rem3A_2312, %scatter3A_2644, %scatter3A_2645] : memref<2x128x128xf32, #tpu.memory_space<vmem>> -> memref<1x128x128xf32, #tpu.memory_space<vmem>>
          %scatter3A_2647 = tpu.memref_squeeze %scatter3A_2646 : memref<1x128x128xf32, #tpu.memory_space<vmem>> -> memref<128x128xf32, #tpu.memory_space<vmem>>
          tpu.vector_store_idx %scatter3A_2647[%add3A_2643, %rem3A_2188], %gather3A_2639 : memref<128x128xf32, #tpu.memory_space<vmem>>[vector<16xi32>, vector<16xi32>], vector<16xf32>,
          %gather3A_2648 = arith.constant 0 : i32
          %gather3A_2649 = arith.constant 0 : i32
          %gather3A_2650 = tpu.memref_slice %arg5[%rem3A_2312, %gather3A_2648, %gather3A_2649] : memref<2x32x512xf32, #tpu.memory_space<vmem>> -> memref<1x32x512xf32, #tpu.memory_space<vmem>>
          %gather3A_2651 = tpu.memref_squeeze %gather3A_2650 : memref<1x32x512xf32, #tpu.memory_space<vmem>> -> memref<32x512xf32, #tpu.memory_space<vmem>>
          %gather3A_2652 = tpu.vector_load_idx %gather3A_2651[%add3A_662, %add3A_2363] : memref<32x512xf32, #tpu.memory_space<vmem>>[vector<16xi32>, vector<16xi32>], vector<16xf32>,
          %mul3A_2653 = arith.constant 4 : i32
          %mul3A_2654 = arith.muli %mul3A_2653, %scan3A_2359 : i32
          %add3A_2655 = vector.broadcast %mul3A_2654 : i32 to vector<16xi32>
          %add3A_2656 = arith.addi %add3A_2655, %select_n3A_1719 : vector<16xi32>
          %scatter3A_2657 = arith.constant 0 : i32
          %scatter3A_2658 = arith.constant 0 : i32
          %scatter3A_2659 = tpu.memref_slice %arg6[%rem3A_2312, %scatter3A_2657, %scatter3A_2658] : memref<2x128x128xf32, #tpu.memory_space<vmem>> -> memref<1x128x128xf32, #tpu.memory_space<vmem>>
          %scatter3A_2660 = tpu.memref_squeeze %scatter3A_2659 : memref<1x128x128xf32, #tpu.memory_space<vmem>> -> memref<128x128xf32, #tpu.memory_space<vmem>>
          tpu.vector_store_idx %scatter3A_2660[%add3A_2656, %rem3A_2195], %gather3A_2652 : memref<128x128xf32, #tpu.memory_space<vmem>>[vector<16xi32>, vector<16xi32>], vector<16xf32>,
          %gather3A_2661 = arith.constant 0 : i32
          %gather3A_2662 = arith.constant 0 : i32
          %gather3A_2663 = tpu.memref_slice %arg5[%rem3A_2312, %gather3A_2661, %gather3A_2662] : memref<2x32x512xf32, #tpu.memory_space<vmem>> -> memref<1x32x512xf32, #tpu.memory_space<vmem>>
          %gather3A_2664 = tpu.memref_squeeze %gather3A_2663 : memref<1x32x512xf32, #tpu.memory_space<vmem>> -> memref<32x512xf32, #tpu.memory_space<vmem>>
          %gather3A_2665 = tpu.vector_load_idx %gather3A_2664[%add3A_690, %add3A_2363] : memref<32x512xf32, #tpu.memory_space<vmem>>[vector<16xi32>, vector<16xi32>], vector<16xf32>,
          %mul3A_2666 = arith.constant 4 : i32
          %mul3A_2667 = arith.muli %mul3A_2666, %scan3A_2359 : i32
          %add3A_2668 = vector.broadcast %mul3A_2667 : i32 to vector<16xi32>
          %add3A_2669 = arith.addi %add3A_2668, %select_n3A_1754 : vector<16xi32>
          %scatter3A_2670 = arith.constant 0 : i32
          %scatter3A_2671 = arith.constant 0 : i32
          %scatter3A_2672 = tpu.memref_slice %arg6[%rem3A_2312, %scatter3A_2670, %scatter3A_2671] : memref<2x128x128xf32, #tpu.memory_space<vmem>> -> memref<1x128x128xf32, #tpu.memory_space<vmem>>
          %scatter3A_2673 = tpu.memref_squeeze %scatter3A_2672 : memref<1x128x128xf32, #tpu.memory_space<vmem>> -> memref<128x128xf32, #tpu.memory_space<vmem>>
          tpu.vector_store_idx %scatter3A_2673[%add3A_2669, %rem3A_2202], %gather3A_2665 : memref<128x128xf32, #tpu.memory_space<vmem>>[vector<16xi32>, vector<16xi32>], vector<16xf32>,
          %gather3A_2674 = arith.constant 0 : i32
          %gather3A_2675 = arith.constant 0 : i32
          %gather3A_2676 = tpu.memref_slice %arg5[%rem3A_2312, %gather3A_2674, %gather3A_2675] : memref<2x32x512xf32, #tpu.memory_space<vmem>> -> memref<1x32x512xf32, #tpu.memory_space<vmem>>
          %gather3A_2677 = tpu.memref_squeeze %gather3A_2676 : memref<1x32x512xf32, #tpu.memory_space<vmem>> -> memref<32x512xf32, #tpu.memory_space<vmem>>
          %gather3A_2678 = tpu.vector_load_idx %gather3A_2677[%add3A_718, %add3A_2363] : memref<32x512xf32, #tpu.memory_space<vmem>>[vector<16xi32>, vector<16xi32>], vector<16xf32>,
          %mul3A_2679 = arith.constant 4 : i32
          %mul3A_2680 = arith.muli %mul3A_2679, %scan3A_2359 : i32
          %add3A_2681 = vector.broadcast %mul3A_2680 : i32 to vector<16xi32>
          %add3A_2682 = arith.addi %add3A_2681, %select_n3A_1789 : vector<16xi32>
          %scatter3A_2683 = arith.constant 0 : i32
          %scatter3A_2684 = arith.constant 0 : i32
          %scatter3A_2685 = tpu.memref_slice %arg6[%rem3A_2312, %scatter3A_2683, %scatter3A_2684] : memref<2x128x128xf32, #tpu.memory_space<vmem>> -> memref<1x128x128xf32, #tpu.memory_space<vmem>>
          %scatter3A_2686 = tpu.memref_squeeze %scatter3A_2685 : memref<1x128x128xf32, #tpu.memory_space<vmem>> -> memref<128x128xf32, #tpu.memory_space<vmem>>
          tpu.vector_store_idx %scatter3A_2686[%add3A_2682, %rem3A_2209], %gather3A_2678 : memref<128x128xf32, #tpu.memory_space<vmem>>[vector<16xi32>, vector<16xi32>], vector<16xf32>,
          %gather3A_2687 = arith.constant 0 : i32
          %gather3A_2688 = arith.constant 0 : i32
          %gather3A_2689 = tpu.memref_slice %arg5[%rem3A_2312, %gather3A_2687, %gather3A_2688] : memref<2x32x512xf32, #tpu.memory_space<vmem>> -> memref<1x32x512xf32, #tpu.memory_space<vmem>>
          %gather3A_2690 = tpu.memref_squeeze %gather3A_2689 : memref<1x32x512xf32, #tpu.memory_space<vmem>> -> memref<32x512xf32, #tpu.memory_space<vmem>>
          %gather3A_2691 = tpu.vector_load_idx %gather3A_2690[%add3A_746, %add3A_2363] : memref<32x512xf32, #tpu.memory_space<vmem>>[vector<16xi32>, vector<16xi32>], vector<16xf32>,
          %mul3A_2692 = arith.constant 4 : i32
          %mul3A_2693 = arith.muli %mul3A_2692, %scan3A_2359 : i32
          %add3A_2694 = vector.broadcast %mul3A_2693 : i32 to vector<16xi32>
          %add3A_2695 = arith.addi %add3A_2694, %select_n3A_1824 : vector<16xi32>
          %scatter3A_2696 = arith.constant 0 : i32
          %scatter3A_2697 = arith.constant 0 : i32
          %scatter3A_2698 = tpu.memref_slice %arg6[%rem3A_2312, %scatter3A_2696, %scatter3A_2697] : memref<2x128x128xf32, #tpu.memory_space<vmem>> -> memref<1x128x128xf32, #tpu.memory_space<vmem>>
          %scatter3A_2699 = tpu.memref_squeeze %scatter3A_2698 : memref<1x128x128xf32, #tpu.memory_space<vmem>> -> memref<128x128xf32, #tpu.memory_space<vmem>>
          tpu.vector_store_idx %scatter3A_2699[%add3A_2695, %rem3A_2216], %gather3A_2691 : memref<128x128xf32, #tpu.memory_space<vmem>>[vector<16xi32>, vector<16xi32>], vector<16xf32>,
          %gather3A_2700 = arith.constant 0 : i32
          %gather3A_2701 = arith.constant 0 : i32
          %gather3A_2702 = tpu.memref_slice %arg5[%rem3A_2312, %gather3A_2700, %gather3A_2701] : memref<2x32x512xf32, #tpu.memory_space<vmem>> -> memref<1x32x512xf32, #tpu.memory_space<vmem>>
          %gather3A_2703 = tpu.memref_squeeze %gather3A_2702 : memref<1x32x512xf32, #tpu.memory_space<vmem>> -> memref<32x512xf32, #tpu.memory_space<vmem>>
          %gather3A_2704 = tpu.vector_load_idx %gather3A_2703[%add3A_774, %add3A_2363] : memref<32x512xf32, #tpu.memory_space<vmem>>[vector<16xi32>, vector<16xi32>], vector<16xf32>,
          %mul3A_2705 = arith.constant 4 : i32
          %mul3A_2706 = arith.muli %mul3A_2705, %scan3A_2359 : i32
          %add3A_2707 = vector.broadcast %mul3A_2706 : i32 to vector<16xi32>
          %add3A_2708 = arith.addi %add3A_2707, %select_n3A_1859 : vector<16xi32>
          %scatter3A_2709 = arith.constant 0 : i32
          %scatter3A_2710 = arith.constant 0 : i32
          %scatter3A_2711 = tpu.memref_slice %arg6[%rem3A_2312, %scatter3A_2709, %scatter3A_2710] : memref<2x128x128xf32, #tpu.memory_space<vmem>> -> memref<1x128x128xf32, #tpu.memory_space<vmem>>
          %scatter3A_2712 = tpu.memref_squeeze %scatter3A_2711 : memref<1x128x128xf32, #tpu.memory_space<vmem>> -> memref<128x128xf32, #tpu.memory_space<vmem>>
          tpu.vector_store_idx %scatter3A_2712[%add3A_2708, %rem3A_2223], %gather3A_2704 : memref<128x128xf32, #tpu.memory_space<vmem>>[vector<16xi32>, vector<16xi32>], vector<16xf32>,
          %gather3A_2713 = arith.constant 0 : i32
          %gather3A_2714 = arith.constant 0 : i32
          %gather3A_2715 = tpu.memref_slice %arg5[%rem3A_2312, %gather3A_2713, %gather3A_2714] : memref<2x32x512xf32, #tpu.memory_space<vmem>> -> memref<1x32x512xf32, #tpu.memory_space<vmem>>
          %gather3A_2716 = tpu.memref_squeeze %gather3A_2715 : memref<1x32x512xf32, #tpu.memory_space<vmem>> -> memref<32x512xf32, #tpu.memory_space<vmem>>
          %gather3A_2717 = tpu.vector_load_idx %gather3A_2716[%add3A_802, %add3A_2363] : memref<32x512xf32, #tpu.memory_space<vmem>>[vector<16xi32>, vector<16xi32>], vector<16xf32>,
          %mul3A_2718 = arith.constant 4 : i32
          %mul3A_2719 = arith.muli %mul3A_2718, %scan3A_2359 : i32
          %add3A_2720 = vector.broadcast %mul3A_2719 : i32 to vector<16xi32>
          %add3A_2721 = arith.addi %add3A_2720, %select_n3A_1894 : vector<16xi32>
          %scatter3A_2722 = arith.constant 0 : i32
          %scatter3A_2723 = arith.constant 0 : i32
          %scatter3A_2724 = tpu.memref_slice %arg6[%rem3A_2312, %scatter3A_2722, %scatter3A_2723] : memref<2x128x128xf32, #tpu.memory_space<vmem>> -> memref<1x128x128xf32, #tpu.memory_space<vmem>>
          %scatter3A_2725 = tpu.memref_squeeze %scatter3A_2724 : memref<1x128x128xf32, #tpu.memory_space<vmem>> -> memref<128x128xf32, #tpu.memory_space<vmem>>
          tpu.vector_store_idx %scatter3A_2725[%add3A_2721, %rem3A_2230], %gather3A_2717 : memref<128x128xf32, #tpu.memory_space<vmem>>[vector<16xi32>, vector<16xi32>], vector<16xf32>,
          %gather3A_2726 = arith.constant 0 : i32
          %gather3A_2727 = arith.constant 0 : i32
          %gather3A_2728 = tpu.memref_slice %arg5[%rem3A_2312, %gather3A_2726, %gather3A_2727] : memref<2x32x512xf32, #tpu.memory_space<vmem>> -> memref<1x32x512xf32, #tpu.memory_space<vmem>>
          %gather3A_2729 = tpu.memref_squeeze %gather3A_2728 : memref<1x32x512xf32, #tpu.memory_space<vmem>> -> memref<32x512xf32, #tpu.memory_space<vmem>>
          %gather3A_2730 = tpu.vector_load_idx %gather3A_2729[%add3A_830, %add3A_2363] : memref<32x512xf32, #tpu.memory_space<vmem>>[vector<16xi32>, vector<16xi32>], vector<16xf32>,
          %mul3A_2731 = arith.constant 4 : i32
          %mul3A_2732 = arith.muli %mul3A_2731, %scan3A_2359 : i32
          %add3A_2733 = vector.broadcast %mul3A_2732 : i32 to vector<16xi32>
          %add3A_2734 = arith.addi %add3A_2733, %select_n3A_1929 : vector<16xi32>
          %scatter3A_2735 = arith.constant 0 : i32
          %scatter3A_2736 = arith.constant 0 : i32
          %scatter3A_2737 = tpu.memref_slice %arg6[%rem3A_2312, %scatter3A_2735, %scatter3A_2736] : memref<2x128x128xf32, #tpu.memory_space<vmem>> -> memref<1x128x128xf32, #tpu.memory_space<vmem>>
          %scatter3A_2738 = tpu.memref_squeeze %scatter3A_2737 : memref<1x128x128xf32, #tpu.memory_space<vmem>> -> memref<128x128xf32, #tpu.memory_space<vmem>>
          tpu.vector_store_idx %scatter3A_2738[%add3A_2734, %rem3A_2237], %gather3A_2730 : memref<128x128xf32, #tpu.memory_space<vmem>>[vector<16xi32>, vector<16xi32>], vector<16xf32>,
          %gather3A_2739 = arith.constant 0 : i32
          %gather3A_2740 = arith.constant 0 : i32
          %gather3A_2741 = tpu.memref_slice %arg5[%rem3A_2312, %gather3A_2739, %gather3A_2740] : memref<2x32x512xf32, #tpu.memory_space<vmem>> -> memref<1x32x512xf32, #tpu.memory_space<vmem>>
          %gather3A_2742 = tpu.memref_squeeze %gather3A_2741 : memref<1x32x512xf32, #tpu.memory_space<vmem>> -> memref<32x512xf32, #tpu.memory_space<vmem>>
          %gather3A_2743 = tpu.vector_load_idx %gather3A_2742[%add3A_858, %add3A_2363] : memref<32x512xf32, #tpu.memory_space<vmem>>[vector<16xi32>, vector<16xi32>], vector<16xf32>,
          %mul3A_2744 = arith.constant 4 : i32
          %mul3A_2745 = arith.muli %mul3A_2744, %scan3A_2359 : i32
          %add3A_2746 = vector.broadcast %mul3A_2745 : i32 to vector<16xi32>
          %add3A_2747 = arith.addi %add3A_2746, %select_n3A_1964 : vector<16xi32>
          %scatter3A_2748 = arith.constant 0 : i32
          %scatter3A_2749 = arith.constant 0 : i32
          %scatter3A_2750 = tpu.memref_slice %arg6[%rem3A_2312, %scatter3A_2748, %scatter3A_2749] : memref<2x128x128xf32, #tpu.memory_space<vmem>> -> memref<1x128x128xf32, #tpu.memory_space<vmem>>
          %scatter3A_2751 = tpu.memref_squeeze %scatter3A_2750 : memref<1x128x128xf32, #tpu.memory_space<vmem>> -> memref<128x128xf32, #tpu.memory_space<vmem>>
          tpu.vector_store_idx %scatter3A_2751[%add3A_2747, %rem3A_2244], %gather3A_2743 : memref<128x128xf32, #tpu.memory_space<vmem>>[vector<16xi32>, vector<16xi32>], vector<16xf32>,
          %gather3A_2752 = arith.constant 0 : i32
          %gather3A_2753 = arith.constant 0 : i32
          %gather3A_2754 = tpu.memref_slice %arg5[%rem3A_2312, %gather3A_2752, %gather3A_2753] : memref<2x32x512xf32, #tpu.memory_space<vmem>> -> memref<1x32x512xf32, #tpu.memory_space<vmem>>
          %gather3A_2755 = tpu.memref_squeeze %gather3A_2754 : memref<1x32x512xf32, #tpu.memory_space<vmem>> -> memref<32x512xf32, #tpu.memory_space<vmem>>
          %gather3A_2756 = tpu.vector_load_idx %gather3A_2755[%add3A_886, %add3A_2363] : memref<32x512xf32, #tpu.memory_space<vmem>>[vector<16xi32>, vector<16xi32>], vector<16xf32>,
          %mul3A_2757 = arith.constant 4 : i32
          %mul3A_2758 = arith.muli %mul3A_2757, %scan3A_2359 : i32
          %add3A_2759 = vector.broadcast %mul3A_2758 : i32 to vector<16xi32>
          %add3A_2760 = arith.addi %add3A_2759, %select_n3A_1999 : vector<16xi32>
          %scatter3A_2761 = arith.constant 0 : i32
          %scatter3A_2762 = arith.constant 0 : i32
          %scatter3A_2763 = tpu.memref_slice %arg6[%rem3A_2312, %scatter3A_2761, %scatter3A_2762] : memref<2x128x128xf32, #tpu.memory_space<vmem>> -> memref<1x128x128xf32, #tpu.memory_space<vmem>>
          %scatter3A_2764 = tpu.memref_squeeze %scatter3A_2763 : memref<1x128x128xf32, #tpu.memory_space<vmem>> -> memref<128x128xf32, #tpu.memory_space<vmem>>
          tpu.vector_store_idx %scatter3A_2764[%add3A_2760, %rem3A_2251], %gather3A_2756 : memref<128x128xf32, #tpu.memory_space<vmem>>[vector<16xi32>, vector<16xi32>], vector<16xf32>,
          %gather3A_2765 = arith.constant 0 : i32
          %gather3A_2766 = arith.constant 0 : i32
          %gather3A_2767 = tpu.memref_slice %arg5[%rem3A_2312, %gather3A_2765, %gather3A_2766] : memref<2x32x512xf32, #tpu.memory_space<vmem>> -> memref<1x32x512xf32, #tpu.memory_space<vmem>>
          %gather3A_2768 = tpu.memref_squeeze %gather3A_2767 : memref<1x32x512xf32, #tpu.memory_space<vmem>> -> memref<32x512xf32, #tpu.memory_space<vmem>>
          %gather3A_2769 = tpu.vector_load_idx %gather3A_2768[%add3A_914, %add3A_2363] : memref<32x512xf32, #tpu.memory_space<vmem>>[vector<16xi32>, vector<16xi32>], vector<16xf32>,
          %mul3A_2770 = arith.constant 4 : i32
          %mul3A_2771 = arith.muli %mul3A_2770, %scan3A_2359 : i32
          %add3A_2772 = vector.broadcast %mul3A_2771 : i32 to vector<16xi32>
          %add3A_2773 = arith.addi %add3A_2772, %select_n3A_2034 : vector<16xi32>
          %scatter3A_2774 = arith.constant 0 : i32
          %scatter3A_2775 = arith.constant 0 : i32
          %scatter3A_2776 = tpu.memref_slice %arg6[%rem3A_2312, %scatter3A_2774, %scatter3A_2775] : memref<2x128x128xf32, #tpu.memory_space<vmem>> -> memref<1x128x128xf32, #tpu.memory_space<vmem>>
          %scatter3A_2777 = tpu.memref_squeeze %scatter3A_2776 : memref<1x128x128xf32, #tpu.memory_space<vmem>> -> memref<128x128xf32, #tpu.memory_space<vmem>>
          tpu.vector_store_idx %scatter3A_2777[%add3A_2773, %rem3A_2258], %gather3A_2769 : memref<128x128xf32, #tpu.memory_space<vmem>>[vector<16xi32>, vector<16xi32>], vector<16xf32>,
        }
        %scan3A_2341 = arith.constant 32 : i32
        %mul3A_2342 = arith.constant 32 : i32
        %mul3A_2343 = arith.muli %while3A_2310, %mul3A_2342 : i32
        %add3A_2344 = arith.addi %mul3A_2343, %add3A : i32
        %mul3A_2345 = arith.constant 128 : i32
        %mul3A_2346 = arith.muli %add3A_2344, %mul3A_2345 : i32
        %dma_start3A_2347 = arith.constant 0 : i32
        %dma_start3A_2348 = arith.constant 0 : i32
        %dma_start3A_2349 = tpu.memref_slice %arg6[%rem3A_2312, %dma_start3A_2347, %dma_start3A_2348] : memref<2x128x128xf32, #tpu.memory_space<vmem>> -> memref<1x128x128xf32, #tpu.memory_space<vmem>>
        %dma_start3A_2350 = tpu.memref_squeeze %dma_start3A_2349 : memref<1x128x128xf32, #tpu.memory_space<vmem>> -> memref<128x128xf32, #tpu.memory_space<vmem>>
        %dma_start3A_2351 = arith.constant 0 : i32
        %dma_start3A_2352 = tpu.memref_slice %arg4[%mul3A_2346, %dma_start3A_2351] : memref<250000x128xf32, #tpu.memory_space<hbm>> -> memref<128x128xf32, #tpu.memory_space<hbm>>
        %dma_start3A_2353 = arith.constant 0 : i32
        %dma_start3A_2354 = tpu.memref_slice %arg4[%mul3A_2346, %dma_start3A_2353] : memref<250000x128xf32, #tpu.memory_space<hbm>> -> memref<128x128xf32, #tpu.memory_space<hbm>>
        %dma_start3A_2355 = arith.constant 0 : i32
        %dma_start3A_2356 = arith.constant 0 : i32
        %dma_start3A_2357 = tpu.memref_slice %arg6[%rem3A_2312, %dma_start3A_2355, %dma_start3A_2356] : memref<2x128x128xf32, #tpu.memory_space<vmem>> -> memref<1x128x128xf32, #tpu.memory_space<vmem>>
        %dma_start3A_2358 = tpu.memref_squeeze %dma_start3A_2357 : memref<1x128x128xf32, #tpu.memory_space<vmem>> -> memref<128x128xf32, #tpu.memory_space<vmem>>
        tpu.enqueue_dma source(%dma_start3A_2358 : memref<128x128xf32, #tpu.memory_space<vmem>>) target(%dma_start3A_2354 : memref<128x128xf32, #tpu.memory_space<hbm>>) target_semaphore(%arg9 : memref<!tpu.dma_semaphore, #tpu.memory_space<semaphore_mem>>)
      }
      %gt3A_2291 = arith.constant 1 : i32
      %gt3A_2292 = arith.cmpi sgt, %add3A_20, %gt3A_2291 : i32
      %convert_element_type3A_2293 = arith.extui %gt3A_2292 : i1 to i32
      %cond3A_2294 = arith.constant 0 : i32
      %cond3A_2295 = arith.cmpi ne, %convert_element_type3A_2293, %cond3A_2294 : i32
      scf.if %cond3A_2295 {
        %dma_wait3A_2310 = arith.constant 0 : i32
        %dma_wait3A_2311 = arith.constant 0 : i32
        %dma_wait3A_2312 = arith.constant 0 : i32
        %dma_wait3A_2313 = tpu.memref_slice %arg6[%dma_wait3A_2310, %dma_wait3A_2311, %dma_wait3A_2312] : memref<2x128x128xf32, #tpu.memory_space<vmem>> -> memref<1x128x128xf32, #tpu.memory_space<vmem>>
        %dma_wait3A_2314 = tpu.memref_squeeze %dma_wait3A_2313 : memref<1x128x128xf32, #tpu.memory_space<vmem>> -> memref<128x128xf32, #tpu.memory_space<vmem>>
        %dma_wait3A_2315 = arith.constant 0 : i32
        %dma_wait3A_2316 = arith.constant 0 : i32
        %dma_wait3A_2317 = tpu.memref_slice %arg4[%dma_wait3A_2315, %dma_wait3A_2316] : memref<250000x128xf32, #tpu.memory_space<hbm>> -> memref<128x128xf32, #tpu.memory_space<hbm>>
        %dma_wait3A_2318 = arith.constant 0 : i32
        %dma_wait3A_2319 = arith.constant 0 : i32
        %dma_wait3A_2320 = tpu.memref_slice %arg4[%dma_wait3A_2318, %dma_wait3A_2319] : memref<250000x128xf32, #tpu.memory_space<hbm>> -> memref<128x128xf32, #tpu.memory_space<hbm>>
        %dma_wait3A_2321 = arith.constant 0 : i32
        %dma_wait3A_2322 = arith.constant 0 : i32
        %dma_wait3A_2323 = tpu.memref_slice %arg6[%dma_wait3A_2310, %dma_wait3A_2321, %dma_wait3A_2322] : memref<2x128x128xf32, #tpu.memory_space<vmem>> -> memref<1x128x128xf32, #tpu.memory_space<vmem>>
        %dma_wait3A_2324 = tpu.memref_squeeze %dma_wait3A_2323 : memref<1x128x128xf32, #tpu.memory_space<vmem>> -> memref<128x128xf32, #tpu.memory_space<vmem>>
        tpu.wait_dma2 semaphore(%arg9 : memref<!tpu.dma_semaphore, #tpu.memory_space<semaphore_mem>>) src(%dma_wait3A_2324 : memref<128x128xf32, #tpu.memory_space<vmem>>) dst(%dma_wait3A_2320 : memref<128x128xf32, #tpu.memory_space<hbm>>)
      } else {
      }
      %dma_wait3A = arith.constant 0 : i32
      %dma_wait3A_2296 = arith.constant 0 : i32
      %dma_wait3A_2297 = arith.constant 0 : i32
      %dma_wait3A_2298 = tpu.memref_slice %arg6[%dma_wait3A, %dma_wait3A_2296, %dma_wait3A_2297] : memref<2x128x128xf32, #tpu.memory_space<vmem>> -> memref<1x128x128xf32, #tpu.memory_space<vmem>>
      %dma_wait3A_2299 = tpu.memref_squeeze %dma_wait3A_2298 : memref<1x128x128xf32, #tpu.memory_space<vmem>> -> memref<128x128xf32, #tpu.memory_space<vmem>>
      %dma_wait3A_2300 = arith.constant 0 : i32
      %dma_wait3A_2301 = arith.constant 0 : i32
      %dma_wait3A_2302 = tpu.memref_slice %arg4[%dma_wait3A_2300, %dma_wait3A_2301] : memref<250000x128xf32, #tpu.memory_space<hbm>> -> memref<128x128xf32, #tpu.memory_space<hbm>>
      %dma_wait3A_2303 = arith.constant 0 : i32
      %dma_wait3A_2304 = arith.constant 0 : i32
      %dma_wait3A_2305 = tpu.memref_slice %arg4[%dma_wait3A_2303, %dma_wait3A_2304] : memref<250000x128xf32, #tpu.memory_space<hbm>> -> memref<128x128xf32, #tpu.memory_space<hbm>>
      %dma_wait3A_2306 = arith.constant 0 : i32
      %dma_wait3A_2307 = arith.constant 0 : i32
      %dma_wait3A_2308 = tpu.memref_slice %arg6[%dma_wait3A, %dma_wait3A_2306, %dma_wait3A_2307] : memref<2x128x128xf32, #tpu.memory_space<vmem>> -> memref<1x128x128xf32, #tpu.memory_space<vmem>>
      %dma_wait3A_2309 = tpu.memref_squeeze %dma_wait3A_2308 : memref<1x128x128xf32, #tpu.memory_space<vmem>> -> memref<128x128xf32, #tpu.memory_space<vmem>>
      tpu.wait_dma2 semaphore(%arg9 : memref<!tpu.dma_semaphore, #tpu.memory_space<semaphore_mem>>) src(%dma_wait3A_2309 : memref<128x128xf32, #tpu.memory_space<vmem>>) dst(%dma_wait3A_2305 : memref<128x128xf32, #tpu.memory_space<hbm>>)
    } else {
    }
    %eq3A_2261 = arith.constant 31 : i32
    %eq3A_2262 = arith.cmpi eq, %add3A, %eq3A_2261 : i32
    %convert_element_type3A_2263 = arith.extui %eq3A_2262 : i1 to i32
    %cond3A_2264 = arith.constant 0 : i32
    %cond3A_2265 = arith.cmpi ne, %convert_element_type3A_2263, %cond3A_2264 : i32
    scf.if %cond3A_2265 {
      "tpu.region"() ({
        %run_scoped3A = tpu.sem_alloc : memref<!tpu.dma_semaphore, #tpu.memory_space<semaphore_mem>>
        tpu.enqueue_dma source(%arg3 : memref<16x128xf32, #tpu.memory_space<hbm>>) target(%arg7 : memref<16x128xf32, #tpu.memory_space<vmem>>) target_semaphore(%run_scoped3A : memref<!tpu.dma_semaphore, #tpu.memory_space<semaphore_mem>>)
        tpu.wait_dma2 semaphore(%run_scoped3A : memref<!tpu.dma_semaphore, #tpu.memory_space<semaphore_mem>>) src(%arg3 : memref<16x128xf32, #tpu.memory_space<hbm>>) dst(%arg7 : memref<16x128xf32, #tpu.memory_space<vmem>>)
        tpu.yield
      }) : () -> ()
      "tpu.region"() ({
        %run_scoped3A = tpu.sem_alloc : memref<!tpu.dma_semaphore, #tpu.memory_space<semaphore_mem>>
        %dma_start3A = arith.constant 249984 : i32
        %dma_start3A_2266 = arith.constant 0 : i32
        %dma_start3A_2267 = tpu.memref_slice %arg4[%dma_start3A, %dma_start3A_2266] : memref<250000x128xf32, #tpu.memory_space<hbm>> -> memref<16x128xf32, #tpu.memory_space<hbm>>
        %dma_start3A_2268 = arith.constant 249984 : i32
        %dma_start3A_2269 = arith.constant 0 : i32
        %dma_start3A_2270 = tpu.memref_slice %arg4[%dma_start3A_2268, %dma_start3A_2269] : memref<250000x128xf32, #tpu.memory_space<hbm>> -> memref<16x128xf32, #tpu.memory_space<hbm>>
        tpu.enqueue_dma source(%arg7 : memref<16x128xf32, #tpu.memory_space<vmem>>) target(%dma_start3A_2270 : memref<16x128xf32, #tpu.memory_space<hbm>>) target_semaphore(%run_scoped3A : memref<!tpu.dma_semaphore, #tpu.memory_space<semaphore_mem>>)
        %dma_wait3A = arith.constant 249984 : i32
        %dma_wait3A_2271 = arith.constant 0 : i32
        %dma_wait3A_2272 = tpu.memref_slice %arg4[%dma_wait3A, %dma_wait3A_2271] : memref<250000x128xf32, #tpu.memory_space<hbm>> -> memref<16x128xf32, #tpu.memory_space<hbm>>
        %dma_wait3A_2273 = arith.constant 249984 : i32
        %dma_wait3A_2274 = arith.constant 0 : i32
        %dma_wait3A_2275 = tpu.memref_slice %arg4[%dma_wait3A_2273, %dma_wait3A_2274] : memref<250000x128xf32, #tpu.memory_space<hbm>> -> memref<16x128xf32, #tpu.memory_space<hbm>>
        tpu.wait_dma2 semaphore(%run_scoped3A : memref<!tpu.dma_semaphore, #tpu.memory_space<semaphore_mem>>) src(%arg7 : memref<16x128xf32, #tpu.memory_space<vmem>>) dst(%dma_wait3A_2275 : memref<16x128xf32, #tpu.memory_space<hbm>>)
        tpu.yield
      }) : () -> ()
    } else {
    }
    return
  }
}

</mosaic_0001>

<sc_bundles>
// kernel: _sc_table_rowmajor.3.cloned.1.call-start
scs
__scs_entry_jumppad:
0x0: {  	(pc) =	sbr.rel $0x88, $3  }
0x1: {  	(tag) =	ssettag $0x0;
	lr =	simm.s32 $0x1  }
0x2: {  	[smem:$0x3F9F] =	sst lr;
	_ =	strace $0xD0000000  }
0x3: {  	_ = 	snop  }
0x4: {  	_ = 	snop  }
0x5: {  	_ = 	snop  }
0x6: {  	_ = 	snop  }
0x7: {  	_ = 	snop  }
__scs_overlays_trampoline_lowered:
0x8: {  	[smem:$0x3FAE] =	sst s0  }
0x9: {  	[smem:$0x3FAF] =	sst s1  }
0xa: {  	[smem:$0x3FB0] =	sst s2  }
0xb: {  	[smem:$0x3FB1] =	sst s3  }
0xc: {  	[smem:$0x3FB2] =	sst s4  }
0xd: {  	[smem:$0x3FB3] =	sst s5  }
0xe: {  	[smem:$0x3FB4] =	sst s6  }
0xf: {  	[smem:$0x3FB5] =	sst s7  }
0x10: {  	[smem:$0x3FB6] =	sst s8  }
0x11: {  	[smem:$0x3FB7] =	sst s9;
	s0 =	simm.s32 @!p0 $0x0  }
0x12: {  	s1 =	sld [smem:$0x3F9D];
	s0 =	simm.s32 @p0 $0x1  }
0x13: {  	[smem:$0x3FB8] =	sst s0;
	s0 =	simm.s32 @!p1 $0x0  }
0x14: {  	s2 =	sld [smem:$0x3F9C];
	s0 =	simm.s32 @p1 $0x1  }
0x15: {  	[smem:$0x3FB9] =	sst s0;
	s0 =	simm.s32 @!p2 $0x0  }
0x16: {  	s3 =	sld [smem:$0x3FDB];
	s0 =	simm.s32 @p2 $0x1  }
0x17: {  	s4 =	simm.s32 $0x1BF5;
	[smem:$0x3FBB] =	sst s0  }
0x18: {  	s0 =	sld [smem:$0x3F9E];
	_ =	swait.ge [sflag:s4], $0x0  }
0x19: {  	s7 =	sld [smem:$0x3F9F]  }
0x1a: {  	s8 =	sadd.s32 $0xFFFFE003, lr  }
0x1b: {  	s9 =	sadd.s32 $0xFFFFFEF7, lr;
	s5 =	simm.s32 $0xFFFFFFFF;
	p2 =	slt.u32 s8, $0xFFFFF086  }
0x1c: {  	p1 =	slt.u32 s9, $0xF7A;
	s5 =	simm.s32 @!p2 $0x0  }
0x1d: {  	s5 =	simm.s32 @p1 $0x1;
	p0 =	seq.s32 s7, s2  }
0x1e: {  	s7 =	smul.u32 @!p0 $0xF7A, s2;
	p2 =	seq.s32 @!p0 s5, $0x0  }
0x1f: {  	s9 =	smul.u32 $0xF7A, s1;
	s8 =	simm.s32 @!p0 $0x1BF5;
	p2 =	por !p2, p0  }
0x20: {  	[sflag:s8] =	ssyncset.s32 @!p0 $0xFFFFF086;
	s6 =	sadd.s32 @!p0 s3, s7;
	s7 =	simm.s32 @!p0 $0x108  }
0x21: {  	s3 =	sadd.s32 s3, s9;
	s6 =	sadd.s32 @!p0 $0x88, s6;
	s7 =	simm.s32 @p2 $0x1082  }
0x22: {  	[simem:s7], [sflag:s8] =	dma.local @!p0 [hbm:s6], $0xF7A  }
0x23: {  	s9 =	sor.u32 $0xD0000000, s2;
	s6 =	simm.s32 $0x108;
	_ =	swait.ge @!p0 [sflag:s8], $0x0  }
0x24: {  	s3 =	sadd.s32 $0x88, s3;
	s6 =	simm.s32 @!p1 $0x1082;
	[sflag:s4] =	ssyncset.s32 $0xFFFFF086  }
0x25: {  	[simem:s6], [sflag:s4] =	dma.local [hbm:s3], $0xF7A  }
0x26: {  	[smem:$0x3F9F] =	sst s1;
	(tag) =	ssettag s2;
	_ =	strace s9  }
0x27: {  	s1 =	sld [smem:$0x3FAF]  }
0x28: {  	s2 =	sld [smem:$0x3FB0]  }
0x29: {  	s4 =	sld [smem:$0x3FB2]  }
0x2a: {  	p0 =	seq.s32 s5, $0x0;
	s5 =	sld [smem:$0x3FB3]  }
0x2b: {  	s6 =	sld [smem:$0x3FB4]  }
0x2c: {  	s7 =	sld [smem:$0x3FB5]  }
0x2d: {  	s3 =	simm.s32 $0x108;
	s8 =	sld [smem:$0x3FB6]  }
0x2e: {  	s3 =	simm.s32 @!p0 $0x1082;
	s9 =	sld [smem:$0x3FB7]  }
0x2f: {  	lr =	sadd.s32 s0, s3;
	s0 =	sld [smem:$0x3FAE]  }
0x30: {  	s3 =	sld [smem:$0x3FB1]  }
0x31: {  	[smem:$0x3FBA] =	sst s10  }
0x32: {  	s10 =	sld [smem:$0x3FB8];
	_ =	sdelay $0x3  }
0x33: {  	p0 =	seq.s32 s10, $0x1;
	s10 =	sld [smem:$0x3FBA];
	_ =	sdelay $0x3  }
0x34: {  	[smem:$0x3FBA] =	sst s10  }
0x35: {  	s10 =	sld [smem:$0x3FB9];
	_ =	sdelay $0x3  }
0x36: {  	p1 =	seq.s32 s10, $0x1;
	s10 =	sld [smem:$0x3FBA];
	_ =	sdelay $0x3  }
0x37: {  	[smem:$0x3FBA] =	sst s10  }
0x38: {  	s10 =	sld [smem:$0x3FBB]  }
0x39: {  	_ = 	snop;
	(pc) =	sbr.ind lr, $3  }
0x3a: {  	_ = 	snop  }
0x3b: {  	_ = 	snop  }
0x3c: {  	p2 =	seq.s32 s10, $0x1;
	s10 =	sld [smem:$0x3FBA]  }
0x3d: {  	_ =	shalt  }
0x3e: {  	_ =	shalt  }
0x3f: {  	_ =	shalt  }
0x40: {  	_ =	shalt  }
0x41: {  	_ =	shalt  }
0x42: {  	_ =	shalt  }
0x43: {  	_ =	shalt  }
0x44: {  	_ =	shalt  }
0x45: {  	_ =	shalt  }
0x46: {  	_ =	shalt  }
0x47: {  	_ =	shalt  }
0x48: {  	_ =	shalt  }
0x49: {  	_ =	shalt  }
0x4a: {  	_ =	shalt  }
0x4b: {  	_ =	shalt  }
0x4c: {  	_ =	shalt  }
0x4d: {  	_ =	shalt  }
0x4e: {  	_ =	shalt  }
0x4f: {  	_ =	shalt  }
0x50: {  	_ =	shalt  }
0x51: {  	_ =	shalt  }
0x52: {  	_ =	shalt  }
0x53: {  	_ =	shalt  }
0x54: {  	_ =	shalt  }
0x55: {  	_ =	shalt  }
0x56: {  	_ =	shalt  }
0x57: {  	_ =	shalt  }
0x58: {  	_ =	shalt  }
0x59: {  	_ =	shalt  }
0x5a: {  	_ =	shalt  }
0x5b: {  	_ =	shalt  }
0x5c: {  	_ =	shalt  }
0x5d: {  	_ =	shalt  }
0x5e: {  	_ =	shalt  }
0x5f: {  	_ =	shalt  }
0x60: {  	_ =	shalt  }
0x61: {  	_ =	shalt  }
0x62: {  	_ =	shalt  }
0x63: {  	_ =	shalt  }
0x64: {  	_ =	shalt  }
0x65: {  	_ =	shalt  }
0x66: {  	_ =	shalt  }
0x67: {  	_ =	shalt  }
0x68: {  	_ =	shalt  }
0x69: {  	_ =	shalt  }
0x6a: {  	_ =	shalt  }
0x6b: {  	_ =	shalt  }
0x6c: {  	_ =	shalt  }
0x6d: {  	_ =	shalt  }
0x6e: {  	_ =	shalt  }
0x6f: {  	_ =	shalt  }
0x70: {  	_ =	shalt  }
0x71: {  	_ =	shalt  }
0x72: {  	_ =	shalt  }
0x73: {  	_ =	shalt  }
0x74: {  	_ =	shalt  }
0x75: {  	_ =	shalt  }
0x76: {  	_ =	shalt  }
0x77: {  	_ =	shalt  }
0x78: {  	_ =	shalt  }
0x79: {  	_ =	shalt  }
0x7a: {  	_ =	shalt  }
0x7b: {  	_ =	shalt  }
0x7c: {  	_ =	shalt  }
0x7d: {  	_ =	shalt  }
0x7e: {  	_ =	shalt  }
0x7f: {  	_ =	shalt  }
0x80: {  	_ =	shalt  }
0x81: {  	_ =	shalt  }
0x82: {  	_ =	shalt  }
0x83: {  	_ =	shalt  }
0x84: {  	_ =	shalt  }
0x85: {  	_ =	shalt  }
0x86: {  	_ =	shalt  }
0x87: {  	_ =	shalt  }
.Lfunc_end0:
.L_simem_size_0:
called_computation_lowered:
.L_overlay_start_0:
0x88: {  	s2 =	sld [smem:$0x3FD9]  }
0x89: {  	s3 =	sld [smem:$0x3FFE];
	_ =	sdelay $0x1  }
0x8a: {  	s1 =	srdreg.scid  }
0x8b: {  	s0 =	sand.u32 $0x1, s1  }
0x8c: {  	s18 =	sshll.u32 s0, $0xA;
	s2 =	sadd.s32 s3, s2  }
0x8d: {  	s2 =	sadd.s32 s2, s18  }
0x8e: {  	[smem:$0x3FC6] =	sst s2  }
0x8f: {  	_ = 	snop  }
0x90: {  	s2 =	sld [smem:$0x3FC9]  }
0x91: {  	s19 =	sld [smem:$0x3FC8]  }
0x92: {  	s4 =	sld [smem:$0x3FD0];
	(tm) =	ssettm $0x1  }
0x93: {  	s5 =	sld [smem:$0x3FFB];
	_ =	sdelay $0x3  }
0x94: {  	_ =	strace s5  }
0x95: {  	s5 =	sld [smem:$0x3FFC];
	_ =	sdelay $0x3  }
0x96: {  	_ =	strace s5  }
0x97: {  	s5 =	sld [smem:$0x3FFD];
	_ =	sdelay $0x3  }
0x98: {  	_ =	strace s5  }
0x99: {  	_ =	strace $0x8FFFFFFF  }
0x9a: {  	s20 =	sld [smem:$0x3FDB];
	_ =	sdelay $0x1  }
0x9b: {  	s6 =	simm.s32 $_scs_section_size  }
0x9c: {  	s7 =	simm.s32 $_size__tile_overlayer_lowered;
	s8 =	simm.s32 $_tile_overlayer_lowered  }
0x9d: {  	s23 =	simm.s32 $0x1BFF;
	s22 =	sshll.u32 s8, $0x1;
	s5 =	sadd.s32 s6, s20  }
0x9e: {  	s9 =	simm.s32 $0x0;
	s21 =	sshll.u32 s7, $0x1;
	s7 =	sadd.s32 s22, s5  }
0x9f: {  	[timem:s9], [sflag:s23] =	dma.local [hbm:s7], s21  }
0xa0: {  	_ =	swait.ge [sflag:s23], s21  }
0xa1: {  	s6 =	ssub.s32 $0x0, s21;
	[sflag:s23] =	ssyncset.done $0x0  }
0xa2: {  	[sflag:s23] =	ssyncadd.s32 s6;
	_ =	sdelay $0x1  }
0xa3: {  	s24 =	simm.s32 $0x1B8B  }
0xa4: {  	_ =	swait.ge [sflag:s24], $0x1  }
0xa5: {  	[sflag:s24] =	ssyncset.done $0x0  }
0xa6: {  	s25 =	simm.s32 $0x1B8E;
	[sflag:s24] =	ssyncadd.s32 $0xFFFFFFFF  }
0xa7: {  	s26 =	simm.s32 $execute0_lowered;
	[smem:$0x3FD2] =	sst s25  }
0xa8: {  	s6 =	sshll.u32 s26, $0x1;
	_ =	strace $0x80000046;
	[dreg:$0x1] =	wrdreg $0xFFFFFFFF  }
0xa9: {  	s28 =	simm.s32 $_size_execute0_lowered;
	s5 =	sadd.s32 s5, s6;
	[dreg:$0x0] =	wrdreg $0x0  }
0xaa: {  	s6 =	sshll.u32 s28, $0x1;
	[dreg:$0x2] =	wrdreg s5  }
0xab: {  	[dreg:$0x3] =	wrdreg s6  }
0xac: {  	[dreg:$0x4] =	wrdreg $0xC0  }
0xad: {  	_ =	task [dreg:s9], $0x5FFFF  }
0xae: {  	[dreg:$0x1] =	wrdreg $0xFFFFFFFF  }
0xaf: {  	[dreg:$0x0] =	wrdreg $0x60  }
0xb0: {  	[dreg:$0x2] =	wrdreg s2  }
0xb1: {  	[dreg:$0x3] =	wrdreg s19  }
0xb2: {  	[dreg:$0x4] =	wrdreg s4  }
0xb3: {  	[dreg:$0x5] =	wrdreg $0x9  }
0xb4: {  	_ =	task.clear_ibuf [dreg:s9], $0x6FFFF;
	_ =	strace $0x90000046  }
0xb5: {  	s29 =	simm.s32 $0x9;
	_ =	strace $0x80000048  }
0xb6: {  	_ =	swait.ge [sflag:s29], $0x1  }
0xb7: {  	[sflag:s29] =	ssyncadd.s32 $0xFFFFFFFF  }
0xb8: {  	_ =	strace $0x90000048  }
0xb9: {  	_ =	sfence  }
0xba: {  	s30 =	sld [smem:$0x0];
	_ =	sdelay $0x2  }
0xbb: {  	s31 =	sshll.u32 s1, $0xD;
	s1 =	sshrl.u32 s1, $0x2  }
0xbc: {  	s3 =	sand.u32 $0x4000, s31;
	s1 =	sadd.s32 s1, s30  }
0xbd: {  	s0 =	sor.u32 s3, s0;
	s1 =	sshll.u32 s1, $0x11  }
0xbe: {  	s0 =	sor.u32 s1, s0  }
0xbf: {  	s0 =	sadd.s32 $0x8F2B, s0  }
0xc0: {  	[sflag:s0] =	ssyncadd.remote.s32 $0x1  }
0xc1: {  	_ =	sfence.sel $0xFFFF  }
0xc2: {  	[dreg:$0x0] =	wrdreg $0xFFFFFFFF;
	(pc) =	sbr.abs _section_cstart, $3  }
0xc3: {  	[dreg:$0x1] =	wrdreg $0xFFFFFFFF  }
0xc4: {  	_ =	task.clear_ibuf [dreg:s9], $0x2FFFF;
	_ =	strace $0x9FFFFFFF  }
0xc5: {  	(tm) =	ssettm $0x7FFFFFFF  }
tec
execute0_lowered:
.L_overlay_start_1:
0x0: {  	(tag) =	ssettag $0x1  }
0x1: {  	vm14 =	vcmask $0x300;
	v0 =	vimm.s32 $0x1380;
	vm15 =	vcmask $0x704  }
0x2: {  	vm13 =	vcmask $0xB08;
	vm12 =	vcmask $0xF0C;
	vm11 =	vcmask $0x1310  }
0x3: {  	vm10 =	vcmask $0x1714;
	vm9 =	vcmask $0x1B18;
	vm8 =	vcmask $0x1F1C  }
0x4: {  	vm7 =	vcmask $0x2320;
	vm6 =	vcmask $0x2724;
	vm5 =	vcmask $0x2B28  }
0x5: {  	v1 =	vimm.s32 $0x0;
	vm4 =	vcmask $0x2F2C;
	vm2 =	vcmask $0x3330  }
0x6: {  	vm1 =	vcmask $0x3734;
	v2 =	vlaneseq.u32;
	vm3 =	vcmask $0x3B38  }
0x7: {  	vm0 =	vcmask $0x1F10;
	v38 =	vimm.s32 $0x6B4A2908;
	v39 =	vimm.s32 $0x6F4E2D0C  }
0x8: {  	v40 =	vimm.s32 $0x63422100;
	v41 =	vimm.s32 $0x80;
	v42 =	vimm.s32 $0x67462504  }
0x9: {  	v45 =	vimm.s32 $0x6C4B2A09;
	v8 =	vimm.s32 $0x604F2E0D;
	v0 =	vsel vm14, $0x0, v0  }
0xa: {  	v46 =	vimm.s32 $0x64432201;
	v10 =	vimm.s32 $0x69482706;
	v0 =	vsel vm15, $0x80, v0  }
0xb: {  	v11 =	vimm.s32 $0x6241200F;
	v57 =	vimm.s32 $0x1100;
	v0 =	vsel vm13, $0x100, v0  }
0xc: {  	v1 =	vsel vm14, $0x80, v1;
	v2 =	vshrl.u32 v2, $0x2;
	v0 =	vsel vm12, $0x180, v0  }
0xd: {  	v5 =	vunpack.c.0.s8.s32 v38;
	v4 =	vunpack.c.0.s8.s32 v39;
	v0 =	vsel vm11, $0x200, v0  }
0xe: {  	v6 =	vunpack.c.0.s8.s32 v40;
	v7 =	vunpack.c.0.s8.s32 v42;
	v0 =	vsel vm10, $0x280, v0  }
0xf: {  	v13 =	vunpack.c.0.s8.s32 v45;
	v14 =	vunpack.c.0.s8.s32 v8;
	v0 =	vsel vm9, $0x300, v0  }
0x10: {  	v8 =	vimm.s32 $0x100;
	v15 =	vunpack.c.0.s8.s32 v46;
	v0 =	vsel vm8, $0x380, v0  }
0x11: {  	v22 =	vunpack.c.0.s8.s32 v10;
	v10 =	vimm.s32 $0x6E4D2C0B;
	v0 =	vsel vm7, $0x1000, v0  }
0x12: {  	v25 =	vunpack.c.0.s8.s32 v11;
	v1 =	vsel vm15, $0x100, v1;
	v0 =	vsel vm6, $0x1080, v0  }
0x13: {  	v11 =	vimm.s32 $0x200;
	v1 =	vsel vm13, $0x180, v1;
	v0 =	vsel vm5, $0x1100, v0  }
0x14: {  	v35 =	vmul.u32 $0x80, v2;
	v1 =	vsel vm12, $0x200, v1;
	v0 =	vsel vm4, $0x1180, v0  }
0x15: {  	v47 =	vsel vm14, $0x180, v8;
	v1 =	vsel vm11, $0x280, v1;
	v0 =	vsel vm2, $0x1200, v0  }
0x16: {  	v8 =	vimm.s32 $0x68472605;
	v37 =	vsel vm10, $0x300, v1;
	v0 =	vsel vm1, $0x1280, v0  }
0x17: {  	v23 =	vunpack.c.0.s8.s32 v10;
	v60 =	vsel vm3, $0x1300, v0;
	v0 =	vsel vm9, $0x380, v37  }
0x18: {  	v10 =	vimm.s32 $0x66452403;
	v16 =	vunpack.c.0.s8.s32 v8;
	v0 =	vsel vm8, $0x1000, v0  }
0x19: {  	v28 =	vunpack.c.0.s8.s32 v10;
	v10 =	vsel vm14, $0x280, v11;
	v0 =	vsel vm7, $0x1080, v0  }
0x1a: {  	v11 =	vimm.s32 $0x6A492807;
	v1 =	vsel vm14, $0x100, v41;
	v0 =	vsel vm6, $0x1100, v0  }
0x1b: {  	v17 =	vsel vm0, v5, v7;
	v1 =	vsel vm15, $0x180, v1;
	v0 =	vsel vm5, $0x1180, v0  }
0x1c: {  	v30 =	vsel vm0, v15, v14;
	v3 =	vsel vm13, $0x200, v1;
	v43 =	vsel vm4, $0x1200, v0  }
0x1d: {  	v10 =	vsel vm15, $0x300, v10;
	v3 =	vsel vm12, $0x280, v3;
	v2 =	vsel vm2, $0x1280, v43  }
0x1e: {  	v29 =	vunpack.c.0.s8.s32 v11;
	v44 =	vsel vm11, $0x300, v3;
	v2 =	vsel vm1, $0x1300, v2  }
0x1f: {  	v26 =	vsel vm0, v25, v23;
	v34 =	vsel vm3, $0x1380, v2;
	v2 =	vsel vm10, $0x380, v44  }
0x20: {  	v10 =	vsel vm13, $0x380, v10;
	v31 =	vsel vm0, v13, v16;
	v2 =	vsel vm9, $0x1000, v2  }
0x21: {  	v10 =	vsel vm12, $0x1000, v10;
	v27 =	vsel vm0, v29, v28;
	v2 =	vsel vm8, $0x1080, v2  }
0x22: {  	v59 =	vcombine.low v31, v30;
	v10 =	vsel vm11, $0x1080, v10;
	v2 =	vsel vm7, $0x1100, v2  }
0x23: {  	v36 =	vcombine.low v27, v26;
	v3 =	vsel vm15, $0x200, v47;
	v2 =	vsel vm6, $0x1180, v2  }
0x24: {  	v1 =	vsel vm0, v7, v6;
	v3 =	vsel vm13, $0x280, v3;
	v8 =	vsel vm5, $0x1200, v2  }
0x25: {  	v12 =	vsel vm10, $0x1100, v10;
	v9 =	vsel vm12, $0x300, v3;
	v8 =	vsel vm4, $0x1280, v8  }
0x26: {  	v7 =	vimm.s32 $0x300;
	v9 =	vsel vm11, $0x380, v9;
	v8 =	vsel vm2, $0x1300, v8  }
0x27: {  	v7 =	vsel vm14, $0x380, v7;
	v9 =	vsel vm10, $0x1000, v9;
	v8 =	vsel vm1, $0x1380, v8  }
0x28: {  	v9 =	vsel vm9, $0x1080, v9;
	v42 =	vsel vm3, $0x0, v8;
	v8 =	vimm.s32 $0x6D4C2B0A  }
0x29: {  	v9 =	vsel vm8, $0x1100, v9;
	v19 =	vunpack.c.0.s8.s32 v8;
	v8 =	vimm.s32 $0x61402F0E  }
0x2a: {  	v9 =	vsel vm7, $0x1180, v9;
	v20 =	vunpack.c.0.s8.s32 v8;
	v8 =	vimm.s32 $0x65442302  }
0x2b: {  	v21 =	vunpack.c.0.s8.s32 v8;
	v8 =	vsel vm6, $0x1200, v9;
	v9 =	vimm.s32 $0x180  }
0x2c: {  	v10 =	vsel vm0, v23, v29;
	v7 =	vsel vm15, $0x1000, v7;
	v9 =	vsel vm14, $0x200, v9  }
0x2d: {  	v7 =	vsel vm13, $0x1080, v7;
	v3 =	vsel vm0, v16, v15;
	v9 =	vsel vm15, $0x280, v9  }
0x2e: {  	v0 =	vsel vm0, v4, v5;
	v4 =	vsel vm0, v6, v4;
	v9 =	vsel vm13, $0x300, v9  }
0x2f: {  	v38 =	vcombine.low v1, v0;
	v40 =	vcombine.low v17, v4;
	v9 =	vsel vm12, $0x380, v9  }
0x30: {  	v61 =	vcombine.low v0, v1;
	v43 =	vimm.s32 $0x1180;
	v9 =	vsel vm11, $0x1000, v9  }
0x31: {  	v23 =	vcombine.low v4, v17;
	v4 =	vimm.s32 $0x3380;
	v9 =	vsel vm10, $0x1080, v9  }
0x32: {  	v44 =	vimm.s32 $0x1200;
	v2 =	vsel vm0, v14, v13;
	v9 =	vsel vm9, $0x1100, v9  }
0x33: {  	v58 =	vcombine.low v3, v2;
	v33 =	vsel vm0, v19, v22;
	v9 =	vsel vm8, $0x1180, v9  }
0x34: {  	v8 =	vsel vm5, $0x1280, v8;
	v18 =	vsel vm0, v20, v19;
	v9 =	vsel vm7, $0x1200, v9  }
0x35: {  	v8 =	vsel vm4, $0x1300, v8;
	v24 =	vsel vm0, v22, v21;
	v9 =	vsel vm6, $0x1280, v9  }
0x36: {  	v32 =	vsel vm0, v21, v20;
	v8 =	vsel vm2, $0x1380, v8;
	v9 =	vsel vm5, $0x1300, v9  }
0x37: {  	v46 =	vcombine.low v24, v18;
	v63 =	vcombine.low v33, v32;
	v9 =	vsel vm4, $0x1380, v9  }
0x38: {  	v21 =	vcombine.low v18, v24;
	v8 =	vsel vm1, $0x0, v8;
	v11 =	vsel vm2, $0x0, v9  }
0x39: {  	v24 =	vcombine.low v26, v27;
	v45 =	vsel vm3, $0x80, v8;
	v11 =	vsel vm1, $0x80, v11  }
0x3a: {  	v47 =	vsel vm3, $0x100, v11;
	v11 =	vsel vm9, $0x1180, v12;
	v12 =	vimm.s32 $0x280  }
0x3b: {  	v9 =	vsel vm0, v28, v25;
	v6 =	vsel vm8, $0x1200, v11;
	v11 =	vsel vm14, $0x300, v12  }
0x3c: {  	v12 =	vcombine.low v2, v3;
	v48 =	vsel vm7, $0x1280, v6;
	v6 =	vsel vm15, $0x380, v11  }
0x3d: {  	v2 =	vsel vm14, $0x1280, v44;
	v44 =	vcombine.low v30, v31;
	v6 =	vsel vm13, $0x1000, v6  }
0x3e: {  	v31 =	vimm.s32 $0x2000;
	v5 =	vsel vm6, $0x1300, v48;
	v6 =	vsel vm12, $0x1080, v6  }
0x3f: {  	v2 =	vsel vm15, $0x1300, v2;
	v5 =	vsel vm5, $0x1380, v5;
	v6 =	vsel vm11, $0x1100, v6  }
0x40: {  	v2 =	vsel vm13, $0x1380, v2;
	v5 =	vsel vm4, $0x0, v5;
	v6 =	vsel vm10, $0x1180, v6  }
0x41: {  	v2 =	vsel vm12, $0x0, v2;
	v5 =	vsel vm2, $0x80, v5;
	v6 =	vsel vm9, $0x1200, v6  }
0x42: {  	v5 =	vsel vm1, $0x100, v5;
	v49 =	vsel vm8, $0x1280, v6;
	v6 =	vsel vm12, $0x1100, v7  }
0x43: {  	v55 =	vsel vm3, $0x180, v5;
	v5 =	vsel vm7, $0x1300, v49;
	v6 =	vsel vm11, $0x1180, v6  }
0x44: {  	v2 =	vsel vm11, $0x80, v2;
	v5 =	vsel vm6, $0x1380, v5;
	v6 =	vsel vm10, $0x1200, v6  }
0x45: {  	v7 =	vimm.s32 $0x380;
	v5 =	vsel vm5, $0x0, v5;
	v6 =	vsel vm9, $0x1280, v6  }
0x46: {  	v7 =	vsel vm14, $0x1000, v7;
	v5 =	vsel vm4, $0x80, v5;
	v6 =	vsel vm8, $0x1300, v6  }
0x47: {  	v49 =	vsel vm10, $0x100, v2;
	v5 =	vsel vm2, $0x100, v5;
	v6 =	vsel vm7, $0x1380, v6  }
0x48: {  	v7 =	vsel vm15, $0x1080, v7;
	v5 =	vsel vm1, $0x180, v5;
	v6 =	vsel vm6, $0x0, v6  }
0x49: {  	v52 =	vsel vm3, $0x200, v5;
	v50 =	vsel vm5, $0x80, v6;
	v6 =	vsel vm13, $0x1100, v7  }
0x4a: {  	v7 =	vimm.s32 $0x1080;
	v5 =	vsel vm4, $0x100, v50;
	v6 =	vsel vm12, $0x1180, v6  }
0x4b: {  	v7 =	vsel vm14, $0x1100, v7;
	v5 =	vsel vm2, $0x180, v5;
	v6 =	vsel vm11, $0x1200, v6  }
0x4c: {  	v7 =	vsel vm15, $0x1180, v7;
	v5 =	vsel vm1, $0x200, v5;
	v6 =	vsel vm10, $0x1280, v6  }
0x4d: {  	v7 =	vsel vm13, $0x1200, v7;
	v50 =	vsel vm3, $0x280, v5;
	v51 =	vsel vm9, $0x1300, v6  }
0x4e: {  	v6 =	vimm.s32 $0x1000;
	v7 =	vsel vm12, $0x1280, v7;
	v5 =	vsel vm8, $0x1380, v51  }
0x4f: {  	v6 =	vsel vm14, $0x1080, v6;
	v7 =	vsel vm11, $0x1300, v7;
	v51 =	vimm.s32 $0x1280  }
0x50: {  	v5 =	vsel vm7, $0x0, v5;
	v6 =	vsel vm15, $0x1100, v6;
	v2 =	vsel vm14, $0x1300, v51  }
0x51: {  	v5 =	vsel vm6, $0x80, v5;
	v6 =	vsel vm13, $0x1180, v6;
	v2 =	vsel vm15, $0x1380, v2  }
0x52: {  	v5 =	vsel vm5, $0x100, v5;
	v6 =	vsel vm12, $0x1200, v6;
	v2 =	vsel vm13, $0x0, v2  }
0x53: {  	v5 =	vsel vm4, $0x180, v5;
	v6 =	vsel vm11, $0x1280, v6;
	v2 =	vsel vm12, $0x80, v2  }
0x54: {  	v5 =	vsel vm2, $0x200, v5;
	v6 =	vsel vm10, $0x1300, v6;
	v2 =	vsel vm11, $0x100, v2  }
0x55: {  	v5 =	vsel vm1, $0x280, v5;
	v53 =	vsel vm9, $0x1380, v6;
	v6 =	vsel vm10, $0x1380, v7  }
0x56: {  	v11 =	vsel vm3, $0x300, v5;
	v54 =	vsel vm8, $0x0, v53;
	v56 =	vsel vm9, $0x0, v6  }
0x57: {  	v5 =	vsel vm14, $0x1180, v57;
	v0 =	vsel vm7, $0x80, v54;
	v1 =	vsel vm8, $0x80, v56  }
0x58: {  	v5 =	vsel vm15, $0x1200, v5;
	v56 =	vsel vm10, $0x180, v2;
	v2 =	vsel vm14, $0x2000, v4  }
0x59: {  	v4 =	vimm.s32 $0x2100;
	v0 =	vsel vm6, $0x100, v0;
	v1 =	vsel vm7, $0x100, v1  }
0x5a: {  	v5 =	vsel vm13, $0x1280, v5;
	v57 =	vsel vm9, $0x200, v56;
	v0 =	vsel vm5, $0x180, v0  }
0x5b: {  	v1 =	vsel vm6, $0x180, v1;
	v5 =	vsel vm12, $0x1300, v5;
	v0 =	vsel vm4, $0x200, v0  }
0x5c: {  	v1 =	vsel vm5, $0x200, v1;
	v5 =	vsel vm11, $0x1380, v5;
	v0 =	vsel vm2, $0x280, v0  }
0x5d: {  	v22 =	vmovc v34;
	v1 =	vsel vm4, $0x280, v1;
	v34 =	vsel vm10, $0x0, v5;
	v0 =	vsel vm1, $0x300, v0  }
0x5e: {  	v1 =	vsel vm2, $0x300, v1;
	v41 =	vsel vm9, $0x80, v34;
	v37 =	vsel vm3, $0x380, v0  }
0x5f: {  	v62 =	vsel vm1, $0x380, v1;
	v0 =	vsel vm8, $0x100, v41;
	v1 =	vsel vm14, $0x1200, v43  }
0x60: {  	v2 =	vsel vm15, $0x2080, v2;
	v0 =	vsel vm7, $0x180, v0;
	v1 =	vsel vm15, $0x1280, v1  }
0x61: {  	v56 =	vimm.s32 $0x2080;
	v0 =	vsel vm6, $0x200, v0;
	v1 =	vsel vm13, $0x1300, v1  }
0x62: {  	v2 =	vsel vm13, $0x2100, v2;
	v0 =	vsel vm5, $0x280, v0;
	v1 =	vsel vm12, $0x1380, v1  }
0x63: {  	v2 =	vsel vm12, $0x2180, v2;
	v0 =	vsel vm4, $0x300, v0;
	v1 =	vsel vm11, $0x0, v1  }
0x64: {  	v2 =	vsel vm11, $0x2200, v2;
	v0 =	vsel vm2, $0x380, v0;
	v1 =	vsel vm10, $0x80, v1  }
0x65: {  	v0 =	vsel vm1, $0x1000, v0;
	v48 =	vsel vm9, $0x100, v1;
	v1 =	vsel vm9, $0x180, v49  }
0x66: {  	v53 =	vsel vm3, $0x1080, v0;
	v0 =	vsel vm8, $0x180, v48;
	v1 =	vsel vm8, $0x200, v1  }
0x67: {  	v30 =	vsel vm10, $0x2280, v2;
	v0 =	vsel vm7, $0x200, v0;
	v1 =	vsel vm7, $0x280, v1  }
0x68: {  	v2 =	vsel vm14, $0x2080, v31;
	v0 =	vsel vm6, $0x280, v0;
	v1 =	vsel vm6, $0x300, v1  }
0x69: {  	v31 =	vimm.s32 $0x7C5B3A19;
	v0 =	vsel vm5, $0x300, v0;
	v1 =	vsel vm5, $0x380, v1  }
0x6a: {  	v2 =	vsel vm15, $0x2100, v2;
	v0 =	vsel vm4, $0x380, v0;
	v1 =	vsel vm4, $0x1000, v1  }
0x6b: {  	v39 =	vsel vm3, $0x1000, v62;
	v0 =	vsel vm2, $0x1000, v0;
	v1 =	vsel vm2, $0x1080, v1  }
0x6c: {  	v62 =	vimm.s32 $0x1300;
	v0 =	vsel vm1, $0x1080, v0;
	v54 =	vsel vm1, $0x1100, v1  }
0x6d: {  	v1 =	vsel vm14, $0x1380, v62;
	v34 =	vsel vm3, $0x1100, v0;
	v0 =	vsel vm8, $0x280, v57  }
0x6e: {  	v43 =	vimm.s32 $0x7B5A3918;
	v1 =	vsel vm15, $0x0, v1;
	v0 =	vsel vm7, $0x300, v0  }
0x6f: {  	v2 =	vsel vm13, $0x2180, v2;
	v1 =	vsel vm13, $0x80, v1;
	v0 =	vsel vm6, $0x380, v0  }
0x70: {  	v2 =	vsel vm12, $0x2200, v2;
	v1 =	vsel vm12, $0x100, v1;
	v0 =	vsel vm5, $0x1000, v0  }
0x71: {  	v2 =	vsel vm11, $0x2280, v2;
	v1 =	vsel vm11, $0x180, v1;
	v0 =	vsel vm4, $0x1080, v0  }
0x72: {  	v48 =	vimm.s32 $0x7F5E3D1C;
	v1 =	vsel vm10, $0x200, v1;
	v0 =	vsel vm2, $0x1100, v0  }
0x73: {  	v41 =	vsel vm3, $0x1180, v54;
	v5 =	vsel vm9, $0x280, v1;
	v0 =	vsel vm1, $0x1180, v0  }
0x74: {  	v54 =	vcombine.low v32, v33;
	v49 =	vsel vm3, $0x1200, v0;
	v0 =	vsel vm8, $0x300, v5  }
0x75: {  	v33 =	vsel vm10, $0x2300, v2;
	v1 =	vsel vm9, $0x2300, v30;
	v0 =	vsel vm7, $0x380, v0  }
0x76: {  	v57 =	vimm.s32 $0x73523110;
	v1 =	vsel vm8, $0x2380, v1;
	v0 =	vsel vm6, $0x1000, v0  }
0x77: {  	v2 =	vunpack.c.0.s8.s32 v57;
	v1 =	vsel vm7, $0x3000, v1;
	v0 =	vsel vm5, $0x1080, v0  }
0x78: {  	v62 =	vimm.s32 $0x77563514;
	v1 =	vsel vm6, $0x3080, v1;
	v0 =	vsel vm4, $0x1100, v0  }
0x79: {  	[tilespmem:$0x1FDC0] =	vst v2;
	v2 =	vunpack.c.0.s8.s32 v62;
	v1 =	vsel vm5, $0x3100, v1;
	v0 =	vsel vm2, $0x1180, v0  }
0x7a: {  	v62 =	vimm.s32 $0x79583716;
	v1 =	vsel vm4, $0x3180, v1;
	v0 =	vsel vm1, $0x1200, v0  }
0x7b: {  	v1 =	vsel vm2, $0x3200, v1;
	v13 =	vsel vm3, $0x1280, v0;
	v0 =	vunpack.c.0.s8.s32 v43  }
0x7c: {  	[tilespmem:$0x1FDD0] =	vst v2;
	v30 =	vsel vm14, $0x2180, v4;
	v32 =	vsel vm1, $0x3280, v1;
	v1 =	vsel vm9, $0x2380, v33  }
0x7d: {  	v2 =	vunpack.c.0.s8.s32 v31;
	v1 =	vsel vm8, $0x3000, v1;
	[tilespmem:$0x1FDA0] =	vst v0;
	v0 =	vunpack.c.0.s8.s32 v48  }
0x7e: {  	v31 =	vimm.s32 $0x7251301F;
	v51 =	vsel vm7, $0x3080, v1;
	v1 =	vsel vm14, $0x2100, v56  }
0x7f: {  	v33 =	vimm.s32 $0x74533211;
	v1 =	vsel vm15, $0x2180, v1;
	[tilespmem:$0x1FDB0] =	vst v0;
	v0 =	vsel vm6, $0x3100, v51  }
0x80: {  	v27 =	vsel vm3, $0x3300, v32;
	v1 =	vsel vm13, $0x2200, v1;
	v0 =	vsel vm5, $0x3180, v0  }
0x81: {  	v32 =	vimm.s32 $0x705F3E1D;
	v1 =	vsel vm12, $0x2280, v1;
	v0 =	vsel vm4, $0x3200, v0  }
0x82: {  	[tilespmem:$0x1FDE0] =	vst v2;
	v2 =	vunpack.c.0.s8.s32 v32;
	v1 =	vsel vm11, $0x2300, v1;
	v0 =	vsel vm2, $0x3280, v0  }
0x83: {  	v5 =	vsel vm10, $0x2380, v1;
	v1 =	vsel vm15, $0x2200, v30;
	v0 =	vsel vm1, $0x3300, v0  }
0x84: {  	v1 =	vsel vm13, $0x2280, v1;
	v57 =	vsel vm3, $0x3380, v0;
	v0 =	vsel vm9, $0x3000, v5  }
0x85: {  	v43 =	vimm.s32 $0x78573615;
	v1 =	vsel vm12, $0x2300, v1;
	v0 =	vsel vm8, $0x3080, v0  }
0x86: {  	v56 =	vimm.s32 $0x75543312;
	v1 =	vsel vm11, $0x2380, v1;
	v0 =	vsel vm7, $0x3100, v0  }
0x87: {  	v32 =	vimm.s32 $0x76553413;
	v1 =	vsel vm10, $0x3000, v1;
	v0 =	vsel vm6, $0x3180, v0  }
0x88: {  	[tilespmem:$0x1FDF0] =	vst v2;
	v2 =	vunpack.c.0.s8.s32 v33;
	v1 =	vsel vm9, $0x3080, v1;
	v0 =	vsel vm5, $0x3200, v0  }
0x89: {  	v48 =	vimm.s32 $0x7D5C3B1A;
	v1 =	vsel vm8, $0x3100, v1;
	v0 =	vsel vm4, $0x3280, v0  }
0x8a: {  	v33 =	vimm.s32 $0x7A593817;
	v1 =	vsel vm7, $0x3180, v1;
	v0 =	vsel vm2, $0x3300, v0  }
0x8b: {  	v5 =	vimm.s32 $0x7E5D3C1B;
	v1 =	vsel vm6, $0x3200, v1;
	v0 =	vsel vm1, $0x3380, v0  }
0x8c: {  	v1 =	vsel vm5, $0x3280, v1;
	v15 =	vsel vm3, $0x2000, v0;
	v0 =	vunpack.c.0.s8.s32 v48  }
0x8d: {  	[tilespmem:$0x1FE00] =	vst v2;
	v51 =	vimm.s32 $0x71503F1E;
	v30 =	vunpack.c.0.s8.s32 v5;
	v1 =	vsel vm4, $0x3300, v1  }
0x8e: {  	v2 =	vunpack.c.0.s8.s32 v43;
	v1 =	vsel vm2, $0x3380, v1;
	[tilespmem:$0x1FE20] =	vst v0;
	v0 =	vunpack.c.0.s8.s32 v51  }
0x8f: {  	[tilespmem:$0x1FE60] =	vst v30;
	v30 =	vimm.s32 $0x2300;
	v4 =	vsel vm1, $0x2000, v1;
	v48 =	vunpack.c.0.s8.s32 v33  }
0x90: {  	v43 =	vsel vm3, $0x2080, v4;
	[tilespmem:$0x1FE30] =	vst v0;
	v0 =	vunpack.c.0.s8.s32 v56;
	v56 =	vimm.s32 $0x2200  }
0x91: {  	v51 =	vimm.s32 $0x2180;
	v1 =	vsel vm14, $0x2280, v56;
	v56 =	vimm.s32 $0x3100  }
0x92: {  	[tilespmem:$0x1FE40] =	vst v0;
	v0 =	vunpack.c.0.s8.s32 v62;
	v62 =	vimm.s32 $0x2280;
	v1 =	vsel vm15, $0x2300, v1  }
0x93: {  	[tilespmem:$0x1FE10] =	vst v2;
	v2 =	vsel vm14, $0x2300, v62;
	v1 =	vsel vm13, $0x2380, v1;
	v62 =	vimm.s32 $0x3180  }
0x94: {  	[tilespmem:$0x1FE50] =	vst v0;
	v0 =	vunpack.c.0.s8.s32 v31;
	v2 =	vsel vm15, $0x2380, v2;
	v1 =	vsel vm12, $0x3000, v1  }
0x95: {  	v31 =	vimm.s32 $0x2380;
	v2 =	vsel vm13, $0x3000, v2;
	v1 =	vsel vm11, $0x3080, v1  }
0x96: {  	[tilespmem:$0x1FE70] =	vst v0;
	v0 =	vunpack.c.0.s8.s32 v32;
	v2 =	vsel vm12, $0x3080, v2;
	v1 =	vsel vm10, $0x3100, v1  }
0x97: {  	v32 =	vimm.s32 $0x3000;
	v2 =	vsel vm11, $0x3100, v2;
	v1 =	vsel vm9, $0x3180, v1  }
0x98: {  	[tilespmem:$0x1FE80] =	vst v0;
	v0 =	vsel vm14, $0x2200, v51;
	v2 =	vsel vm10, $0x3180, v2;
	v1 =	vsel vm8, $0x3200, v1  }
0x99: {  	v51 =	vimm.s32 $0x3080;
	v0 =	vsel vm15, $0x2280, v0;
	v2 =	vsel vm9, $0x3200, v2  }
0x9a: {  	v1 =	vsel vm7, $0x3280, v1;
	v0 =	vsel vm13, $0x2300, v0;
	v2 =	vsel vm8, $0x3280, v2  }
0x9b: {  	v1 =	vsel vm6, $0x3300, v1;
	v0 =	vsel vm12, $0x2380, v0;
	v2 =	vsel vm7, $0x3300, v2  }
0x9c: {  	v1 =	vsel vm5, $0x3380, v1;
	v0 =	vsel vm11, $0x3000, v0;
	v2 =	vsel vm6, $0x3380, v2  }
0x9d: {  	v1 =	vsel vm4, $0x2000, v1;
	v0 =	vsel vm10, $0x3080, v0;
	v2 =	vsel vm5, $0x2000, v2  }
0x9e: {  	v1 =	vsel vm2, $0x2080, v1;
	v0 =	vsel vm9, $0x3100, v0;
	v2 =	vsel vm4, $0x2080, v2  }
0x9f: {  	v4 =	vsel vm1, $0x2100, v1;
	v1 =	vsel vm14, $0x3000, v31;
	v0 =	vsel vm8, $0x3180, v0  }
0xa0: {  	v31 =	vimm.s32 $0x3280;
	v2 =	vsel vm2, $0x2100, v2;
	v0 =	vsel vm7, $0x3200, v0  }
0xa1: {  	v26 =	vsel vm3, $0x2180, v4;
	v1 =	vsel vm15, $0x3080, v1;
	v0 =	vsel vm6, $0x3280, v0  }
0xa2: {  	v5 =	vsel vm1, $0x2180, v2;
	v2 =	vsel vm14, $0x3080, v32;
	v0 =	vsel vm5, $0x3300, v0  }
0xa3: {  	v1 =	vsel vm13, $0x3100, v1;
	v32 =	vimm.s32 $0x3300;
	v0 =	vsel vm4, $0x3380, v0  }
0xa4: {  	v25 =	vsel vm3, $0x2200, v5;
	v2 =	vsel vm15, $0x3100, v2;
	v0 =	vsel vm2, $0x2000, v0  }
0xa5: {  	v1 =	vsel vm12, $0x3180, v1;
	v2 =	vsel vm13, $0x3180, v2;
	v0 =	vsel vm1, $0x2080, v0  }
0xa6: {  	v1 =	vsel vm11, $0x3200, v1;
	v2 =	vsel vm12, $0x3200, v2;
	v0 =	vsel vm3, $0x2100, v0  }
0xa7: {  	v1 =	vsel vm10, $0x3280, v1;
	v2 =	vsel vm11, $0x3280, v2;
	[tilespmem:$0x1FEA0] =	vst v0;
	v0 =	vsel vm14, $0x2380, v30  }
0xa8: {  	v1 =	vsel vm9, $0x3300, v1;
	v2 =	vsel vm10, $0x3300, v2;
	v0 =	vsel vm15, $0x3000, v0  }
0xa9: {  	v1 =	vsel vm8, $0x3380, v1;
	v2 =	vsel vm9, $0x3380, v2;
	v0 =	vsel vm13, $0x3080, v0  }
0xaa: {  	v1 =	vsel vm7, $0x2000, v1;
	v2 =	vsel vm8, $0x2000, v2;
	v0 =	vsel vm12, $0x3100, v0  }
0xab: {  	v1 =	vsel vm6, $0x2080, v1;
	v30 =	vimm.s32 $0x3200;
	v0 =	vsel vm11, $0x3180, v0  }
0xac: {  	v2 =	vsel vm7, $0x2080, v2;
	v1 =	vsel vm5, $0x2100, v1;
	v0 =	vsel vm10, $0x3200, v0  }
0xad: {  	v2 =	vsel vm6, $0x2100, v2;
	v1 =	vsel vm4, $0x2180, v1;
	v0 =	vsel vm9, $0x3280, v0  }
0xae: {  	v2 =	vsel vm5, $0x2180, v2;
	v1 =	vsel vm2, $0x2200, v1;
	v0 =	vsel vm8, $0x3300, v0  }
0xaf: {  	v2 =	vsel vm4, $0x2200, v2;
	v33 =	vsel vm1, $0x2280, v1;
	v0 =	vsel vm7, $0x3380, v0  }
0xb0: {  	v1 =	vsel vm14, $0x3180, v56;
	v2 =	vsel vm2, $0x2280, v2;
	v0 =	vsel vm6, $0x2000, v0  }
0xb1: {  	v19 =	vsel vm3, $0x2300, v33;
	v1 =	vsel vm15, $0x3200, v1;
	v0 =	vsel vm5, $0x2080, v0  }
0xb2: {  	[tilespmem:$0x1FE90] =	vst v48;
	v48 =	vsel vm1, $0x2300, v2;
	v2 =	vsel vm14, $0x3200, v62;
	v0 =	vsel vm4, $0x2100, v0  }
0xb3: {  	v1 =	vsel vm13, $0x3280, v1;
	v18 =	vsel vm3, $0x2380, v48;
	v0 =	vsel vm2, $0x2180, v0  }
0xb4: {  	v2 =	vsel vm15, $0x3280, v2;
	v1 =	vsel vm12, $0x3300, v1;
	v0 =	vsel vm1, $0x2200, v0  }
0xb5: {  	v2 =	vsel vm13, $0x3300, v2;
	v17 =	vsel vm3, $0x2280, v0;
	v0 =	vsel vm14, $0x3100, v51  }
0xb6: {  	v1 =	vsel vm11, $0x3380, v1;
	v2 =	vsel vm12, $0x3380, v2;
	v0 =	vsel vm15, $0x3180, v0  }
0xb7: {  	v1 =	vsel vm10, $0x2000, v1;
	v2 =	vsel vm11, $0x2000, v2;
	v0 =	vsel vm13, $0x3200, v0  }
0xb8: {  	v1 =	vsel vm9, $0x2080, v1;
	v2 =	vsel vm10, $0x2080, v2;
	v0 =	vsel vm12, $0x3280, v0  }
0xb9: {  	v1 =	vsel vm8, $0x2100, v1;
	v2 =	vsel vm9, $0x2100, v2;
	v0 =	vsel vm11, $0x3300, v0  }
0xba: {  	s0 =	rddreg [dreg:$0x0];
	v1 =	vsel vm7, $0x2180, v1;
	v2 =	vsel vm8, $0x2180, v2;
	v0 =	vsel vm10, $0x3380, v0  }
0xbb: {  	s1 =	rddreg [dreg:$0x1];
	v1 =	vsel vm6, $0x2200, v1;
	v2 =	vsel vm7, $0x2200, v2;
	v0 =	vsel vm9, $0x2000, v0  }
0xbc: {  	s3 =	rddreg [dreg:$0x2];
	s5 =	simm.s32 $0x0;
	v1 =	vsel vm5, $0x2280, v1;
	v2 =	vsel vm6, $0x2280, v2;
	v0 =	vsel vm8, $0x2080, v0  }
0xbd: {  	[smem:$0x7FF] =	sst s5;
	v1 =	vsel vm4, $0x2300, v1;
	v2 =	vsel vm5, $0x2300, v2;
	v0 =	vsel vm7, $0x2100, v0  }
0xbe: {  	s2 =	rddreg [dreg:$0x3];
	_ =	strace $0x80000047;
	[tilespmem:$0x1FEB0] =	vst v9;
	v1 =	vsel vm2, $0x2380, v1;
	v2 =	vsel vm4, $0x2380, v2;
	v0 =	vsel vm6, $0x2180, v0  }
0xbf: {  	[tilespmem:$0x1FEC0] =	vst v10;
	v4 =	vsel vm1, $0x3000, v1;
	v1 =	vsel vm14, $0x3300, v31;
	v0 =	vsel vm5, $0x2200, v0  }
0xc0: {  	[tilespmem:$0x1FED0] =	vst v35;
	v2 =	vsel vm2, $0x3000, v2;
	v1 =	vsel vm15, $0x3380, v1;
	v0 =	vsel vm4, $0x2280, v0  }
0xc1: {  	[tilespmem:$0x1FEE0] =	vst v45;
	v5 =	vsel vm1, $0x3080, v2;
	v2 =	vsel vm14, $0x3380, v32;
	v0 =	vsel vm2, $0x2300, v0  }
0xc2: {  	[tilespmem:$0x1FEF0] =	vst v60;
	v1 =	vsel vm13, $0x2000, v1;
	v62 =	vsel vm3, $0x3100, v5;
	v0 =	vsel vm1, $0x2380, v0  }
0xc3: {  	[tilespmem:$0x1FF00] =	vst v38;
	v2 =	vsel vm15, $0x2000, v2;
	v29 =	vsel vm3, $0x3000, v0;
	v0 =	vsel vm14, $0x3280, v30  }
0xc4: {  	[tilespmem:$0x1FF10] =	vst v22;
	v1 =	vsel vm12, $0x2080, v1;
	v2 =	vsel vm13, $0x2080, v2;
	v0 =	vsel vm15, $0x3300, v0  }
0xc5: {  	[tilespmem:$0x1FF20] =	vst v58;
	v1 =	vsel vm11, $0x2100, v1;
	v2 =	vsel vm12, $0x2100, v2;
	v0 =	vsel vm13, $0x3380, v0  }
0xc6: {  	[tilespmem:$0x1FF30] =	vst v46;
	v1 =	vsel vm10, $0x2180, v1;
	v2 =	vsel vm11, $0x2180, v2;
	v0 =	vsel vm12, $0x2000, v0  }
0xc7: {  	[tilespmem:$0x1FF60] =	vst v61;
	v1 =	vsel vm9, $0x2200, v1;
	v2 =	vsel vm10, $0x2200, v2;
	v0 =	vsel vm11, $0x2080, v0  }
0xc8: {  	[tilespmem:$0x1FF90] =	vst v37;
	v1 =	vsel vm8, $0x2280, v1;
	v2 =	vsel vm9, $0x2280, v2;
	v0 =	vsel vm10, $0x2100, v0  }
0xc9: {  	[tilespmem:$0x1FFC0] =	vst v36;
	v1 =	vsel vm7, $0x2300, v1;
	v2 =	vsel vm8, $0x2300, v2;
	v0 =	vsel vm9, $0x2180, v0  }
0xca: {  	[tilespmem:$0x1FFD0] =	vst v50;
	v1 =	vsel vm6, $0x2380, v1;
	v2 =	vsel vm7, $0x2380, v2;
	v0 =	vsel vm8, $0x2200, v0  }
0xcb: {  	s6 =	srdreg.scid;
	[tilespmem:$0x1FFF0] =	vst v47;
	v1 =	vsel vm5, $0x3000, v1;
	v2 =	vsel vm6, $0x3000, v2;
	v0 =	vsel vm7, $0x2280, v0  }
0xcc: {  	s4 =	stileid.u32;
	s12 =	simm.s32 $0x1000;
	s13 =	simm.s32 $0x7A1400;
	[tilespmem:$0x1FFB0] =	vst v19;
	v1 =	vsel vm4, $0x3080, v1;
	v2 =	vsel vm5, $0x3080, v2;
	v0 =	vsel vm6, $0x2300, v0  }
0xcd: {  	s14 =	simm.s32 $0x1;
	s6 =	sand.u32 $0x1, s6;
	s8 =	sshll.u32 s4, $0x1;
	[tilespmem:$0x1FFA0] =	vst v18;
	v1 =	vsel vm2, $0x3100, v1;
	v2 =	vsel vm4, $0x3100, v2;
	v0 =	vsel vm5, $0x2380, v0  }
0xce: {  	s16 =	simm.s32 $0x0;
	s7 =	ssub.s32 $0x2, s6;
	s15 =	sor.u32 s6, s8;
	[tilespmem:$0x1FFE0] =	vst v62;
	v48 =	vsel vm1, $0x3180, v1;
	v2 =	vsel vm2, $0x3180, v2;
	v0 =	vsel vm4, $0x3000, v0  }
0xcf: {  	s10 =	sadd.s32 $0x3D0800, s3;
	s9 =	sshrl.u32 s7, $0x1;
	s6 =	ssub.s32 $0x7A0, s15;
	[tilespmem:$0x1FF80] =	vst v29;
	v56 =	vsel vm3, $0x3200, v48;
	v51 =	vsel vm1, $0x3200, v2;
	v0 =	vsel vm2, $0x3080, v0  }
0xd0: {  	s31 =	sshll.u32 s15, $0x9;
	s8 =	sshll.u32 s15, $0xC;
	p0 =	sne.s32 s15, $0x1F;
	[tilespmem:$0x1FF50] =	vst v56;
	v48 =	vsel vm3, $0x3280, v51;
	v0 =	vsel vm1, $0x3100, v0  }
0xd1: {  	s11 =	ssub.s32 s7, s9;
	s6 =	sshrl.u32 s6, $0x5;
	s7 =	sadd.s32 s0, s31;
	v33 =	vsel vm3, $0x3080, v4;
	[tilespmem:$0x1FF40] =	vst v48;
	v4 =	vsel vm3, $0x3180, v0  }
0xd2: {  	s9 =	sshll.u32 s15, $0xE;
	s15 =	simm.s32 $0x2;
	s11 =	smax.u32 s11, $0x1;
	v8 =	vlaneseq.u32;
	v14 =	vcombine.low v10, v9;
	[tilespmem:$0x1FF70] =	vst v4  }
.LBB2_1:
0xd3: {  	[tilespmem:s5], [sflag:$0x1] =	stream.strided.gather [hbm4b:s7+s12], $0x4000, s13, s12, $0x38;
	[tilespmem:$0x10800] =	vst v63  }
0xd4: {  	s17 =	simm.s32 $0x0  }
.LBB2_2:
0xd5: {  	s19 =	sshll.u32 s17, $0xE;
	s18 =	sadd.s32 $0x1, s17;
	p1 =	sge.u32 s17, s6  }
0xd6: {  	_ =	swait.ge [sflag:s14], $0x4000;
	s21 =	simm.s32 $0x0;
	s20 =	sshll.u32 @!p1 s18, $0x11  }
0xd7: {  	s19 =	sand.u32 $0x4000, s19;
	[sflag:s14] =	ssyncset.done $0x0;
	v0 =	vmov s21;
	s20 =	sor.u32 @!p1 s8, s20  }
0xd8: {  	v1 =	vor.u32 s21, v8;
	s23 =	simm.s32 @!p1 $0x1000;
	s24 =	simm.s32 @!p1 $0x7A1400;
	v0 =	vshll.u32 v0, $0x3;
	s20 =	sshrl.u32 @!p1 s20, $0x3  }
0xd9: {  	[sflag:s14] =	ssyncadd.s32 $0xFFFFC000;
	s22 =	ssub.s32 @!p1 $0x4000, s19;
	v1 =	vand.u32 $0x7F, v1;
	v0 =	vand.u32 $0xC00, v0;
	s20 =	sadd.s32 @!p1 s0, s20  }
0xda: {  	v4 =	vor.u32 v0, v1;
	[tilespmem:s22], [sflag:$0x1] =	stream.strided.gather @!p1 [hbm4b:s20+s23], $0x4000, s24, s23, $0x38;
	[tilespmem:$0x10800] =	vst v63  }
0xdb: {  	p1 =	slt.u32 s17, $0x2;
	v0 =	vor.u32 v60, v4  }
0xdc: {  	s20 =	simm.s32 @!p1 $0x2  }
0xdd: {  	v1 =	vmov s21;
	_ =	swait.ge @!p1 [sflag:s20], $0x4000  }
0xde: {  	v1 =	vshll.u32 v1, $0x7;
	[sflag:s20] =	ssyncset.done @!p1 $0x0  }
0xdf: {  	v8 =	vmov v45;
	v45 =	vor.u32 v35, v1;
	[sflag:s20] =	ssyncadd.s32 @!p1 $0xFFFFC000  }
0xe0: {  	v1 =	vor.u32 v38, v45;
	v0 =	vld.idx.msk [tilespmem:v0+s19+$0x0], $0xffff  }
0xe1: {  	v2 =	vor.u32 v22, v4;
	_ =	sdelay $0x2  }
0xe2: {  	s20 =	sor.u32 $0x8000, s19  }
0xe3: {  	[tilespmem:v1+s20+$0x0] =	vst.idx.msk $0xffff, v0  }
0xe4: {  	v1 =	vor.u32 v58, v45;
	v0 =	vld.idx.msk [tilespmem:v2+s19+$0x0], $0xffff  }
0xe5: {  	v2 =	vor.u32 v42, v4;
	_ =	sdelay $0x3  }
0xe6: {  	[tilespmem:v1+s20+$0x0] =	vst.idx.msk $0xffff, v0  }
0xe7: {  	v1 =	vor.u32 v46, v45;
	v0 =	vld.idx.msk [tilespmem:v2+s19+$0x0], $0xffff  }
0xe8: {  	v2 =	vor.u32 v8, v4;
	_ =	sdelay $0x3  }
0xe9: {  	[tilespmem:v1+s20+$0x0] =	vst.idx.msk $0xffff, v0  }
0xea: {  	v1 =	vor.u32 v36, v45;
	v0 =	vld.idx.msk [tilespmem:v2+s19+$0x0], $0xffff  }
0xeb: {  	v2 =	vor.u32 v47, v4;
	_ =	sdelay $0x3  }
0xec: {  	[tilespmem:v1+s20+$0x0] =	vst.idx.msk $0xffff, v0  }
0xed: {  	v1 =	vor.u32 v40, v45;
	v0 =	vld.idx.msk [tilespmem:v2+s19+$0x0], $0xffff  }
0xee: {  	v2 =	vor.u32 v55, v4;
	_ =	sdelay $0x3  }
0xef: {  	[tilespmem:v1+s20+$0x0] =	vst.idx.msk $0xffff, v0  }
0xf0: {  	v1 =	vor.u32 v59, v45;
	v0 =	vld.idx.msk [tilespmem:v2+s19+$0x0], $0xffff  }
0xf1: {  	v2 =	vor.u32 v52, v4;
	_ =	sdelay $0x3  }
0xf2: {  	[tilespmem:v1+s20+$0x0] =	vst.idx.msk $0xffff, v0  }
0xf3: {  	v1 =	vor.u32 v63, v45;
	v0 =	vld.idx.msk [tilespmem:v2+s19+$0x0], $0xffff  }
0xf4: {  	v2 =	vor.u32 v50, v4;
	_ =	sdelay $0x3  }
0xf5: {  	[tilespmem:v1+s20+$0x0] =	vst.idx.msk $0xffff, v0  }
0xf6: {  	v1 =	vor.u32 v14, v45;
	v0 =	vld.idx.msk [tilespmem:v2+s19+$0x0], $0xffff  }
0xf7: {  	v2 =	vor.u32 v11, v4;
	_ =	sdelay $0x3  }
0xf8: {  	[tilespmem:v1+s20+$0x0] =	vst.idx.msk $0xffff, v0  }
0xf9: {  	v1 =	vor.u32 v61, v45;
	v0 =	vld.idx.msk [tilespmem:v2+s19+$0x0], $0xffff  }
0xfa: {  	v2 =	vor.u32 v37, v4;
	_ =	sdelay $0x3  }
0xfb: {  	[tilespmem:v1+s20+$0x0] =	vst.idx.msk $0xffff, v0  }
0xfc: {  	v1 =	vor.u32 v12, v45;
	v0 =	vld.idx.msk [tilespmem:v2+s19+$0x0], $0xffff  }
0xfd: {  	v2 =	vor.u32 v39, v4;
	_ =	sdelay $0x3  }
0xfe: {  	[tilespmem:v1+s20+$0x0] =	vst.idx.msk $0xffff, v0  }
0xff: {  	v1 =	vor.u32 v21, v45;
	v0 =	vld.idx.msk [tilespmem:v2+s19+$0x0], $0xffff  }
0x100: {  	v2 =	vor.u32 v53, v4;
	_ =	sdelay $0x3  }
0x101: {  	[tilespmem:v1+s20+$0x0] =	vst.idx.msk $0xffff, v0  }
0x102: {  	v1 =	vor.u32 v24, v45;
	v0 =	vld.idx.msk [tilespmem:v2+s19+$0x0], $0xffff  }
0x103: {  	v2 =	vor.u32 v34, v4;
	_ =	sdelay $0x3  }
0x104: {  	[tilespmem:v1+s20+$0x0] =	vst.idx.msk $0xffff, v0  }
0x105: {  	v1 =	vor.u32 v23, v45;
	v0 =	vld.idx.msk [tilespmem:v2+s19+$0x0], $0xffff  }
0x106: {  	v2 =	vor.u32 v41, v4;
	_ =	sdelay $0x3  }
0x107: {  	[tilespmem:v1+s20+$0x0] =	vst.idx.msk $0xffff, v0  }
0x108: {  	v1 =	vor.u32 v44, v45;
	v0 =	vld.idx.msk [tilespmem:v2+s19+$0x0], $0xffff  }
0x109: {  	v2 =	vor.u32 v49, v4;
	_ =	sdelay $0x2  }
0x10a: {  	v3 =	vld [tilespmem:$0x1FEB0]  }
0x10b: {  	v5 =	vld [tilespmem:$0x1FEC0];
	[tilespmem:v1+s20+$0x0] =	vst.idx.msk $0xffff, v0  }
0x10c: {  	v1 =	vor.u32 v54, v45;
	v0 =	vld.idx.msk [tilespmem:v2+s19+$0x0], $0xffff  }
0x10d: {  	v2 =	vor.u32 v13, v4;
	_ =	sdelay $0x1  }
0x10e: {  	v62 =	vld [tilespmem:$0x1FDD0]  }
0x10f: {  	v3 =	vcombine.low v3, v5;
	v5 =	vld [tilespmem:$0x1FDB0]  }
0x110: {  	v8 =	vld [tilespmem:$0x1FDC0];
	[tilespmem:v1+s20+$0x0] =	vst.idx.msk $0xffff, v0  }
0x111: {  	v0 =	vld.idx.msk [tilespmem:v2+s19+$0x0], $0xffff  }
0x112: {  	v18 =	vmovc v26;
	v26 =	vmov v27;
	v2 =	vor.u32 v27, v4;
	v27 =	vmov v42;
	v42 =	vld [tilespmem:$0x1FDA0];
	_ =	sdelay $0x1  }
0x113: {  	v1 =	vor.u32 v3, v45  }
0x114: {  	v10 =	vmov v25;
	v25 =	vld [tilespmem:$0x1FDE0]  }
0x115: {  	v16 =	vld [tilespmem:$0x1FE00]  }
0x116: {  	[tilespmem:$0x1FCF0] =	vst v3;
	v6 =	vsel vm0, v62, v8;
	v36 =	vld [tilespmem:$0x1FDF0];
	v3 =	vsel vm0, v5, v42  }
0x117: {  	v37 =	vmov v33;
	v33 =	vld [tilespmem:$0x1FE10];
	[tilespmem:$0x1FD30] =	vst v3;
	v3 =	vcombine.low v6, v3  }
0x118: {  	[tilespmem:v1+s20+$0x0] =	vst.idx.msk $0xffff, v0  }
0x119: {  	v0 =	vld.idx.msk [tilespmem:v2+s19+$0x0], $0xffff;
	v1 =	vor.u32 v3, v45  }
0x11a: {  	v29 =	vld [tilespmem:$0x1FE20];
	v2 =	vor.u32 v57, v4  }
0x11b: {  	v7 =	vld [tilespmem:$0x1FE50]  }
0x11c: {  	v47 =	vld [tilespmem:$0x1FE30];
	v50 =	vsel vm0, v33, v16;
	[tilespmem:$0x1FD00] =	vst v3;
	v3 =	vsel vm0, v36, v25  }
0x11d: {  	v30 =	vmov v59;
	v59 =	vld [tilespmem:$0x1FE40];
	[tilespmem:$0x1FD50] =	vst v3;
	v3 =	vcombine.low v50, v3  }
0x11e: {  	[tilespmem:v1+s20+$0x0] =	vst.idx.msk $0xffff, v0  }
0x11f: {  	v1 =	vor.u32 v3, v45;
	v0 =	vld.idx.msk [tilespmem:v2+s19+$0x0], $0xffff  }
0x120: {  	v2 =	vor.u32 v15, v4;
	_ =	sdelay $0x1  }
0x121: {  	v51 =	vsel vm0, v7, v59;
	[tilespmem:$0x1FD10] =	vst v3;
	v3 =	vsel vm0, v47, v29  }
0x122: {  	[tilespmem:$0x1FD60] =	vst v3;
	v3 =	vcombine.low v51, v3  }
0x123: {  	v20 =	vld [tilespmem:$0x1FE70];
	[tilespmem:v1+s20+$0x0] =	vst.idx.msk $0xffff, v0  }
0x124: {  	v1 =	vor.u32 v3, v45;
	v0 =	vld.idx.msk [tilespmem:v2+s19+$0x0], $0xffff  }
0x125: {  	v19 =	vld [tilespmem:$0x1FE80];
	v2 =	vor.u32 v43, v4  }
0x126: {  	[tilespmem:$0x1FD40] =	vst v6;
	v6 =	vld [tilespmem:$0x1FE60]  }
0x127: {  	[tilespmem:$0x1FD20] =	vst v3;
	v3 =	vld [tilespmem:$0x1FE90];
	_ =	sdelay $0x1  }
0x128: {  	[tilespmem:v1+s20+$0x0] =	vst.idx.msk $0xffff, v0  }
0x129: {  	v0 =	vld.idx.msk [tilespmem:v2+s19+$0x0], $0xffff  }
0x12a: {  	v9 =	vmov v22;
	v2 =	vld [tilespmem:$0x1FEA0]  }
0x12b: {  	v22 =	vmovc v24;
	v24 =	vmovc v17;
	v17 =	vmov v58;
	v28 =	vsel vm0, v20, v6;
	v58 =	vsel vm0, v3, v19  }
0x12c: {  	v31 =	vmov v63;
	v63 =	vmov v17;
	v17 =	vcombine.low v58, v28;
	_ =	sdelay $0x1  }
0x12d: {  	v1 =	vor.u32 v17, v45  }
0x12e: {  	v2 =	vor.u32 v2, v4;
	_ =	sdelay $0x1  }
0x12f: {  	v5 =	vsel vm0, v8, v5;
	v8 =	vsel vm0, v42, v62  }
0x130: {  	[tilespmem:$0x1FD80] =	vst v5;
	v5 =	vcombine.low v8, v5  }
0x131: {  	[tilespmem:v1+s20+$0x0] =	vst.idx.msk $0xffff, v0  }
0x132: {  	v1 =	vor.u32 v5, v45;
	v0 =	vld.idx.msk [tilespmem:v2+s19+$0x0], $0xffff  }
0x133: {  	v2 =	vor.u32 v18, v4;
	_ =	sdelay $0x1  }
0x134: {  	v32 =	vsel vm0, v16, v36;
	v61 =	vsel vm0, v25, v33  }
0x135: {  	[tilespmem:$0x1FD70] =	vst v28;
	v28 =	vmov v5;
	v5 =	vcombine.low v61, v32  }
0x136: {  	[tilespmem:v1+s20+$0x0] =	vst.idx.msk $0xffff, v0  }
0x137: {  	v1 =	vor.u32 v5, v45;
	v0 =	vld.idx.msk [tilespmem:v2+s19+$0x0], $0xffff  }
0x138: {  	v2 =	vor.u32 v10, v4;
	_ =	sdelay $0x1  }
0x139: {  	v48 =	vsel vm0, v59, v47;
	v7 =	vsel vm0, v29, v7  }
0x13a: {  	[tilespmem:$0x1FD90] =	vst v7;
	v7 =	vcombine.low v7, v48  }
0x13b: {  	[tilespmem:v1+s20+$0x0] =	vst.idx.msk $0xffff, v0  }
0x13c: {  	v35 =	vmovc v11;
	v11 =	vmov v46;
	v46 =	vmov v5;
	v1 =	vor.u32 v7, v45;
	v5 =	vld.idx.msk [tilespmem:v2+s19+$0x0], $0xffff;
	_ =	sdelay $0x3  }
0x13d: {  	v0 =	vor.u32 v24, v4  }
0x13e: {  	[tilespmem:v1+s20+$0x0] =	vst.idx.msk $0xffff, v5;
	v5 =	vld [tilespmem:$0x1FFB0]  }
0x13f: {  	v3 =	vsel vm0, v6, v3;
	v2 =	vsel vm0, v19, v20  }
0x140: {  	v6 =	vcombine.low v3, v2;
	_ =	sdelay $0x1  }
0x141: {  	v1 =	vor.u32 v6, v45;
	v0 =	vld.idx.msk [tilespmem:v0+s19+$0x0], $0xffff  }
0x142: {  	v19 =	vmov v5;
	v5 =	vor.u32 v5, v4;
	_ =	sdelay $0x1  }
0x143: {  	v47 =	vmov v7;
	v7 =	vld [tilespmem:$0x1FD40]  }
0x144: {  	v25 =	vmov v10;
	v10 =	vmov v24;
	v24 =	vmov v6;
	v6 =	vld [tilespmem:$0x1FD30]  }
0x145: {  	[tilespmem:v1+s20+$0x0] =	vst.idx.msk $0xffff, v0  }
0x146: {  	v0 =	vld.idx.msk [tilespmem:v5+s19+$0x0], $0xffff  }
0x147: {  	v5 =	vld [tilespmem:$0x1FFA0];
	_ =	sdelay $0x1  }
0x148: {  	v16 =	vcombine.low v6, v7;
	_ =	sdelay $0x1  }
0x149: {  	v1 =	vor.u32 v16, v45  }
0x14a: {  	v56 =	vmovc v22;
	v22 =	vmov v18;
	v18 =	vmov v5;
	v5 =	vor.u32 v5, v4;
	_ =	sdelay $0x2  }
0x14b: {  	v6 =	vld [tilespmem:$0x1FD50]  }
0x14c: {  	[tilespmem:v1+s20+$0x0] =	vst.idx.msk $0xffff, v0  }
0x14d: {  	v0 =	vld.idx.msk [tilespmem:v5+s19+$0x0], $0xffff  }
0x14e: {  	v5 =	vld [tilespmem:$0x1FF80];
	_ =	sdelay $0x1  }
0x14f: {  	v50 =	vcombine.low v6, v50  }
0x150: {  	v6 =	vld [tilespmem:$0x1FD60]  }
0x151: {  	v1 =	vor.u32 v50, v45  }
0x152: {  	v29 =	vmov v5;
	v5 =	vor.u32 v5, v4;
	_ =	sdelay $0x2  }
0x153: {  	v51 =	vcombine.low v6, v51  }
0x154: {  	[tilespmem:v1+s20+$0x0] =	vst.idx.msk $0xffff, v0  }
0x155: {  	v1 =	vor.u32 v51, v45;
	v0 =	vld.idx.msk [tilespmem:v5+s19+$0x0], $0xffff  }
0x156: {  	v6 =	vld [tilespmem:$0x1FD70];
	v5 =	vor.u32 v37, v4;
	_ =	sdelay $0x3  }
0x157: {  	[tilespmem:v1+s20+$0x0] =	vst.idx.msk $0xffff, v0  }
0x158: {  	v20 =	vcombine.low v6, v58;
	v0 =	vld.idx.msk [tilespmem:v5+s19+$0x0], $0xffff  }
0x159: {  	v5 =	vld [tilespmem:$0x1FFE0]  }
0x15a: {  	v1 =	vor.u32 v20, v45;
	_ =	sdelay $0x1  }
0x15b: {  	v6 =	vld [tilespmem:$0x1FD80];
	_ =	sdelay $0x1  }
0x15c: {  	v62 =	vmov v5;
	v5 =	vor.u32 v5, v4  }
0x15d: {  	[tilespmem:v1+s20+$0x0] =	vst.idx.msk $0xffff, v0;
	v0 =	vld [tilespmem:$0x1FF70];
	_ =	sdelay $0x1  }
0x15e: {  	v58 =	vcombine.low v6, v8;
	_ =	sdelay $0x1  }
0x15f: {  	v6 =	vld.idx.msk [tilespmem:v5+s19+$0x0], $0xffff;
	v5 =	vor.u32 v58, v45  }
0x160: {  	v1 =	vor.u32 v0, v4;
	_ =	sdelay $0x3  }
0x161: {  	[tilespmem:v5+s20+$0x0] =	vst.idx.msk $0xffff, v6  }
0x162: {  	v7 =	vld.idx.msk [tilespmem:v1+s19+$0x0], $0xffff  }
0x163: {  	v59 =	vmov v0;
	v0 =	vcombine.low v32, v61;
	v1 =	vld [tilespmem:$0x1FF50];
	_ =	sdelay $0x1  }
0x164: {  	v6 =	vor.u32 v0, v45;
	_ =	sdelay $0x2  }
0x165: {  	v32 =	vmov v1;
	v5 =	vor.u32 v1, v4;
	v1 =	vld [tilespmem:$0x1FD90]  }
0x166: {  	v42 =	vmov v27;
	v27 =	vld [tilespmem:$0x1FFF0]  }
0x167: {  	[tilespmem:v6+s20+$0x0] =	vst.idx.msk $0xffff, v7;
	v7 =	vld [tilespmem:$0x1FF40]  }
0x168: {  	v36 =	vld [tilespmem:$0x1FFD0]  }
0x169: {  	v60 =	vmov v17;
	v17 =	vld [tilespmem:$0x1FFC0]  }
0x16a: {  	v33 =	vmov v37;
	v37 =	vld [tilespmem:$0x1FF90];
	v1 =	vcombine.low v48, v1  }
0x16b: {  	s22 =	simm.s32 $0x10;
	v61 =	vld [tilespmem:$0x1FF60]  }
0x16c: {  	s23 =	simm.s32 $0x20;
	v5 =	vld.idx.msk [tilespmem:v5+s19+$0x0], $0xffff;
	v48 =	vmovc v7;
	v4 =	vor.u32 v7, v4;
	v7 =	vmov s22;
	v6 =	vor.u32 v1, v45  }
.LBB2_3:
0x16d: {  	_ =	sdelay $0x2  }
0x16e: {  	v8 =	vlaneseq.u32  }
0x16f: {  	v7 =	vshll.u32 v7, $0x3;
	v8 =	vor.u32 s22, v8;
	[tilespmem:v6+s20+$0x0] =	vst.idx.msk $0xffff, v5  }
0x170: {  	v7 =	vand.u32 $0xC00, v7;
	v6 =	vand.u32 $0x7F, v8;
	v8 =	vld.idx.msk [tilespmem:v4+s19+$0x0], $0xffff  }
0x171: {  	v4 =	vor.u32 v7, v6;
	v6 =	vld [tilespmem:$0x1FEF0];
	_ =	sdelay $0x1  }
0x172: {  	v5 =	vcombine.low v2, v3;
	_ =	sdelay $0x1  }
0x173: {  	v5 =	vor.u32 v5, v45  }
0x174: {  	v6 =	vor.u32 v6, v4;
	_ =	sdelay $0x3  }
0x175: {  	[tilespmem:v5+s20+$0x0] =	vst.idx.msk $0xffff, v8  }
0x176: {  	v5 =	vld.idx.msk [tilespmem:v6+s19+$0x0], $0xffff  }
0x177: {  	v6 =	vld [tilespmem:$0x1FED0];
	_ =	sdelay $0x1  }
0x178: {  	s21 =	sadd.s32 $0x4, s21  }
0x179: {  	v7 =	vmov s21  }
0x17a: {  	v7 =	vshll.u32 v7, $0x7  }
0x17b: {  	v45 =	vor.u32 v6, v7  }
0x17c: {  	v6 =	vor.u32 v38, v45  }
0x17d: {  	v7 =	vor.u32 v9, v4;
	_ =	sdelay $0x3  }
0x17e: {  	[tilespmem:v6+s20+$0x0] =	vst.idx.msk $0xffff, v5  }
0x17f: {  	v6 =	vor.u32 v63, v45;
	v5 =	vld.idx.msk [tilespmem:v7+s19+$0x0], $0xffff  }
0x180: {  	v7 =	vor.u32 v42, v4;
	_ =	sdelay $0x3  }
0x181: {  	[tilespmem:v6+s20+$0x0] =	vst.idx.msk $0xffff, v5  }
0x182: {  	v5 =	vld.idx.msk [tilespmem:v7+s19+$0x0], $0xffff  }
0x183: {  	v7 =	vld [tilespmem:$0x1FEE0];
	_ =	sdelay $0x3  }
0x184: {  	v6 =	vor.u32 v11, v45  }
0x185: {  	v7 =	vor.u32 v7, v4;
	_ =	sdelay $0x3  }
0x186: {  	[tilespmem:v6+s20+$0x0] =	vst.idx.msk $0xffff, v5  }
0x187: {  	v6 =	vor.u32 v17, v45;
	v5 =	vld.idx.msk [tilespmem:v7+s19+$0x0], $0xffff  }
0x188: {  	v7 =	vor.u32 v27, v4;
	_ =	sdelay $0x3  }
0x189: {  	[tilespmem:v6+s20+$0x0] =	vst.idx.msk $0xffff, v5  }
0x18a: {  	v6 =	vor.u32 v40, v45;
	v5 =	vld.idx.msk [tilespmem:v7+s19+$0x0], $0xffff  }
0x18b: {  	v7 =	vor.u32 v55, v4;
	_ =	sdelay $0x3  }
0x18c: {  	[tilespmem:v6+s20+$0x0] =	vst.idx.msk $0xffff, v5  }
0x18d: {  	v6 =	vor.u32 v30, v45;
	v5 =	vld.idx.msk [tilespmem:v7+s19+$0x0], $0xffff  }
0x18e: {  	v7 =	vor.u32 v52, v4;
	_ =	sdelay $0x3  }
0x18f: {  	[tilespmem:v6+s20+$0x0] =	vst.idx.msk $0xffff, v5  }
0x190: {  	v6 =	vor.u32 v31, v45;
	v5 =	vld.idx.msk [tilespmem:v7+s19+$0x0], $0xffff  }
0x191: {  	v7 =	vor.u32 v36, v4;
	_ =	sdelay $0x3  }
0x192: {  	[tilespmem:v6+s20+$0x0] =	vst.idx.msk $0xffff, v5  }
0x193: {  	v6 =	vor.u32 v14, v45;
	v5 =	vld.idx.msk [tilespmem:v7+s19+$0x0], $0xffff  }
0x194: {  	v7 =	vor.u32 v35, v4;
	_ =	sdelay $0x3  }
0x195: {  	[tilespmem:v6+s20+$0x0] =	vst.idx.msk $0xffff, v5  }
0x196: {  	v6 =	vor.u32 v61, v45;
	v5 =	vld.idx.msk [tilespmem:v7+s19+$0x0], $0xffff  }
0x197: {  	v7 =	vor.u32 v37, v4;
	_ =	sdelay $0x3  }
0x198: {  	[tilespmem:v6+s20+$0x0] =	vst.idx.msk $0xffff, v5  }
0x199: {  	v6 =	vor.u32 v12, v45;
	v5 =	vld.idx.msk [tilespmem:v7+s19+$0x0], $0xffff  }
0x19a: {  	v7 =	vor.u32 v39, v4;
	_ =	sdelay $0x3  }
0x19b: {  	[tilespmem:v6+s20+$0x0] =	vst.idx.msk $0xffff, v5  }
0x19c: {  	v6 =	vor.u32 v21, v45;
	v5 =	vld.idx.msk [tilespmem:v7+s19+$0x0], $0xffff  }
0x19d: {  	v7 =	vor.u32 v53, v4;
	_ =	sdelay $0x3  }
0x19e: {  	[tilespmem:v6+s20+$0x0] =	vst.idx.msk $0xffff, v5  }
0x19f: {  	v6 =	vor.u32 v56, v45;
	v5 =	vld.idx.msk [tilespmem:v7+s19+$0x0], $0xffff  }
0x1a0: {  	v7 =	vor.u32 v34, v4;
	_ =	sdelay $0x3  }
0x1a1: {  	[tilespmem:v6+s20+$0x0] =	vst.idx.msk $0xffff, v5  }
0x1a2: {  	v6 =	vor.u32 v23, v45;
	v5 =	vld.idx.msk [tilespmem:v7+s19+$0x0], $0xffff  }
0x1a3: {  	v7 =	vor.u32 v41, v4;
	_ =	sdelay $0x3  }
0x1a4: {  	[tilespmem:v6+s20+$0x0] =	vst.idx.msk $0xffff, v5  }
0x1a5: {  	v6 =	vor.u32 v44, v45;
	v5 =	vld.idx.msk [tilespmem:v7+s19+$0x0], $0xffff  }
0x1a6: {  	v7 =	vor.u32 v49, v4;
	_ =	sdelay $0x3  }
0x1a7: {  	[tilespmem:v6+s20+$0x0] =	vst.idx.msk $0xffff, v5  }
0x1a8: {  	v6 =	vor.u32 v54, v45;
	v5 =	vld.idx.msk [tilespmem:v7+s19+$0x0], $0xffff;
	_ =	sdelay $0x4  }
0x1a9: {  	v7 =	vor.u32 v13, v4;
	[tilespmem:v6+s20+$0x0] =	vst.idx.msk $0xffff, v5;
	v6 =	vld [tilespmem:$0x1FCF0];
	_ =	sdelay $0x4  }
0x1aa: {  	v5 =	vld.idx.msk [tilespmem:v7+s19+$0x0], $0xffff;
	v6 =	vor.u32 v6, v45;
	_ =	sdelay $0x4  }
0x1ab: {  	v7 =	vor.u32 v26, v4;
	[tilespmem:v6+s20+$0x0] =	vst.idx.msk $0xffff, v5;
	v6 =	vld [tilespmem:$0x1FD00];
	_ =	sdelay $0x4  }
0x1ac: {  	v5 =	vld.idx.msk [tilespmem:v7+s19+$0x0], $0xffff;
	v6 =	vor.u32 v6, v45;
	_ =	sdelay $0x4  }
0x1ad: {  	v7 =	vor.u32 v57, v4;
	[tilespmem:v6+s20+$0x0] =	vst.idx.msk $0xffff, v5;
	v6 =	vld [tilespmem:$0x1FD10];
	_ =	sdelay $0x4  }
0x1ae: {  	v5 =	vld.idx.msk [tilespmem:v7+s19+$0x0], $0xffff;
	v6 =	vor.u32 v6, v45;
	_ =	sdelay $0x4  }
0x1af: {  	v7 =	vor.u32 v15, v4;
	[tilespmem:v6+s20+$0x0] =	vst.idx.msk $0xffff, v5;
	v6 =	vld [tilespmem:$0x1FD20];
	_ =	sdelay $0x4  }
0x1b0: {  	v5 =	vld.idx.msk [tilespmem:v7+s19+$0x0], $0xffff;
	v6 =	vor.u32 v6, v45  }
0x1b1: {  	v7 =	vor.u32 v43, v4;
	_ =	sdelay $0x3  }
0x1b2: {  	[tilespmem:v6+s20+$0x0] =	vst.idx.msk $0xffff, v5  }
0x1b3: {  	v5 =	vld.idx.msk [tilespmem:v7+s19+$0x0], $0xffff  }
0x1b4: {  	v7 =	vld [tilespmem:$0x1FEA0];
	_ =	sdelay $0x3  }
0x1b5: {  	v6 =	vor.u32 v60, v45  }
0x1b6: {  	v7 =	vor.u32 v7, v4;
	_ =	sdelay $0x3  }
0x1b7: {  	[tilespmem:v6+s20+$0x0] =	vst.idx.msk $0xffff, v5  }
0x1b8: {  	v6 =	vor.u32 v28, v45;
	v5 =	vld.idx.msk [tilespmem:v7+s19+$0x0], $0xffff  }
0x1b9: {  	v7 =	vor.u32 v22, v4;
	_ =	sdelay $0x3  }
0x1ba: {  	[tilespmem:v6+s20+$0x0] =	vst.idx.msk $0xffff, v5  }
0x1bb: {  	v6 =	vor.u32 v46, v45;
	v5 =	vld.idx.msk [tilespmem:v7+s19+$0x0], $0xffff  }
0x1bc: {  	v7 =	vor.u32 v25, v4;
	_ =	sdelay $0x3  }
0x1bd: {  	[tilespmem:v6+s20+$0x0] =	vst.idx.msk $0xffff, v5  }
0x1be: {  	v6 =	vor.u32 v47, v45;
	v5 =	vld.idx.msk [tilespmem:v7+s19+$0x0], $0xffff  }
0x1bf: {  	v7 =	vor.u32 v10, v4;
	_ =	sdelay $0x3  }
0x1c0: {  	[tilespmem:v6+s20+$0x0] =	vst.idx.msk $0xffff, v5  }
0x1c1: {  	v6 =	vor.u32 v24, v45;
	v5 =	vld.idx.msk [tilespmem:v7+s19+$0x0], $0xffff  }
0x1c2: {  	v7 =	vor.u32 v19, v4;
	_ =	sdelay $0x3  }
0x1c3: {  	[tilespmem:v6+s20+$0x0] =	vst.idx.msk $0xffff, v5  }
0x1c4: {  	v6 =	vor.u32 v16, v45;
	v5 =	vld.idx.msk [tilespmem:v7+s19+$0x0], $0xffff  }
0x1c5: {  	v7 =	vor.u32 v18, v4;
	_ =	sdelay $0x3  }
0x1c6: {  	[tilespmem:v6+s20+$0x0] =	vst.idx.msk $0xffff, v5  }
0x1c7: {  	v6 =	vor.u32 v50, v45;
	v5 =	vld.idx.msk [tilespmem:v7+s19+$0x0], $0xffff  }
0x1c8: {  	v7 =	vor.u32 v29, v4;
	_ =	sdelay $0x3  }
0x1c9: {  	[tilespmem:v6+s20+$0x0] =	vst.idx.msk $0xffff, v5  }
0x1ca: {  	v6 =	vor.u32 v51, v45;
	v5 =	vld.idx.msk [tilespmem:v7+s19+$0x0], $0xffff  }
0x1cb: {  	v7 =	vor.u32 v33, v4;
	_ =	sdelay $0x3  }
0x1cc: {  	[tilespmem:v6+s20+$0x0] =	vst.idx.msk $0xffff, v5  }
0x1cd: {  	v6 =	vor.u32 v20, v45;
	v5 =	vld.idx.msk [tilespmem:v7+s19+$0x0], $0xffff  }
0x1ce: {  	v7 =	vor.u32 v62, v4;
	_ =	sdelay $0x3  }
0x1cf: {  	[tilespmem:v6+s20+$0x0] =	vst.idx.msk $0xffff, v5  }
0x1d0: {  	v6 =	vor.u32 v58, v45;
	v5 =	vld.idx.msk [tilespmem:v7+s19+$0x0], $0xffff  }
0x1d1: {  	v7 =	vor.u32 v59, v4;
	_ =	sdelay $0x3  }
0x1d2: {  	[tilespmem:v6+s20+$0x0] =	vst.idx.msk $0xffff, v5  }
0x1d3: {  	v6 =	vor.u32 v0, v45;
	v5 =	vld.idx.msk [tilespmem:v7+s19+$0x0], $0xffff  }
0x1d4: {  	p1 =	sne.s32 s23, $0x1F0;
	v7 =	vor.u32 v32, v4  }
.Ltmp0:
0x1d5: {  	_ = 	snop;
	(pc) =	sbr.rel @p1 .LBB2_3-.Ltmp0, $3  }
0x1d6: {  	_ =	sdelay $0x1  }
0x1d7: {  	s22 =	smov.u32 s23;
	v8 =	vlaneseq.u32;
	[tilespmem:v6+s20+$0x0] =	vst.idx.msk $0xffff, v5  }
0x1d8: {  	s23 =	sadd.s32 $0x10, s23;
	v4 =	vor.u32 v48, v4;
	v6 =	vor.u32 v1, v45;
	v5 =	vld.idx.msk [tilespmem:v7+s19+$0x0], $0xffff;
	v7 =	vmov s22  }
0x1d9: {  	_ =	sdelay $0x2  }
0x1da: {  	v2 =	vcombine.low v2, v3;
	v3 =	vor.u32 s22, v8;
	v7 =	vshll.u32 v7, $0x3  }
0x1db: {  	v3 =	vand.u32 $0x7F, v3;
	[tilespmem:v6+s20+$0x0] =	vst.idx.msk $0xffff, v5;
	v5 =	vand.u32 $0xC00, v7  }
0x1dc: {  	v3 =	vor.u32 v5, v3;
	v5 =	vor.u32 v2, v45;
	v45 =	vld [tilespmem:$0x1FEF0];
	_ =	sdelay $0x3  }
0x1dd: {  	v4 =	vld.idx.msk [tilespmem:v4+s19+$0x0], $0xffff  }
0x1de: {  	v6 =	vor.u32 v45, v3;
	v45 =	vld [tilespmem:$0x1FED0];
	_ =	sdelay $0x1  }
0x1df: {  	s21 =	sadd.s32 $0x4, s21  }
0x1e0: {  	v7 =	vmov s21  }
0x1e1: {  	v7 =	vshll.u32 v7, $0x7  }
0x1e2: {  	[tilespmem:v5+s20+$0x0] =	vst.idx.msk $0xffff, v4;
	v4 =	vor.u32 v45, v7  }
0x1e3: {  	v5 =	vld.idx.msk [tilespmem:v6+s19+$0x0], $0xffff;
	v6 =	vor.u32 v38, v4  }
0x1e4: {  	v7 =	vor.u32 v9, v3;
	_ =	sdelay $0x3  }
0x1e5: {  	[tilespmem:v6+s20+$0x0] =	vst.idx.msk $0xffff, v5  }
0x1e6: {  	v6 =	vor.u32 v63, v4;
	v5 =	vld.idx.msk [tilespmem:v7+s19+$0x0], $0xffff  }
0x1e7: {  	v7 =	vor.u32 v42, v3  }
0x1e8: {  	v45 =	vld [tilespmem:$0x1FEE0];
	_ =	sdelay $0x2  }
0x1e9: {  	[tilespmem:v6+s20+$0x0] =	vst.idx.msk $0xffff, v5  }
0x1ea: {  	v6 =	vor.u32 v11, v4;
	v5 =	vld.idx.msk [tilespmem:v7+s19+$0x0], $0xffff  }
0x1eb: {  	v7 =	vor.u32 v45, v3;
	_ =	sdelay $0x3  }
0x1ec: {  	[tilespmem:v6+s20+$0x0] =	vst.idx.msk $0xffff, v5  }
0x1ed: {  	v6 =	vor.u32 v17, v4;
	v5 =	vld.idx.msk [tilespmem:v7+s19+$0x0], $0xffff  }
0x1ee: {  	v7 =	vor.u32 v27, v3;
	_ =	sdelay $0x3  }
0x1ef: {  	[tilespmem:v6+s20+$0x0] =	vst.idx.msk $0xffff, v5  }
0x1f0: {  	v6 =	vor.u32 v40, v4;
	v5 =	vld.idx.msk [tilespmem:v7+s19+$0x0], $0xffff  }
0x1f1: {  	v7 =	vor.u32 v55, v3;
	_ =	sdelay $0x3  }
0x1f2: {  	[tilespmem:v6+s20+$0x0] =	vst.idx.msk $0xffff, v5  }
0x1f3: {  	v6 =	vor.u32 v30, v4;
	v5 =	vld.idx.msk [tilespmem:v7+s19+$0x0], $0xffff  }
0x1f4: {  	v7 =	vor.u32 v52, v3;
	_ =	sdelay $0x3  }
0x1f5: {  	[tilespmem:v6+s20+$0x0] =	vst.idx.msk $0xffff, v5  }
0x1f6: {  	v6 =	vor.u32 v31, v4;
	v5 =	vld.idx.msk [tilespmem:v7+s19+$0x0], $0xffff  }
0x1f7: {  	v7 =	vor.u32 v36, v3;
	_ =	sdelay $0x3  }
0x1f8: {  	[tilespmem:v6+s20+$0x0] =	vst.idx.msk $0xffff, v5  }
0x1f9: {  	v6 =	vor.u32 v14, v4;
	v5 =	vld.idx.msk [tilespmem:v7+s19+$0x0], $0xffff  }
0x1fa: {  	v7 =	vor.u32 v35, v3;
	_ =	sdelay $0x3  }
0x1fb: {  	[tilespmem:v6+s20+$0x0] =	vst.idx.msk $0xffff, v5  }
0x1fc: {  	v6 =	vor.u32 v61, v4;
	v5 =	vld.idx.msk [tilespmem:v7+s19+$0x0], $0xffff  }
0x1fd: {  	v7 =	vor.u32 v37, v3;
	_ =	sdelay $0x3  }
0x1fe: {  	[tilespmem:v6+s20+$0x0] =	vst.idx.msk $0xffff, v5  }
0x1ff: {  	v6 =	vor.u32 v12, v4;
	v5 =	vld.idx.msk [tilespmem:v7+s19+$0x0], $0xffff  }
0x200: {  	v7 =	vor.u32 v39, v3;
	_ =	sdelay $0x3  }
0x201: {  	[tilespmem:v6+s20+$0x0] =	vst.idx.msk $0xffff, v5  }
0x202: {  	v6 =	vor.u32 v21, v4;
	v5 =	vld.idx.msk [tilespmem:v7+s19+$0x0], $0xffff  }
0x203: {  	v7 =	vor.u32 v53, v3;
	_ =	sdelay $0x3  }
0x204: {  	[tilespmem:v6+s20+$0x0] =	vst.idx.msk $0xffff, v5  }
0x205: {  	v6 =	vor.u32 v56, v4;
	v5 =	vld.idx.msk [tilespmem:v7+s19+$0x0], $0xffff  }
0x206: {  	v7 =	vor.u32 v34, v3;
	_ =	sdelay $0x3  }
0x207: {  	[tilespmem:v6+s20+$0x0] =	vst.idx.msk $0xffff, v5  }
0x208: {  	v6 =	vor.u32 v23, v4;
	v5 =	vld.idx.msk [tilespmem:v7+s19+$0x0], $0xffff  }
0x209: {  	v7 =	vor.u32 v41, v3;
	_ =	sdelay $0x3  }
0x20a: {  	[tilespmem:v6+s20+$0x0] =	vst.idx.msk $0xffff, v5  }
0x20b: {  	v6 =	vor.u32 v44, v4;
	v5 =	vld.idx.msk [tilespmem:v7+s19+$0x0], $0xffff  }
0x20c: {  	v7 =	vor.u32 v49, v3;
	_ =	sdelay $0x3  }
0x20d: {  	[tilespmem:v6+s20+$0x0] =	vst.idx.msk $0xffff, v5  }
0x20e: {  	v6 =	vor.u32 v54, v4;
	v5 =	vld.idx.msk [tilespmem:v7+s19+$0x0], $0xffff;
	_ =	sdelay $0x4  }
0x20f: {  	v7 =	vor.u32 v13, v3;
	[tilespmem:v6+s20+$0x0] =	vst.idx.msk $0xffff, v5;
	v6 =	vld [tilespmem:$0x1FCF0];
	_ =	sdelay $0x4  }
0x210: {  	v5 =	vld.idx.msk [tilespmem:v7+s19+$0x0], $0xffff;
	v6 =	vor.u32 v6, v4;
	_ =	sdelay $0x4  }
0x211: {  	v7 =	vor.u32 v26, v3;
	[tilespmem:v6+s20+$0x0] =	vst.idx.msk $0xffff, v5;
	v6 =	vld [tilespmem:$0x1FD00];
	_ =	sdelay $0x4  }
0x212: {  	v5 =	vld.idx.msk [tilespmem:v7+s19+$0x0], $0xffff;
	v6 =	vor.u32 v6, v4;
	_ =	sdelay $0x4  }
0x213: {  	v7 =	vor.u32 v57, v3;
	[tilespmem:v6+s20+$0x0] =	vst.idx.msk $0xffff, v5;
	v6 =	vld [tilespmem:$0x1FD10];
	_ =	sdelay $0x4  }
0x214: {  	v5 =	vld.idx.msk [tilespmem:v7+s19+$0x0], $0xffff;
	v6 =	vor.u32 v6, v4;
	_ =	sdelay $0x4  }
0x215: {  	v7 =	vor.u32 v15, v3;
	[tilespmem:v6+s20+$0x0] =	vst.idx.msk $0xffff, v5;
	v6 =	vld [tilespmem:$0x1FD20];
	_ =	sdelay $0x4  }
0x216: {  	v5 =	vld.idx.msk [tilespmem:v7+s19+$0x0], $0xffff;
	v6 =	vor.u32 v6, v4  }
0x217: {  	v7 =	vor.u32 v43, v3;
	_ =	sdelay $0x3  }
0x218: {  	[tilespmem:v6+s20+$0x0] =	vst.idx.msk $0xffff, v5  }
0x219: {  	v5 =	vld.idx.msk [tilespmem:v7+s19+$0x0], $0xffff  }
0x21a: {  	v7 =	vld [tilespmem:$0x1FEA0];
	_ =	sdelay $0x3  }
0x21b: {  	v6 =	vor.u32 v60, v4  }
0x21c: {  	v7 =	vor.u32 v7, v3;
	_ =	sdelay $0x3  }
0x21d: {  	[tilespmem:v6+s20+$0x0] =	vst.idx.msk $0xffff, v5  }
0x21e: {  	v6 =	vor.u32 v28, v4;
	v5 =	vld.idx.msk [tilespmem:v7+s19+$0x0], $0xffff  }
0x21f: {  	v7 =	vor.u32 v22, v3;
	_ =	sdelay $0x3  }
0x220: {  	[tilespmem:v6+s20+$0x0] =	vst.idx.msk $0xffff, v5  }
0x221: {  	v6 =	vor.u32 v46, v4;
	v5 =	vld.idx.msk [tilespmem:v7+s19+$0x0], $0xffff  }
0x222: {  	v7 =	vor.u32 v25, v3;
	_ =	sdelay $0x3  }
0x223: {  	[tilespmem:v6+s20+$0x0] =	vst.idx.msk $0xffff, v5  }
0x224: {  	v6 =	vor.u32 v47, v4;
	v5 =	vld.idx.msk [tilespmem:v7+s19+$0x0], $0xffff  }
0x225: {  	v7 =	vor.u32 v10, v3;
	_ =	sdelay $0x3  }
0x226: {  	[tilespmem:v6+s20+$0x0] =	vst.idx.msk $0xffff, v5  }
0x227: {  	v6 =	vor.u32 v24, v4;
	v5 =	vld.idx.msk [tilespmem:v7+s19+$0x0], $0xffff  }
0x228: {  	v7 =	vor.u32 v19, v3;
	_ =	sdelay $0x3  }
0x229: {  	[tilespmem:v6+s20+$0x0] =	vst.idx.msk $0xffff, v5  }
0x22a: {  	v6 =	vor.u32 v16, v4;
	v5 =	vld.idx.msk [tilespmem:v7+s19+$0x0], $0xffff  }
0x22b: {  	v7 =	vor.u32 v18, v3;
	_ =	sdelay $0x3  }
0x22c: {  	[tilespmem:v6+s20+$0x0] =	vst.idx.msk $0xffff, v5  }
0x22d: {  	v6 =	vor.u32 v50, v4;
	v5 =	vld.idx.msk [tilespmem:v7+s19+$0x0], $0xffff  }
0x22e: {  	v7 =	vor.u32 v29, v3;
	_ =	sdelay $0x3  }
0x22f: {  	[tilespmem:v6+s20+$0x0] =	vst.idx.msk $0xffff, v5  }
0x230: {  	v6 =	vor.u32 v51, v4;
	v5 =	vld.idx.msk [tilespmem:v7+s19+$0x0], $0xffff  }
0x231: {  	v7 =	vor.u32 v33, v3;
	_ =	sdelay $0x3  }
0x232: {  	[tilespmem:v6+s20+$0x0] =	vst.idx.msk $0xffff, v5  }
0x233: {  	v6 =	vor.u32 v20, v4;
	v5 =	vld.idx.msk [tilespmem:v7+s19+$0x0], $0xffff  }
0x234: {  	v7 =	vor.u32 v62, v3;
	_ =	sdelay $0x3  }
0x235: {  	[tilespmem:v6+s20+$0x0] =	vst.idx.msk $0xffff, v5  }
0x236: {  	v6 =	vor.u32 v58, v4;
	v5 =	vld.idx.msk [tilespmem:v7+s19+$0x0], $0xffff  }
0x237: {  	v7 =	vor.u32 v59, v3;
	_ =	sdelay $0x3  }
0x238: {  	[tilespmem:v6+s20+$0x0] =	vst.idx.msk $0xffff, v5  }
0x239: {  	v0 =	vor.u32 v0, v4;
	v5 =	vld.idx.msk [tilespmem:v7+s19+$0x0], $0xffff  }
0x23a: {  	v6 =	vor.u32 v32, v3;
	_ =	sdelay $0x3  }
0x23b: {  	[tilespmem:v0+s20+$0x0] =	vst.idx.msk $0xffff, v5  }
0x23c: {  	[tilespmem:$0x1FCE0] =	vst v2;
	v1 =	vor.u32 v1, v4;
	v0 =	vld.idx.msk [tilespmem:v6+s19+$0x0], $0xffff  }
0x23d: {  	v62 =	vld [tilespmem:$0x1FCE0];
	v3 =	vor.u32 v48, v3;
	_ =	sdelay $0x3  }
0x23e: {  	[tilespmem:v1+s20+$0x0] =	vst.idx.msk $0xffff, v0  }
0x23f: {  	v38 =	vmov v17;
	v0 =	vor.u32 v62, v4;
	v1 =	vld.idx.msk [tilespmem:v3+s19+$0x0], $0xffff  }
0x240: {  	p1 =	sne.s32 s17, s6;
	v2 =	vmov v36;
	v36 =	vmov v38;
	v38 =	vld [tilespmem:$0x1FF00]  }
.Ltmp1:
0x241: {  	s31 =	sshll.u32 s17, $0x13;
	v11 =	vmov v35;
	v35 =	vld [tilespmem:$0x1FED0];
	(pc) =	sbr.rel @p1 .LBB2_2-.Ltmp1, $4  }
0x242: {  	v17 =	vmov v30;
	v60 =	vld [tilespmem:$0x1FEF0];
	s19 =	sor.u32 s9, s31  }
0x243: {  	v30 =	vmov v22;
	v22 =	vld [tilespmem:$0x1FF10];
	s19 =	sshrl.u32 s19, $0x3  }
0x244: {  	s17 =	smov.u32 s18;
	v63 =	vmov v31;
	v46 =	vld [tilespmem:$0x1FF30];
	v47 =	vmov v27;
	v27 =	vmov v26;
	s19 =	sadd.s32 s3, s19;
	[tilespmem:v0+s20+$0x0] =	vst.idx.msk $0xffff, v1  }
0x245: {  	v26 =	vmovc v30;
	v24 =	vmovc v56;
	v50 =	vmov v2;
	v58 =	vld [tilespmem:$0x1FF20];
	v59 =	vmov v17;
	v17 =	vmov v10;
	[hbm4b:s19+s5] =	stream.linear.scatter [tilespmem:s20], [sflag:$0x2], $0x4000, $0x38  }
0x246: {  	_ =	swait.ge [sflag:s15], $0x4000  }
0x247: {  	[sflag:s15] =	ssyncset.done $0x0  }
0x248: {  	[sflag:s15] =	ssyncadd.s32 $0xFFFFC000  }
0x249: {  	_ =	swait.ge [sflag:s15], $0x4000  }
0x24a: {  	s17 =	simm.s32 @!p0 $0x0;
	[sflag:s15] =	ssyncset.done $0x0  }
0x24b: {  	s18 =	simm.s32 @!p0 $0x10000;
	s19 =	simm.s32 @!p0 $0x3;
	[sflag:s15] =	ssyncadd.s32 $0xFFFFC000  }
0x24c: {  	[tilespmem:s18], [sflag:$0x3] =	stream.linear.gather @!p0 [hbm4b:s1+s17], $0x800, $0x38;
	[tilespmem:$0x10800] =	vst v63  }
0x24d: {  	s16 =	sadd.s32 $0x1, s16;
	_ =	swait.ge @!p0 [sflag:s19], $0x800  }
0x24e: {  	p1 =	sne.s32 s16, s11;
	[sflag:s19] =	ssyncset.done @!p0 $0x0  }
.Ltmp2:
0x24f: {  	[sflag:s19] =	ssyncadd.s32 @!p0 $0xFFFFF800;
	(pc) =	sbr.rel @p1 .LBB2_1-.Ltmp2, $4  }
0x250: {  	[hbm4b:s10+s17] =	stream.linear.scatter @!p0 [tilespmem:s18], [sflag:$0x3], $0x800, $0x38;
	[tilespmem:$0x10800] =	vst v63  }
0x251: {  	_ =	swait.ge @!p0 [sflag:s19], $0x800  }
0x252: {  	[sflag:s19] =	ssyncset.done @!p0 $0x0  }
0x253: {  	[sflag:s19] =	ssyncadd.s32 @!p0 $0xFFFFF800  }
0x254: {  	_ =	sfence.sel $0x180000  }
0x255: {  	[bflag:$0x0] =	sbarrier.arrive $0xFFFF  }
0x256: {  	p0 =	sne.s32 s4, $0x0;
	_ =	strace $0x90000047  }
0x257: {  	s0 =	sadd.s32 @!p0 $0x100000, s2;
	[bflag:$0x2] =	sbarrier.arrive $0xFFFF  }
0x258: {  	[sflag:s0] =	ssyncadd.tile.s32 @!p0 $0x1;
	_ =	shalt  }
.Lfunc_end2:
_tile_overlayer_lowered:
.L_overlay_start_2:
0x259: {  	(tag) =	ssettag $0x2  }
0x25a: {  	s0 =	rddreg [dreg:$0x0];
	s2 =	stileid.u32  }
0x25b: {  	s1 =	rddreg [dreg:$0x1];
	p0 =	sne.s32 s2, $0x0  }
0x25c: {  	s3 =	rddreg [dreg:$0x2];
	[bflag:$0x3] =	sbarrier.arrive $0xFFFF;
	s2 =	simm.s32 @!p0 $0x1C03  }
0x25d: {  	[timem:s3], [sflag:s2] =	dma.local @!p0 [hbm:s0], s1  }
0x25e: {  	s0 =	simm.s32 @!p0 $0x3  }
0x25f: {  	_ =	swait.ge @!p0 [sflag:s0], s1  }
0x260: {  	s1 =	ssub.s32 @!p0 $0x0, s1;
	[sflag:s0] =	ssyncset.done @!p0 $0x0  }
0x261: {  	[sflag:s0] =	ssyncadd.s32 @!p0 s1  }
0x262: {  	[bflag:$0x3] =	sbarrier.arrive $0xFFFF  }
0x263: {  	_ =	shalt  }

</sc_bundles>
